<compile_context>
chip_gen: v7x
topology: tpu7x:2x2x1
jax: 0.10.2.dev20260603
libtpu: 0.0.44.dev20260713+nightly
codegen_flags: <defaults>
</compile_context>

<pallas_src>
import functools

import numpy as np
import jax
import jax.numpy as jnp
from jax import lax
from jax.experimental import pallas as pl
from jax.experimental.pallas import tpu as pltpu
from jax.experimental.pallas import tpu_sc as plsc

_SAMPLE_SIZE = 25
_NCOLS = _SAMPLE_SIZE + 1
_NODES = 50000
_BATCH = 4096
_ADJ_COLS = 65
_FEAT = 256
_NW = 32
_ROWS_PER_W = _BATCH // _NW
_IDS_PER_W = _ROWS_PER_W * _NCOLS
_CHUNK = 128
_NCHUNK = _IDS_PER_W // _CHUNK

_PERM25 = (35, 45, 31, 63, 7, 4, 29, 44, 16, 58, 37, 19, 61, 2, 34,
           5, 30, 42, 3, 39, 56, 22, 6, 54, 18)
_COLS = np.array([0] + [p + 1 for p in _PERM25], dtype=np.int32)

_cache = {}


def _flat_tab():
    if "tab" not in _cache:
        w, k, bi = np.meshgrid(np.arange(_NW), np.arange(_NCOLS),
                               np.arange(_ROWS_PER_W), indexing="ij")
        _cache["tab"] = (_COLS[k] * _BATCH
                         + (w * _ROWS_PER_W + bi)).reshape(-1).astype(np.int32)
    return _cache["tab"]



def _build_ids():
    if "ids" in _cache:
        return _cache["ids"]

    mesh = plsc.VectorSubcoreMesh(core_axis_name="c", subcore_axis_name="s")

    @functools.partial(
        pl.kernel,
        mesh=mesh,
        out_type=jax.ShapeDtypeStruct((_NW * _IDS_PER_W,), jnp.int32),
        scratch_types=[
            pltpu.VMEM((_IDS_PER_W,), jnp.int32),
            pltpu.VMEM((_IDS_PER_W,), jnp.int32),
            pltpu.SemaphoreType.DMA,
        ],
    )
    def _impl(adj_hbm, tab_hbm, out_hbm, tab_v, ids_v, asem):
        wid = lax.axis_index("s") * 2 + lax.axis_index("c")
        base = wid * _IDS_PER_W
        pltpu.sync_copy(tab_hbm.at[pl.ds(base, _IDS_PER_W)], tab_v)
        for c in range(_NCHUNK):
            sl = pl.ds(c * _CHUNK, _CHUNK)
            pltpu.make_async_copy(
                adj_hbm.at[tab_v.at[sl]], ids_v.at[sl], asem).start()
        pltpu.make_async_copy(adj_hbm.at[tab_v], ids_v, asem).wait()
        pltpu.sync_copy(ids_v, out_hbm.at[pl.ds(base, _IDS_PER_W)])

    _cache["ids"] = _impl
    return _impl


def _build_gather(k0, nk):
    key = ("call", k0, nk)
    if key in _cache:
        return _cache[key]

    ids_n = nk * _CHUNK
    mesh = plsc.VectorSubcoreMesh(core_axis_name="c", subcore_axis_name="s")

    @functools.partial(
        pl.kernel,
        mesh=mesh,
        out_type=jax.ShapeDtypeStruct((nk, _BATCH, _FEAT), jnp.float32),
        scratch_types=[
            pltpu.VMEM((ids_n,), jnp.int32),
            pltpu.VMEM((_CHUNK, _FEAT), jnp.float32),
            pltpu.VMEM((_CHUNK, _FEAT), jnp.float32),
            pltpu.VMEM((_CHUNK, _FEAT), jnp.float32),
            pltpu.SemaphoreType.DMA,
            pltpu.SemaphoreType.DMA,
            pltpu.SemaphoreType.DMA,
            pltpu.SemaphoreType.DMA,
            pltpu.SemaphoreType.DMA,
            pltpu.SemaphoreType.DMA,
        ],
    )
    def _impl(x_hbm, allids_hbm, out_hbm,
              ids_v, buf0, buf1, buf2,
              g0, g1, g2, w0, w1, w2):
        wid = lax.axis_index("s") * 2 + lax.axis_index("c")
        b0 = wid * _ROWS_PER_W

        pltpu.sync_copy(
            allids_hbm.at[pl.ds(wid * _IDS_PER_W + k0 * _CHUNK, ids_n)],
            ids_v)

        buf = (buf0, buf1, buf2)
        gsem = (g0, g1, g2)
        wsem = (w0, w1, w2)

        def g_copy(c, b):
            return pltpu.make_async_copy(
                x_hbm.at[ids_v.at[pl.ds(c * _CHUNK, _CHUNK)]],
                buf[b], gsem[b])

        def w_copy(c, b):
            return pltpu.make_async_copy(
                buf[b],
                out_hbm.at[c, pl.ds(b0, _ROWS_PER_W)], wsem[b])

        g_copy(0, 0).start()
        g_copy(1, 1).start()

        for c in range(nk):
            b = c % 3
            g_copy(c, b).wait()
            w_copy(c, b).start()
            if c + 2 < nk:
                if c >= 1:
                    w_copy(c - 1, (c - 1) % 3).wait()
                g_copy(c + 2, (c + 2) % 3).start()

        for c in range(max(nk - 3, 0), nk):
            w_copy(c, c % 3).wait()

    _cache[key] = _impl
    return _impl


_KBLK = 13
_TBLK = 4


def _make_fmt_body(nk):
    def body(*refs):
        g_ref, o_ref = refs[0], refs[-1]
        for kk in range(nk):
            for tt in range(_TBLK):
                blk = g_ref[kk, pl.ds(tt * _ROWS_PER_W, _ROWS_PER_W)]
                o_ref[pl.ds(kk * 4, 4), :, pl.ds(tt, 1)] = jnp.swapaxes(
                    blk, 0, 1).reshape(4, 8, 1, 8, _ROWS_PER_W)
    return body


def _build_format(part):
    key = ("fmt", part)
    if key not in _cache:
        in_specs = [pl.BlockSpec((_KBLK, _ROWS_PER_W * _TBLK, _FEAT),
                                 lambda k, t: (k, t, 0))]
        kwargs = {}
        if part > 0:
            in_specs.append(pl.BlockSpec(memory_space=pl.ANY))
            kwargs["input_output_aliases"] = {1: 0}
        _cache[key] = pl.pallas_call(
            _make_fmt_body(_KBLK),
            grid=(1, _BATCH // (_ROWS_PER_W * _TBLK)),
            in_specs=in_specs,
            out_specs=pl.BlockSpec((4 * _KBLK, 8, _TBLK, 8, _ROWS_PER_W),
                                   lambda k, t, part=part: (k + part, 0, t, 0, 0)),
            out_shape=jax.ShapeDtypeStruct(
                (_NCOLS * 4, 8, _BATCH // _ROWS_PER_W, 8, _ROWS_PER_W),
                jnp.float32),
            **kwargs,
        )
    return _cache[key]


_NBLK = 8192


def _xpose_body(xt_ref, x2_ref):
    x2_ref[...] = jnp.swapaxes(xt_ref[...], 0, 1)


def _build_xpose():
    if "xp" not in _cache:
        _cache["xp"] = pl.pallas_call(
            _xpose_body,
            grid=(pl.cdiv(_NODES, _NBLK),),
            in_specs=[pl.BlockSpec((_FEAT, _NBLK), lambda i: (0, i))],
            out_specs=pl.BlockSpec((_NBLK, _FEAT), lambda i: (i, 0)),
            out_shape=jax.ShapeDtypeStruct((_NODES, _FEAT), jnp.float32),
        )
    return _cache["xp"]


def kernel(x, adj_input):
    x2 = _build_xpose()(x.reshape(_NODES, _FEAT).T)
    adj = adj_input.astype(jnp.int32).T.reshape(_ADJ_COLS * _BATCH)
    tab = jnp.asarray(_flat_tab())
    ids = _build_ids()(adj, tab)
    g0 = _build_gather(0, _KBLK)(x2, ids)
    g1 = _build_gather(_KBLK, _KBLK)(x2, ids)
    o5a = _build_format(0)(g0)
    o5 = _build_format(1)(g1, o5a)
    return jnp.transpose(o5, (2, 4, 0, 1, 3)).reshape(_BATCH, _NCOLS * 4, 8, 8)

# --- scband reference (transcript-rebuilt; emitter-appended) ---
"""Pipeline reference for scband-neighbourhood-sampling-layer-63161789055320 (READ-ONLY COPY).

The authoritative reference and input builder live on the scoring server;
editing this copy changes nothing except your own understanding.
"""

import jax, jax.numpy as jnp
import numpy as np

SAMPLE_SIZE = 25

def setup_inputs(seed: int = 0) -> dict:
    key = jax.random.key(seed)
    k1, k2 = jax.random.split(key)
    x = jax.random.normal(k1, (50000, 4, 8, 8), dtype=jnp.float32)
    adj_input = jax.random.randint(k2, (4096, 65), 0, 50000, dtype=jnp.int64)
    return {"x": x, "adj_input": adj_input}

def reference(x, adj_input):
    # nodes = first column (the node itself); rest are neighbour candidates
    nodes = adj_input[:, :1]
    neigh = adj_input[:, 1:]
    # tf.random_shuffle on the transposed adj shuffles neighbour slots
    # (same permutation applied to every row), then keep sample_size slots.
    perm = jax.random.permutation(jax.random.key(42), neigh.shape[1])
    neighbour_samples = neigh[:, perm[:SAMPLE_SIZE]]
    ids = jnp.concatenate([nodes, neighbour_samples], axis=1).astype(jnp.int32)
    # embedding lookup: gather node capsule features
    X = jnp.take(x, ids, axis=0)  # [B, sample_size+1, num_input_caps, num_caps, cap_dim]
    num_input_caps, num_caps, cap_dim = x.shape[1], x.shape[2], x.shape[3]
    return X.reshape(-1, (SAMPLE_SIZE + 1) * num_input_caps, num_caps, cap_dim)

if __name__ == "__main__":
    import jax
    _d = setup_inputs()
    print(jax.jit(kernel)(*tuple(_d.values())))

</pallas_src>

<mosaic_0001>
#map = affine_map<(d0, d1) -> (0)>
module attributes {stable_mosaic.version = 14 : i64} {
  func.func @_impl(%arg0: i32, %arg1: i32, %arg2: memref<266240xi32, #tpu.memory_space<hbm>>, %arg3: memref<106496xi32, #tpu.memory_space<hbm>>, %arg4: memref<106496xi32, #tpu.memory_space<hbm>>, %arg5: memref<3328xi32, #tpu.memory_space<vmem>>, %arg6: memref<3328xi32, #tpu.memory_space<vmem>>, %arg7: memref<!tpu.dma_semaphore, #tpu.memory_space<semaphore_mem>>) attributes {dimension_semantics = [#tpu.dimension_semantics<core_parallel>, #tpu.dimension_semantics<subcore_parallel>], iteration_bounds = array<i64: 2, 16>, scalar_prefetch = 0 : i64, scratch_operands = 3 : i64, tpu.core_type = #tpu.core_type<sc_vector_subcore>, window_params = [{transform_indices = #map}, {transform_indices = #map}, {transform_indices = #map}]} {
    %mul3A = arith.constant 2 : i32
    %mul3A_0 = arith.muli %arg1, %mul3A : i32
    %add3A = arith.addi %mul3A_0, %arg0 : i32
    %mul3A_1 = arith.constant 3328 : i32
    %mul3A_2 = arith.muli %add3A, %mul3A_1 : i32
    "tpu.region"() ({
      %run_scoped3A = tpu.sem_alloc : memref<!tpu.dma_semaphore, #tpu.memory_space<semaphore_mem>>
      %dma_start3A_159 = tpu.memref_slice %arg3[%mul3A_2] : memref<106496xi32, #tpu.memory_space<hbm>> -> memref<3328xi32, #tpu.memory_space<hbm>>
      %dma_start3A_160 = tpu.memref_slice %arg3[%mul3A_2] : memref<106496xi32, #tpu.memory_space<hbm>> -> memref<3328xi32, #tpu.memory_space<hbm>>
      tpu.enqueue_dma source(%dma_start3A_160 : memref<3328xi32, #tpu.memory_space<hbm>>) target(%arg5 : memref<3328xi32, #tpu.memory_space<vmem>>) target_semaphore(%run_scoped3A : memref<!tpu.dma_semaphore, #tpu.memory_space<semaphore_mem>>)
      %dma_wait3A_161 = tpu.memref_slice %arg3[%mul3A_2] : memref<106496xi32, #tpu.memory_space<hbm>> -> memref<3328xi32, #tpu.memory_space<hbm>>
      %dma_wait3A_162 = tpu.memref_slice %arg3[%mul3A_2] : memref<106496xi32, #tpu.memory_space<hbm>> -> memref<3328xi32, #tpu.memory_space<hbm>>
      tpu.wait_dma2 semaphore(%run_scoped3A : memref<!tpu.dma_semaphore, #tpu.memory_space<semaphore_mem>>) src(%dma_wait3A_162 : memref<3328xi32, #tpu.memory_space<hbm>>) dst(%arg5 : memref<3328xi32, #tpu.memory_space<vmem>>)
      tpu.yield
    }) : () -> ()
    %dma_start3A = arith.constant 0 : i32
    %dma_start3A_3 = tpu.memref_slice %arg6[%dma_start3A] : memref<3328xi32, #tpu.memory_space<vmem>> -> memref<128xi32, #tpu.memory_space<vmem>>
    %dma_start3A_4 = arith.constant 0 : i32
    %dma_start3A_5 = tpu.memref_slice %arg5[%dma_start3A_4] : memref<3328xi32, #tpu.memory_space<vmem>> -> memref<128xi32, #tpu.memory_space<vmem>>
    %dma_start3A_6 = arith.constant 0 : i32
    %dma_start3A_7 = tpu.memref_slice %arg2[%dma_start3A_6] : memref<266240xi32, #tpu.memory_space<hbm>> -> memref<266240xi32, #tpu.memory_space<hbm>>
    tpu.enqueue_indirect_dma source(%dma_start3A_7 : memref<266240xi32, #tpu.memory_space<hbm>>) target(%dma_start3A_3 : memref<128xi32, #tpu.memory_space<vmem>>) offsets(%dma_start3A_5 : memref<128xi32, #tpu.memory_space<vmem>>) semaphore(%arg7 : memref<!tpu.dma_semaphore, #tpu.memory_space<semaphore_mem>>)
    %dma_start3A_8 = arith.constant 128 : i32
    %dma_start3A_9 = tpu.memref_slice %arg6[%dma_start3A_8] : memref<3328xi32, #tpu.memory_space<vmem>> -> memref<128xi32, #tpu.memory_space<vmem>>
    %dma_start3A_10 = arith.constant 128 : i32
    %dma_start3A_11 = tpu.memref_slice %arg5[%dma_start3A_10] : memref<3328xi32, #tpu.memory_space<vmem>> -> memref<128xi32, #tpu.memory_space<vmem>>
    %dma_start3A_12 = arith.constant 0 : i32
    %dma_start3A_13 = tpu.memref_slice %arg2[%dma_start3A_12] : memref<266240xi32, #tpu.memory_space<hbm>> -> memref<266240xi32, #tpu.memory_space<hbm>>
    tpu.enqueue_indirect_dma source(%dma_start3A_13 : memref<266240xi32, #tpu.memory_space<hbm>>) target(%dma_start3A_9 : memref<128xi32, #tpu.memory_space<vmem>>) offsets(%dma_start3A_11 : memref<128xi32, #tpu.memory_space<vmem>>) semaphore(%arg7 : memref<!tpu.dma_semaphore, #tpu.memory_space<semaphore_mem>>)
    %dma_start3A_14 = arith.constant 256 : i32
    %dma_start3A_15 = tpu.memref_slice %arg6[%dma_start3A_14] : memref<3328xi32, #tpu.memory_space<vmem>> -> memref<128xi32, #tpu.memory_space<vmem>>
    %dma_start3A_16 = arith.constant 256 : i32
    %dma_start3A_17 = tpu.memref_slice %arg5[%dma_start3A_16] : memref<3328xi32, #tpu.memory_space<vmem>> -> memref<128xi32, #tpu.memory_space<vmem>>
    %dma_start3A_18 = arith.constant 0 : i32
    %dma_start3A_19 = tpu.memref_slice %arg2[%dma_start3A_18] : memref<266240xi32, #tpu.memory_space<hbm>> -> memref<266240xi32, #tpu.memory_space<hbm>>
    tpu.enqueue_indirect_dma source(%dma_start3A_19 : memref<266240xi32, #tpu.memory_space<hbm>>) target(%dma_start3A_15 : memref<128xi32, #tpu.memory_space<vmem>>) offsets(%dma_start3A_17 : memref<128xi32, #tpu.memory_space<vmem>>) semaphore(%arg7 : memref<!tpu.dma_semaphore, #tpu.memory_space<semaphore_mem>>)
    %dma_start3A_20 = arith.constant 384 : i32
    %dma_start3A_21 = tpu.memref_slice %arg6[%dma_start3A_20] : memref<3328xi32, #tpu.memory_space<vmem>> -> memref<128xi32, #tpu.memory_space<vmem>>
    %dma_start3A_22 = arith.constant 384 : i32
    %dma_start3A_23 = tpu.memref_slice %arg5[%dma_start3A_22] : memref<3328xi32, #tpu.memory_space<vmem>> -> memref<128xi32, #tpu.memory_space<vmem>>
    %dma_start3A_24 = arith.constant 0 : i32
    %dma_start3A_25 = tpu.memref_slice %arg2[%dma_start3A_24] : memref<266240xi32, #tpu.memory_space<hbm>> -> memref<266240xi32, #tpu.memory_space<hbm>>
    tpu.enqueue_indirect_dma source(%dma_start3A_25 : memref<266240xi32, #tpu.memory_space<hbm>>) target(%dma_start3A_21 : memref<128xi32, #tpu.memory_space<vmem>>) offsets(%dma_start3A_23 : memref<128xi32, #tpu.memory_space<vmem>>) semaphore(%arg7 : memref<!tpu.dma_semaphore, #tpu.memory_space<semaphore_mem>>)
    %dma_start3A_26 = arith.constant 512 : i32
    %dma_start3A_27 = tpu.memref_slice %arg6[%dma_start3A_26] : memref<3328xi32, #tpu.memory_space<vmem>> -> memref<128xi32, #tpu.memory_space<vmem>>
    %dma_start3A_28 = arith.constant 512 : i32
    %dma_start3A_29 = tpu.memref_slice %arg5[%dma_start3A_28] : memref<3328xi32, #tpu.memory_space<vmem>> -> memref<128xi32, #tpu.memory_space<vmem>>
    %dma_start3A_30 = arith.constant 0 : i32
    %dma_start3A_31 = tpu.memref_slice %arg2[%dma_start3A_30] : memref<266240xi32, #tpu.memory_space<hbm>> -> memref<266240xi32, #tpu.memory_space<hbm>>
    tpu.enqueue_indirect_dma source(%dma_start3A_31 : memref<266240xi32, #tpu.memory_space<hbm>>) target(%dma_start3A_27 : memref<128xi32, #tpu.memory_space<vmem>>) offsets(%dma_start3A_29 : memref<128xi32, #tpu.memory_space<vmem>>) semaphore(%arg7 : memref<!tpu.dma_semaphore, #tpu.memory_space<semaphore_mem>>)
    %dma_start3A_32 = arith.constant 640 : i32
    %dma_start3A_33 = tpu.memref_slice %arg6[%dma_start3A_32] : memref<3328xi32, #tpu.memory_space<vmem>> -> memref<128xi32, #tpu.memory_space<vmem>>
    %dma_start3A_34 = arith.constant 640 : i32
    %dma_start3A_35 = tpu.memref_slice %arg5[%dma_start3A_34] : memref<3328xi32, #tpu.memory_space<vmem>> -> memref<128xi32, #tpu.memory_space<vmem>>
    %dma_start3A_36 = arith.constant 0 : i32
    %dma_start3A_37 = tpu.memref_slice %arg2[%dma_start3A_36] : memref<266240xi32, #tpu.memory_space<hbm>> -> memref<266240xi32, #tpu.memory_space<hbm>>
    tpu.enqueue_indirect_dma source(%dma_start3A_37 : memref<266240xi32, #tpu.memory_space<hbm>>) target(%dma_start3A_33 : memref<128xi32, #tpu.memory_space<vmem>>) offsets(%dma_start3A_35 : memref<128xi32, #tpu.memory_space<vmem>>) semaphore(%arg7 : memref<!tpu.dma_semaphore, #tpu.memory_space<semaphore_mem>>)
    %dma_start3A_38 = arith.constant 768 : i32
    %dma_start3A_39 = tpu.memref_slice %arg6[%dma_start3A_38] : memref<3328xi32, #tpu.memory_space<vmem>> -> memref<128xi32, #tpu.memory_space<vmem>>
    %dma_start3A_40 = arith.constant 768 : i32
    %dma_start3A_41 = tpu.memref_slice %arg5[%dma_start3A_40] : memref<3328xi32, #tpu.memory_space<vmem>> -> memref<128xi32, #tpu.memory_space<vmem>>
    %dma_start3A_42 = arith.constant 0 : i32
    %dma_start3A_43 = tpu.memref_slice %arg2[%dma_start3A_42] : memref<266240xi32, #tpu.memory_space<hbm>> -> memref<266240xi32, #tpu.memory_space<hbm>>
    tpu.enqueue_indirect_dma source(%dma_start3A_43 : memref<266240xi32, #tpu.memory_space<hbm>>) target(%dma_start3A_39 : memref<128xi32, #tpu.memory_space<vmem>>) offsets(%dma_start3A_41 : memref<128xi32, #tpu.memory_space<vmem>>) semaphore(%arg7 : memref<!tpu.dma_semaphore, #tpu.memory_space<semaphore_mem>>)
    %dma_start3A_44 = arith.constant 896 : i32
    %dma_start3A_45 = tpu.memref_slice %arg6[%dma_start3A_44] : memref<3328xi32, #tpu.memory_space<vmem>> -> memref<128xi32, #tpu.memory_space<vmem>>
    %dma_start3A_46 = arith.constant 896 : i32
    %dma_start3A_47 = tpu.memref_slice %arg5[%dma_start3A_46] : memref<3328xi32, #tpu.memory_space<vmem>> -> memref<128xi32, #tpu.memory_space<vmem>>
    %dma_start3A_48 = arith.constant 0 : i32
    %dma_start3A_49 = tpu.memref_slice %arg2[%dma_start3A_48] : memref<266240xi32, #tpu.memory_space<hbm>> -> memref<266240xi32, #tpu.memory_space<hbm>>
    tpu.enqueue_indirect_dma source(%dma_start3A_49 : memref<266240xi32, #tpu.memory_space<hbm>>) target(%dma_start3A_45 : memref<128xi32, #tpu.memory_space<vmem>>) offsets(%dma_start3A_47 : memref<128xi32, #tpu.memory_space<vmem>>) semaphore(%arg7 : memref<!tpu.dma_semaphore, #tpu.memory_space<semaphore_mem>>)
    %dma_start3A_50 = arith.constant 1024 : i32
    %dma_start3A_51 = tpu.memref_slice %arg6[%dma_start3A_50] : memref<3328xi32, #tpu.memory_space<vmem>> -> memref<128xi32, #tpu.memory_space<vmem>>
    %dma_start3A_52 = arith.constant 1024 : i32
    %dma_start3A_53 = tpu.memref_slice %arg5[%dma_start3A_52] : memref<3328xi32, #tpu.memory_space<vmem>> -> memref<128xi32, #tpu.memory_space<vmem>>
    %dma_start3A_54 = arith.constant 0 : i32
    %dma_start3A_55 = tpu.memref_slice %arg2[%dma_start3A_54] : memref<266240xi32, #tpu.memory_space<hbm>> -> memref<266240xi32, #tpu.memory_space<hbm>>
    tpu.enqueue_indirect_dma source(%dma_start3A_55 : memref<266240xi32, #tpu.memory_space<hbm>>) target(%dma_start3A_51 : memref<128xi32, #tpu.memory_space<vmem>>) offsets(%dma_start3A_53 : memref<128xi32, #tpu.memory_space<vmem>>) semaphore(%arg7 : memref<!tpu.dma_semaphore, #tpu.memory_space<semaphore_mem>>)
    %dma_start3A_56 = arith.constant 1152 : i32
    %dma_start3A_57 = tpu.memref_slice %arg6[%dma_start3A_56] : memref<3328xi32, #tpu.memory_space<vmem>> -> memref<128xi32, #tpu.memory_space<vmem>>
    %dma_start3A_58 = arith.constant 1152 : i32
    %dma_start3A_59 = tpu.memref_slice %arg5[%dma_start3A_58] : memref<3328xi32, #tpu.memory_space<vmem>> -> memref<128xi32, #tpu.memory_space<vmem>>
    %dma_start3A_60 = arith.constant 0 : i32
    %dma_start3A_61 = tpu.memref_slice %arg2[%dma_start3A_60] : memref<266240xi32, #tpu.memory_space<hbm>> -> memref<266240xi32, #tpu.memory_space<hbm>>
    tpu.enqueue_indirect_dma source(%dma_start3A_61 : memref<266240xi32, #tpu.memory_space<hbm>>) target(%dma_start3A_57 : memref<128xi32, #tpu.memory_space<vmem>>) offsets(%dma_start3A_59 : memref<128xi32, #tpu.memory_space<vmem>>) semaphore(%arg7 : memref<!tpu.dma_semaphore, #tpu.memory_space<semaphore_mem>>)
    %dma_start3A_62 = arith.constant 1280 : i32
    %dma_start3A_63 = tpu.memref_slice %arg6[%dma_start3A_62] : memref<3328xi32, #tpu.memory_space<vmem>> -> memref<128xi32, #tpu.memory_space<vmem>>
    %dma_start3A_64 = arith.constant 1280 : i32
    %dma_start3A_65 = tpu.memref_slice %arg5[%dma_start3A_64] : memref<3328xi32, #tpu.memory_space<vmem>> -> memref<128xi32, #tpu.memory_space<vmem>>
    %dma_start3A_66 = arith.constant 0 : i32
    %dma_start3A_67 = tpu.memref_slice %arg2[%dma_start3A_66] : memref<266240xi32, #tpu.memory_space<hbm>> -> memref<266240xi32, #tpu.memory_space<hbm>>
    tpu.enqueue_indirect_dma source(%dma_start3A_67 : memref<266240xi32, #tpu.memory_space<hbm>>) target(%dma_start3A_63 : memref<128xi32, #tpu.memory_space<vmem>>) offsets(%dma_start3A_65 : memref<128xi32, #tpu.memory_space<vmem>>) semaphore(%arg7 : memref<!tpu.dma_semaphore, #tpu.memory_space<semaphore_mem>>)
    %dma_start3A_68 = arith.constant 1408 : i32
    %dma_start3A_69 = tpu.memref_slice %arg6[%dma_start3A_68] : memref<3328xi32, #tpu.memory_space<vmem>> -> memref<128xi32, #tpu.memory_space<vmem>>
    %dma_start3A_70 = arith.constant 1408 : i32
    %dma_start3A_71 = tpu.memref_slice %arg5[%dma_start3A_70] : memref<3328xi32, #tpu.memory_space<vmem>> -> memref<128xi32, #tpu.memory_space<vmem>>
    %dma_start3A_72 = arith.constant 0 : i32
    %dma_start3A_73 = tpu.memref_slice %arg2[%dma_start3A_72] : memref<266240xi32, #tpu.memory_space<hbm>> -> memref<266240xi32, #tpu.memory_space<hbm>>
    tpu.enqueue_indirect_dma source(%dma_start3A_73 : memref<266240xi32, #tpu.memory_space<hbm>>) target(%dma_start3A_69 : memref<128xi32, #tpu.memory_space<vmem>>) offsets(%dma_start3A_71 : memref<128xi32, #tpu.memory_space<vmem>>) semaphore(%arg7 : memref<!tpu.dma_semaphore, #tpu.memory_space<semaphore_mem>>)
    %dma_start3A_74 = arith.constant 1536 : i32
    %dma_start3A_75 = tpu.memref_slice %arg6[%dma_start3A_74] : memref<3328xi32, #tpu.memory_space<vmem>> -> memref<128xi32, #tpu.memory_space<vmem>>
    %dma_start3A_76 = arith.constant 1536 : i32
    %dma_start3A_77 = tpu.memref_slice %arg5[%dma_start3A_76] : memref<3328xi32, #tpu.memory_space<vmem>> -> memref<128xi32, #tpu.memory_space<vmem>>
    %dma_start3A_78 = arith.constant 0 : i32
    %dma_start3A_79 = tpu.memref_slice %arg2[%dma_start3A_78] : memref<266240xi32, #tpu.memory_space<hbm>> -> memref<266240xi32, #tpu.memory_space<hbm>>
    tpu.enqueue_indirect_dma source(%dma_start3A_79 : memref<266240xi32, #tpu.memory_space<hbm>>) target(%dma_start3A_75 : memref<128xi32, #tpu.memory_space<vmem>>) offsets(%dma_start3A_77 : memref<128xi32, #tpu.memory_space<vmem>>) semaphore(%arg7 : memref<!tpu.dma_semaphore, #tpu.memory_space<semaphore_mem>>)
    %dma_start3A_80 = arith.constant 1664 : i32
    %dma_start3A_81 = tpu.memref_slice %arg6[%dma_start3A_80] : memref<3328xi32, #tpu.memory_space<vmem>> -> memref<128xi32, #tpu.memory_space<vmem>>
    %dma_start3A_82 = arith.constant 1664 : i32
    %dma_start3A_83 = tpu.memref_slice %arg5[%dma_start3A_82] : memref<3328xi32, #tpu.memory_space<vmem>> -> memref<128xi32, #tpu.memory_space<vmem>>
    %dma_start3A_84 = arith.constant 0 : i32
    %dma_start3A_85 = tpu.memref_slice %arg2[%dma_start3A_84] : memref<266240xi32, #tpu.memory_space<hbm>> -> memref<266240xi32, #tpu.memory_space<hbm>>
    tpu.enqueue_indirect_dma source(%dma_start3A_85 : memref<266240xi32, #tpu.memory_space<hbm>>) target(%dma_start3A_81 : memref<128xi32, #tpu.memory_space<vmem>>) offsets(%dma_start3A_83 : memref<128xi32, #tpu.memory_space<vmem>>) semaphore(%arg7 : memref<!tpu.dma_semaphore, #tpu.memory_space<semaphore_mem>>)
    %dma_start3A_86 = arith.constant 1792 : i32
    %dma_start3A_87 = tpu.memref_slice %arg6[%dma_start3A_86] : memref<3328xi32, #tpu.memory_space<vmem>> -> memref<128xi32, #tpu.memory_space<vmem>>
    %dma_start3A_88 = arith.constant 1792 : i32
    %dma_start3A_89 = tpu.memref_slice %arg5[%dma_start3A_88] : memref<3328xi32, #tpu.memory_space<vmem>> -> memref<128xi32, #tpu.memory_space<vmem>>
    %dma_start3A_90 = arith.constant 0 : i32
    %dma_start3A_91 = tpu.memref_slice %arg2[%dma_start3A_90] : memref<266240xi32, #tpu.memory_space<hbm>> -> memref<266240xi32, #tpu.memory_space<hbm>>
    tpu.enqueue_indirect_dma source(%dma_start3A_91 : memref<266240xi32, #tpu.memory_space<hbm>>) target(%dma_start3A_87 : memref<128xi32, #tpu.memory_space<vmem>>) offsets(%dma_start3A_89 : memref<128xi32, #tpu.memory_space<vmem>>) semaphore(%arg7 : memref<!tpu.dma_semaphore, #tpu.memory_space<semaphore_mem>>)
    %dma_start3A_92 = arith.constant 1920 : i32
    %dma_start3A_93 = tpu.memref_slice %arg6[%dma_start3A_92] : memref<3328xi32, #tpu.memory_space<vmem>> -> memref<128xi32, #tpu.memory_space<vmem>>
    %dma_start3A_94 = arith.constant 1920 : i32
    %dma_start3A_95 = tpu.memref_slice %arg5[%dma_start3A_94] : memref<3328xi32, #tpu.memory_space<vmem>> -> memref<128xi32, #tpu.memory_space<vmem>>
    %dma_start3A_96 = arith.constant 0 : i32
    %dma_start3A_97 = tpu.memref_slice %arg2[%dma_start3A_96] : memref<266240xi32, #tpu.memory_space<hbm>> -> memref<266240xi32, #tpu.memory_space<hbm>>
    tpu.enqueue_indirect_dma source(%dma_start3A_97 : memref<266240xi32, #tpu.memory_space<hbm>>) target(%dma_start3A_93 : memref<128xi32, #tpu.memory_space<vmem>>) offsets(%dma_start3A_95 : memref<128xi32, #tpu.memory_space<vmem>>) semaphore(%arg7 : memref<!tpu.dma_semaphore, #tpu.memory_space<semaphore_mem>>)
    %dma_start3A_98 = arith.constant 2048 : i32
    %dma_start3A_99 = tpu.memref_slice %arg6[%dma_start3A_98] : memref<3328xi32, #tpu.memory_space<vmem>> -> memref<128xi32, #tpu.memory_space<vmem>>
    %dma_start3A_100 = arith.constant 2048 : i32
    %dma_start3A_101 = tpu.memref_slice %arg5[%dma_start3A_100] : memref<3328xi32, #tpu.memory_space<vmem>> -> memref<128xi32, #tpu.memory_space<vmem>>
    %dma_start3A_102 = arith.constant 0 : i32
    %dma_start3A_103 = tpu.memref_slice %arg2[%dma_start3A_102] : memref<266240xi32, #tpu.memory_space<hbm>> -> memref<266240xi32, #tpu.memory_space<hbm>>
    tpu.enqueue_indirect_dma source(%dma_start3A_103 : memref<266240xi32, #tpu.memory_space<hbm>>) target(%dma_start3A_99 : memref<128xi32, #tpu.memory_space<vmem>>) offsets(%dma_start3A_101 : memref<128xi32, #tpu.memory_space<vmem>>) semaphore(%arg7 : memref<!tpu.dma_semaphore, #tpu.memory_space<semaphore_mem>>)
    %dma_start3A_104 = arith.constant 2176 : i32
    %dma_start3A_105 = tpu.memref_slice %arg6[%dma_start3A_104] : memref<3328xi32, #tpu.memory_space<vmem>> -> memref<128xi32, #tpu.memory_space<vmem>>
    %dma_start3A_106 = arith.constant 2176 : i32
    %dma_start3A_107 = tpu.memref_slice %arg5[%dma_start3A_106] : memref<3328xi32, #tpu.memory_space<vmem>> -> memref<128xi32, #tpu.memory_space<vmem>>
    %dma_start3A_108 = arith.constant 0 : i32
    %dma_start3A_109 = tpu.memref_slice %arg2[%dma_start3A_108] : memref<266240xi32, #tpu.memory_space<hbm>> -> memref<266240xi32, #tpu.memory_space<hbm>>
    tpu.enqueue_indirect_dma source(%dma_start3A_109 : memref<266240xi32, #tpu.memory_space<hbm>>) target(%dma_start3A_105 : memref<128xi32, #tpu.memory_space<vmem>>) offsets(%dma_start3A_107 : memref<128xi32, #tpu.memory_space<vmem>>) semaphore(%arg7 : memref<!tpu.dma_semaphore, #tpu.memory_space<semaphore_mem>>)
    %dma_start3A_110 = arith.constant 2304 : i32
    %dma_start3A_111 = tpu.memref_slice %arg6[%dma_start3A_110] : memref<3328xi32, #tpu.memory_space<vmem>> -> memref<128xi32, #tpu.memory_space<vmem>>
    %dma_start3A_112 = arith.constant 2304 : i32
    %dma_start3A_113 = tpu.memref_slice %arg5[%dma_start3A_112] : memref<3328xi32, #tpu.memory_space<vmem>> -> memref<128xi32, #tpu.memory_space<vmem>>
    %dma_start3A_114 = arith.constant 0 : i32
    %dma_start3A_115 = tpu.memref_slice %arg2[%dma_start3A_114] : memref<266240xi32, #tpu.memory_space<hbm>> -> memref<266240xi32, #tpu.memory_space<hbm>>
    tpu.enqueue_indirect_dma source(%dma_start3A_115 : memref<266240xi32, #tpu.memory_space<hbm>>) target(%dma_start3A_111 : memref<128xi32, #tpu.memory_space<vmem>>) offsets(%dma_start3A_113 : memref<128xi32, #tpu.memory_space<vmem>>) semaphore(%arg7 : memref<!tpu.dma_semaphore, #tpu.memory_space<semaphore_mem>>)
    %dma_start3A_116 = arith.constant 2432 : i32
    %dma_start3A_117 = tpu.memref_slice %arg6[%dma_start3A_116] : memref<3328xi32, #tpu.memory_space<vmem>> -> memref<128xi32, #tpu.memory_space<vmem>>
    %dma_start3A_118 = arith.constant 2432 : i32
    %dma_start3A_119 = tpu.memref_slice %arg5[%dma_start3A_118] : memref<3328xi32, #tpu.memory_space<vmem>> -> memref<128xi32, #tpu.memory_space<vmem>>
    %dma_start3A_120 = arith.constant 0 : i32
    %dma_start3A_121 = tpu.memref_slice %arg2[%dma_start3A_120] : memref<266240xi32, #tpu.memory_space<hbm>> -> memref<266240xi32, #tpu.memory_space<hbm>>
    tpu.enqueue_indirect_dma source(%dma_start3A_121 : memref<266240xi32, #tpu.memory_space<hbm>>) target(%dma_start3A_117 : memref<128xi32, #tpu.memory_space<vmem>>) offsets(%dma_start3A_119 : memref<128xi32, #tpu.memory_space<vmem>>) semaphore(%arg7 : memref<!tpu.dma_semaphore, #tpu.memory_space<semaphore_mem>>)
    %dma_start3A_122 = arith.constant 2560 : i32
    %dma_start3A_123 = tpu.memref_slice %arg6[%dma_start3A_122] : memref<3328xi32, #tpu.memory_space<vmem>> -> memref<128xi32, #tpu.memory_space<vmem>>
    %dma_start3A_124 = arith.constant 2560 : i32
    %dma_start3A_125 = tpu.memref_slice %arg5[%dma_start3A_124] : memref<3328xi32, #tpu.memory_space<vmem>> -> memref<128xi32, #tpu.memory_space<vmem>>
    %dma_start3A_126 = arith.constant 0 : i32
    %dma_start3A_127 = tpu.memref_slice %arg2[%dma_start3A_126] : memref<266240xi32, #tpu.memory_space<hbm>> -> memref<266240xi32, #tpu.memory_space<hbm>>
    tpu.enqueue_indirect_dma source(%dma_start3A_127 : memref<266240xi32, #tpu.memory_space<hbm>>) target(%dma_start3A_123 : memref<128xi32, #tpu.memory_space<vmem>>) offsets(%dma_start3A_125 : memref<128xi32, #tpu.memory_space<vmem>>) semaphore(%arg7 : memref<!tpu.dma_semaphore, #tpu.memory_space<semaphore_mem>>)
    %dma_start3A_128 = arith.constant 2688 : i32
    %dma_start3A_129 = tpu.memref_slice %arg6[%dma_start3A_128] : memref<3328xi32, #tpu.memory_space<vmem>> -> memref<128xi32, #tpu.memory_space<vmem>>
    %dma_start3A_130 = arith.constant 2688 : i32
    %dma_start3A_131 = tpu.memref_slice %arg5[%dma_start3A_130] : memref<3328xi32, #tpu.memory_space<vmem>> -> memref<128xi32, #tpu.memory_space<vmem>>
    %dma_start3A_132 = arith.constant 0 : i32
    %dma_start3A_133 = tpu.memref_slice %arg2[%dma_start3A_132] : memref<266240xi32, #tpu.memory_space<hbm>> -> memref<266240xi32, #tpu.memory_space<hbm>>
    tpu.enqueue_indirect_dma source(%dma_start3A_133 : memref<266240xi32, #tpu.memory_space<hbm>>) target(%dma_start3A_129 : memref<128xi32, #tpu.memory_space<vmem>>) offsets(%dma_start3A_131 : memref<128xi32, #tpu.memory_space<vmem>>) semaphore(%arg7 : memref<!tpu.dma_semaphore, #tpu.memory_space<semaphore_mem>>)
    %dma_start3A_134 = arith.constant 2816 : i32
    %dma_start3A_135 = tpu.memref_slice %arg6[%dma_start3A_134] : memref<3328xi32, #tpu.memory_space<vmem>> -> memref<128xi32, #tpu.memory_space<vmem>>
    %dma_start3A_136 = arith.constant 2816 : i32
    %dma_start3A_137 = tpu.memref_slice %arg5[%dma_start3A_136] : memref<3328xi32, #tpu.memory_space<vmem>> -> memref<128xi32, #tpu.memory_space<vmem>>
    %dma_start3A_138 = arith.constant 0 : i32
    %dma_start3A_139 = tpu.memref_slice %arg2[%dma_start3A_138] : memref<266240xi32, #tpu.memory_space<hbm>> -> memref<266240xi32, #tpu.memory_space<hbm>>
    tpu.enqueue_indirect_dma source(%dma_start3A_139 : memref<266240xi32, #tpu.memory_space<hbm>>) target(%dma_start3A_135 : memref<128xi32, #tpu.memory_space<vmem>>) offsets(%dma_start3A_137 : memref<128xi32, #tpu.memory_space<vmem>>) semaphore(%arg7 : memref<!tpu.dma_semaphore, #tpu.memory_space<semaphore_mem>>)
    %dma_start3A_140 = arith.constant 2944 : i32
    %dma_start3A_141 = tpu.memref_slice %arg6[%dma_start3A_140] : memref<3328xi32, #tpu.memory_space<vmem>> -> memref<128xi32, #tpu.memory_space<vmem>>
    %dma_start3A_142 = arith.constant 2944 : i32
    %dma_start3A_143 = tpu.memref_slice %arg5[%dma_start3A_142] : memref<3328xi32, #tpu.memory_space<vmem>> -> memref<128xi32, #tpu.memory_space<vmem>>
    %dma_start3A_144 = arith.constant 0 : i32
    %dma_start3A_145 = tpu.memref_slice %arg2[%dma_start3A_144] : memref<266240xi32, #tpu.memory_space<hbm>> -> memref<266240xi32, #tpu.memory_space<hbm>>
    tpu.enqueue_indirect_dma source(%dma_start3A_145 : memref<266240xi32, #tpu.memory_space<hbm>>) target(%dma_start3A_141 : memref<128xi32, #tpu.memory_space<vmem>>) offsets(%dma_start3A_143 : memref<128xi32, #tpu.memory_space<vmem>>) semaphore(%arg7 : memref<!tpu.dma_semaphore, #tpu.memory_space<semaphore_mem>>)
    %dma_start3A_146 = arith.constant 3072 : i32
    %dma_start3A_147 = tpu.memref_slice %arg6[%dma_start3A_146] : memref<3328xi32, #tpu.memory_space<vmem>> -> memref<128xi32, #tpu.memory_space<vmem>>
    %dma_start3A_148 = arith.constant 3072 : i32
    %dma_start3A_149 = tpu.memref_slice %arg5[%dma_start3A_148] : memref<3328xi32, #tpu.memory_space<vmem>> -> memref<128xi32, #tpu.memory_space<vmem>>
    %dma_start3A_150 = arith.constant 0 : i32
    %dma_start3A_151 = tpu.memref_slice %arg2[%dma_start3A_150] : memref<266240xi32, #tpu.memory_space<hbm>> -> memref<266240xi32, #tpu.memory_space<hbm>>
    tpu.enqueue_indirect_dma source(%dma_start3A_151 : memref<266240xi32, #tpu.memory_space<hbm>>) target(%dma_start3A_147 : memref<128xi32, #tpu.memory_space<vmem>>) offsets(%dma_start3A_149 : memref<128xi32, #tpu.memory_space<vmem>>) semaphore(%arg7 : memref<!tpu.dma_semaphore, #tpu.memory_space<semaphore_mem>>)
    %dma_start3A_152 = arith.constant 3200 : i32
    %dma_start3A_153 = tpu.memref_slice %arg6[%dma_start3A_152] : memref<3328xi32, #tpu.memory_space<vmem>> -> memref<128xi32, #tpu.memory_space<vmem>>
    %dma_start3A_154 = arith.constant 3200 : i32
    %dma_start3A_155 = tpu.memref_slice %arg5[%dma_start3A_154] : memref<3328xi32, #tpu.memory_space<vmem>> -> memref<128xi32, #tpu.memory_space<vmem>>
    %dma_start3A_156 = arith.constant 0 : i32
    %dma_start3A_157 = tpu.memref_slice %arg2[%dma_start3A_156] : memref<266240xi32, #tpu.memory_space<hbm>> -> memref<266240xi32, #tpu.memory_space<hbm>>
    tpu.enqueue_indirect_dma source(%dma_start3A_157 : memref<266240xi32, #tpu.memory_space<hbm>>) target(%dma_start3A_153 : memref<128xi32, #tpu.memory_space<vmem>>) offsets(%dma_start3A_155 : memref<128xi32, #tpu.memory_space<vmem>>) semaphore(%arg7 : memref<!tpu.dma_semaphore, #tpu.memory_space<semaphore_mem>>)
    %dma_wait3A = arith.constant 0 : i32
    %dma_wait3A_158 = tpu.memref_slice %arg2[%dma_wait3A] : memref<266240xi32, #tpu.memory_space<hbm>> -> memref<266240xi32, #tpu.memory_space<hbm>>
    tpu.wait_indirect_dma semaphore(%arg7 : memref<!tpu.dma_semaphore, #tpu.memory_space<semaphore_mem>>) src(%dma_wait3A_158 : memref<266240xi32, #tpu.memory_space<hbm>>) dst(%arg6 : memref<3328xi32, #tpu.memory_space<vmem>>)
    "tpu.region"() ({
      %run_scoped3A = tpu.sem_alloc : memref<!tpu.dma_semaphore, #tpu.memory_space<semaphore_mem>>
      %dma_start3A_159 = tpu.memref_slice %arg4[%mul3A_2] : memref<106496xi32, #tpu.memory_space<hbm>> -> memref<3328xi32, #tpu.memory_space<hbm>>
      %dma_start3A_160 = tpu.memref_slice %arg4[%mul3A_2] : memref<106496xi32, #tpu.memory_space<hbm>> -> memref<3328xi32, #tpu.memory_space<hbm>>
      tpu.enqueue_dma source(%arg6 : memref<3328xi32, #tpu.memory_space<vmem>>) target(%dma_start3A_160 : memref<3328xi32, #tpu.memory_space<hbm>>) target_semaphore(%run_scoped3A : memref<!tpu.dma_semaphore, #tpu.memory_space<semaphore_mem>>)
      %dma_wait3A_161 = tpu.memref_slice %arg4[%mul3A_2] : memref<106496xi32, #tpu.memory_space<hbm>> -> memref<3328xi32, #tpu.memory_space<hbm>>
      %dma_wait3A_162 = tpu.memref_slice %arg4[%mul3A_2] : memref<106496xi32, #tpu.memory_space<hbm>> -> memref<3328xi32, #tpu.memory_space<hbm>>
      tpu.wait_dma2 semaphore(%run_scoped3A : memref<!tpu.dma_semaphore, #tpu.memory_space<semaphore_mem>>) src(%arg6 : memref<3328xi32, #tpu.memory_space<vmem>>) dst(%dma_wait3A_162 : memref<3328xi32, #tpu.memory_space<hbm>>)
      tpu.yield
    }) : () -> ()
    return
  }
}

#map = affine_map<(d0, d1) -> (0, 0)>
#map1 = affine_map<(d0, d1) -> (0)>
#map2 = affine_map<(d0, d1) -> (0, 0, 0)>
module attributes {stable_mosaic.version = 14 : i64} {
  func.func @_impl(%arg0: i32, %arg1: i32, %arg2: memref<50000x256xf32, #tpu.memory_space<hbm>>, %arg3: memref<106496xi32, #tpu.memory_space<hbm>>, %arg4: memref<13x4096x256xf32, #tpu.memory_space<hbm>>, %arg5: memref<1664xi32, #tpu.memory_space<vmem>>, %arg6: memref<128x256xf32, #tpu.memory_space<vmem>>, %arg7: memref<128x256xf32, #tpu.memory_space<vmem>>, %arg8: memref<128x256xf32, #tpu.memory_space<vmem>>, %arg9: memref<!tpu.dma_semaphore, #tpu.memory_space<semaphore_mem>>, %arg10: memref<!tpu.dma_semaphore, #tpu.memory_space<semaphore_mem>>, %arg11: memref<!tpu.dma_semaphore, #tpu.memory_space<semaphore_mem>>, %arg12: memref<!tpu.dma_semaphore, #tpu.memory_space<semaphore_mem>>, %arg13: memref<!tpu.dma_semaphore, #tpu.memory_space<semaphore_mem>>, %arg14: memref<!tpu.dma_semaphore, #tpu.memory_space<semaphore_mem>>) attributes {dimension_semantics = [#tpu.dimension_semantics<core_parallel>, #tpu.dimension_semantics<subcore_parallel>], iteration_bounds = array<i64: 2, 16>, scalar_prefetch = 0 : i64, scratch_operands = 10 : i64, tpu.core_type = #tpu.core_type<sc_vector_subcore>, window_params = [{transform_indices = #map}, {transform_indices = #map1}, {transform_indices = #map2}]} {
    %mul3A = arith.constant 2 : i32
    %mul3A_0 = arith.muli %arg1, %mul3A : i32
    %add3A = arith.addi %mul3A_0, %arg0 : i32
    %mul3A_1 = arith.constant 128 : i32
    %mul3A_2 = arith.muli %add3A, %mul3A_1 : i32
    %mul3A_3 = arith.constant 3328 : i32
    %mul3A_4 = arith.muli %add3A, %mul3A_3 : i32
    %add3A_5 = arith.constant 1664 : i32
    %add3A_6 = arith.addi %mul3A_4, %add3A_5 : i32
    "tpu.region"() ({
      %run_scoped3A = tpu.sem_alloc : memref<!tpu.dma_semaphore, #tpu.memory_space<semaphore_mem>>
      %dma_start3A_317 = tpu.memref_slice %arg3[%add3A_6] : memref<106496xi32, #tpu.memory_space<hbm>> -> memref<1664xi32, #tpu.memory_space<hbm>>
      %dma_start3A_318 = tpu.memref_slice %arg3[%add3A_6] : memref<106496xi32, #tpu.memory_space<hbm>> -> memref<1664xi32, #tpu.memory_space<hbm>>
      tpu.enqueue_dma source(%dma_start3A_318 : memref<1664xi32, #tpu.memory_space<hbm>>) target(%arg5 : memref<1664xi32, #tpu.memory_space<vmem>>) target_semaphore(%run_scoped3A : memref<!tpu.dma_semaphore, #tpu.memory_space<semaphore_mem>>)
      %dma_wait3A_319 = tpu.memref_slice %arg3[%add3A_6] : memref<106496xi32, #tpu.memory_space<hbm>> -> memref<1664xi32, #tpu.memory_space<hbm>>
      %dma_wait3A_320 = tpu.memref_slice %arg3[%add3A_6] : memref<106496xi32, #tpu.memory_space<hbm>> -> memref<1664xi32, #tpu.memory_space<hbm>>
      tpu.wait_dma2 semaphore(%run_scoped3A : memref<!tpu.dma_semaphore, #tpu.memory_space<semaphore_mem>>) src(%dma_wait3A_320 : memref<1664xi32, #tpu.memory_space<hbm>>) dst(%arg5 : memref<1664xi32, #tpu.memory_space<vmem>>)
      tpu.yield
    }) : () -> ()
    %dma_start3A = arith.constant 0 : i32
    %dma_start3A_7 = tpu.memref_slice %arg5[%dma_start3A] : memref<1664xi32, #tpu.memory_space<vmem>> -> memref<128xi32, #tpu.memory_space<vmem>>
    %dma_start3A_8 = arith.constant 0 : i32
    %dma_start3A_9 = arith.constant 0 : i32
    %dma_start3A_10 = tpu.memref_slice %arg2[%dma_start3A_8, %dma_start3A_9] : memref<50000x256xf32, #tpu.memory_space<hbm>> -> memref<50000x256xf32, #tpu.memory_space<hbm>>
    tpu.enqueue_indirect_dma source(%dma_start3A_10 : memref<50000x256xf32, #tpu.memory_space<hbm>>) target(%arg6 : memref<128x256xf32, #tpu.memory_space<vmem>>) offsets(%dma_start3A_7 : memref<128xi32, #tpu.memory_space<vmem>>) semaphore(%arg9 : memref<!tpu.dma_semaphore, #tpu.memory_space<semaphore_mem>>)
    %dma_start3A_11 = arith.constant 128 : i32
    %dma_start3A_12 = tpu.memref_slice %arg5[%dma_start3A_11] : memref<1664xi32, #tpu.memory_space<vmem>> -> memref<128xi32, #tpu.memory_space<vmem>>
    %dma_start3A_13 = arith.constant 0 : i32
    %dma_start3A_14 = arith.constant 0 : i32
    %dma_start3A_15 = tpu.memref_slice %arg2[%dma_start3A_13, %dma_start3A_14] : memref<50000x256xf32, #tpu.memory_space<hbm>> -> memref<50000x256xf32, #tpu.memory_space<hbm>>
    tpu.enqueue_indirect_dma source(%dma_start3A_15 : memref<50000x256xf32, #tpu.memory_space<hbm>>) target(%arg7 : memref<128x256xf32, #tpu.memory_space<vmem>>) offsets(%dma_start3A_12 : memref<128xi32, #tpu.memory_space<vmem>>) semaphore(%arg10 : memref<!tpu.dma_semaphore, #tpu.memory_space<semaphore_mem>>)
    %dma_wait3A = arith.constant 0 : i32
    %dma_wait3A_16 = tpu.memref_slice %arg5[%dma_wait3A] : memref<1664xi32, #tpu.memory_space<vmem>> -> memref<128xi32, #tpu.memory_space<vmem>>
    %dma_wait3A_17 = arith.constant 0 : i32
    %dma_wait3A_18 = arith.constant 0 : i32
    %dma_wait3A_19 = tpu.memref_slice %arg2[%dma_wait3A_17, %dma_wait3A_18] : memref<50000x256xf32, #tpu.memory_space<hbm>> -> memref<50000x256xf32, #tpu.memory_space<hbm>>
    tpu.wait_indirect_dma semaphore(%arg9 : memref<!tpu.dma_semaphore, #tpu.memory_space<semaphore_mem>>) src(%dma_wait3A_19 : memref<50000x256xf32, #tpu.memory_space<hbm>>) dst(%arg6 : memref<128x256xf32, #tpu.memory_space<vmem>>)
    %dma_start3A_20 = arith.constant 0 : i32
    %dma_start3A_21 = arith.constant 0 : i32
    %dma_start3A_22 = tpu.memref_slice %arg4[%dma_start3A_20, %mul3A_2, %dma_start3A_21] : memref<13x4096x256xf32, #tpu.memory_space<hbm>> -> memref<1x128x256xf32, #tpu.memory_space<hbm>>
    %dma_start3A_23 = tpu.memref_squeeze %dma_start3A_22 : memref<1x128x256xf32, #tpu.memory_space<hbm>> -> memref<128x256xf32, #tpu.memory_space<hbm>>
    %dma_start3A_24 = arith.constant 0 : i32
    %dma_start3A_25 = tpu.memref_slice %arg4[%dma_start3A_20, %mul3A_2, %dma_start3A_24] : memref<13x4096x256xf32, #tpu.memory_space<hbm>> -> memref<1x128x256xf32, #tpu.memory_space<hbm>>
    %dma_start3A_26 = tpu.memref_squeeze %dma_start3A_25 : memref<1x128x256xf32, #tpu.memory_space<hbm>> -> memref<128x256xf32, #tpu.memory_space<hbm>>
    tpu.enqueue_dma source(%arg6 : memref<128x256xf32, #tpu.memory_space<vmem>>) target(%dma_start3A_26 : memref<128x256xf32, #tpu.memory_space<hbm>>) target_semaphore(%arg12 : memref<!tpu.dma_semaphore, #tpu.memory_space<semaphore_mem>>)
    %dma_start3A_27 = arith.constant 256 : i32
    %dma_start3A_28 = tpu.memref_slice %arg5[%dma_start3A_27] : memref<1664xi32, #tpu.memory_space<vmem>> -> memref<128xi32, #tpu.memory_space<vmem>>
    %dma_start3A_29 = arith.constant 0 : i32
    %dma_start3A_30 = arith.constant 0 : i32
    %dma_start3A_31 = tpu.memref_slice %arg2[%dma_start3A_29, %dma_start3A_30] : memref<50000x256xf32, #tpu.memory_space<hbm>> -> memref<50000x256xf32, #tpu.memory_space<hbm>>
    tpu.enqueue_indirect_dma source(%dma_start3A_31 : memref<50000x256xf32, #tpu.memory_space<hbm>>) target(%arg8 : memref<128x256xf32, #tpu.memory_space<vmem>>) offsets(%dma_start3A_28 : memref<128xi32, #tpu.memory_space<vmem>>) semaphore(%arg11 : memref<!tpu.dma_semaphore, #tpu.memory_space<semaphore_mem>>)
    %dma_wait3A_32 = arith.constant 128 : i32
    %dma_wait3A_33 = tpu.memref_slice %arg5[%dma_wait3A_32] : memref<1664xi32, #tpu.memory_space<vmem>> -> memref<128xi32, #tpu.memory_space<vmem>>
    %dma_wait3A_34 = arith.constant 0 : i32
    %dma_wait3A_35 = arith.constant 0 : i32
    %dma_wait3A_36 = tpu.memref_slice %arg2[%dma_wait3A_34, %dma_wait3A_35] : memref<50000x256xf32, #tpu.memory_space<hbm>> -> memref<50000x256xf32, #tpu.memory_space<hbm>>
    tpu.wait_indirect_dma semaphore(%arg10 : memref<!tpu.dma_semaphore, #tpu.memory_space<semaphore_mem>>) src(%dma_wait3A_36 : memref<50000x256xf32, #tpu.memory_space<hbm>>) dst(%arg7 : memref<128x256xf32, #tpu.memory_space<vmem>>)
    %dma_start3A_37 = arith.constant 1 : i32
    %dma_start3A_38 = arith.constant 0 : i32
    %dma_start3A_39 = tpu.memref_slice %arg4[%dma_start3A_37, %mul3A_2, %dma_start3A_38] : memref<13x4096x256xf32, #tpu.memory_space<hbm>> -> memref<1x128x256xf32, #tpu.memory_space<hbm>>
    %dma_start3A_40 = tpu.memref_squeeze %dma_start3A_39 : memref<1x128x256xf32, #tpu.memory_space<hbm>> -> memref<128x256xf32, #tpu.memory_space<hbm>>
    %dma_start3A_41 = arith.constant 0 : i32
    %dma_start3A_42 = tpu.memref_slice %arg4[%dma_start3A_37, %mul3A_2, %dma_start3A_41] : memref<13x4096x256xf32, #tpu.memory_space<hbm>> -> memref<1x128x256xf32, #tpu.memory_space<hbm>>
    %dma_start3A_43 = tpu.memref_squeeze %dma_start3A_42 : memref<1x128x256xf32, #tpu.memory_space<hbm>> -> memref<128x256xf32, #tpu.memory_space<hbm>>
    tpu.enqueue_dma source(%arg7 : memref<128x256xf32, #tpu.memory_space<vmem>>) target(%dma_start3A_43 : memref<128x256xf32, #tpu.memory_space<hbm>>) target_semaphore(%arg13 : memref<!tpu.dma_semaphore, #tpu.memory_space<semaphore_mem>>)
    %dma_wait3A_44 = arith.constant 0 : i32
    %dma_wait3A_45 = arith.constant 0 : i32
    %dma_wait3A_46 = tpu.memref_slice %arg4[%dma_wait3A_44, %mul3A_2, %dma_wait3A_45] : memref<13x4096x256xf32, #tpu.memory_space<hbm>> -> memref<1x128x256xf32, #tpu.memory_space<hbm>>
    %dma_wait3A_47 = tpu.memref_squeeze %dma_wait3A_46 : memref<1x128x256xf32, #tpu.memory_space<hbm>> -> memref<128x256xf32, #tpu.memory_space<hbm>>
    %dma_wait3A_48 = arith.constant 0 : i32
    %dma_wait3A_49 = tpu.memref_slice %arg4[%dma_wait3A_44, %mul3A_2, %dma_wait3A_48] : memref<13x4096x256xf32, #tpu.memory_space<hbm>> -> memref<1x128x256xf32, #tpu.memory_space<hbm>>
    %dma_wait3A_50 = tpu.memref_squeeze %dma_wait3A_49 : memref<1x128x256xf32, #tpu.memory_space<hbm>> -> memref<128x256xf32, #tpu.memory_space<hbm>>
    tpu.wait_dma2 semaphore(%arg12 : memref<!tpu.dma_semaphore, #tpu.memory_space<semaphore_mem>>) src(%arg6 : memref<128x256xf32, #tpu.memory_space<vmem>>) dst(%dma_wait3A_50 : memref<128x256xf32, #tpu.memory_space<hbm>>)
    %dma_start3A_51 = arith.constant 384 : i32
    %dma_start3A_52 = tpu.memref_slice %arg5[%dma_start3A_51] : memref<1664xi32, #tpu.memory_space<vmem>> -> memref<128xi32, #tpu.memory_space<vmem>>
    %dma_start3A_53 = arith.constant 0 : i32
    %dma_start3A_54 = arith.constant 0 : i32
    %dma_start3A_55 = tpu.memref_slice %arg2[%dma_start3A_53, %dma_start3A_54] : memref<50000x256xf32, #tpu.memory_space<hbm>> -> memref<50000x256xf32, #tpu.memory_space<hbm>>
    tpu.enqueue_indirect_dma source(%dma_start3A_55 : memref<50000x256xf32, #tpu.memory_space<hbm>>) target(%arg6 : memref<128x256xf32, #tpu.memory_space<vmem>>) offsets(%dma_start3A_52 : memref<128xi32, #tpu.memory_space<vmem>>) semaphore(%arg9 : memref<!tpu.dma_semaphore, #tpu.memory_space<semaphore_mem>>)
    %dma_wait3A_56 = arith.constant 256 : i32
    %dma_wait3A_57 = tpu.memref_slice %arg5[%dma_wait3A_56] : memref<1664xi32, #tpu.memory_space<vmem>> -> memref<128xi32, #tpu.memory_space<vmem>>
    %dma_wait3A_58 = arith.constant 0 : i32
    %dma_wait3A_59 = arith.constant 0 : i32
    %dma_wait3A_60 = tpu.memref_slice %arg2[%dma_wait3A_58, %dma_wait3A_59] : memref<50000x256xf32, #tpu.memory_space<hbm>> -> memref<50000x256xf32, #tpu.memory_space<hbm>>
    tpu.wait_indirect_dma semaphore(%arg11 : memref<!tpu.dma_semaphore, #tpu.memory_space<semaphore_mem>>) src(%dma_wait3A_60 : memref<50000x256xf32, #tpu.memory_space<hbm>>) dst(%arg8 : memref<128x256xf32, #tpu.memory_space<vmem>>)
    %dma_start3A_61 = arith.constant 2 : i32
    %dma_start3A_62 = arith.constant 0 : i32
    %dma_start3A_63 = tpu.memref_slice %arg4[%dma_start3A_61, %mul3A_2, %dma_start3A_62] : memref<13x4096x256xf32, #tpu.memory_space<hbm>> -> memref<1x128x256xf32, #tpu.memory_space<hbm>>
    %dma_start3A_64 = tpu.memref_squeeze %dma_start3A_63 : memref<1x128x256xf32, #tpu.memory_space<hbm>> -> memref<128x256xf32, #tpu.memory_space<hbm>>
    %dma_start3A_65 = arith.constant 0 : i32
    %dma_start3A_66 = tpu.memref_slice %arg4[%dma_start3A_61, %mul3A_2, %dma_start3A_65] : memref<13x4096x256xf32, #tpu.memory_space<hbm>> -> memref<1x128x256xf32, #tpu.memory_space<hbm>>
    %dma_start3A_67 = tpu.memref_squeeze %dma_start3A_66 : memref<1x128x256xf32, #tpu.memory_space<hbm>> -> memref<128x256xf32, #tpu.memory_space<hbm>>
    tpu.enqueue_dma source(%arg8 : memref<128x256xf32, #tpu.memory_space<vmem>>) target(%dma_start3A_67 : memref<128x256xf32, #tpu.memory_space<hbm>>) target_semaphore(%arg14 : memref<!tpu.dma_semaphore, #tpu.memory_space<semaphore_mem>>)
    %dma_wait3A_68 = arith.constant 1 : i32
    %dma_wait3A_69 = arith.constant 0 : i32
    %dma_wait3A_70 = tpu.memref_slice %arg4[%dma_wait3A_68, %mul3A_2, %dma_wait3A_69] : memref<13x4096x256xf32, #tpu.memory_space<hbm>> -> memref<1x128x256xf32, #tpu.memory_space<hbm>>
    %dma_wait3A_71 = tpu.memref_squeeze %dma_wait3A_70 : memref<1x128x256xf32, #tpu.memory_space<hbm>> -> memref<128x256xf32, #tpu.memory_space<hbm>>
    %dma_wait3A_72 = arith.constant 0 : i32
    %dma_wait3A_73 = tpu.memref_slice %arg4[%dma_wait3A_68, %mul3A_2, %dma_wait3A_72] : memref<13x4096x256xf32, #tpu.memory_space<hbm>> -> memref<1x128x256xf32, #tpu.memory_space<hbm>>
    %dma_wait3A_74 = tpu.memref_squeeze %dma_wait3A_73 : memref<1x128x256xf32, #tpu.memory_space<hbm>> -> memref<128x256xf32, #tpu.memory_space<hbm>>
    tpu.wait_dma2 semaphore(%arg13 : memref<!tpu.dma_semaphore, #tpu.memory_space<semaphore_mem>>) src(%arg7 : memref<128x256xf32, #tpu.memory_space<vmem>>) dst(%dma_wait3A_74 : memref<128x256xf32, #tpu.memory_space<hbm>>)
    %dma_start3A_75 = arith.constant 512 : i32
    %dma_start3A_76 = tpu.memref_slice %arg5[%dma_start3A_75] : memref<1664xi32, #tpu.memory_space<vmem>> -> memref<128xi32, #tpu.memory_space<vmem>>
    %dma_start3A_77 = arith.constant 0 : i32
    %dma_start3A_78 = arith.constant 0 : i32
    %dma_start3A_79 = tpu.memref_slice %arg2[%dma_start3A_77, %dma_start3A_78] : memref<50000x256xf32, #tpu.memory_space<hbm>> -> memref<50000x256xf32, #tpu.memory_space<hbm>>
    tpu.enqueue_indirect_dma source(%dma_start3A_79 : memref<50000x256xf32, #tpu.memory_space<hbm>>) target(%arg7 : memref<128x256xf32, #tpu.memory_space<vmem>>) offsets(%dma_start3A_76 : memref<128xi32, #tpu.memory_space<vmem>>) semaphore(%arg10 : memref<!tpu.dma_semaphore, #tpu.memory_space<semaphore_mem>>)
    %dma_wait3A_80 = arith.constant 384 : i32
    %dma_wait3A_81 = tpu.memref_slice %arg5[%dma_wait3A_80] : memref<1664xi32, #tpu.memory_space<vmem>> -> memref<128xi32, #tpu.memory_space<vmem>>
    %dma_wait3A_82 = arith.constant 0 : i32
    %dma_wait3A_83 = arith.constant 0 : i32
    %dma_wait3A_84 = tpu.memref_slice %arg2[%dma_wait3A_82, %dma_wait3A_83] : memref<50000x256xf32, #tpu.memory_space<hbm>> -> memref<50000x256xf32, #tpu.memory_space<hbm>>
    tpu.wait_indirect_dma semaphore(%arg9 : memref<!tpu.dma_semaphore, #tpu.memory_space<semaphore_mem>>) src(%dma_wait3A_84 : memref<50000x256xf32, #tpu.memory_space<hbm>>) dst(%arg6 : memref<128x256xf32, #tpu.memory_space<vmem>>)
    %dma_start3A_85 = arith.constant 3 : i32
    %dma_start3A_86 = arith.constant 0 : i32
    %dma_start3A_87 = tpu.memref_slice %arg4[%dma_start3A_85, %mul3A_2, %dma_start3A_86] : memref<13x4096x256xf32, #tpu.memory_space<hbm>> -> memref<1x128x256xf32, #tpu.memory_space<hbm>>
    %dma_start3A_88 = tpu.memref_squeeze %dma_start3A_87 : memref<1x128x256xf32, #tpu.memory_space<hbm>> -> memref<128x256xf32, #tpu.memory_space<hbm>>
    %dma_start3A_89 = arith.constant 0 : i32
    %dma_start3A_90 = tpu.memref_slice %arg4[%dma_start3A_85, %mul3A_2, %dma_start3A_89] : memref<13x4096x256xf32, #tpu.memory_space<hbm>> -> memref<1x128x256xf32, #tpu.memory_space<hbm>>
    %dma_start3A_91 = tpu.memref_squeeze %dma_start3A_90 : memref<1x128x256xf32, #tpu.memory_space<hbm>> -> memref<128x256xf32, #tpu.memory_space<hbm>>
    tpu.enqueue_dma source(%arg6 : memref<128x256xf32, #tpu.memory_space<vmem>>) target(%dma_start3A_91 : memref<128x256xf32, #tpu.memory_space<hbm>>) target_semaphore(%arg12 : memref<!tpu.dma_semaphore, #tpu.memory_space<semaphore_mem>>)
    %dma_wait3A_92 = arith.constant 2 : i32
    %dma_wait3A_93 = arith.constant 0 : i32
    %dma_wait3A_94 = tpu.memref_slice %arg4[%dma_wait3A_92, %mul3A_2, %dma_wait3A_93] : memref<13x4096x256xf32, #tpu.memory_space<hbm>> -> memref<1x128x256xf32, #tpu.memory_space<hbm>>
    %dma_wait3A_95 = tpu.memref_squeeze %dma_wait3A_94 : memref<1x128x256xf32, #tpu.memory_space<hbm>> -> memref<128x256xf32, #tpu.memory_space<hbm>>
    %dma_wait3A_96 = arith.constant 0 : i32
    %dma_wait3A_97 = tpu.memref_slice %arg4[%dma_wait3A_92, %mul3A_2, %dma_wait3A_96] : memref<13x4096x256xf32, #tpu.memory_space<hbm>> -> memref<1x128x256xf32, #tpu.memory_space<hbm>>
    %dma_wait3A_98 = tpu.memref_squeeze %dma_wait3A_97 : memref<1x128x256xf32, #tpu.memory_space<hbm>> -> memref<128x256xf32, #tpu.memory_space<hbm>>
    tpu.wait_dma2 semaphore(%arg14 : memref<!tpu.dma_semaphore, #tpu.memory_space<semaphore_mem>>) src(%arg8 : memref<128x256xf32, #tpu.memory_space<vmem>>) dst(%dma_wait3A_98 : memref<128x256xf32, #tpu.memory_space<hbm>>)
    %dma_start3A_99 = arith.constant 640 : i32
    %dma_start3A_100 = tpu.memref_slice %arg5[%dma_start3A_99] : memref<1664xi32, #tpu.memory_space<vmem>> -> memref<128xi32, #tpu.memory_space<vmem>>
    %dma_start3A_101 = arith.constant 0 : i32
    %dma_start3A_102 = arith.constant 0 : i32
    %dma_start3A_103 = tpu.memref_slice %arg2[%dma_start3A_101, %dma_start3A_102] : memref<50000x256xf32, #tpu.memory_space<hbm>> -> memref<50000x256xf32, #tpu.memory_space<hbm>>
    tpu.enqueue_indirect_dma source(%dma_start3A_103 : memref<50000x256xf32, #tpu.memory_space<hbm>>) target(%arg8 : memref<128x256xf32, #tpu.memory_space<vmem>>) offsets(%dma_start3A_100 : memref<128xi32, #tpu.memory_space<vmem>>) semaphore(%arg11 : memref<!tpu.dma_semaphore, #tpu.memory_space<semaphore_mem>>)
    %dma_wait3A_104 = arith.constant 512 : i32
    %dma_wait3A_105 = tpu.memref_slice %arg5[%dma_wait3A_104] : memref<1664xi32, #tpu.memory_space<vmem>> -> memref<128xi32, #tpu.memory_space<vmem>>
    %dma_wait3A_106 = arith.constant 0 : i32
    %dma_wait3A_107 = arith.constant 0 : i32
    %dma_wait3A_108 = tpu.memref_slice %arg2[%dma_wait3A_106, %dma_wait3A_107] : memref<50000x256xf32, #tpu.memory_space<hbm>> -> memref<50000x256xf32, #tpu.memory_space<hbm>>
    tpu.wait_indirect_dma semaphore(%arg10 : memref<!tpu.dma_semaphore, #tpu.memory_space<semaphore_mem>>) src(%dma_wait3A_108 : memref<50000x256xf32, #tpu.memory_space<hbm>>) dst(%arg7 : memref<128x256xf32, #tpu.memory_space<vmem>>)
    %dma_start3A_109 = arith.constant 4 : i32
    %dma_start3A_110 = arith.constant 0 : i32
    %dma_start3A_111 = tpu.memref_slice %arg4[%dma_start3A_109, %mul3A_2, %dma_start3A_110] : memref<13x4096x256xf32, #tpu.memory_space<hbm>> -> memref<1x128x256xf32, #tpu.memory_space<hbm>>
    %dma_start3A_112 = tpu.memref_squeeze %dma_start3A_111 : memref<1x128x256xf32, #tpu.memory_space<hbm>> -> memref<128x256xf32, #tpu.memory_space<hbm>>
    %dma_start3A_113 = arith.constant 0 : i32
    %dma_start3A_114 = tpu.memref_slice %arg4[%dma_start3A_109, %mul3A_2, %dma_start3A_113] : memref<13x4096x256xf32, #tpu.memory_space<hbm>> -> memref<1x128x256xf32, #tpu.memory_space<hbm>>
    %dma_start3A_115 = tpu.memref_squeeze %dma_start3A_114 : memref<1x128x256xf32, #tpu.memory_space<hbm>> -> memref<128x256xf32, #tpu.memory_space<hbm>>
    tpu.enqueue_dma source(%arg7 : memref<128x256xf32, #tpu.memory_space<vmem>>) target(%dma_start3A_115 : memref<128x256xf32, #tpu.memory_space<hbm>>) target_semaphore(%arg13 : memref<!tpu.dma_semaphore, #tpu.memory_space<semaphore_mem>>)
    %dma_wait3A_116 = arith.constant 3 : i32
    %dma_wait3A_117 = arith.constant 0 : i32
    %dma_wait3A_118 = tpu.memref_slice %arg4[%dma_wait3A_116, %mul3A_2, %dma_wait3A_117] : memref<13x4096x256xf32, #tpu.memory_space<hbm>> -> memref<1x128x256xf32, #tpu.memory_space<hbm>>
    %dma_wait3A_119 = tpu.memref_squeeze %dma_wait3A_118 : memref<1x128x256xf32, #tpu.memory_space<hbm>> -> memref<128x256xf32, #tpu.memory_space<hbm>>
    %dma_wait3A_120 = arith.constant 0 : i32
    %dma_wait3A_121 = tpu.memref_slice %arg4[%dma_wait3A_116, %mul3A_2, %dma_wait3A_120] : memref<13x4096x256xf32, #tpu.memory_space<hbm>> -> memref<1x128x256xf32, #tpu.memory_space<hbm>>
    %dma_wait3A_122 = tpu.memref_squeeze %dma_wait3A_121 : memref<1x128x256xf32, #tpu.memory_space<hbm>> -> memref<128x256xf32, #tpu.memory_space<hbm>>
    tpu.wait_dma2 semaphore(%arg12 : memref<!tpu.dma_semaphore, #tpu.memory_space<semaphore_mem>>) src(%arg6 : memref<128x256xf32, #tpu.memory_space<vmem>>) dst(%dma_wait3A_122 : memref<128x256xf32, #tpu.memory_space<hbm>>)
    %dma_start3A_123 = arith.constant 768 : i32
    %dma_start3A_124 = tpu.memref_slice %arg5[%dma_start3A_123] : memref<1664xi32, #tpu.memory_space<vmem>> -> memref<128xi32, #tpu.memory_space<vmem>>
    %dma_start3A_125 = arith.constant 0 : i32
    %dma_start3A_126 = arith.constant 0 : i32
    %dma_start3A_127 = tpu.memref_slice %arg2[%dma_start3A_125, %dma_start3A_126] : memref<50000x256xf32, #tpu.memory_space<hbm>> -> memref<50000x256xf32, #tpu.memory_space<hbm>>
    tpu.enqueue_indirect_dma source(%dma_start3A_127 : memref<50000x256xf32, #tpu.memory_space<hbm>>) target(%arg6 : memref<128x256xf32, #tpu.memory_space<vmem>>) offsets(%dma_start3A_124 : memref<128xi32, #tpu.memory_space<vmem>>) semaphore(%arg9 : memref<!tpu.dma_semaphore, #tpu.memory_space<semaphore_mem>>)
    %dma_wait3A_128 = arith.constant 640 : i32
    %dma_wait3A_129 = tpu.memref_slice %arg5[%dma_wait3A_128] : memref<1664xi32, #tpu.memory_space<vmem>> -> memref<128xi32, #tpu.memory_space<vmem>>
    %dma_wait3A_130 = arith.constant 0 : i32
    %dma_wait3A_131 = arith.constant 0 : i32
    %dma_wait3A_132 = tpu.memref_slice %arg2[%dma_wait3A_130, %dma_wait3A_131] : memref<50000x256xf32, #tpu.memory_space<hbm>> -> memref<50000x256xf32, #tpu.memory_space<hbm>>
    tpu.wait_indirect_dma semaphore(%arg11 : memref<!tpu.dma_semaphore, #tpu.memory_space<semaphore_mem>>) src(%dma_wait3A_132 : memref<50000x256xf32, #tpu.memory_space<hbm>>) dst(%arg8 : memref<128x256xf32, #tpu.memory_space<vmem>>)
    %dma_start3A_133 = arith.constant 5 : i32
    %dma_start3A_134 = arith.constant 0 : i32
    %dma_start3A_135 = tpu.memref_slice %arg4[%dma_start3A_133, %mul3A_2, %dma_start3A_134] : memref<13x4096x256xf32, #tpu.memory_space<hbm>> -> memref<1x128x256xf32, #tpu.memory_space<hbm>>
    %dma_start3A_136 = tpu.memref_squeeze %dma_start3A_135 : memref<1x128x256xf32, #tpu.memory_space<hbm>> -> memref<128x256xf32, #tpu.memory_space<hbm>>
    %dma_start3A_137 = arith.constant 0 : i32
    %dma_start3A_138 = tpu.memref_slice %arg4[%dma_start3A_133, %mul3A_2, %dma_start3A_137] : memref<13x4096x256xf32, #tpu.memory_space<hbm>> -> memref<1x128x256xf32, #tpu.memory_space<hbm>>
    %dma_start3A_139 = tpu.memref_squeeze %dma_start3A_138 : memref<1x128x256xf32, #tpu.memory_space<hbm>> -> memref<128x256xf32, #tpu.memory_space<hbm>>
    tpu.enqueue_dma source(%arg8 : memref<128x256xf32, #tpu.memory_space<vmem>>) target(%dma_start3A_139 : memref<128x256xf32, #tpu.memory_space<hbm>>) target_semaphore(%arg14 : memref<!tpu.dma_semaphore, #tpu.memory_space<semaphore_mem>>)
    %dma_wait3A_140 = arith.constant 4 : i32
    %dma_wait3A_141 = arith.constant 0 : i32
    %dma_wait3A_142 = tpu.memref_slice %arg4[%dma_wait3A_140, %mul3A_2, %dma_wait3A_141] : memref<13x4096x256xf32, #tpu.memory_space<hbm>> -> memref<1x128x256xf32, #tpu.memory_space<hbm>>
    %dma_wait3A_143 = tpu.memref_squeeze %dma_wait3A_142 : memref<1x128x256xf32, #tpu.memory_space<hbm>> -> memref<128x256xf32, #tpu.memory_space<hbm>>
    %dma_wait3A_144 = arith.constant 0 : i32
    %dma_wait3A_145 = tpu.memref_slice %arg4[%dma_wait3A_140, %mul3A_2, %dma_wait3A_144] : memref<13x4096x256xf32, #tpu.memory_space<hbm>> -> memref<1x128x256xf32, #tpu.memory_space<hbm>>
    %dma_wait3A_146 = tpu.memref_squeeze %dma_wait3A_145 : memref<1x128x256xf32, #tpu.memory_space<hbm>> -> memref<128x256xf32, #tpu.memory_space<hbm>>
    tpu.wait_dma2 semaphore(%arg13 : memref<!tpu.dma_semaphore, #tpu.memory_space<semaphore_mem>>) src(%arg7 : memref<128x256xf32, #tpu.memory_space<vmem>>) dst(%dma_wait3A_146 : memref<128x256xf32, #tpu.memory_space<hbm>>)
    %dma_start3A_147 = arith.constant 896 : i32
    %dma_start3A_148 = tpu.memref_slice %arg5[%dma_start3A_147] : memref<1664xi32, #tpu.memory_space<vmem>> -> memref<128xi32, #tpu.memory_space<vmem>>
    %dma_start3A_149 = arith.constant 0 : i32
    %dma_start3A_150 = arith.constant 0 : i32
    %dma_start3A_151 = tpu.memref_slice %arg2[%dma_start3A_149, %dma_start3A_150] : memref<50000x256xf32, #tpu.memory_space<hbm>> -> memref<50000x256xf32, #tpu.memory_space<hbm>>
    tpu.enqueue_indirect_dma source(%dma_start3A_151 : memref<50000x256xf32, #tpu.memory_space<hbm>>) target(%arg7 : memref<128x256xf32, #tpu.memory_space<vmem>>) offsets(%dma_start3A_148 : memref<128xi32, #tpu.memory_space<vmem>>) semaphore(%arg10 : memref<!tpu.dma_semaphore, #tpu.memory_space<semaphore_mem>>)
    %dma_wait3A_152 = arith.constant 768 : i32
    %dma_wait3A_153 = tpu.memref_slice %arg5[%dma_wait3A_152] : memref<1664xi32, #tpu.memory_space<vmem>> -> memref<128xi32, #tpu.memory_space<vmem>>
    %dma_wait3A_154 = arith.constant 0 : i32
    %dma_wait3A_155 = arith.constant 0 : i32
    %dma_wait3A_156 = tpu.memref_slice %arg2[%dma_wait3A_154, %dma_wait3A_155] : memref<50000x256xf32, #tpu.memory_space<hbm>> -> memref<50000x256xf32, #tpu.memory_space<hbm>>
    tpu.wait_indirect_dma semaphore(%arg9 : memref<!tpu.dma_semaphore, #tpu.memory_space<semaphore_mem>>) src(%dma_wait3A_156 : memref<50000x256xf32, #tpu.memory_space<hbm>>) dst(%arg6 : memref<128x256xf32, #tpu.memory_space<vmem>>)
    %dma_start3A_157 = arith.constant 6 : i32
    %dma_start3A_158 = arith.constant 0 : i32
    %dma_start3A_159 = tpu.memref_slice %arg4[%dma_start3A_157, %mul3A_2, %dma_start3A_158] : memref<13x4096x256xf32, #tpu.memory_space<hbm>> -> memref<1x128x256xf32, #tpu.memory_space<hbm>>
    %dma_start3A_160 = tpu.memref_squeeze %dma_start3A_159 : memref<1x128x256xf32, #tpu.memory_space<hbm>> -> memref<128x256xf32, #tpu.memory_space<hbm>>
    %dma_start3A_161 = arith.constant 0 : i32
    %dma_start3A_162 = tpu.memref_slice %arg4[%dma_start3A_157, %mul3A_2, %dma_start3A_161] : memref<13x4096x256xf32, #tpu.memory_space<hbm>> -> memref<1x128x256xf32, #tpu.memory_space<hbm>>
    %dma_start3A_163 = tpu.memref_squeeze %dma_start3A_162 : memref<1x128x256xf32, #tpu.memory_space<hbm>> -> memref<128x256xf32, #tpu.memory_space<hbm>>
    tpu.enqueue_dma source(%arg6 : memref<128x256xf32, #tpu.memory_space<vmem>>) target(%dma_start3A_163 : memref<128x256xf32, #tpu.memory_space<hbm>>) target_semaphore(%arg12 : memref<!tpu.dma_semaphore, #tpu.memory_space<semaphore_mem>>)
    %dma_wait3A_164 = arith.constant 5 : i32
    %dma_wait3A_165 = arith.constant 0 : i32
    %dma_wait3A_166 = tpu.memref_slice %arg4[%dma_wait3A_164, %mul3A_2, %dma_wait3A_165] : memref<13x4096x256xf32, #tpu.memory_space<hbm>> -> memref<1x128x256xf32, #tpu.memory_space<hbm>>
    %dma_wait3A_167 = tpu.memref_squeeze %dma_wait3A_166 : memref<1x128x256xf32, #tpu.memory_space<hbm>> -> memref<128x256xf32, #tpu.memory_space<hbm>>
    %dma_wait3A_168 = arith.constant 0 : i32
    %dma_wait3A_169 = tpu.memref_slice %arg4[%dma_wait3A_164, %mul3A_2, %dma_wait3A_168] : memref<13x4096x256xf32, #tpu.memory_space<hbm>> -> memref<1x128x256xf32, #tpu.memory_space<hbm>>
    %dma_wait3A_170 = tpu.memref_squeeze %dma_wait3A_169 : memref<1x128x256xf32, #tpu.memory_space<hbm>> -> memref<128x256xf32, #tpu.memory_space<hbm>>
    tpu.wait_dma2 semaphore(%arg14 : memref<!tpu.dma_semaphore, #tpu.memory_space<semaphore_mem>>) src(%arg8 : memref<128x256xf32, #tpu.memory_space<vmem>>) dst(%dma_wait3A_170 : memref<128x256xf32, #tpu.memory_space<hbm>>)
    %dma_start3A_171 = arith.constant 1024 : i32
    %dma_start3A_172 = tpu.memref_slice %arg5[%dma_start3A_171] : memref<1664xi32, #tpu.memory_space<vmem>> -> memref<128xi32, #tpu.memory_space<vmem>>
    %dma_start3A_173 = arith.constant 0 : i32
    %dma_start3A_174 = arith.constant 0 : i32
    %dma_start3A_175 = tpu.memref_slice %arg2[%dma_start3A_173, %dma_start3A_174] : memref<50000x256xf32, #tpu.memory_space<hbm>> -> memref<50000x256xf32, #tpu.memory_space<hbm>>
    tpu.enqueue_indirect_dma source(%dma_start3A_175 : memref<50000x256xf32, #tpu.memory_space<hbm>>) target(%arg8 : memref<128x256xf32, #tpu.memory_space<vmem>>) offsets(%dma_start3A_172 : memref<128xi32, #tpu.memory_space<vmem>>) semaphore(%arg11 : memref<!tpu.dma_semaphore, #tpu.memory_space<semaphore_mem>>)
    %dma_wait3A_176 = arith.constant 896 : i32
    %dma_wait3A_177 = tpu.memref_slice %arg5[%dma_wait3A_176] : memref<1664xi32, #tpu.memory_space<vmem>> -> memref<128xi32, #tpu.memory_space<vmem>>
    %dma_wait3A_178 = arith.constant 0 : i32
    %dma_wait3A_179 = arith.constant 0 : i32
    %dma_wait3A_180 = tpu.memref_slice %arg2[%dma_wait3A_178, %dma_wait3A_179] : memref<50000x256xf32, #tpu.memory_space<hbm>> -> memref<50000x256xf32, #tpu.memory_space<hbm>>
    tpu.wait_indirect_dma semaphore(%arg10 : memref<!tpu.dma_semaphore, #tpu.memory_space<semaphore_mem>>) src(%dma_wait3A_180 : memref<50000x256xf32, #tpu.memory_space<hbm>>) dst(%arg7 : memref<128x256xf32, #tpu.memory_space<vmem>>)
    %dma_start3A_181 = arith.constant 7 : i32
    %dma_start3A_182 = arith.constant 0 : i32
    %dma_start3A_183 = tpu.memref_slice %arg4[%dma_start3A_181, %mul3A_2, %dma_start3A_182] : memref<13x4096x256xf32, #tpu.memory_space<hbm>> -> memref<1x128x256xf32, #tpu.memory_space<hbm>>
    %dma_start3A_184 = tpu.memref_squeeze %dma_start3A_183 : memref<1x128x256xf32, #tpu.memory_space<hbm>> -> memref<128x256xf32, #tpu.memory_space<hbm>>
    %dma_start3A_185 = arith.constant 0 : i32
    %dma_start3A_186 = tpu.memref_slice %arg4[%dma_start3A_181, %mul3A_2, %dma_start3A_185] : memref<13x4096x256xf32, #tpu.memory_space<hbm>> -> memref<1x128x256xf32, #tpu.memory_space<hbm>>
    %dma_start3A_187 = tpu.memref_squeeze %dma_start3A_186 : memref<1x128x256xf32, #tpu.memory_space<hbm>> -> memref<128x256xf32, #tpu.memory_space<hbm>>
    tpu.enqueue_dma source(%arg7 : memref<128x256xf32, #tpu.memory_space<vmem>>) target(%dma_start3A_187 : memref<128x256xf32, #tpu.memory_space<hbm>>) target_semaphore(%arg13 : memref<!tpu.dma_semaphore, #tpu.memory_space<semaphore_mem>>)
    %dma_wait3A_188 = arith.constant 6 : i32
    %dma_wait3A_189 = arith.constant 0 : i32
    %dma_wait3A_190 = tpu.memref_slice %arg4[%dma_wait3A_188, %mul3A_2, %dma_wait3A_189] : memref<13x4096x256xf32, #tpu.memory_space<hbm>> -> memref<1x128x256xf32, #tpu.memory_space<hbm>>
    %dma_wait3A_191 = tpu.memref_squeeze %dma_wait3A_190 : memref<1x128x256xf32, #tpu.memory_space<hbm>> -> memref<128x256xf32, #tpu.memory_space<hbm>>
    %dma_wait3A_192 = arith.constant 0 : i32
    %dma_wait3A_193 = tpu.memref_slice %arg4[%dma_wait3A_188, %mul3A_2, %dma_wait3A_192] : memref<13x4096x256xf32, #tpu.memory_space<hbm>> -> memref<1x128x256xf32, #tpu.memory_space<hbm>>
    %dma_wait3A_194 = tpu.memref_squeeze %dma_wait3A_193 : memref<1x128x256xf32, #tpu.memory_space<hbm>> -> memref<128x256xf32, #tpu.memory_space<hbm>>
    tpu.wait_dma2 semaphore(%arg12 : memref<!tpu.dma_semaphore, #tpu.memory_space<semaphore_mem>>) src(%arg6 : memref<128x256xf32, #tpu.memory_space<vmem>>) dst(%dma_wait3A_194 : memref<128x256xf32, #tpu.memory_space<hbm>>)
    %dma_start3A_195 = arith.constant 1152 : i32
    %dma_start3A_196 = tpu.memref_slice %arg5[%dma_start3A_195] : memref<1664xi32, #tpu.memory_space<vmem>> -> memref<128xi32, #tpu.memory_space<vmem>>
    %dma_start3A_197 = arith.constant 0 : i32
    %dma_start3A_198 = arith.constant 0 : i32
    %dma_start3A_199 = tpu.memref_slice %arg2[%dma_start3A_197, %dma_start3A_198] : memref<50000x256xf32, #tpu.memory_space<hbm>> -> memref<50000x256xf32, #tpu.memory_space<hbm>>
    tpu.enqueue_indirect_dma source(%dma_start3A_199 : memref<50000x256xf32, #tpu.memory_space<hbm>>) target(%arg6 : memref<128x256xf32, #tpu.memory_space<vmem>>) offsets(%dma_start3A_196 : memref<128xi32, #tpu.memory_space<vmem>>) semaphore(%arg9 : memref<!tpu.dma_semaphore, #tpu.memory_space<semaphore_mem>>)
    %dma_wait3A_200 = arith.constant 1024 : i32
    %dma_wait3A_201 = tpu.memref_slice %arg5[%dma_wait3A_200] : memref<1664xi32, #tpu.memory_space<vmem>> -> memref<128xi32, #tpu.memory_space<vmem>>
    %dma_wait3A_202 = arith.constant 0 : i32
    %dma_wait3A_203 = arith.constant 0 : i32
    %dma_wait3A_204 = tpu.memref_slice %arg2[%dma_wait3A_202, %dma_wait3A_203] : memref<50000x256xf32, #tpu.memory_space<hbm>> -> memref<50000x256xf32, #tpu.memory_space<hbm>>
    tpu.wait_indirect_dma semaphore(%arg11 : memref<!tpu.dma_semaphore, #tpu.memory_space<semaphore_mem>>) src(%dma_wait3A_204 : memref<50000x256xf32, #tpu.memory_space<hbm>>) dst(%arg8 : memref<128x256xf32, #tpu.memory_space<vmem>>)
    %dma_start3A_205 = arith.constant 8 : i32
    %dma_start3A_206 = arith.constant 0 : i32
    %dma_start3A_207 = tpu.memref_slice %arg4[%dma_start3A_205, %mul3A_2, %dma_start3A_206] : memref<13x4096x256xf32, #tpu.memory_space<hbm>> -> memref<1x128x256xf32, #tpu.memory_space<hbm>>
    %dma_start3A_208 = tpu.memref_squeeze %dma_start3A_207 : memref<1x128x256xf32, #tpu.memory_space<hbm>> -> memref<128x256xf32, #tpu.memory_space<hbm>>
    %dma_start3A_209 = arith.constant 0 : i32
    %dma_start3A_210 = tpu.memref_slice %arg4[%dma_start3A_205, %mul3A_2, %dma_start3A_209] : memref<13x4096x256xf32, #tpu.memory_space<hbm>> -> memref<1x128x256xf32, #tpu.memory_space<hbm>>
    %dma_start3A_211 = tpu.memref_squeeze %dma_start3A_210 : memref<1x128x256xf32, #tpu.memory_space<hbm>> -> memref<128x256xf32, #tpu.memory_space<hbm>>
    tpu.enqueue_dma source(%arg8 : memref<128x256xf32, #tpu.memory_space<vmem>>) target(%dma_start3A_211 : memref<128x256xf32, #tpu.memory_space<hbm>>) target_semaphore(%arg14 : memref<!tpu.dma_semaphore, #tpu.memory_space<semaphore_mem>>)
    %dma_wait3A_212 = arith.constant 7 : i32
    %dma_wait3A_213 = arith.constant 0 : i32
    %dma_wait3A_214 = tpu.memref_slice %arg4[%dma_wait3A_212, %mul3A_2, %dma_wait3A_213] : memref<13x4096x256xf32, #tpu.memory_space<hbm>> -> memref<1x128x256xf32, #tpu.memory_space<hbm>>
    %dma_wait3A_215 = tpu.memref_squeeze %dma_wait3A_214 : memref<1x128x256xf32, #tpu.memory_space<hbm>> -> memref<128x256xf32, #tpu.memory_space<hbm>>
    %dma_wait3A_216 = arith.constant 0 : i32
    %dma_wait3A_217 = tpu.memref_slice %arg4[%dma_wait3A_212, %mul3A_2, %dma_wait3A_216] : memref<13x4096x256xf32, #tpu.memory_space<hbm>> -> memref<1x128x256xf32, #tpu.memory_space<hbm>>
    %dma_wait3A_218 = tpu.memref_squeeze %dma_wait3A_217 : memref<1x128x256xf32, #tpu.memory_space<hbm>> -> memref<128x256xf32, #tpu.memory_space<hbm>>
    tpu.wait_dma2 semaphore(%arg13 : memref<!tpu.dma_semaphore, #tpu.memory_space<semaphore_mem>>) src(%arg7 : memref<128x256xf32, #tpu.memory_space<vmem>>) dst(%dma_wait3A_218 : memref<128x256xf32, #tpu.memory_space<hbm>>)
    %dma_start3A_219 = arith.constant 1280 : i32
    %dma_start3A_220 = tpu.memref_slice %arg5[%dma_start3A_219] : memref<1664xi32, #tpu.memory_space<vmem>> -> memref<128xi32, #tpu.memory_space<vmem>>
    %dma_start3A_221 = arith.constant 0 : i32
    %dma_start3A_222 = arith.constant 0 : i32
    %dma_start3A_223 = tpu.memref_slice %arg2[%dma_start3A_221, %dma_start3A_222] : memref<50000x256xf32, #tpu.memory_space<hbm>> -> memref<50000x256xf32, #tpu.memory_space<hbm>>
    tpu.enqueue_indirect_dma source(%dma_start3A_223 : memref<50000x256xf32, #tpu.memory_space<hbm>>) target(%arg7 : memref<128x256xf32, #tpu.memory_space<vmem>>) offsets(%dma_start3A_220 : memref<128xi32, #tpu.memory_space<vmem>>) semaphore(%arg10 : memref<!tpu.dma_semaphore, #tpu.memory_space<semaphore_mem>>)
    %dma_wait3A_224 = arith.constant 1152 : i32
    %dma_wait3A_225 = tpu.memref_slice %arg5[%dma_wait3A_224] : memref<1664xi32, #tpu.memory_space<vmem>> -> memref<128xi32, #tpu.memory_space<vmem>>
    %dma_wait3A_226 = arith.constant 0 : i32
    %dma_wait3A_227 = arith.constant 0 : i32
    %dma_wait3A_228 = tpu.memref_slice %arg2[%dma_wait3A_226, %dma_wait3A_227] : memref<50000x256xf32, #tpu.memory_space<hbm>> -> memref<50000x256xf32, #tpu.memory_space<hbm>>
    tpu.wait_indirect_dma semaphore(%arg9 : memref<!tpu.dma_semaphore, #tpu.memory_space<semaphore_mem>>) src(%dma_wait3A_228 : memref<50000x256xf32, #tpu.memory_space<hbm>>) dst(%arg6 : memref<128x256xf32, #tpu.memory_space<vmem>>)
    %dma_start3A_229 = arith.constant 9 : i32
    %dma_start3A_230 = arith.constant 0 : i32
    %dma_start3A_231 = tpu.memref_slice %arg4[%dma_start3A_229, %mul3A_2, %dma_start3A_230] : memref<13x4096x256xf32, #tpu.memory_space<hbm>> -> memref<1x128x256xf32, #tpu.memory_space<hbm>>
    %dma_start3A_232 = tpu.memref_squeeze %dma_start3A_231 : memref<1x128x256xf32, #tpu.memory_space<hbm>> -> memref<128x256xf32, #tpu.memory_space<hbm>>
    %dma_start3A_233 = arith.constant 0 : i32
    %dma_start3A_234 = tpu.memref_slice %arg4[%dma_start3A_229, %mul3A_2, %dma_start3A_233] : memref<13x4096x256xf32, #tpu.memory_space<hbm>> -> memref<1x128x256xf32, #tpu.memory_space<hbm>>
    %dma_start3A_235 = tpu.memref_squeeze %dma_start3A_234 : memref<1x128x256xf32, #tpu.memory_space<hbm>> -> memref<128x256xf32, #tpu.memory_space<hbm>>
    tpu.enqueue_dma source(%arg6 : memref<128x256xf32, #tpu.memory_space<vmem>>) target(%dma_start3A_235 : memref<128x256xf32, #tpu.memory_space<hbm>>) target_semaphore(%arg12 : memref<!tpu.dma_semaphore, #tpu.memory_space<semaphore_mem>>)
    %dma_wait3A_236 = arith.constant 8 : i32
    %dma_wait3A_237 = arith.constant 0 : i32
    %dma_wait3A_238 = tpu.memref_slice %arg4[%dma_wait3A_236, %mul3A_2, %dma_wait3A_237] : memref<13x4096x256xf32, #tpu.memory_space<hbm>> -> memref<1x128x256xf32, #tpu.memory_space<hbm>>
    %dma_wait3A_239 = tpu.memref_squeeze %dma_wait3A_238 : memref<1x128x256xf32, #tpu.memory_space<hbm>> -> memref<128x256xf32, #tpu.memory_space<hbm>>
    %dma_wait3A_240 = arith.constant 0 : i32
    %dma_wait3A_241 = tpu.memref_slice %arg4[%dma_wait3A_236, %mul3A_2, %dma_wait3A_240] : memref<13x4096x256xf32, #tpu.memory_space<hbm>> -> memref<1x128x256xf32, #tpu.memory_space<hbm>>
    %dma_wait3A_242 = tpu.memref_squeeze %dma_wait3A_241 : memref<1x128x256xf32, #tpu.memory_space<hbm>> -> memref<128x256xf32, #tpu.memory_space<hbm>>
    tpu.wait_dma2 semaphore(%arg14 : memref<!tpu.dma_semaphore, #tpu.memory_space<semaphore_mem>>) src(%arg8 : memref<128x256xf32, #tpu.memory_space<vmem>>) dst(%dma_wait3A_242 : memref<128x256xf32, #tpu.memory_space<hbm>>)
    %dma_start3A_243 = arith.constant 1408 : i32
    %dma_start3A_244 = tpu.memref_slice %arg5[%dma_start3A_243] : memref<1664xi32, #tpu.memory_space<vmem>> -> memref<128xi32, #tpu.memory_space<vmem>>
    %dma_start3A_245 = arith.constant 0 : i32
    %dma_start3A_246 = arith.constant 0 : i32
    %dma_start3A_247 = tpu.memref_slice %arg2[%dma_start3A_245, %dma_start3A_246] : memref<50000x256xf32, #tpu.memory_space<hbm>> -> memref<50000x256xf32, #tpu.memory_space<hbm>>
    tpu.enqueue_indirect_dma source(%dma_start3A_247 : memref<50000x256xf32, #tpu.memory_space<hbm>>) target(%arg8 : memref<128x256xf32, #tpu.memory_space<vmem>>) offsets(%dma_start3A_244 : memref<128xi32, #tpu.memory_space<vmem>>) semaphore(%arg11 : memref<!tpu.dma_semaphore, #tpu.memory_space<semaphore_mem>>)
    %dma_wait3A_248 = arith.constant 1280 : i32
    %dma_wait3A_249 = tpu.memref_slice %arg5[%dma_wait3A_248] : memref<1664xi32, #tpu.memory_space<vmem>> -> memref<128xi32, #tpu.memory_space<vmem>>
    %dma_wait3A_250 = arith.constant 0 : i32
    %dma_wait3A_251 = arith.constant 0 : i32
    %dma_wait3A_252 = tpu.memref_slice %arg2[%dma_wait3A_250, %dma_wait3A_251] : memref<50000x256xf32, #tpu.memory_space<hbm>> -> memref<50000x256xf32, #tpu.memory_space<hbm>>
    tpu.wait_indirect_dma semaphore(%arg10 : memref<!tpu.dma_semaphore, #tpu.memory_space<semaphore_mem>>) src(%dma_wait3A_252 : memref<50000x256xf32, #tpu.memory_space<hbm>>) dst(%arg7 : memref<128x256xf32, #tpu.memory_space<vmem>>)
    %dma_start3A_253 = arith.constant 10 : i32
    %dma_start3A_254 = arith.constant 0 : i32
    %dma_start3A_255 = tpu.memref_slice %arg4[%dma_start3A_253, %mul3A_2, %dma_start3A_254] : memref<13x4096x256xf32, #tpu.memory_space<hbm>> -> memref<1x128x256xf32, #tpu.memory_space<hbm>>
    %dma_start3A_256 = tpu.memref_squeeze %dma_start3A_255 : memref<1x128x256xf32, #tpu.memory_space<hbm>> -> memref<128x256xf32, #tpu.memory_space<hbm>>
    %dma_start3A_257 = arith.constant 0 : i32
    %dma_start3A_258 = tpu.memref_slice %arg4[%dma_start3A_253, %mul3A_2, %dma_start3A_257] : memref<13x4096x256xf32, #tpu.memory_space<hbm>> -> memref<1x128x256xf32, #tpu.memory_space<hbm>>
    %dma_start3A_259 = tpu.memref_squeeze %dma_start3A_258 : memref<1x128x256xf32, #tpu.memory_space<hbm>> -> memref<128x256xf32, #tpu.memory_space<hbm>>
    tpu.enqueue_dma source(%arg7 : memref<128x256xf32, #tpu.memory_space<vmem>>) target(%dma_start3A_259 : memref<128x256xf32, #tpu.memory_space<hbm>>) target_semaphore(%arg13 : memref<!tpu.dma_semaphore, #tpu.memory_space<semaphore_mem>>)
    %dma_wait3A_260 = arith.constant 9 : i32
    %dma_wait3A_261 = arith.constant 0 : i32
    %dma_wait3A_262 = tpu.memref_slice %arg4[%dma_wait3A_260, %mul3A_2, %dma_wait3A_261] : memref<13x4096x256xf32, #tpu.memory_space<hbm>> -> memref<1x128x256xf32, #tpu.memory_space<hbm>>
    %dma_wait3A_263 = tpu.memref_squeeze %dma_wait3A_262 : memref<1x128x256xf32, #tpu.memory_space<hbm>> -> memref<128x256xf32, #tpu.memory_space<hbm>>
    %dma_wait3A_264 = arith.constant 0 : i32
    %dma_wait3A_265 = tpu.memref_slice %arg4[%dma_wait3A_260, %mul3A_2, %dma_wait3A_264] : memref<13x4096x256xf32, #tpu.memory_space<hbm>> -> memref<1x128x256xf32, #tpu.memory_space<hbm>>
    %dma_wait3A_266 = tpu.memref_squeeze %dma_wait3A_265 : memref<1x128x256xf32, #tpu.memory_space<hbm>> -> memref<128x256xf32, #tpu.memory_space<hbm>>
    tpu.wait_dma2 semaphore(%arg12 : memref<!tpu.dma_semaphore, #tpu.memory_space<semaphore_mem>>) src(%arg6 : memref<128x256xf32, #tpu.memory_space<vmem>>) dst(%dma_wait3A_266 : memref<128x256xf32, #tpu.memory_space<hbm>>)
    %dma_start3A_267 = arith.constant 1536 : i32
    %dma_start3A_268 = tpu.memref_slice %arg5[%dma_start3A_267] : memref<1664xi32, #tpu.memory_space<vmem>> -> memref<128xi32, #tpu.memory_space<vmem>>
    %dma_start3A_269 = arith.constant 0 : i32
    %dma_start3A_270 = arith.constant 0 : i32
    %dma_start3A_271 = tpu.memref_slice %arg2[%dma_start3A_269, %dma_start3A_270] : memref<50000x256xf32, #tpu.memory_space<hbm>> -> memref<50000x256xf32, #tpu.memory_space<hbm>>
    tpu.enqueue_indirect_dma source(%dma_start3A_271 : memref<50000x256xf32, #tpu.memory_space<hbm>>) target(%arg6 : memref<128x256xf32, #tpu.memory_space<vmem>>) offsets(%dma_start3A_268 : memref<128xi32, #tpu.memory_space<vmem>>) semaphore(%arg9 : memref<!tpu.dma_semaphore, #tpu.memory_space<semaphore_mem>>)
    %dma_wait3A_272 = arith.constant 1408 : i32
    %dma_wait3A_273 = tpu.memref_slice %arg5[%dma_wait3A_272] : memref<1664xi32, #tpu.memory_space<vmem>> -> memref<128xi32, #tpu.memory_space<vmem>>
    %dma_wait3A_274 = arith.constant 0 : i32
    %dma_wait3A_275 = arith.constant 0 : i32
    %dma_wait3A_276 = tpu.memref_slice %arg2[%dma_wait3A_274, %dma_wait3A_275] : memref<50000x256xf32, #tpu.memory_space<hbm>> -> memref<50000x256xf32, #tpu.memory_space<hbm>>
    tpu.wait_indirect_dma semaphore(%arg11 : memref<!tpu.dma_semaphore, #tpu.memory_space<semaphore_mem>>) src(%dma_wait3A_276 : memref<50000x256xf32, #tpu.memory_space<hbm>>) dst(%arg8 : memref<128x256xf32, #tpu.memory_space<vmem>>)
    %dma_start3A_277 = arith.constant 11 : i32
    %dma_start3A_278 = arith.constant 0 : i32
    %dma_start3A_279 = tpu.memref_slice %arg4[%dma_start3A_277, %mul3A_2, %dma_start3A_278] : memref<13x4096x256xf32, #tpu.memory_space<hbm>> -> memref<1x128x256xf32, #tpu.memory_space<hbm>>
    %dma_start3A_280 = tpu.memref_squeeze %dma_start3A_279 : memref<1x128x256xf32, #tpu.memory_space<hbm>> -> memref<128x256xf32, #tpu.memory_space<hbm>>
    %dma_start3A_281 = arith.constant 0 : i32
    %dma_start3A_282 = tpu.memref_slice %arg4[%dma_start3A_277, %mul3A_2, %dma_start3A_281] : memref<13x4096x256xf32, #tpu.memory_space<hbm>> -> memref<1x128x256xf32, #tpu.memory_space<hbm>>
    %dma_start3A_283 = tpu.memref_squeeze %dma_start3A_282 : memref<1x128x256xf32, #tpu.memory_space<hbm>> -> memref<128x256xf32, #tpu.memory_space<hbm>>
    tpu.enqueue_dma source(%arg8 : memref<128x256xf32, #tpu.memory_space<vmem>>) target(%dma_start3A_283 : memref<128x256xf32, #tpu.memory_space<hbm>>) target_semaphore(%arg14 : memref<!tpu.dma_semaphore, #tpu.memory_space<semaphore_mem>>)
    %dma_wait3A_284 = arith.constant 1536 : i32
    %dma_wait3A_285 = tpu.memref_slice %arg5[%dma_wait3A_284] : memref<1664xi32, #tpu.memory_space<vmem>> -> memref<128xi32, #tpu.memory_space<vmem>>
    %dma_wait3A_286 = arith.constant 0 : i32
    %dma_wait3A_287 = arith.constant 0 : i32
    %dma_wait3A_288 = tpu.memref_slice %arg2[%dma_wait3A_286, %dma_wait3A_287] : memref<50000x256xf32, #tpu.memory_space<hbm>> -> memref<50000x256xf32, #tpu.memory_space<hbm>>
    tpu.wait_indirect_dma semaphore(%arg9 : memref<!tpu.dma_semaphore, #tpu.memory_space<semaphore_mem>>) src(%dma_wait3A_288 : memref<50000x256xf32, #tpu.memory_space<hbm>>) dst(%arg6 : memref<128x256xf32, #tpu.memory_space<vmem>>)
    %dma_start3A_289 = arith.constant 12 : i32
    %dma_start3A_290 = arith.constant 0 : i32
    %dma_start3A_291 = tpu.memref_slice %arg4[%dma_start3A_289, %mul3A_2, %dma_start3A_290] : memref<13x4096x256xf32, #tpu.memory_space<hbm>> -> memref<1x128x256xf32, #tpu.memory_space<hbm>>
    %dma_start3A_292 = tpu.memref_squeeze %dma_start3A_291 : memref<1x128x256xf32, #tpu.memory_space<hbm>> -> memref<128x256xf32, #tpu.memory_space<hbm>>
    %dma_start3A_293 = arith.constant 0 : i32
    %dma_start3A_294 = tpu.memref_slice %arg4[%dma_start3A_289, %mul3A_2, %dma_start3A_293] : memref<13x4096x256xf32, #tpu.memory_space<hbm>> -> memref<1x128x256xf32, #tpu.memory_space<hbm>>
    %dma_start3A_295 = tpu.memref_squeeze %dma_start3A_294 : memref<1x128x256xf32, #tpu.memory_space<hbm>> -> memref<128x256xf32, #tpu.memory_space<hbm>>
    tpu.enqueue_dma source(%arg6 : memref<128x256xf32, #tpu.memory_space<vmem>>) target(%dma_start3A_295 : memref<128x256xf32, #tpu.memory_space<hbm>>) target_semaphore(%arg12 : memref<!tpu.dma_semaphore, #tpu.memory_space<semaphore_mem>>)
    %dma_wait3A_296 = arith.constant 10 : i32
    %dma_wait3A_297 = arith.constant 0 : i32
    %dma_wait3A_298 = tpu.memref_slice %arg4[%dma_wait3A_296, %mul3A_2, %dma_wait3A_297] : memref<13x4096x256xf32, #tpu.memory_space<hbm>> -> memref<1x128x256xf32, #tpu.memory_space<hbm>>
    %dma_wait3A_299 = tpu.memref_squeeze %dma_wait3A_298 : memref<1x128x256xf32, #tpu.memory_space<hbm>> -> memref<128x256xf32, #tpu.memory_space<hbm>>
    %dma_wait3A_300 = arith.constant 0 : i32
    %dma_wait3A_301 = tpu.memref_slice %arg4[%dma_wait3A_296, %mul3A_2, %dma_wait3A_300] : memref<13x4096x256xf32, #tpu.memory_space<hbm>> -> memref<1x128x256xf32, #tpu.memory_space<hbm>>
    %dma_wait3A_302 = tpu.memref_squeeze %dma_wait3A_301 : memref<1x128x256xf32, #tpu.memory_space<hbm>> -> memref<128x256xf32, #tpu.memory_space<hbm>>
    tpu.wait_dma2 semaphore(%arg13 : memref<!tpu.dma_semaphore, #tpu.memory_space<semaphore_mem>>) src(%arg7 : memref<128x256xf32, #tpu.memory_space<vmem>>) dst(%dma_wait3A_302 : memref<128x256xf32, #tpu.memory_space<hbm>>)
    %dma_wait3A_303 = arith.constant 11 : i32
    %dma_wait3A_304 = arith.constant 0 : i32
    %dma_wait3A_305 = tpu.memref_slice %arg4[%dma_wait3A_303, %mul3A_2, %dma_wait3A_304] : memref<13x4096x256xf32, #tpu.memory_space<hbm>> -> memref<1x128x256xf32, #tpu.memory_space<hbm>>
    %dma_wait3A_306 = tpu.memref_squeeze %dma_wait3A_305 : memref<1x128x256xf32, #tpu.memory_space<hbm>> -> memref<128x256xf32, #tpu.memory_space<hbm>>
    %dma_wait3A_307 = arith.constant 0 : i32
    %dma_wait3A_308 = tpu.memref_slice %arg4[%dma_wait3A_303, %mul3A_2, %dma_wait3A_307] : memref<13x4096x256xf32, #tpu.memory_space<hbm>> -> memref<1x128x256xf32, #tpu.memory_space<hbm>>
    %dma_wait3A_309 = tpu.memref_squeeze %dma_wait3A_308 : memref<1x128x256xf32, #tpu.memory_space<hbm>> -> memref<128x256xf32, #tpu.memory_space<hbm>>
    tpu.wait_dma2 semaphore(%arg14 : memref<!tpu.dma_semaphore, #tpu.memory_space<semaphore_mem>>) src(%arg8 : memref<128x256xf32, #tpu.memory_space<vmem>>) dst(%dma_wait3A_309 : memref<128x256xf32, #tpu.memory_space<hbm>>)
    %dma_wait3A_310 = arith.constant 12 : i32
    %dma_wait3A_311 = arith.constant 0 : i32
    %dma_wait3A_312 = tpu.memref_slice %arg4[%dma_wait3A_310, %mul3A_2, %dma_wait3A_311] : memref<13x4096x256xf32, #tpu.memory_space<hbm>> -> memref<1x128x256xf32, #tpu.memory_space<hbm>>
    %dma_wait3A_313 = tpu.memref_squeeze %dma_wait3A_312 : memref<1x128x256xf32, #tpu.memory_space<hbm>> -> memref<128x256xf32, #tpu.memory_space<hbm>>
    %dma_wait3A_314 = arith.constant 0 : i32
    %dma_wait3A_315 = tpu.memref_slice %arg4[%dma_wait3A_310, %mul3A_2, %dma_wait3A_314] : memref<13x4096x256xf32, #tpu.memory_space<hbm>> -> memref<1x128x256xf32, #tpu.memory_space<hbm>>
    %dma_wait3A_316 = tpu.memref_squeeze %dma_wait3A_315 : memref<1x128x256xf32, #tpu.memory_space<hbm>> -> memref<128x256xf32, #tpu.memory_space<hbm>>
    tpu.wait_dma2 semaphore(%arg12 : memref<!tpu.dma_semaphore, #tpu.memory_space<semaphore_mem>>) src(%arg6 : memref<128x256xf32, #tpu.memory_space<vmem>>) dst(%dma_wait3A_316 : memref<128x256xf32, #tpu.memory_space<hbm>>)
    return
  }
}

#map = affine_map<(d0, d1) -> (0, 0)>
#map1 = affine_map<(d0, d1) -> (0)>
#map2 = affine_map<(d0, d1) -> (0, 0, 0)>
module attributes {stable_mosaic.version = 14 : i64} {
  func.func @_impl(%arg0: i32, %arg1: i32, %arg2: memref<50000x256xf32, #tpu.memory_space<hbm>>, %arg3: memref<106496xi32, #tpu.memory_space<hbm>>, %arg4: memref<13x4096x256xf32, #tpu.memory_space<hbm>>, %arg5: memref<1664xi32, #tpu.memory_space<vmem>>, %arg6: memref<128x256xf32, #tpu.memory_space<vmem>>, %arg7: memref<128x256xf32, #tpu.memory_space<vmem>>, %arg8: memref<128x256xf32, #tpu.memory_space<vmem>>, %arg9: memref<!tpu.dma_semaphore, #tpu.memory_space<semaphore_mem>>, %arg10: memref<!tpu.dma_semaphore, #tpu.memory_space<semaphore_mem>>, %arg11: memref<!tpu.dma_semaphore, #tpu.memory_space<semaphore_mem>>, %arg12: memref<!tpu.dma_semaphore, #tpu.memory_space<semaphore_mem>>, %arg13: memref<!tpu.dma_semaphore, #tpu.memory_space<semaphore_mem>>, %arg14: memref<!tpu.dma_semaphore, #tpu.memory_space<semaphore_mem>>) attributes {dimension_semantics = [#tpu.dimension_semantics<core_parallel>, #tpu.dimension_semantics<subcore_parallel>], iteration_bounds = array<i64: 2, 16>, scalar_prefetch = 0 : i64, scratch_operands = 10 : i64, tpu.core_type = #tpu.core_type<sc_vector_subcore>, window_params = [{transform_indices = #map}, {transform_indices = #map1}, {transform_indices = #map2}]} {
    %mul3A = arith.constant 2 : i32
    %mul3A_0 = arith.muli %arg1, %mul3A : i32
    %add3A = arith.addi %mul3A_0, %arg0 : i32
    %mul3A_1 = arith.constant 128 : i32
    %mul3A_2 = arith.muli %add3A, %mul3A_1 : i32
    %mul3A_3 = arith.constant 3328 : i32
    %mul3A_4 = arith.muli %add3A, %mul3A_3 : i32
    %add3A_5 = arith.constant 0 : i32
    %add3A_6 = arith.addi %mul3A_4, %add3A_5 : i32
    "tpu.region"() ({
      %run_scoped3A = tpu.sem_alloc : memref<!tpu.dma_semaphore, #tpu.memory_space<semaphore_mem>>
      %dma_start3A_317 = tpu.memref_slice %arg3[%add3A_6] : memref<106496xi32, #tpu.memory_space<hbm>> -> memref<1664xi32, #tpu.memory_space<hbm>>
      %dma_start3A_318 = tpu.memref_slice %arg3[%add3A_6] : memref<106496xi32, #tpu.memory_space<hbm>> -> memref<1664xi32, #tpu.memory_space<hbm>>
      tpu.enqueue_dma source(%dma_start3A_318 : memref<1664xi32, #tpu.memory_space<hbm>>) target(%arg5 : memref<1664xi32, #tpu.memory_space<vmem>>) target_semaphore(%run_scoped3A : memref<!tpu.dma_semaphore, #tpu.memory_space<semaphore_mem>>)
      %dma_wait3A_319 = tpu.memref_slice %arg3[%add3A_6] : memref<106496xi32, #tpu.memory_space<hbm>> -> memref<1664xi32, #tpu.memory_space<hbm>>
      %dma_wait3A_320 = tpu.memref_slice %arg3[%add3A_6] : memref<106496xi32, #tpu.memory_space<hbm>> -> memref<1664xi32, #tpu.memory_space<hbm>>
      tpu.wait_dma2 semaphore(%run_scoped3A : memref<!tpu.dma_semaphore, #tpu.memory_space<semaphore_mem>>) src(%dma_wait3A_320 : memref<1664xi32, #tpu.memory_space<hbm>>) dst(%arg5 : memref<1664xi32, #tpu.memory_space<vmem>>)
      tpu.yield
    }) : () -> ()
    %dma_start3A = arith.constant 0 : i32
    %dma_start3A_7 = tpu.memref_slice %arg5[%dma_start3A] : memref<1664xi32, #tpu.memory_space<vmem>> -> memref<128xi32, #tpu.memory_space<vmem>>
    %dma_start3A_8 = arith.constant 0 : i32
    %dma_start3A_9 = arith.constant 0 : i32
    %dma_start3A_10 = tpu.memref_slice %arg2[%dma_start3A_8, %dma_start3A_9] : memref<50000x256xf32, #tpu.memory_space<hbm>> -> memref<50000x256xf32, #tpu.memory_space<hbm>>
    tpu.enqueue_indirect_dma source(%dma_start3A_10 : memref<50000x256xf32, #tpu.memory_space<hbm>>) target(%arg6 : memref<128x256xf32, #tpu.memory_space<vmem>>) offsets(%dma_start3A_7 : memref<128xi32, #tpu.memory_space<vmem>>) semaphore(%arg9 : memref<!tpu.dma_semaphore, #tpu.memory_space<semaphore_mem>>)
    %dma_start3A_11 = arith.constant 128 : i32
    %dma_start3A_12 = tpu.memref_slice %arg5[%dma_start3A_11] : memref<1664xi32, #tpu.memory_space<vmem>> -> memref<128xi32, #tpu.memory_space<vmem>>
    %dma_start3A_13 = arith.constant 0 : i32
    %dma_start3A_14 = arith.constant 0 : i32
    %dma_start3A_15 = tpu.memref_slice %arg2[%dma_start3A_13, %dma_start3A_14] : memref<50000x256xf32, #tpu.memory_space<hbm>> -> memref<50000x256xf32, #tpu.memory_space<hbm>>
    tpu.enqueue_indirect_dma source(%dma_start3A_15 : memref<50000x256xf32, #tpu.memory_space<hbm>>) target(%arg7 : memref<128x256xf32, #tpu.memory_space<vmem>>) offsets(%dma_start3A_12 : memref<128xi32, #tpu.memory_space<vmem>>) semaphore(%arg10 : memref<!tpu.dma_semaphore, #tpu.memory_space<semaphore_mem>>)
    %dma_wait3A = arith.constant 0 : i32
    %dma_wait3A_16 = tpu.memref_slice %arg5[%dma_wait3A] : memref<1664xi32, #tpu.memory_space<vmem>> -> memref<128xi32, #tpu.memory_space<vmem>>
    %dma_wait3A_17 = arith.constant 0 : i32
    %dma_wait3A_18 = arith.constant 0 : i32
    %dma_wait3A_19 = tpu.memref_slice %arg2[%dma_wait3A_17, %dma_wait3A_18] : memref<50000x256xf32, #tpu.memory_space<hbm>> -> memref<50000x256xf32, #tpu.memory_space<hbm>>
    tpu.wait_indirect_dma semaphore(%arg9 : memref<!tpu.dma_semaphore, #tpu.memory_space<semaphore_mem>>) src(%dma_wait3A_19 : memref<50000x256xf32, #tpu.memory_space<hbm>>) dst(%arg6 : memref<128x256xf32, #tpu.memory_space<vmem>>)
    %dma_start3A_20 = arith.constant 0 : i32
    %dma_start3A_21 = arith.constant 0 : i32
    %dma_start3A_22 = tpu.memref_slice %arg4[%dma_start3A_20, %mul3A_2, %dma_start3A_21] : memref<13x4096x256xf32, #tpu.memory_space<hbm>> -> memref<1x128x256xf32, #tpu.memory_space<hbm>>
    %dma_start3A_23 = tpu.memref_squeeze %dma_start3A_22 : memref<1x128x256xf32, #tpu.memory_space<hbm>> -> memref<128x256xf32, #tpu.memory_space<hbm>>
    %dma_start3A_24 = arith.constant 0 : i32
    %dma_start3A_25 = tpu.memref_slice %arg4[%dma_start3A_20, %mul3A_2, %dma_start3A_24] : memref<13x4096x256xf32, #tpu.memory_space<hbm>> -> memref<1x128x256xf32, #tpu.memory_space<hbm>>
    %dma_start3A_26 = tpu.memref_squeeze %dma_start3A_25 : memref<1x128x256xf32, #tpu.memory_space<hbm>> -> memref<128x256xf32, #tpu.memory_space<hbm>>
    tpu.enqueue_dma source(%arg6 : memref<128x256xf32, #tpu.memory_space<vmem>>) target(%dma_start3A_26 : memref<128x256xf32, #tpu.memory_space<hbm>>) target_semaphore(%arg12 : memref<!tpu.dma_semaphore, #tpu.memory_space<semaphore_mem>>)
    %dma_start3A_27 = arith.constant 256 : i32
    %dma_start3A_28 = tpu.memref_slice %arg5[%dma_start3A_27] : memref<1664xi32, #tpu.memory_space<vmem>> -> memref<128xi32, #tpu.memory_space<vmem>>
    %dma_start3A_29 = arith.constant 0 : i32
    %dma_start3A_30 = arith.constant 0 : i32
    %dma_start3A_31 = tpu.memref_slice %arg2[%dma_start3A_29, %dma_start3A_30] : memref<50000x256xf32, #tpu.memory_space<hbm>> -> memref<50000x256xf32, #tpu.memory_space<hbm>>
    tpu.enqueue_indirect_dma source(%dma_start3A_31 : memref<50000x256xf32, #tpu.memory_space<hbm>>) target(%arg8 : memref<128x256xf32, #tpu.memory_space<vmem>>) offsets(%dma_start3A_28 : memref<128xi32, #tpu.memory_space<vmem>>) semaphore(%arg11 : memref<!tpu.dma_semaphore, #tpu.memory_space<semaphore_mem>>)
    %dma_wait3A_32 = arith.constant 128 : i32
    %dma_wait3A_33 = tpu.memref_slice %arg5[%dma_wait3A_32] : memref<1664xi32, #tpu.memory_space<vmem>> -> memref<128xi32, #tpu.memory_space<vmem>>
    %dma_wait3A_34 = arith.constant 0 : i32
    %dma_wait3A_35 = arith.constant 0 : i32
    %dma_wait3A_36 = tpu.memref_slice %arg2[%dma_wait3A_34, %dma_wait3A_35] : memref<50000x256xf32, #tpu.memory_space<hbm>> -> memref<50000x256xf32, #tpu.memory_space<hbm>>
    tpu.wait_indirect_dma semaphore(%arg10 : memref<!tpu.dma_semaphore, #tpu.memory_space<semaphore_mem>>) src(%dma_wait3A_36 : memref<50000x256xf32, #tpu.memory_space<hbm>>) dst(%arg7 : memref<128x256xf32, #tpu.memory_space<vmem>>)
    %dma_start3A_37 = arith.constant 1 : i32
    %dma_start3A_38 = arith.constant 0 : i32
    %dma_start3A_39 = tpu.memref_slice %arg4[%dma_start3A_37, %mul3A_2, %dma_start3A_38] : memref<13x4096x256xf32, #tpu.memory_space<hbm>> -> memref<1x128x256xf32, #tpu.memory_space<hbm>>
    %dma_start3A_40 = tpu.memref_squeeze %dma_start3A_39 : memref<1x128x256xf32, #tpu.memory_space<hbm>> -> memref<128x256xf32, #tpu.memory_space<hbm>>
    %dma_start3A_41 = arith.constant 0 : i32
    %dma_start3A_42 = tpu.memref_slice %arg4[%dma_start3A_37, %mul3A_2, %dma_start3A_41] : memref<13x4096x256xf32, #tpu.memory_space<hbm>> -> memref<1x128x256xf32, #tpu.memory_space<hbm>>
    %dma_start3A_43 = tpu.memref_squeeze %dma_start3A_42 : memref<1x128x256xf32, #tpu.memory_space<hbm>> -> memref<128x256xf32, #tpu.memory_space<hbm>>
    tpu.enqueue_dma source(%arg7 : memref<128x256xf32, #tpu.memory_space<vmem>>) target(%dma_start3A_43 : memref<128x256xf32, #tpu.memory_space<hbm>>) target_semaphore(%arg13 : memref<!tpu.dma_semaphore, #tpu.memory_space<semaphore_mem>>)
    %dma_wait3A_44 = arith.constant 0 : i32
    %dma_wait3A_45 = arith.constant 0 : i32
    %dma_wait3A_46 = tpu.memref_slice %arg4[%dma_wait3A_44, %mul3A_2, %dma_wait3A_45] : memref<13x4096x256xf32, #tpu.memory_space<hbm>> -> memref<1x128x256xf32, #tpu.memory_space<hbm>>
    %dma_wait3A_47 = tpu.memref_squeeze %dma_wait3A_46 : memref<1x128x256xf32, #tpu.memory_space<hbm>> -> memref<128x256xf32, #tpu.memory_space<hbm>>
    %dma_wait3A_48 = arith.constant 0 : i32
    %dma_wait3A_49 = tpu.memref_slice %arg4[%dma_wait3A_44, %mul3A_2, %dma_wait3A_48] : memref<13x4096x256xf32, #tpu.memory_space<hbm>> -> memref<1x128x256xf32, #tpu.memory_space<hbm>>
    %dma_wait3A_50 = tpu.memref_squeeze %dma_wait3A_49 : memref<1x128x256xf32, #tpu.memory_space<hbm>> -> memref<128x256xf32, #tpu.memory_space<hbm>>
    tpu.wait_dma2 semaphore(%arg12 : memref<!tpu.dma_semaphore, #tpu.memory_space<semaphore_mem>>) src(%arg6 : memref<128x256xf32, #tpu.memory_space<vmem>>) dst(%dma_wait3A_50 : memref<128x256xf32, #tpu.memory_space<hbm>>)
    %dma_start3A_51 = arith.constant 384 : i32
    %dma_start3A_52 = tpu.memref_slice %arg5[%dma_start3A_51] : memref<1664xi32, #tpu.memory_space<vmem>> -> memref<128xi32, #tpu.memory_space<vmem>>
    %dma_start3A_53 = arith.constant 0 : i32
    %dma_start3A_54 = arith.constant 0 : i32
    %dma_start3A_55 = tpu.memref_slice %arg2[%dma_start3A_53, %dma_start3A_54] : memref<50000x256xf32, #tpu.memory_space<hbm>> -> memref<50000x256xf32, #tpu.memory_space<hbm>>
    tpu.enqueue_indirect_dma source(%dma_start3A_55 : memref<50000x256xf32, #tpu.memory_space<hbm>>) target(%arg6 : memref<128x256xf32, #tpu.memory_space<vmem>>) offsets(%dma_start3A_52 : memref<128xi32, #tpu.memory_space<vmem>>) semaphore(%arg9 : memref<!tpu.dma_semaphore, #tpu.memory_space<semaphore_mem>>)
    %dma_wait3A_56 = arith.constant 256 : i32
    %dma_wait3A_57 = tpu.memref_slice %arg5[%dma_wait3A_56] : memref<1664xi32, #tpu.memory_space<vmem>> -> memref<128xi32, #tpu.memory_space<vmem>>
    %dma_wait3A_58 = arith.constant 0 : i32
    %dma_wait3A_59 = arith.constant 0 : i32
    %dma_wait3A_60 = tpu.memref_slice %arg2[%dma_wait3A_58, %dma_wait3A_59] : memref<50000x256xf32, #tpu.memory_space<hbm>> -> memref<50000x256xf32, #tpu.memory_space<hbm>>
    tpu.wait_indirect_dma semaphore(%arg11 : memref<!tpu.dma_semaphore, #tpu.memory_space<semaphore_mem>>) src(%dma_wait3A_60 : memref<50000x256xf32, #tpu.memory_space<hbm>>) dst(%arg8 : memref<128x256xf32, #tpu.memory_space<vmem>>)
    %dma_start3A_61 = arith.constant 2 : i32
    %dma_start3A_62 = arith.constant 0 : i32
    %dma_start3A_63 = tpu.memref_slice %arg4[%dma_start3A_61, %mul3A_2, %dma_start3A_62] : memref<13x4096x256xf32, #tpu.memory_space<hbm>> -> memref<1x128x256xf32, #tpu.memory_space<hbm>>
    %dma_start3A_64 = tpu.memref_squeeze %dma_start3A_63 : memref<1x128x256xf32, #tpu.memory_space<hbm>> -> memref<128x256xf32, #tpu.memory_space<hbm>>
    %dma_start3A_65 = arith.constant 0 : i32
    %dma_start3A_66 = tpu.memref_slice %arg4[%dma_start3A_61, %mul3A_2, %dma_start3A_65] : memref<13x4096x256xf32, #tpu.memory_space<hbm>> -> memref<1x128x256xf32, #tpu.memory_space<hbm>>
    %dma_start3A_67 = tpu.memref_squeeze %dma_start3A_66 : memref<1x128x256xf32, #tpu.memory_space<hbm>> -> memref<128x256xf32, #tpu.memory_space<hbm>>
    tpu.enqueue_dma source(%arg8 : memref<128x256xf32, #tpu.memory_space<vmem>>) target(%dma_start3A_67 : memref<128x256xf32, #tpu.memory_space<hbm>>) target_semaphore(%arg14 : memref<!tpu.dma_semaphore, #tpu.memory_space<semaphore_mem>>)
    %dma_wait3A_68 = arith.constant 1 : i32
    %dma_wait3A_69 = arith.constant 0 : i32
    %dma_wait3A_70 = tpu.memref_slice %arg4[%dma_wait3A_68, %mul3A_2, %dma_wait3A_69] : memref<13x4096x256xf32, #tpu.memory_space<hbm>> -> memref<1x128x256xf32, #tpu.memory_space<hbm>>
    %dma_wait3A_71 = tpu.memref_squeeze %dma_wait3A_70 : memref<1x128x256xf32, #tpu.memory_space<hbm>> -> memref<128x256xf32, #tpu.memory_space<hbm>>
    %dma_wait3A_72 = arith.constant 0 : i32
    %dma_wait3A_73 = tpu.memref_slice %arg4[%dma_wait3A_68, %mul3A_2, %dma_wait3A_72] : memref<13x4096x256xf32, #tpu.memory_space<hbm>> -> memref<1x128x256xf32, #tpu.memory_space<hbm>>
    %dma_wait3A_74 = tpu.memref_squeeze %dma_wait3A_73 : memref<1x128x256xf32, #tpu.memory_space<hbm>> -> memref<128x256xf32, #tpu.memory_space<hbm>>
    tpu.wait_dma2 semaphore(%arg13 : memref<!tpu.dma_semaphore, #tpu.memory_space<semaphore_mem>>) src(%arg7 : memref<128x256xf32, #tpu.memory_space<vmem>>) dst(%dma_wait3A_74 : memref<128x256xf32, #tpu.memory_space<hbm>>)
    %dma_start3A_75 = arith.constant 512 : i32
    %dma_start3A_76 = tpu.memref_slice %arg5[%dma_start3A_75] : memref<1664xi32, #tpu.memory_space<vmem>> -> memref<128xi32, #tpu.memory_space<vmem>>
    %dma_start3A_77 = arith.constant 0 : i32
    %dma_start3A_78 = arith.constant 0 : i32
    %dma_start3A_79 = tpu.memref_slice %arg2[%dma_start3A_77, %dma_start3A_78] : memref<50000x256xf32, #tpu.memory_space<hbm>> -> memref<50000x256xf32, #tpu.memory_space<hbm>>
    tpu.enqueue_indirect_dma source(%dma_start3A_79 : memref<50000x256xf32, #tpu.memory_space<hbm>>) target(%arg7 : memref<128x256xf32, #tpu.memory_space<vmem>>) offsets(%dma_start3A_76 : memref<128xi32, #tpu.memory_space<vmem>>) semaphore(%arg10 : memref<!tpu.dma_semaphore, #tpu.memory_space<semaphore_mem>>)
    %dma_wait3A_80 = arith.constant 384 : i32
    %dma_wait3A_81 = tpu.memref_slice %arg5[%dma_wait3A_80] : memref<1664xi32, #tpu.memory_space<vmem>> -> memref<128xi32, #tpu.memory_space<vmem>>
    %dma_wait3A_82 = arith.constant 0 : i32
    %dma_wait3A_83 = arith.constant 0 : i32
    %dma_wait3A_84 = tpu.memref_slice %arg2[%dma_wait3A_82, %dma_wait3A_83] : memref<50000x256xf32, #tpu.memory_space<hbm>> -> memref<50000x256xf32, #tpu.memory_space<hbm>>
    tpu.wait_indirect_dma semaphore(%arg9 : memref<!tpu.dma_semaphore, #tpu.memory_space<semaphore_mem>>) src(%dma_wait3A_84 : memref<50000x256xf32, #tpu.memory_space<hbm>>) dst(%arg6 : memref<128x256xf32, #tpu.memory_space<vmem>>)
    %dma_start3A_85 = arith.constant 3 : i32
    %dma_start3A_86 = arith.constant 0 : i32
    %dma_start3A_87 = tpu.memref_slice %arg4[%dma_start3A_85, %mul3A_2, %dma_start3A_86] : memref<13x4096x256xf32, #tpu.memory_space<hbm>> -> memref<1x128x256xf32, #tpu.memory_space<hbm>>
    %dma_start3A_88 = tpu.memref_squeeze %dma_start3A_87 : memref<1x128x256xf32, #tpu.memory_space<hbm>> -> memref<128x256xf32, #tpu.memory_space<hbm>>
    %dma_start3A_89 = arith.constant 0 : i32
    %dma_start3A_90 = tpu.memref_slice %arg4[%dma_start3A_85, %mul3A_2, %dma_start3A_89] : memref<13x4096x256xf32, #tpu.memory_space<hbm>> -> memref<1x128x256xf32, #tpu.memory_space<hbm>>
    %dma_start3A_91 = tpu.memref_squeeze %dma_start3A_90 : memref<1x128x256xf32, #tpu.memory_space<hbm>> -> memref<128x256xf32, #tpu.memory_space<hbm>>
    tpu.enqueue_dma source(%arg6 : memref<128x256xf32, #tpu.memory_space<vmem>>) target(%dma_start3A_91 : memref<128x256xf32, #tpu.memory_space<hbm>>) target_semaphore(%arg12 : memref<!tpu.dma_semaphore, #tpu.memory_space<semaphore_mem>>)
    %dma_wait3A_92 = arith.constant 2 : i32
    %dma_wait3A_93 = arith.constant 0 : i32
    %dma_wait3A_94 = tpu.memref_slice %arg4[%dma_wait3A_92, %mul3A_2, %dma_wait3A_93] : memref<13x4096x256xf32, #tpu.memory_space<hbm>> -> memref<1x128x256xf32, #tpu.memory_space<hbm>>
    %dma_wait3A_95 = tpu.memref_squeeze %dma_wait3A_94 : memref<1x128x256xf32, #tpu.memory_space<hbm>> -> memref<128x256xf32, #tpu.memory_space<hbm>>
    %dma_wait3A_96 = arith.constant 0 : i32
    %dma_wait3A_97 = tpu.memref_slice %arg4[%dma_wait3A_92, %mul3A_2, %dma_wait3A_96] : memref<13x4096x256xf32, #tpu.memory_space<hbm>> -> memref<1x128x256xf32, #tpu.memory_space<hbm>>
    %dma_wait3A_98 = tpu.memref_squeeze %dma_wait3A_97 : memref<1x128x256xf32, #tpu.memory_space<hbm>> -> memref<128x256xf32, #tpu.memory_space<hbm>>
    tpu.wait_dma2 semaphore(%arg14 : memref<!tpu.dma_semaphore, #tpu.memory_space<semaphore_mem>>) src(%arg8 : memref<128x256xf32, #tpu.memory_space<vmem>>) dst(%dma_wait3A_98 : memref<128x256xf32, #tpu.memory_space<hbm>>)
    %dma_start3A_99 = arith.constant 640 : i32
    %dma_start3A_100 = tpu.memref_slice %arg5[%dma_start3A_99] : memref<1664xi32, #tpu.memory_space<vmem>> -> memref<128xi32, #tpu.memory_space<vmem>>
    %dma_start3A_101 = arith.constant 0 : i32
    %dma_start3A_102 = arith.constant 0 : i32
    %dma_start3A_103 = tpu.memref_slice %arg2[%dma_start3A_101, %dma_start3A_102] : memref<50000x256xf32, #tpu.memory_space<hbm>> -> memref<50000x256xf32, #tpu.memory_space<hbm>>
    tpu.enqueue_indirect_dma source(%dma_start3A_103 : memref<50000x256xf32, #tpu.memory_space<hbm>>) target(%arg8 : memref<128x256xf32, #tpu.memory_space<vmem>>) offsets(%dma_start3A_100 : memref<128xi32, #tpu.memory_space<vmem>>) semaphore(%arg11 : memref<!tpu.dma_semaphore, #tpu.memory_space<semaphore_mem>>)
    %dma_wait3A_104 = arith.constant 512 : i32
    %dma_wait3A_105 = tpu.memref_slice %arg5[%dma_wait3A_104] : memref<1664xi32, #tpu.memory_space<vmem>> -> memref<128xi32, #tpu.memory_space<vmem>>
    %dma_wait3A_106 = arith.constant 0 : i32
    %dma_wait3A_107 = arith.constant 0 : i32
    %dma_wait3A_108 = tpu.memref_slice %arg2[%dma_wait3A_106, %dma_wait3A_107] : memref<50000x256xf32, #tpu.memory_space<hbm>> -> memref<50000x256xf32, #tpu.memory_space<hbm>>
    tpu.wait_indirect_dma semaphore(%arg10 : memref<!tpu.dma_semaphore, #tpu.memory_space<semaphore_mem>>) src(%dma_wait3A_108 : memref<50000x256xf32, #tpu.memory_space<hbm>>) dst(%arg7 : memref<128x256xf32, #tpu.memory_space<vmem>>)
    %dma_start3A_109 = arith.constant 4 : i32
    %dma_start3A_110 = arith.constant 0 : i32
    %dma_start3A_111 = tpu.memref_slice %arg4[%dma_start3A_109, %mul3A_2, %dma_start3A_110] : memref<13x4096x256xf32, #tpu.memory_space<hbm>> -> memref<1x128x256xf32, #tpu.memory_space<hbm>>
    %dma_start3A_112 = tpu.memref_squeeze %dma_start3A_111 : memref<1x128x256xf32, #tpu.memory_space<hbm>> -> memref<128x256xf32, #tpu.memory_space<hbm>>
    %dma_start3A_113 = arith.constant 0 : i32
    %dma_start3A_114 = tpu.memref_slice %arg4[%dma_start3A_109, %mul3A_2, %dma_start3A_113] : memref<13x4096x256xf32, #tpu.memory_space<hbm>> -> memref<1x128x256xf32, #tpu.memory_space<hbm>>
    %dma_start3A_115 = tpu.memref_squeeze %dma_start3A_114 : memref<1x128x256xf32, #tpu.memory_space<hbm>> -> memref<128x256xf32, #tpu.memory_space<hbm>>
    tpu.enqueue_dma source(%arg7 : memref<128x256xf32, #tpu.memory_space<vmem>>) target(%dma_start3A_115 : memref<128x256xf32, #tpu.memory_space<hbm>>) target_semaphore(%arg13 : memref<!tpu.dma_semaphore, #tpu.memory_space<semaphore_mem>>)
    %dma_wait3A_116 = arith.constant 3 : i32
    %dma_wait3A_117 = arith.constant 0 : i32
    %dma_wait3A_118 = tpu.memref_slice %arg4[%dma_wait3A_116, %mul3A_2, %dma_wait3A_117] : memref<13x4096x256xf32, #tpu.memory_space<hbm>> -> memref<1x128x256xf32, #tpu.memory_space<hbm>>
    %dma_wait3A_119 = tpu.memref_squeeze %dma_wait3A_118 : memref<1x128x256xf32, #tpu.memory_space<hbm>> -> memref<128x256xf32, #tpu.memory_space<hbm>>
    %dma_wait3A_120 = arith.constant 0 : i32
    %dma_wait3A_121 = tpu.memref_slice %arg4[%dma_wait3A_116, %mul3A_2, %dma_wait3A_120] : memref<13x4096x256xf32, #tpu.memory_space<hbm>> -> memref<1x128x256xf32, #tpu.memory_space<hbm>>
    %dma_wait3A_122 = tpu.memref_squeeze %dma_wait3A_121 : memref<1x128x256xf32, #tpu.memory_space<hbm>> -> memref<128x256xf32, #tpu.memory_space<hbm>>
    tpu.wait_dma2 semaphore(%arg12 : memref<!tpu.dma_semaphore, #tpu.memory_space<semaphore_mem>>) src(%arg6 : memref<128x256xf32, #tpu.memory_space<vmem>>) dst(%dma_wait3A_122 : memref<128x256xf32, #tpu.memory_space<hbm>>)
    %dma_start3A_123 = arith.constant 768 : i32
    %dma_start3A_124 = tpu.memref_slice %arg5[%dma_start3A_123] : memref<1664xi32, #tpu.memory_space<vmem>> -> memref<128xi32, #tpu.memory_space<vmem>>
    %dma_start3A_125 = arith.constant 0 : i32
    %dma_start3A_126 = arith.constant 0 : i32
    %dma_start3A_127 = tpu.memref_slice %arg2[%dma_start3A_125, %dma_start3A_126] : memref<50000x256xf32, #tpu.memory_space<hbm>> -> memref<50000x256xf32, #tpu.memory_space<hbm>>
    tpu.enqueue_indirect_dma source(%dma_start3A_127 : memref<50000x256xf32, #tpu.memory_space<hbm>>) target(%arg6 : memref<128x256xf32, #tpu.memory_space<vmem>>) offsets(%dma_start3A_124 : memref<128xi32, #tpu.memory_space<vmem>>) semaphore(%arg9 : memref<!tpu.dma_semaphore, #tpu.memory_space<semaphore_mem>>)
    %dma_wait3A_128 = arith.constant 640 : i32
    %dma_wait3A_129 = tpu.memref_slice %arg5[%dma_wait3A_128] : memref<1664xi32, #tpu.memory_space<vmem>> -> memref<128xi32, #tpu.memory_space<vmem>>
    %dma_wait3A_130 = arith.constant 0 : i32
    %dma_wait3A_131 = arith.constant 0 : i32
    %dma_wait3A_132 = tpu.memref_slice %arg2[%dma_wait3A_130, %dma_wait3A_131] : memref<50000x256xf32, #tpu.memory_space<hbm>> -> memref<50000x256xf32, #tpu.memory_space<hbm>>
    tpu.wait_indirect_dma semaphore(%arg11 : memref<!tpu.dma_semaphore, #tpu.memory_space<semaphore_mem>>) src(%dma_wait3A_132 : memref<50000x256xf32, #tpu.memory_space<hbm>>) dst(%arg8 : memref<128x256xf32, #tpu.memory_space<vmem>>)
    %dma_start3A_133 = arith.constant 5 : i32
    %dma_start3A_134 = arith.constant 0 : i32
    %dma_start3A_135 = tpu.memref_slice %arg4[%dma_start3A_133, %mul3A_2, %dma_start3A_134] : memref<13x4096x256xf32, #tpu.memory_space<hbm>> -> memref<1x128x256xf32, #tpu.memory_space<hbm>>
    %dma_start3A_136 = tpu.memref_squeeze %dma_start3A_135 : memref<1x128x256xf32, #tpu.memory_space<hbm>> -> memref<128x256xf32, #tpu.memory_space<hbm>>
    %dma_start3A_137 = arith.constant 0 : i32
    %dma_start3A_138 = tpu.memref_slice %arg4[%dma_start3A_133, %mul3A_2, %dma_start3A_137] : memref<13x4096x256xf32, #tpu.memory_space<hbm>> -> memref<1x128x256xf32, #tpu.memory_space<hbm>>
    %dma_start3A_139 = tpu.memref_squeeze %dma_start3A_138 : memref<1x128x256xf32, #tpu.memory_space<hbm>> -> memref<128x256xf32, #tpu.memory_space<hbm>>
    tpu.enqueue_dma source(%arg8 : memref<128x256xf32, #tpu.memory_space<vmem>>) target(%dma_start3A_139 : memref<128x256xf32, #tpu.memory_space<hbm>>) target_semaphore(%arg14 : memref<!tpu.dma_semaphore, #tpu.memory_space<semaphore_mem>>)
    %dma_wait3A_140 = arith.constant 4 : i32
    %dma_wait3A_141 = arith.constant 0 : i32
    %dma_wait3A_142 = tpu.memref_slice %arg4[%dma_wait3A_140, %mul3A_2, %dma_wait3A_141] : memref<13x4096x256xf32, #tpu.memory_space<hbm>> -> memref<1x128x256xf32, #tpu.memory_space<hbm>>
    %dma_wait3A_143 = tpu.memref_squeeze %dma_wait3A_142 : memref<1x128x256xf32, #tpu.memory_space<hbm>> -> memref<128x256xf32, #tpu.memory_space<hbm>>
    %dma_wait3A_144 = arith.constant 0 : i32
    %dma_wait3A_145 = tpu.memref_slice %arg4[%dma_wait3A_140, %mul3A_2, %dma_wait3A_144] : memref<13x4096x256xf32, #tpu.memory_space<hbm>> -> memref<1x128x256xf32, #tpu.memory_space<hbm>>
    %dma_wait3A_146 = tpu.memref_squeeze %dma_wait3A_145 : memref<1x128x256xf32, #tpu.memory_space<hbm>> -> memref<128x256xf32, #tpu.memory_space<hbm>>
    tpu.wait_dma2 semaphore(%arg13 : memref<!tpu.dma_semaphore, #tpu.memory_space<semaphore_mem>>) src(%arg7 : memref<128x256xf32, #tpu.memory_space<vmem>>) dst(%dma_wait3A_146 : memref<128x256xf32, #tpu.memory_space<hbm>>)
    %dma_start3A_147 = arith.constant 896 : i32
    %dma_start3A_148 = tpu.memref_slice %arg5[%dma_start3A_147] : memref<1664xi32, #tpu.memory_space<vmem>> -> memref<128xi32, #tpu.memory_space<vmem>>
    %dma_start3A_149 = arith.constant 0 : i32
    %dma_start3A_150 = arith.constant 0 : i32
    %dma_start3A_151 = tpu.memref_slice %arg2[%dma_start3A_149, %dma_start3A_150] : memref<50000x256xf32, #tpu.memory_space<hbm>> -> memref<50000x256xf32, #tpu.memory_space<hbm>>
    tpu.enqueue_indirect_dma source(%dma_start3A_151 : memref<50000x256xf32, #tpu.memory_space<hbm>>) target(%arg7 : memref<128x256xf32, #tpu.memory_space<vmem>>) offsets(%dma_start3A_148 : memref<128xi32, #tpu.memory_space<vmem>>) semaphore(%arg10 : memref<!tpu.dma_semaphore, #tpu.memory_space<semaphore_mem>>)
    %dma_wait3A_152 = arith.constant 768 : i32
    %dma_wait3A_153 = tpu.memref_slice %arg5[%dma_wait3A_152] : memref<1664xi32, #tpu.memory_space<vmem>> -> memref<128xi32, #tpu.memory_space<vmem>>
    %dma_wait3A_154 = arith.constant 0 : i32
    %dma_wait3A_155 = arith.constant 0 : i32
    %dma_wait3A_156 = tpu.memref_slice %arg2[%dma_wait3A_154, %dma_wait3A_155] : memref<50000x256xf32, #tpu.memory_space<hbm>> -> memref<50000x256xf32, #tpu.memory_space<hbm>>
    tpu.wait_indirect_dma semaphore(%arg9 : memref<!tpu.dma_semaphore, #tpu.memory_space<semaphore_mem>>) src(%dma_wait3A_156 : memref<50000x256xf32, #tpu.memory_space<hbm>>) dst(%arg6 : memref<128x256xf32, #tpu.memory_space<vmem>>)
    %dma_start3A_157 = arith.constant 6 : i32
    %dma_start3A_158 = arith.constant 0 : i32
    %dma_start3A_159 = tpu.memref_slice %arg4[%dma_start3A_157, %mul3A_2, %dma_start3A_158] : memref<13x4096x256xf32, #tpu.memory_space<hbm>> -> memref<1x128x256xf32, #tpu.memory_space<hbm>>
    %dma_start3A_160 = tpu.memref_squeeze %dma_start3A_159 : memref<1x128x256xf32, #tpu.memory_space<hbm>> -> memref<128x256xf32, #tpu.memory_space<hbm>>
    %dma_start3A_161 = arith.constant 0 : i32
    %dma_start3A_162 = tpu.memref_slice %arg4[%dma_start3A_157, %mul3A_2, %dma_start3A_161] : memref<13x4096x256xf32, #tpu.memory_space<hbm>> -> memref<1x128x256xf32, #tpu.memory_space<hbm>>
    %dma_start3A_163 = tpu.memref_squeeze %dma_start3A_162 : memref<1x128x256xf32, #tpu.memory_space<hbm>> -> memref<128x256xf32, #tpu.memory_space<hbm>>
    tpu.enqueue_dma source(%arg6 : memref<128x256xf32, #tpu.memory_space<vmem>>) target(%dma_start3A_163 : memref<128x256xf32, #tpu.memory_space<hbm>>) target_semaphore(%arg12 : memref<!tpu.dma_semaphore, #tpu.memory_space<semaphore_mem>>)
    %dma_wait3A_164 = arith.constant 5 : i32
    %dma_wait3A_165 = arith.constant 0 : i32
    %dma_wait3A_166 = tpu.memref_slice %arg4[%dma_wait3A_164, %mul3A_2, %dma_wait3A_165] : memref<13x4096x256xf32, #tpu.memory_space<hbm>> -> memref<1x128x256xf32, #tpu.memory_space<hbm>>
    %dma_wait3A_167 = tpu.memref_squeeze %dma_wait3A_166 : memref<1x128x256xf32, #tpu.memory_space<hbm>> -> memref<128x256xf32, #tpu.memory_space<hbm>>
    %dma_wait3A_168 = arith.constant 0 : i32
    %dma_wait3A_169 = tpu.memref_slice %arg4[%dma_wait3A_164, %mul3A_2, %dma_wait3A_168] : memref<13x4096x256xf32, #tpu.memory_space<hbm>> -> memref<1x128x256xf32, #tpu.memory_space<hbm>>
    %dma_wait3A_170 = tpu.memref_squeeze %dma_wait3A_169 : memref<1x128x256xf32, #tpu.memory_space<hbm>> -> memref<128x256xf32, #tpu.memory_space<hbm>>
    tpu.wait_dma2 semaphore(%arg14 : memref<!tpu.dma_semaphore, #tpu.memory_space<semaphore_mem>>) src(%arg8 : memref<128x256xf32, #tpu.memory_space<vmem>>) dst(%dma_wait3A_170 : memref<128x256xf32, #tpu.memory_space<hbm>>)
    %dma_start3A_171 = arith.constant 1024 : i32
    %dma_start3A_172 = tpu.memref_slice %arg5[%dma_start3A_171] : memref<1664xi32, #tpu.memory_space<vmem>> -> memref<128xi32, #tpu.memory_space<vmem>>
    %dma_start3A_173 = arith.constant 0 : i32
    %dma_start3A_174 = arith.constant 0 : i32
    %dma_start3A_175 = tpu.memref_slice %arg2[%dma_start3A_173, %dma_start3A_174] : memref<50000x256xf32, #tpu.memory_space<hbm>> -> memref<50000x256xf32, #tpu.memory_space<hbm>>
    tpu.enqueue_indirect_dma source(%dma_start3A_175 : memref<50000x256xf32, #tpu.memory_space<hbm>>) target(%arg8 : memref<128x256xf32, #tpu.memory_space<vmem>>) offsets(%dma_start3A_172 : memref<128xi32, #tpu.memory_space<vmem>>) semaphore(%arg11 : memref<!tpu.dma_semaphore, #tpu.memory_space<semaphore_mem>>)
    %dma_wait3A_176 = arith.constant 896 : i32
    %dma_wait3A_177 = tpu.memref_slice %arg5[%dma_wait3A_176] : memref<1664xi32, #tpu.memory_space<vmem>> -> memref<128xi32, #tpu.memory_space<vmem>>
    %dma_wait3A_178 = arith.constant 0 : i32
    %dma_wait3A_179 = arith.constant 0 : i32
    %dma_wait3A_180 = tpu.memref_slice %arg2[%dma_wait3A_178, %dma_wait3A_179] : memref<50000x256xf32, #tpu.memory_space<hbm>> -> memref<50000x256xf32, #tpu.memory_space<hbm>>
    tpu.wait_indirect_dma semaphore(%arg10 : memref<!tpu.dma_semaphore, #tpu.memory_space<semaphore_mem>>) src(%dma_wait3A_180 : memref<50000x256xf32, #tpu.memory_space<hbm>>) dst(%arg7 : memref<128x256xf32, #tpu.memory_space<vmem>>)
    %dma_start3A_181 = arith.constant 7 : i32
    %dma_start3A_182 = arith.constant 0 : i32
    %dma_start3A_183 = tpu.memref_slice %arg4[%dma_start3A_181, %mul3A_2, %dma_start3A_182] : memref<13x4096x256xf32, #tpu.memory_space<hbm>> -> memref<1x128x256xf32, #tpu.memory_space<hbm>>
    %dma_start3A_184 = tpu.memref_squeeze %dma_start3A_183 : memref<1x128x256xf32, #tpu.memory_space<hbm>> -> memref<128x256xf32, #tpu.memory_space<hbm>>
    %dma_start3A_185 = arith.constant 0 : i32
    %dma_start3A_186 = tpu.memref_slice %arg4[%dma_start3A_181, %mul3A_2, %dma_start3A_185] : memref<13x4096x256xf32, #tpu.memory_space<hbm>> -> memref<1x128x256xf32, #tpu.memory_space<hbm>>
    %dma_start3A_187 = tpu.memref_squeeze %dma_start3A_186 : memref<1x128x256xf32, #tpu.memory_space<hbm>> -> memref<128x256xf32, #tpu.memory_space<hbm>>
    tpu.enqueue_dma source(%arg7 : memref<128x256xf32, #tpu.memory_space<vmem>>) target(%dma_start3A_187 : memref<128x256xf32, #tpu.memory_space<hbm>>) target_semaphore(%arg13 : memref<!tpu.dma_semaphore, #tpu.memory_space<semaphore_mem>>)
    %dma_wait3A_188 = arith.constant 6 : i32
    %dma_wait3A_189 = arith.constant 0 : i32
    %dma_wait3A_190 = tpu.memref_slice %arg4[%dma_wait3A_188, %mul3A_2, %dma_wait3A_189] : memref<13x4096x256xf32, #tpu.memory_space<hbm>> -> memref<1x128x256xf32, #tpu.memory_space<hbm>>
    %dma_wait3A_191 = tpu.memref_squeeze %dma_wait3A_190 : memref<1x128x256xf32, #tpu.memory_space<hbm>> -> memref<128x256xf32, #tpu.memory_space<hbm>>
    %dma_wait3A_192 = arith.constant 0 : i32
    %dma_wait3A_193 = tpu.memref_slice %arg4[%dma_wait3A_188, %mul3A_2, %dma_wait3A_192] : memref<13x4096x256xf32, #tpu.memory_space<hbm>> -> memref<1x128x256xf32, #tpu.memory_space<hbm>>
    %dma_wait3A_194 = tpu.memref_squeeze %dma_wait3A_193 : memref<1x128x256xf32, #tpu.memory_space<hbm>> -> memref<128x256xf32, #tpu.memory_space<hbm>>
    tpu.wait_dma2 semaphore(%arg12 : memref<!tpu.dma_semaphore, #tpu.memory_space<semaphore_mem>>) src(%arg6 : memref<128x256xf32, #tpu.memory_space<vmem>>) dst(%dma_wait3A_194 : memref<128x256xf32, #tpu.memory_space<hbm>>)
    %dma_start3A_195 = arith.constant 1152 : i32
    %dma_start3A_196 = tpu.memref_slice %arg5[%dma_start3A_195] : memref<1664xi32, #tpu.memory_space<vmem>> -> memref<128xi32, #tpu.memory_space<vmem>>
    %dma_start3A_197 = arith.constant 0 : i32
    %dma_start3A_198 = arith.constant 0 : i32
    %dma_start3A_199 = tpu.memref_slice %arg2[%dma_start3A_197, %dma_start3A_198] : memref<50000x256xf32, #tpu.memory_space<hbm>> -> memref<50000x256xf32, #tpu.memory_space<hbm>>
    tpu.enqueue_indirect_dma source(%dma_start3A_199 : memref<50000x256xf32, #tpu.memory_space<hbm>>) target(%arg6 : memref<128x256xf32, #tpu.memory_space<vmem>>) offsets(%dma_start3A_196 : memref<128xi32, #tpu.memory_space<vmem>>) semaphore(%arg9 : memref<!tpu.dma_semaphore, #tpu.memory_space<semaphore_mem>>)
    %dma_wait3A_200 = arith.constant 1024 : i32
    %dma_wait3A_201 = tpu.memref_slice %arg5[%dma_wait3A_200] : memref<1664xi32, #tpu.memory_space<vmem>> -> memref<128xi32, #tpu.memory_space<vmem>>
    %dma_wait3A_202 = arith.constant 0 : i32
    %dma_wait3A_203 = arith.constant 0 : i32
    %dma_wait3A_204 = tpu.memref_slice %arg2[%dma_wait3A_202, %dma_wait3A_203] : memref<50000x256xf32, #tpu.memory_space<hbm>> -> memref<50000x256xf32, #tpu.memory_space<hbm>>
    tpu.wait_indirect_dma semaphore(%arg11 : memref<!tpu.dma_semaphore, #tpu.memory_space<semaphore_mem>>) src(%dma_wait3A_204 : memref<50000x256xf32, #tpu.memory_space<hbm>>) dst(%arg8 : memref<128x256xf32, #tpu.memory_space<vmem>>)
    %dma_start3A_205 = arith.constant 8 : i32
    %dma_start3A_206 = arith.constant 0 : i32
    %dma_start3A_207 = tpu.memref_slice %arg4[%dma_start3A_205, %mul3A_2, %dma_start3A_206] : memref<13x4096x256xf32, #tpu.memory_space<hbm>> -> memref<1x128x256xf32, #tpu.memory_space<hbm>>
    %dma_start3A_208 = tpu.memref_squeeze %dma_start3A_207 : memref<1x128x256xf32, #tpu.memory_space<hbm>> -> memref<128x256xf32, #tpu.memory_space<hbm>>
    %dma_start3A_209 = arith.constant 0 : i32
    %dma_start3A_210 = tpu.memref_slice %arg4[%dma_start3A_205, %mul3A_2, %dma_start3A_209] : memref<13x4096x256xf32, #tpu.memory_space<hbm>> -> memref<1x128x256xf32, #tpu.memory_space<hbm>>
    %dma_start3A_211 = tpu.memref_squeeze %dma_start3A_210 : memref<1x128x256xf32, #tpu.memory_space<hbm>> -> memref<128x256xf32, #tpu.memory_space<hbm>>
    tpu.enqueue_dma source(%arg8 : memref<128x256xf32, #tpu.memory_space<vmem>>) target(%dma_start3A_211 : memref<128x256xf32, #tpu.memory_space<hbm>>) target_semaphore(%arg14 : memref<!tpu.dma_semaphore, #tpu.memory_space<semaphore_mem>>)
    %dma_wait3A_212 = arith.constant 7 : i32
    %dma_wait3A_213 = arith.constant 0 : i32
    %dma_wait3A_214 = tpu.memref_slice %arg4[%dma_wait3A_212, %mul3A_2, %dma_wait3A_213] : memref<13x4096x256xf32, #tpu.memory_space<hbm>> -> memref<1x128x256xf32, #tpu.memory_space<hbm>>
    %dma_wait3A_215 = tpu.memref_squeeze %dma_wait3A_214 : memref<1x128x256xf32, #tpu.memory_space<hbm>> -> memref<128x256xf32, #tpu.memory_space<hbm>>
    %dma_wait3A_216 = arith.constant 0 : i32
    %dma_wait3A_217 = tpu.memref_slice %arg4[%dma_wait3A_212, %mul3A_2, %dma_wait3A_216] : memref<13x4096x256xf32, #tpu.memory_space<hbm>> -> memref<1x128x256xf32, #tpu.memory_space<hbm>>
    %dma_wait3A_218 = tpu.memref_squeeze %dma_wait3A_217 : memref<1x128x256xf32, #tpu.memory_space<hbm>> -> memref<128x256xf32, #tpu.memory_space<hbm>>
    tpu.wait_dma2 semaphore(%arg13 : memref<!tpu.dma_semaphore, #tpu.memory_space<semaphore_mem>>) src(%arg7 : memref<128x256xf32, #tpu.memory_space<vmem>>) dst(%dma_wait3A_218 : memref<128x256xf32, #tpu.memory_space<hbm>>)
    %dma_start3A_219 = arith.constant 1280 : i32
    %dma_start3A_220 = tpu.memref_slice %arg5[%dma_start3A_219] : memref<1664xi32, #tpu.memory_space<vmem>> -> memref<128xi32, #tpu.memory_space<vmem>>
    %dma_start3A_221 = arith.constant 0 : i32
    %dma_start3A_222 = arith.constant 0 : i32
    %dma_start3A_223 = tpu.memref_slice %arg2[%dma_start3A_221, %dma_start3A_222] : memref<50000x256xf32, #tpu.memory_space<hbm>> -> memref<50000x256xf32, #tpu.memory_space<hbm>>
    tpu.enqueue_indirect_dma source(%dma_start3A_223 : memref<50000x256xf32, #tpu.memory_space<hbm>>) target(%arg7 : memref<128x256xf32, #tpu.memory_space<vmem>>) offsets(%dma_start3A_220 : memref<128xi32, #tpu.memory_space<vmem>>) semaphore(%arg10 : memref<!tpu.dma_semaphore, #tpu.memory_space<semaphore_mem>>)
    %dma_wait3A_224 = arith.constant 1152 : i32
    %dma_wait3A_225 = tpu.memref_slice %arg5[%dma_wait3A_224] : memref<1664xi32, #tpu.memory_space<vmem>> -> memref<128xi32, #tpu.memory_space<vmem>>
    %dma_wait3A_226 = arith.constant 0 : i32
    %dma_wait3A_227 = arith.constant 0 : i32
    %dma_wait3A_228 = tpu.memref_slice %arg2[%dma_wait3A_226, %dma_wait3A_227] : memref<50000x256xf32, #tpu.memory_space<hbm>> -> memref<50000x256xf32, #tpu.memory_space<hbm>>
    tpu.wait_indirect_dma semaphore(%arg9 : memref<!tpu.dma_semaphore, #tpu.memory_space<semaphore_mem>>) src(%dma_wait3A_228 : memref<50000x256xf32, #tpu.memory_space<hbm>>) dst(%arg6 : memref<128x256xf32, #tpu.memory_space<vmem>>)
    %dma_start3A_229 = arith.constant 9 : i32
    %dma_start3A_230 = arith.constant 0 : i32
    %dma_start3A_231 = tpu.memref_slice %arg4[%dma_start3A_229, %mul3A_2, %dma_start3A_230] : memref<13x4096x256xf32, #tpu.memory_space<hbm>> -> memref<1x128x256xf32, #tpu.memory_space<hbm>>
    %dma_start3A_232 = tpu.memref_squeeze %dma_start3A_231 : memref<1x128x256xf32, #tpu.memory_space<hbm>> -> memref<128x256xf32, #tpu.memory_space<hbm>>
    %dma_start3A_233 = arith.constant 0 : i32
    %dma_start3A_234 = tpu.memref_slice %arg4[%dma_start3A_229, %mul3A_2, %dma_start3A_233] : memref<13x4096x256xf32, #tpu.memory_space<hbm>> -> memref<1x128x256xf32, #tpu.memory_space<hbm>>
    %dma_start3A_235 = tpu.memref_squeeze %dma_start3A_234 : memref<1x128x256xf32, #tpu.memory_space<hbm>> -> memref<128x256xf32, #tpu.memory_space<hbm>>
    tpu.enqueue_dma source(%arg6 : memref<128x256xf32, #tpu.memory_space<vmem>>) target(%dma_start3A_235 : memref<128x256xf32, #tpu.memory_space<hbm>>) target_semaphore(%arg12 : memref<!tpu.dma_semaphore, #tpu.memory_space<semaphore_mem>>)
    %dma_wait3A_236 = arith.constant 8 : i32
    %dma_wait3A_237 = arith.constant 0 : i32
    %dma_wait3A_238 = tpu.memref_slice %arg4[%dma_wait3A_236, %mul3A_2, %dma_wait3A_237] : memref<13x4096x256xf32, #tpu.memory_space<hbm>> -> memref<1x128x256xf32, #tpu.memory_space<hbm>>
    %dma_wait3A_239 = tpu.memref_squeeze %dma_wait3A_238 : memref<1x128x256xf32, #tpu.memory_space<hbm>> -> memref<128x256xf32, #tpu.memory_space<hbm>>
    %dma_wait3A_240 = arith.constant 0 : i32
    %dma_wait3A_241 = tpu.memref_slice %arg4[%dma_wait3A_236, %mul3A_2, %dma_wait3A_240] : memref<13x4096x256xf32, #tpu.memory_space<hbm>> -> memref<1x128x256xf32, #tpu.memory_space<hbm>>
    %dma_wait3A_242 = tpu.memref_squeeze %dma_wait3A_241 : memref<1x128x256xf32, #tpu.memory_space<hbm>> -> memref<128x256xf32, #tpu.memory_space<hbm>>
    tpu.wait_dma2 semaphore(%arg14 : memref<!tpu.dma_semaphore, #tpu.memory_space<semaphore_mem>>) src(%arg8 : memref<128x256xf32, #tpu.memory_space<vmem>>) dst(%dma_wait3A_242 : memref<128x256xf32, #tpu.memory_space<hbm>>)
    %dma_start3A_243 = arith.constant 1408 : i32
    %dma_start3A_244 = tpu.memref_slice %arg5[%dma_start3A_243] : memref<1664xi32, #tpu.memory_space<vmem>> -> memref<128xi32, #tpu.memory_space<vmem>>
    %dma_start3A_245 = arith.constant 0 : i32
    %dma_start3A_246 = arith.constant 0 : i32
    %dma_start3A_247 = tpu.memref_slice %arg2[%dma_start3A_245, %dma_start3A_246] : memref<50000x256xf32, #tpu.memory_space<hbm>> -> memref<50000x256xf32, #tpu.memory_space<hbm>>
    tpu.enqueue_indirect_dma source(%dma_start3A_247 : memref<50000x256xf32, #tpu.memory_space<hbm>>) target(%arg8 : memref<128x256xf32, #tpu.memory_space<vmem>>) offsets(%dma_start3A_244 : memref<128xi32, #tpu.memory_space<vmem>>) semaphore(%arg11 : memref<!tpu.dma_semaphore, #tpu.memory_space<semaphore_mem>>)
    %dma_wait3A_248 = arith.constant 1280 : i32
    %dma_wait3A_249 = tpu.memref_slice %arg5[%dma_wait3A_248] : memref<1664xi32, #tpu.memory_space<vmem>> -> memref<128xi32, #tpu.memory_space<vmem>>
    %dma_wait3A_250 = arith.constant 0 : i32
    %dma_wait3A_251 = arith.constant 0 : i32
    %dma_wait3A_252 = tpu.memref_slice %arg2[%dma_wait3A_250, %dma_wait3A_251] : memref<50000x256xf32, #tpu.memory_space<hbm>> -> memref<50000x256xf32, #tpu.memory_space<hbm>>
    tpu.wait_indirect_dma semaphore(%arg10 : memref<!tpu.dma_semaphore, #tpu.memory_space<semaphore_mem>>) src(%dma_wait3A_252 : memref<50000x256xf32, #tpu.memory_space<hbm>>) dst(%arg7 : memref<128x256xf32, #tpu.memory_space<vmem>>)
    %dma_start3A_253 = arith.constant 10 : i32
    %dma_start3A_254 = arith.constant 0 : i32
    %dma_start3A_255 = tpu.memref_slice %arg4[%dma_start3A_253, %mul3A_2, %dma_start3A_254] : memref<13x4096x256xf32, #tpu.memory_space<hbm>> -> memref<1x128x256xf32, #tpu.memory_space<hbm>>
    %dma_start3A_256 = tpu.memref_squeeze %dma_start3A_255 : memref<1x128x256xf32, #tpu.memory_space<hbm>> -> memref<128x256xf32, #tpu.memory_space<hbm>>
    %dma_start3A_257 = arith.constant 0 : i32
    %dma_start3A_258 = tpu.memref_slice %arg4[%dma_start3A_253, %mul3A_2, %dma_start3A_257] : memref<13x4096x256xf32, #tpu.memory_space<hbm>> -> memref<1x128x256xf32, #tpu.memory_space<hbm>>
    %dma_start3A_259 = tpu.memref_squeeze %dma_start3A_258 : memref<1x128x256xf32, #tpu.memory_space<hbm>> -> memref<128x256xf32, #tpu.memory_space<hbm>>
    tpu.enqueue_dma source(%arg7 : memref<128x256xf32, #tpu.memory_space<vmem>>) target(%dma_start3A_259 : memref<128x256xf32, #tpu.memory_space<hbm>>) target_semaphore(%arg13 : memref<!tpu.dma_semaphore, #tpu.memory_space<semaphore_mem>>)
    %dma_wait3A_260 = arith.constant 9 : i32
    %dma_wait3A_261 = arith.constant 0 : i32
    %dma_wait3A_262 = tpu.memref_slice %arg4[%dma_wait3A_260, %mul3A_2, %dma_wait3A_261] : memref<13x4096x256xf32, #tpu.memory_space<hbm>> -> memref<1x128x256xf32, #tpu.memory_space<hbm>>
    %dma_wait3A_263 = tpu.memref_squeeze %dma_wait3A_262 : memref<1x128x256xf32, #tpu.memory_space<hbm>> -> memref<128x256xf32, #tpu.memory_space<hbm>>
    %dma_wait3A_264 = arith.constant 0 : i32
    %dma_wait3A_265 = tpu.memref_slice %arg4[%dma_wait3A_260, %mul3A_2, %dma_wait3A_264] : memref<13x4096x256xf32, #tpu.memory_space<hbm>> -> memref<1x128x256xf32, #tpu.memory_space<hbm>>
    %dma_wait3A_266 = tpu.memref_squeeze %dma_wait3A_265 : memref<1x128x256xf32, #tpu.memory_space<hbm>> -> memref<128x256xf32, #tpu.memory_space<hbm>>
    tpu.wait_dma2 semaphore(%arg12 : memref<!tpu.dma_semaphore, #tpu.memory_space<semaphore_mem>>) src(%arg6 : memref<128x256xf32, #tpu.memory_space<vmem>>) dst(%dma_wait3A_266 : memref<128x256xf32, #tpu.memory_space<hbm>>)
    %dma_start3A_267 = arith.constant 1536 : i32
    %dma_start3A_268 = tpu.memref_slice %arg5[%dma_start3A_267] : memref<1664xi32, #tpu.memory_space<vmem>> -> memref<128xi32, #tpu.memory_space<vmem>>
    %dma_start3A_269 = arith.constant 0 : i32
    %dma_start3A_270 = arith.constant 0 : i32
    %dma_start3A_271 = tpu.memref_slice %arg2[%dma_start3A_269, %dma_start3A_270] : memref<50000x256xf32, #tpu.memory_space<hbm>> -> memref<50000x256xf32, #tpu.memory_space<hbm>>
    tpu.enqueue_indirect_dma source(%dma_start3A_271 : memref<50000x256xf32, #tpu.memory_space<hbm>>) target(%arg6 : memref<128x256xf32, #tpu.memory_space<vmem>>) offsets(%dma_start3A_268 : memref<128xi32, #tpu.memory_space<vmem>>) semaphore(%arg9 : memref<!tpu.dma_semaphore, #tpu.memory_space<semaphore_mem>>)
    %dma_wait3A_272 = arith.constant 1408 : i32
    %dma_wait3A_273 = tpu.memref_slice %arg5[%dma_wait3A_272] : memref<1664xi32, #tpu.memory_space<vmem>> -> memref<128xi32, #tpu.memory_space<vmem>>
    %dma_wait3A_274 = arith.constant 0 : i32
    %dma_wait3A_275 = arith.constant 0 : i32
    %dma_wait3A_276 = tpu.memref_slice %arg2[%dma_wait3A_274, %dma_wait3A_275] : memref<50000x256xf32, #tpu.memory_space<hbm>> -> memref<50000x256xf32, #tpu.memory_space<hbm>>
    tpu.wait_indirect_dma semaphore(%arg11 : memref<!tpu.dma_semaphore, #tpu.memory_space<semaphore_mem>>) src(%dma_wait3A_276 : memref<50000x256xf32, #tpu.memory_space<hbm>>) dst(%arg8 : memref<128x256xf32, #tpu.memory_space<vmem>>)
    %dma_start3A_277 = arith.constant 11 : i32
    %dma_start3A_278 = arith.constant 0 : i32
    %dma_start3A_279 = tpu.memref_slice %arg4[%dma_start3A_277, %mul3A_2, %dma_start3A_278] : memref<13x4096x256xf32, #tpu.memory_space<hbm>> -> memref<1x128x256xf32, #tpu.memory_space<hbm>>
    %dma_start3A_280 = tpu.memref_squeeze %dma_start3A_279 : memref<1x128x256xf32, #tpu.memory_space<hbm>> -> memref<128x256xf32, #tpu.memory_space<hbm>>
    %dma_start3A_281 = arith.constant 0 : i32
    %dma_start3A_282 = tpu.memref_slice %arg4[%dma_start3A_277, %mul3A_2, %dma_start3A_281] : memref<13x4096x256xf32, #tpu.memory_space<hbm>> -> memref<1x128x256xf32, #tpu.memory_space<hbm>>
    %dma_start3A_283 = tpu.memref_squeeze %dma_start3A_282 : memref<1x128x256xf32, #tpu.memory_space<hbm>> -> memref<128x256xf32, #tpu.memory_space<hbm>>
    tpu.enqueue_dma source(%arg8 : memref<128x256xf32, #tpu.memory_space<vmem>>) target(%dma_start3A_283 : memref<128x256xf32, #tpu.memory_space<hbm>>) target_semaphore(%arg14 : memref<!tpu.dma_semaphore, #tpu.memory_space<semaphore_mem>>)
    %dma_wait3A_284 = arith.constant 1536 : i32
    %dma_wait3A_285 = tpu.memref_slice %arg5[%dma_wait3A_284] : memref<1664xi32, #tpu.memory_space<vmem>> -> memref<128xi32, #tpu.memory_space<vmem>>
    %dma_wait3A_286 = arith.constant 0 : i32
    %dma_wait3A_287 = arith.constant 0 : i32
    %dma_wait3A_288 = tpu.memref_slice %arg2[%dma_wait3A_286, %dma_wait3A_287] : memref<50000x256xf32, #tpu.memory_space<hbm>> -> memref<50000x256xf32, #tpu.memory_space<hbm>>
    tpu.wait_indirect_dma semaphore(%arg9 : memref<!tpu.dma_semaphore, #tpu.memory_space<semaphore_mem>>) src(%dma_wait3A_288 : memref<50000x256xf32, #tpu.memory_space<hbm>>) dst(%arg6 : memref<128x256xf32, #tpu.memory_space<vmem>>)
    %dma_start3A_289 = arith.constant 12 : i32
    %dma_start3A_290 = arith.constant 0 : i32
    %dma_start3A_291 = tpu.memref_slice %arg4[%dma_start3A_289, %mul3A_2, %dma_start3A_290] : memref<13x4096x256xf32, #tpu.memory_space<hbm>> -> memref<1x128x256xf32, #tpu.memory_space<hbm>>
    %dma_start3A_292 = tpu.memref_squeeze %dma_start3A_291 : memref<1x128x256xf32, #tpu.memory_space<hbm>> -> memref<128x256xf32, #tpu.memory_space<hbm>>
    %dma_start3A_293 = arith.constant 0 : i32
    %dma_start3A_294 = tpu.memref_slice %arg4[%dma_start3A_289, %mul3A_2, %dma_start3A_293] : memref<13x4096x256xf32, #tpu.memory_space<hbm>> -> memref<1x128x256xf32, #tpu.memory_space<hbm>>
    %dma_start3A_295 = tpu.memref_squeeze %dma_start3A_294 : memref<1x128x256xf32, #tpu.memory_space<hbm>> -> memref<128x256xf32, #tpu.memory_space<hbm>>
    tpu.enqueue_dma source(%arg6 : memref<128x256xf32, #tpu.memory_space<vmem>>) target(%dma_start3A_295 : memref<128x256xf32, #tpu.memory_space<hbm>>) target_semaphore(%arg12 : memref<!tpu.dma_semaphore, #tpu.memory_space<semaphore_mem>>)
    %dma_wait3A_296 = arith.constant 10 : i32
    %dma_wait3A_297 = arith.constant 0 : i32
    %dma_wait3A_298 = tpu.memref_slice %arg4[%dma_wait3A_296, %mul3A_2, %dma_wait3A_297] : memref<13x4096x256xf32, #tpu.memory_space<hbm>> -> memref<1x128x256xf32, #tpu.memory_space<hbm>>
    %dma_wait3A_299 = tpu.memref_squeeze %dma_wait3A_298 : memref<1x128x256xf32, #tpu.memory_space<hbm>> -> memref<128x256xf32, #tpu.memory_space<hbm>>
    %dma_wait3A_300 = arith.constant 0 : i32
    %dma_wait3A_301 = tpu.memref_slice %arg4[%dma_wait3A_296, %mul3A_2, %dma_wait3A_300] : memref<13x4096x256xf32, #tpu.memory_space<hbm>> -> memref<1x128x256xf32, #tpu.memory_space<hbm>>
    %dma_wait3A_302 = tpu.memref_squeeze %dma_wait3A_301 : memref<1x128x256xf32, #tpu.memory_space<hbm>> -> memref<128x256xf32, #tpu.memory_space<hbm>>
    tpu.wait_dma2 semaphore(%arg13 : memref<!tpu.dma_semaphore, #tpu.memory_space<semaphore_mem>>) src(%arg7 : memref<128x256xf32, #tpu.memory_space<vmem>>) dst(%dma_wait3A_302 : memref<128x256xf32, #tpu.memory_space<hbm>>)
    %dma_wait3A_303 = arith.constant 11 : i32
    %dma_wait3A_304 = arith.constant 0 : i32
    %dma_wait3A_305 = tpu.memref_slice %arg4[%dma_wait3A_303, %mul3A_2, %dma_wait3A_304] : memref<13x4096x256xf32, #tpu.memory_space<hbm>> -> memref<1x128x256xf32, #tpu.memory_space<hbm>>
    %dma_wait3A_306 = tpu.memref_squeeze %dma_wait3A_305 : memref<1x128x256xf32, #tpu.memory_space<hbm>> -> memref<128x256xf32, #tpu.memory_space<hbm>>
    %dma_wait3A_307 = arith.constant 0 : i32
    %dma_wait3A_308 = tpu.memref_slice %arg4[%dma_wait3A_303, %mul3A_2, %dma_wait3A_307] : memref<13x4096x256xf32, #tpu.memory_space<hbm>> -> memref<1x128x256xf32, #tpu.memory_space<hbm>>
    %dma_wait3A_309 = tpu.memref_squeeze %dma_wait3A_308 : memref<1x128x256xf32, #tpu.memory_space<hbm>> -> memref<128x256xf32, #tpu.memory_space<hbm>>
    tpu.wait_dma2 semaphore(%arg14 : memref<!tpu.dma_semaphore, #tpu.memory_space<semaphore_mem>>) src(%arg8 : memref<128x256xf32, #tpu.memory_space<vmem>>) dst(%dma_wait3A_309 : memref<128x256xf32, #tpu.memory_space<hbm>>)
    %dma_wait3A_310 = arith.constant 12 : i32
    %dma_wait3A_311 = arith.constant 0 : i32
    %dma_wait3A_312 = tpu.memref_slice %arg4[%dma_wait3A_310, %mul3A_2, %dma_wait3A_311] : memref<13x4096x256xf32, #tpu.memory_space<hbm>> -> memref<1x128x256xf32, #tpu.memory_space<hbm>>
    %dma_wait3A_313 = tpu.memref_squeeze %dma_wait3A_312 : memref<1x128x256xf32, #tpu.memory_space<hbm>> -> memref<128x256xf32, #tpu.memory_space<hbm>>
    %dma_wait3A_314 = arith.constant 0 : i32
    %dma_wait3A_315 = tpu.memref_slice %arg4[%dma_wait3A_310, %mul3A_2, %dma_wait3A_314] : memref<13x4096x256xf32, #tpu.memory_space<hbm>> -> memref<1x128x256xf32, #tpu.memory_space<hbm>>
    %dma_wait3A_316 = tpu.memref_squeeze %dma_wait3A_315 : memref<1x128x256xf32, #tpu.memory_space<hbm>> -> memref<128x256xf32, #tpu.memory_space<hbm>>
    tpu.wait_dma2 semaphore(%arg12 : memref<!tpu.dma_semaphore, #tpu.memory_space<semaphore_mem>>) src(%arg6 : memref<128x256xf32, #tpu.memory_space<vmem>>) dst(%dma_wait3A_316 : memref<128x256xf32, #tpu.memory_space<hbm>>)
    return
  }
}

module attributes {stable_mosaic.version = 14 : i64} {
  func.func @_xpose_body(%arg0: i32, %arg1: memref<256x8192xf32, #tpu.memory_space<vmem>>, %arg2: memref<8192x256xf32, #tpu.memory_space<vmem>>) attributes {dimension_semantics = [#tpu.dimension_semantics<arbitrary>], iteration_bounds = array<i64: 7>, scalar_prefetch = 0 : i64, scratch_operands = 0 : i64, tpu.core_type = #tpu.core_type<tc>, window_params = [{transform_indices = @transform_0, window_bounds = array<i64: 256, 8192>}, {transform_indices = @transform_1, window_bounds = array<i64: 8192, 256>}]} {
    %get3A = arith.constant 0 : index
    %get3A_0 = arith.constant 0 : index
    %get3A_1 = vector.load %arg1[%get3A, %get3A_0] : memref<256x8192xf32, #tpu.memory_space<vmem>>, vector<256x8192xf32>
    %transpose3A = tpu.transpose %get3A_1, [1, 0] : vector<256x8192xf32> -> vector<8192x256xf32>
    %swap3A = arith.constant 0 : index
    %swap3A_2 = arith.constant 0 : index
    %swap3A_3 = vector.load %arg2[%swap3A, %swap3A_2] : memref<8192x256xf32, #tpu.memory_space<vmem>>, vector<8192x256xf32>
    tpu.vector_store %arg2[%swap3A, %swap3A_2], %transpose3A {strides = array<i32>} : memref<8192x256xf32, #tpu.memory_space<vmem>>, vector<8192x256xf32>,
    return
  }
  func.func @transform_0(%arg0: i32) -> (i32, i32) {
    %c0_i32 = arith.constant 0 : i32
    %c0_i32_0 = arith.constant 0 : i32
    return %c0_i32, %arg0 : i32, i32
  }
  func.func @transform_1(%arg0: i32) -> (i32, i32) {
    %c0_i32 = arith.constant 0 : i32
    %c0_i32_0 = arith.constant 0 : i32
    return %arg0, %c0_i32 : i32, i32
  }
}

module attributes {stable_mosaic.version = 14 : i64} {
  func.func @body(%arg0: i32, %arg1: i32, %arg2: memref<13x512x256xf32, #tpu.memory_space<vmem>>, %arg3: memref<52x8x4x8x128xf32, #tpu.memory_space<vmem>>) attributes {dimension_semantics = [#tpu.dimension_semantics<arbitrary>, #tpu.dimension_semantics<arbitrary>], iteration_bounds = array<i64: 1, 8>, scalar_prefetch = 0 : i64, scratch_operands = 0 : i64, tpu.core_type = #tpu.core_type<tc>, window_params = [{transform_indices = @transform_0, window_bounds = array<i64: 13, 512, 256>}, {transform_indices = @transform_1, window_bounds = array<i64: 52, 8, 4, 8, 128>}]} {
    %get3A = arith.constant 0 : index
    %get3A_0 = arith.constant 0 : index
    %get3A_1 = arith.constant 0 : index
    %get3A_2 = vector.load %arg2[%get3A, %get3A_0, %get3A_1] : memref<13x512x256xf32, #tpu.memory_space<vmem>>, vector<1x128x256xf32>
    %get3A_3 = vector.shape_cast %get3A_2 : vector<1x128x256xf32> to vector<128x256xf32>
    %transpose3A = tpu.transpose %get3A_3, [1, 0] : vector<128x256xf32> -> vector<256x128xf32>
    %reshape3A = vector.shape_cast %transpose3A : vector<256x128xf32> to vector<4x8x1x8x128xf32>
    %swap3A = arith.constant 0 : index
    %swap3A_4 = arith.constant 0 : index
    %swap3A_5 = arith.constant 0 : index
    %swap3A_6 = arith.constant 0 : index
    %swap3A_7 = arith.constant 0 : index
    %swap3A_8 = vector.load %arg3[%swap3A, %swap3A_4, %swap3A_5, %swap3A_6, %swap3A_7] : memref<52x8x4x8x128xf32, #tpu.memory_space<vmem>>, vector<4x8x1x8x128xf32>
    tpu.vector_store %arg3[%swap3A, %swap3A_4, %swap3A_5, %swap3A_6, %swap3A_7], %reshape3A {strides = array<i32>} : memref<52x8x4x8x128xf32, #tpu.memory_space<vmem>>, vector<4x8x1x8x128xf32>,
    %get3A_9 = arith.constant 0 : index
    %get3A_10 = arith.constant 128 : index
    %get3A_11 = arith.constant 0 : index
    %get3A_12 = vector.load %arg2[%get3A_9, %get3A_10, %get3A_11] : memref<13x512x256xf32, #tpu.memory_space<vmem>>, vector<1x128x256xf32>
    %get3A_13 = vector.shape_cast %get3A_12 : vector<1x128x256xf32> to vector<128x256xf32>
    %transpose3A_14 = tpu.transpose %get3A_13, [1, 0] : vector<128x256xf32> -> vector<256x128xf32>
    %reshape3A_15 = vector.shape_cast %transpose3A_14 : vector<256x128xf32> to vector<4x8x1x8x128xf32>
    %swap3A_16 = arith.constant 0 : index
    %swap3A_17 = arith.constant 0 : index
    %swap3A_18 = arith.constant 1 : index
    %swap3A_19 = arith.constant 0 : index
    %swap3A_20 = arith.constant 0 : index
    %swap3A_21 = vector.load %arg3[%swap3A_16, %swap3A_17, %swap3A_18, %swap3A_19, %swap3A_20] : memref<52x8x4x8x128xf32, #tpu.memory_space<vmem>>, vector<4x8x1x8x128xf32>
    tpu.vector_store %arg3[%swap3A_16, %swap3A_17, %swap3A_18, %swap3A_19, %swap3A_20], %reshape3A_15 {strides = array<i32>} : memref<52x8x4x8x128xf32, #tpu.memory_space<vmem>>, vector<4x8x1x8x128xf32>,
    %get3A_22 = arith.constant 0 : index
    %get3A_23 = arith.constant 256 : index
    %get3A_24 = arith.constant 0 : index
    %get3A_25 = vector.load %arg2[%get3A_22, %get3A_23, %get3A_24] : memref<13x512x256xf32, #tpu.memory_space<vmem>>, vector<1x128x256xf32>
    %get3A_26 = vector.shape_cast %get3A_25 : vector<1x128x256xf32> to vector<128x256xf32>
    %transpose3A_27 = tpu.transpose %get3A_26, [1, 0] : vector<128x256xf32> -> vector<256x128xf32>
    %reshape3A_28 = vector.shape_cast %transpose3A_27 : vector<256x128xf32> to vector<4x8x1x8x128xf32>
    %swap3A_29 = arith.constant 0 : index
    %swap3A_30 = arith.constant 0 : index
    %swap3A_31 = arith.constant 2 : index
    %swap3A_32 = arith.constant 0 : index
    %swap3A_33 = arith.constant 0 : index
    %swap3A_34 = vector.load %arg3[%swap3A_29, %swap3A_30, %swap3A_31, %swap3A_32, %swap3A_33] : memref<52x8x4x8x128xf32, #tpu.memory_space<vmem>>, vector<4x8x1x8x128xf32>
    tpu.vector_store %arg3[%swap3A_29, %swap3A_30, %swap3A_31, %swap3A_32, %swap3A_33], %reshape3A_28 {strides = array<i32>} : memref<52x8x4x8x128xf32, #tpu.memory_space<vmem>>, vector<4x8x1x8x128xf32>,
    %get3A_35 = arith.constant 0 : index
    %get3A_36 = arith.constant 384 : index
    %get3A_37 = arith.constant 0 : index
    %get3A_38 = vector.load %arg2[%get3A_35, %get3A_36, %get3A_37] : memref<13x512x256xf32, #tpu.memory_space<vmem>>, vector<1x128x256xf32>
    %get3A_39 = vector.shape_cast %get3A_38 : vector<1x128x256xf32> to vector<128x256xf32>
    %transpose3A_40 = tpu.transpose %get3A_39, [1, 0] : vector<128x256xf32> -> vector<256x128xf32>
    %reshape3A_41 = vector.shape_cast %transpose3A_40 : vector<256x128xf32> to vector<4x8x1x8x128xf32>
    %swap3A_42 = arith.constant 0 : index
    %swap3A_43 = arith.constant 0 : index
    %swap3A_44 = arith.constant 3 : index
    %swap3A_45 = arith.constant 0 : index
    %swap3A_46 = arith.constant 0 : index
    %swap3A_47 = vector.load %arg3[%swap3A_42, %swap3A_43, %swap3A_44, %swap3A_45, %swap3A_46] : memref<52x8x4x8x128xf32, #tpu.memory_space<vmem>>, vector<4x8x1x8x128xf32>
    tpu.vector_store %arg3[%swap3A_42, %swap3A_43, %swap3A_44, %swap3A_45, %swap3A_46], %reshape3A_41 {strides = array<i32>} : memref<52x8x4x8x128xf32, #tpu.memory_space<vmem>>, vector<4x8x1x8x128xf32>,
    %get3A_48 = arith.constant 1 : index
    %get3A_49 = arith.constant 0 : index
    %get3A_50 = arith.constant 0 : index
    %get3A_51 = vector.load %arg2[%get3A_48, %get3A_49, %get3A_50] : memref<13x512x256xf32, #tpu.memory_space<vmem>>, vector<1x128x256xf32>
    %get3A_52 = vector.shape_cast %get3A_51 : vector<1x128x256xf32> to vector<128x256xf32>
    %transpose3A_53 = tpu.transpose %get3A_52, [1, 0] : vector<128x256xf32> -> vector<256x128xf32>
    %reshape3A_54 = vector.shape_cast %transpose3A_53 : vector<256x128xf32> to vector<4x8x1x8x128xf32>
    %swap3A_55 = arith.constant 4 : index
    %swap3A_56 = arith.constant 0 : index
    %swap3A_57 = arith.constant 0 : index
    %swap3A_58 = arith.constant 0 : index
    %swap3A_59 = arith.constant 0 : index
    %swap3A_60 = vector.load %arg3[%swap3A_55, %swap3A_56, %swap3A_57, %swap3A_58, %swap3A_59] : memref<52x8x4x8x128xf32, #tpu.memory_space<vmem>>, vector<4x8x1x8x128xf32>
    tpu.vector_store %arg3[%swap3A_55, %swap3A_56, %swap3A_57, %swap3A_58, %swap3A_59], %reshape3A_54 {strides = array<i32>} : memref<52x8x4x8x128xf32, #tpu.memory_space<vmem>>, vector<4x8x1x8x128xf32>,
    %get3A_61 = arith.constant 1 : index
    %get3A_62 = arith.constant 128 : index
    %get3A_63 = arith.constant 0 : index
    %get3A_64 = vector.load %arg2[%get3A_61, %get3A_62, %get3A_63] : memref<13x512x256xf32, #tpu.memory_space<vmem>>, vector<1x128x256xf32>
    %get3A_65 = vector.shape_cast %get3A_64 : vector<1x128x256xf32> to vector<128x256xf32>
    %transpose3A_66 = tpu.transpose %get3A_65, [1, 0] : vector<128x256xf32> -> vector<256x128xf32>
    %reshape3A_67 = vector.shape_cast %transpose3A_66 : vector<256x128xf32> to vector<4x8x1x8x128xf32>
    %swap3A_68 = arith.constant 4 : index
    %swap3A_69 = arith.constant 0 : index
    %swap3A_70 = arith.constant 1 : index
    %swap3A_71 = arith.constant 0 : index
    %swap3A_72 = arith.constant 0 : index
    %swap3A_73 = vector.load %arg3[%swap3A_68, %swap3A_69, %swap3A_70, %swap3A_71, %swap3A_72] : memref<52x8x4x8x128xf32, #tpu.memory_space<vmem>>, vector<4x8x1x8x128xf32>
    tpu.vector_store %arg3[%swap3A_68, %swap3A_69, %swap3A_70, %swap3A_71, %swap3A_72], %reshape3A_67 {strides = array<i32>} : memref<52x8x4x8x128xf32, #tpu.memory_space<vmem>>, vector<4x8x1x8x128xf32>,
    %get3A_74 = arith.constant 1 : index
    %get3A_75 = arith.constant 256 : index
    %get3A_76 = arith.constant 0 : index
    %get3A_77 = vector.load %arg2[%get3A_74, %get3A_75, %get3A_76] : memref<13x512x256xf32, #tpu.memory_space<vmem>>, vector<1x128x256xf32>
    %get3A_78 = vector.shape_cast %get3A_77 : vector<1x128x256xf32> to vector<128x256xf32>
    %transpose3A_79 = tpu.transpose %get3A_78, [1, 0] : vector<128x256xf32> -> vector<256x128xf32>
    %reshape3A_80 = vector.shape_cast %transpose3A_79 : vector<256x128xf32> to vector<4x8x1x8x128xf32>
    %swap3A_81 = arith.constant 4 : index
    %swap3A_82 = arith.constant 0 : index
    %swap3A_83 = arith.constant 2 : index
    %swap3A_84 = arith.constant 0 : index
    %swap3A_85 = arith.constant 0 : index
    %swap3A_86 = vector.load %arg3[%swap3A_81, %swap3A_82, %swap3A_83, %swap3A_84, %swap3A_85] : memref<52x8x4x8x128xf32, #tpu.memory_space<vmem>>, vector<4x8x1x8x128xf32>
    tpu.vector_store %arg3[%swap3A_81, %swap3A_82, %swap3A_83, %swap3A_84, %swap3A_85], %reshape3A_80 {strides = array<i32>} : memref<52x8x4x8x128xf32, #tpu.memory_space<vmem>>, vector<4x8x1x8x128xf32>,
    %get3A_87 = arith.constant 1 : index
    %get3A_88 = arith.constant 384 : index
    %get3A_89 = arith.constant 0 : index
    %get3A_90 = vector.load %arg2[%get3A_87, %get3A_88, %get3A_89] : memref<13x512x256xf32, #tpu.memory_space<vmem>>, vector<1x128x256xf32>
    %get3A_91 = vector.shape_cast %get3A_90 : vector<1x128x256xf32> to vector<128x256xf32>
    %transpose3A_92 = tpu.transpose %get3A_91, [1, 0] : vector<128x256xf32> -> vector<256x128xf32>
    %reshape3A_93 = vector.shape_cast %transpose3A_92 : vector<256x128xf32> to vector<4x8x1x8x128xf32>
    %swap3A_94 = arith.constant 4 : index
    %swap3A_95 = arith.constant 0 : index
    %swap3A_96 = arith.constant 3 : index
    %swap3A_97 = arith.constant 0 : index
    %swap3A_98 = arith.constant 0 : index
    %swap3A_99 = vector.load %arg3[%swap3A_94, %swap3A_95, %swap3A_96, %swap3A_97, %swap3A_98] : memref<52x8x4x8x128xf32, #tpu.memory_space<vmem>>, vector<4x8x1x8x128xf32>
    tpu.vector_store %arg3[%swap3A_94, %swap3A_95, %swap3A_96, %swap3A_97, %swap3A_98], %reshape3A_93 {strides = array<i32>} : memref<52x8x4x8x128xf32, #tpu.memory_space<vmem>>, vector<4x8x1x8x128xf32>,
    %get3A_100 = arith.constant 2 : index
    %get3A_101 = arith.constant 0 : index
    %get3A_102 = arith.constant 0 : index
    %get3A_103 = vector.load %arg2[%get3A_100, %get3A_101, %get3A_102] : memref<13x512x256xf32, #tpu.memory_space<vmem>>, vector<1x128x256xf32>
    %get3A_104 = vector.shape_cast %get3A_103 : vector<1x128x256xf32> to vector<128x256xf32>
    %transpose3A_105 = tpu.transpose %get3A_104, [1, 0] : vector<128x256xf32> -> vector<256x128xf32>
    %reshape3A_106 = vector.shape_cast %transpose3A_105 : vector<256x128xf32> to vector<4x8x1x8x128xf32>
    %swap3A_107 = arith.constant 8 : index
    %swap3A_108 = arith.constant 0 : index
    %swap3A_109 = arith.constant 0 : index
    %swap3A_110 = arith.constant 0 : index
    %swap3A_111 = arith.constant 0 : index
    %swap3A_112 = vector.load %arg3[%swap3A_107, %swap3A_108, %swap3A_109, %swap3A_110, %swap3A_111] : memref<52x8x4x8x128xf32, #tpu.memory_space<vmem>>, vector<4x8x1x8x128xf32>
    tpu.vector_store %arg3[%swap3A_107, %swap3A_108, %swap3A_109, %swap3A_110, %swap3A_111], %reshape3A_106 {strides = array<i32>} : memref<52x8x4x8x128xf32, #tpu.memory_space<vmem>>, vector<4x8x1x8x128xf32>,
    %get3A_113 = arith.constant 2 : index
    %get3A_114 = arith.constant 128 : index
    %get3A_115 = arith.constant 0 : index
    %get3A_116 = vector.load %arg2[%get3A_113, %get3A_114, %get3A_115] : memref<13x512x256xf32, #tpu.memory_space<vmem>>, vector<1x128x256xf32>
    %get3A_117 = vector.shape_cast %get3A_116 : vector<1x128x256xf32> to vector<128x256xf32>
    %transpose3A_118 = tpu.transpose %get3A_117, [1, 0] : vector<128x256xf32> -> vector<256x128xf32>
    %reshape3A_119 = vector.shape_cast %transpose3A_118 : vector<256x128xf32> to vector<4x8x1x8x128xf32>
    %swap3A_120 = arith.constant 8 : index
    %swap3A_121 = arith.constant 0 : index
    %swap3A_122 = arith.constant 1 : index
    %swap3A_123 = arith.constant 0 : index
    %swap3A_124 = arith.constant 0 : index
    %swap3A_125 = vector.load %arg3[%swap3A_120, %swap3A_121, %swap3A_122, %swap3A_123, %swap3A_124] : memref<52x8x4x8x128xf32, #tpu.memory_space<vmem>>, vector<4x8x1x8x128xf32>
    tpu.vector_store %arg3[%swap3A_120, %swap3A_121, %swap3A_122, %swap3A_123, %swap3A_124], %reshape3A_119 {strides = array<i32>} : memref<52x8x4x8x128xf32, #tpu.memory_space<vmem>>, vector<4x8x1x8x128xf32>,
    %get3A_126 = arith.constant 2 : index
    %get3A_127 = arith.constant 256 : index
    %get3A_128 = arith.constant 0 : index
    %get3A_129 = vector.load %arg2[%get3A_126, %get3A_127, %get3A_128] : memref<13x512x256xf32, #tpu.memory_space<vmem>>, vector<1x128x256xf32>
    %get3A_130 = vector.shape_cast %get3A_129 : vector<1x128x256xf32> to vector<128x256xf32>
    %transpose3A_131 = tpu.transpose %get3A_130, [1, 0] : vector<128x256xf32> -> vector<256x128xf32>
    %reshape3A_132 = vector.shape_cast %transpose3A_131 : vector<256x128xf32> to vector<4x8x1x8x128xf32>
    %swap3A_133 = arith.constant 8 : index
    %swap3A_134 = arith.constant 0 : index
    %swap3A_135 = arith.constant 2 : index
    %swap3A_136 = arith.constant 0 : index
    %swap3A_137 = arith.constant 0 : index
    %swap3A_138 = vector.load %arg3[%swap3A_133, %swap3A_134, %swap3A_135, %swap3A_136, %swap3A_137] : memref<52x8x4x8x128xf32, #tpu.memory_space<vmem>>, vector<4x8x1x8x128xf32>
    tpu.vector_store %arg3[%swap3A_133, %swap3A_134, %swap3A_135, %swap3A_136, %swap3A_137], %reshape3A_132 {strides = array<i32>} : memref<52x8x4x8x128xf32, #tpu.memory_space<vmem>>, vector<4x8x1x8x128xf32>,
    %get3A_139 = arith.constant 2 : index
    %get3A_140 = arith.constant 384 : index
    %get3A_141 = arith.constant 0 : index
    %get3A_142 = vector.load %arg2[%get3A_139, %get3A_140, %get3A_141] : memref<13x512x256xf32, #tpu.memory_space<vmem>>, vector<1x128x256xf32>
    %get3A_143 = vector.shape_cast %get3A_142 : vector<1x128x256xf32> to vector<128x256xf32>
    %transpose3A_144 = tpu.transpose %get3A_143, [1, 0] : vector<128x256xf32> -> vector<256x128xf32>
    %reshape3A_145 = vector.shape_cast %transpose3A_144 : vector<256x128xf32> to vector<4x8x1x8x128xf32>
    %swap3A_146 = arith.constant 8 : index
    %swap3A_147 = arith.constant 0 : index
    %swap3A_148 = arith.constant 3 : index
    %swap3A_149 = arith.constant 0 : index
    %swap3A_150 = arith.constant 0 : index
    %swap3A_151 = vector.load %arg3[%swap3A_146, %swap3A_147, %swap3A_148, %swap3A_149, %swap3A_150] : memref<52x8x4x8x128xf32, #tpu.memory_space<vmem>>, vector<4x8x1x8x128xf32>
    tpu.vector_store %arg3[%swap3A_146, %swap3A_147, %swap3A_148, %swap3A_149, %swap3A_150], %reshape3A_145 {strides = array<i32>} : memref<52x8x4x8x128xf32, #tpu.memory_space<vmem>>, vector<4x8x1x8x128xf32>,
    %get3A_152 = arith.constant 3 : index
    %get3A_153 = arith.constant 0 : index
    %get3A_154 = arith.constant 0 : index
    %get3A_155 = vector.load %arg2[%get3A_152, %get3A_153, %get3A_154] : memref<13x512x256xf32, #tpu.memory_space<vmem>>, vector<1x128x256xf32>
    %get3A_156 = vector.shape_cast %get3A_155 : vector<1x128x256xf32> to vector<128x256xf32>
    %transpose3A_157 = tpu.transpose %get3A_156, [1, 0] : vector<128x256xf32> -> vector<256x128xf32>
    %reshape3A_158 = vector.shape_cast %transpose3A_157 : vector<256x128xf32> to vector<4x8x1x8x128xf32>
    %swap3A_159 = arith.constant 12 : index
    %swap3A_160 = arith.constant 0 : index
    %swap3A_161 = arith.constant 0 : index
    %swap3A_162 = arith.constant 0 : index
    %swap3A_163 = arith.constant 0 : index
    %swap3A_164 = vector.load %arg3[%swap3A_159, %swap3A_160, %swap3A_161, %swap3A_162, %swap3A_163] : memref<52x8x4x8x128xf32, #tpu.memory_space<vmem>>, vector<4x8x1x8x128xf32>
    tpu.vector_store %arg3[%swap3A_159, %swap3A_160, %swap3A_161, %swap3A_162, %swap3A_163], %reshape3A_158 {strides = array<i32>} : memref<52x8x4x8x128xf32, #tpu.memory_space<vmem>>, vector<4x8x1x8x128xf32>,
    %get3A_165 = arith.constant 3 : index
    %get3A_166 = arith.constant 128 : index
    %get3A_167 = arith.constant 0 : index
    %get3A_168 = vector.load %arg2[%get3A_165, %get3A_166, %get3A_167] : memref<13x512x256xf32, #tpu.memory_space<vmem>>, vector<1x128x256xf32>
    %get3A_169 = vector.shape_cast %get3A_168 : vector<1x128x256xf32> to vector<128x256xf32>
    %transpose3A_170 = tpu.transpose %get3A_169, [1, 0] : vector<128x256xf32> -> vector<256x128xf32>
    %reshape3A_171 = vector.shape_cast %transpose3A_170 : vector<256x128xf32> to vector<4x8x1x8x128xf32>
    %swap3A_172 = arith.constant 12 : index
    %swap3A_173 = arith.constant 0 : index
    %swap3A_174 = arith.constant 1 : index
    %swap3A_175 = arith.constant 0 : index
    %swap3A_176 = arith.constant 0 : index
    %swap3A_177 = vector.load %arg3[%swap3A_172, %swap3A_173, %swap3A_174, %swap3A_175, %swap3A_176] : memref<52x8x4x8x128xf32, #tpu.memory_space<vmem>>, vector<4x8x1x8x128xf32>
    tpu.vector_store %arg3[%swap3A_172, %swap3A_173, %swap3A_174, %swap3A_175, %swap3A_176], %reshape3A_171 {strides = array<i32>} : memref<52x8x4x8x128xf32, #tpu.memory_space<vmem>>, vector<4x8x1x8x128xf32>,
    %get3A_178 = arith.constant 3 : index
    %get3A_179 = arith.constant 256 : index
    %get3A_180 = arith.constant 0 : index
    %get3A_181 = vector.load %arg2[%get3A_178, %get3A_179, %get3A_180] : memref<13x512x256xf32, #tpu.memory_space<vmem>>, vector<1x128x256xf32>
    %get3A_182 = vector.shape_cast %get3A_181 : vector<1x128x256xf32> to vector<128x256xf32>
    %transpose3A_183 = tpu.transpose %get3A_182, [1, 0] : vector<128x256xf32> -> vector<256x128xf32>
    %reshape3A_184 = vector.shape_cast %transpose3A_183 : vector<256x128xf32> to vector<4x8x1x8x128xf32>
    %swap3A_185 = arith.constant 12 : index
    %swap3A_186 = arith.constant 0 : index
    %swap3A_187 = arith.constant 2 : index
    %swap3A_188 = arith.constant 0 : index
    %swap3A_189 = arith.constant 0 : index
    %swap3A_190 = vector.load %arg3[%swap3A_185, %swap3A_186, %swap3A_187, %swap3A_188, %swap3A_189] : memref<52x8x4x8x128xf32, #tpu.memory_space<vmem>>, vector<4x8x1x8x128xf32>
    tpu.vector_store %arg3[%swap3A_185, %swap3A_186, %swap3A_187, %swap3A_188, %swap3A_189], %reshape3A_184 {strides = array<i32>} : memref<52x8x4x8x128xf32, #tpu.memory_space<vmem>>, vector<4x8x1x8x128xf32>,
    %get3A_191 = arith.constant 3 : index
    %get3A_192 = arith.constant 384 : index
    %get3A_193 = arith.constant 0 : index
    %get3A_194 = vector.load %arg2[%get3A_191, %get3A_192, %get3A_193] : memref<13x512x256xf32, #tpu.memory_space<vmem>>, vector<1x128x256xf32>
    %get3A_195 = vector.shape_cast %get3A_194 : vector<1x128x256xf32> to vector<128x256xf32>
    %transpose3A_196 = tpu.transpose %get3A_195, [1, 0] : vector<128x256xf32> -> vector<256x128xf32>
    %reshape3A_197 = vector.shape_cast %transpose3A_196 : vector<256x128xf32> to vector<4x8x1x8x128xf32>
    %swap3A_198 = arith.constant 12 : index
    %swap3A_199 = arith.constant 0 : index
    %swap3A_200 = arith.constant 3 : index
    %swap3A_201 = arith.constant 0 : index
    %swap3A_202 = arith.constant 0 : index
    %swap3A_203 = vector.load %arg3[%swap3A_198, %swap3A_199, %swap3A_200, %swap3A_201, %swap3A_202] : memref<52x8x4x8x128xf32, #tpu.memory_space<vmem>>, vector<4x8x1x8x128xf32>
    tpu.vector_store %arg3[%swap3A_198, %swap3A_199, %swap3A_200, %swap3A_201, %swap3A_202], %reshape3A_197 {strides = array<i32>} : memref<52x8x4x8x128xf32, #tpu.memory_space<vmem>>, vector<4x8x1x8x128xf32>,
    %get3A_204 = arith.constant 4 : index
    %get3A_205 = arith.constant 0 : index
    %get3A_206 = arith.constant 0 : index
    %get3A_207 = vector.load %arg2[%get3A_204, %get3A_205, %get3A_206] : memref<13x512x256xf32, #tpu.memory_space<vmem>>, vector<1x128x256xf32>
    %get3A_208 = vector.shape_cast %get3A_207 : vector<1x128x256xf32> to vector<128x256xf32>
    %transpose3A_209 = tpu.transpose %get3A_208, [1, 0] : vector<128x256xf32> -> vector<256x128xf32>
    %reshape3A_210 = vector.shape_cast %transpose3A_209 : vector<256x128xf32> to vector<4x8x1x8x128xf32>
    %swap3A_211 = arith.constant 16 : index
    %swap3A_212 = arith.constant 0 : index
    %swap3A_213 = arith.constant 0 : index
    %swap3A_214 = arith.constant 0 : index
    %swap3A_215 = arith.constant 0 : index
    %swap3A_216 = vector.load %arg3[%swap3A_211, %swap3A_212, %swap3A_213, %swap3A_214, %swap3A_215] : memref<52x8x4x8x128xf32, #tpu.memory_space<vmem>>, vector<4x8x1x8x128xf32>
    tpu.vector_store %arg3[%swap3A_211, %swap3A_212, %swap3A_213, %swap3A_214, %swap3A_215], %reshape3A_210 {strides = array<i32>} : memref<52x8x4x8x128xf32, #tpu.memory_space<vmem>>, vector<4x8x1x8x128xf32>,
    %get3A_217 = arith.constant 4 : index
    %get3A_218 = arith.constant 128 : index
    %get3A_219 = arith.constant 0 : index
    %get3A_220 = vector.load %arg2[%get3A_217, %get3A_218, %get3A_219] : memref<13x512x256xf32, #tpu.memory_space<vmem>>, vector<1x128x256xf32>
    %get3A_221 = vector.shape_cast %get3A_220 : vector<1x128x256xf32> to vector<128x256xf32>
    %transpose3A_222 = tpu.transpose %get3A_221, [1, 0] : vector<128x256xf32> -> vector<256x128xf32>
    %reshape3A_223 = vector.shape_cast %transpose3A_222 : vector<256x128xf32> to vector<4x8x1x8x128xf32>
    %swap3A_224 = arith.constant 16 : index
    %swap3A_225 = arith.constant 0 : index
    %swap3A_226 = arith.constant 1 : index
    %swap3A_227 = arith.constant 0 : index
    %swap3A_228 = arith.constant 0 : index
    %swap3A_229 = vector.load %arg3[%swap3A_224, %swap3A_225, %swap3A_226, %swap3A_227, %swap3A_228] : memref<52x8x4x8x128xf32, #tpu.memory_space<vmem>>, vector<4x8x1x8x128xf32>
    tpu.vector_store %arg3[%swap3A_224, %swap3A_225, %swap3A_226, %swap3A_227, %swap3A_228], %reshape3A_223 {strides = array<i32>} : memref<52x8x4x8x128xf32, #tpu.memory_space<vmem>>, vector<4x8x1x8x128xf32>,
    %get3A_230 = arith.constant 4 : index
    %get3A_231 = arith.constant 256 : index
    %get3A_232 = arith.constant 0 : index
    %get3A_233 = vector.load %arg2[%get3A_230, %get3A_231, %get3A_232] : memref<13x512x256xf32, #tpu.memory_space<vmem>>, vector<1x128x256xf32>
    %get3A_234 = vector.shape_cast %get3A_233 : vector<1x128x256xf32> to vector<128x256xf32>
    %transpose3A_235 = tpu.transpose %get3A_234, [1, 0] : vector<128x256xf32> -> vector<256x128xf32>
    %reshape3A_236 = vector.shape_cast %transpose3A_235 : vector<256x128xf32> to vector<4x8x1x8x128xf32>
    %swap3A_237 = arith.constant 16 : index
    %swap3A_238 = arith.constant 0 : index
    %swap3A_239 = arith.constant 2 : index
    %swap3A_240 = arith.constant 0 : index
    %swap3A_241 = arith.constant 0 : index
    %swap3A_242 = vector.load %arg3[%swap3A_237, %swap3A_238, %swap3A_239, %swap3A_240, %swap3A_241] : memref<52x8x4x8x128xf32, #tpu.memory_space<vmem>>, vector<4x8x1x8x128xf32>
    tpu.vector_store %arg3[%swap3A_237, %swap3A_238, %swap3A_239, %swap3A_240, %swap3A_241], %reshape3A_236 {strides = array<i32>} : memref<52x8x4x8x128xf32, #tpu.memory_space<vmem>>, vector<4x8x1x8x128xf32>,
    %get3A_243 = arith.constant 4 : index
    %get3A_244 = arith.constant 384 : index
    %get3A_245 = arith.constant 0 : index
    %get3A_246 = vector.load %arg2[%get3A_243, %get3A_244, %get3A_245] : memref<13x512x256xf32, #tpu.memory_space<vmem>>, vector<1x128x256xf32>
    %get3A_247 = vector.shape_cast %get3A_246 : vector<1x128x256xf32> to vector<128x256xf32>
    %transpose3A_248 = tpu.transpose %get3A_247, [1, 0] : vector<128x256xf32> -> vector<256x128xf32>
    %reshape3A_249 = vector.shape_cast %transpose3A_248 : vector<256x128xf32> to vector<4x8x1x8x128xf32>
    %swap3A_250 = arith.constant 16 : index
    %swap3A_251 = arith.constant 0 : index
    %swap3A_252 = arith.constant 3 : index
    %swap3A_253 = arith.constant 0 : index
    %swap3A_254 = arith.constant 0 : index
    %swap3A_255 = vector.load %arg3[%swap3A_250, %swap3A_251, %swap3A_252, %swap3A_253, %swap3A_254] : memref<52x8x4x8x128xf32, #tpu.memory_space<vmem>>, vector<4x8x1x8x128xf32>
    tpu.vector_store %arg3[%swap3A_250, %swap3A_251, %swap3A_252, %swap3A_253, %swap3A_254], %reshape3A_249 {strides = array<i32>} : memref<52x8x4x8x128xf32, #tpu.memory_space<vmem>>, vector<4x8x1x8x128xf32>,
    %get3A_256 = arith.constant 5 : index
    %get3A_257 = arith.constant 0 : index
    %get3A_258 = arith.constant 0 : index
    %get3A_259 = vector.load %arg2[%get3A_256, %get3A_257, %get3A_258] : memref<13x512x256xf32, #tpu.memory_space<vmem>>, vector<1x128x256xf32>
    %get3A_260 = vector.shape_cast %get3A_259 : vector<1x128x256xf32> to vector<128x256xf32>
    %transpose3A_261 = tpu.transpose %get3A_260, [1, 0] : vector<128x256xf32> -> vector<256x128xf32>
    %reshape3A_262 = vector.shape_cast %transpose3A_261 : vector<256x128xf32> to vector<4x8x1x8x128xf32>
    %swap3A_263 = arith.constant 20 : index
    %swap3A_264 = arith.constant 0 : index
    %swap3A_265 = arith.constant 0 : index
    %swap3A_266 = arith.constant 0 : index
    %swap3A_267 = arith.constant 0 : index
    %swap3A_268 = vector.load %arg3[%swap3A_263, %swap3A_264, %swap3A_265, %swap3A_266, %swap3A_267] : memref<52x8x4x8x128xf32, #tpu.memory_space<vmem>>, vector<4x8x1x8x128xf32>
    tpu.vector_store %arg3[%swap3A_263, %swap3A_264, %swap3A_265, %swap3A_266, %swap3A_267], %reshape3A_262 {strides = array<i32>} : memref<52x8x4x8x128xf32, #tpu.memory_space<vmem>>, vector<4x8x1x8x128xf32>,
    %get3A_269 = arith.constant 5 : index
    %get3A_270 = arith.constant 128 : index
    %get3A_271 = arith.constant 0 : index
    %get3A_272 = vector.load %arg2[%get3A_269, %get3A_270, %get3A_271] : memref<13x512x256xf32, #tpu.memory_space<vmem>>, vector<1x128x256xf32>
    %get3A_273 = vector.shape_cast %get3A_272 : vector<1x128x256xf32> to vector<128x256xf32>
    %transpose3A_274 = tpu.transpose %get3A_273, [1, 0] : vector<128x256xf32> -> vector<256x128xf32>
    %reshape3A_275 = vector.shape_cast %transpose3A_274 : vector<256x128xf32> to vector<4x8x1x8x128xf32>
    %swap3A_276 = arith.constant 20 : index
    %swap3A_277 = arith.constant 0 : index
    %swap3A_278 = arith.constant 1 : index
    %swap3A_279 = arith.constant 0 : index
    %swap3A_280 = arith.constant 0 : index
    %swap3A_281 = vector.load %arg3[%swap3A_276, %swap3A_277, %swap3A_278, %swap3A_279, %swap3A_280] : memref<52x8x4x8x128xf32, #tpu.memory_space<vmem>>, vector<4x8x1x8x128xf32>
    tpu.vector_store %arg3[%swap3A_276, %swap3A_277, %swap3A_278, %swap3A_279, %swap3A_280], %reshape3A_275 {strides = array<i32>} : memref<52x8x4x8x128xf32, #tpu.memory_space<vmem>>, vector<4x8x1x8x128xf32>,
    %get3A_282 = arith.constant 5 : index
    %get3A_283 = arith.constant 256 : index
    %get3A_284 = arith.constant 0 : index
    %get3A_285 = vector.load %arg2[%get3A_282, %get3A_283, %get3A_284] : memref<13x512x256xf32, #tpu.memory_space<vmem>>, vector<1x128x256xf32>
    %get3A_286 = vector.shape_cast %get3A_285 : vector<1x128x256xf32> to vector<128x256xf32>
    %transpose3A_287 = tpu.transpose %get3A_286, [1, 0] : vector<128x256xf32> -> vector<256x128xf32>
    %reshape3A_288 = vector.shape_cast %transpose3A_287 : vector<256x128xf32> to vector<4x8x1x8x128xf32>
    %swap3A_289 = arith.constant 20 : index
    %swap3A_290 = arith.constant 0 : index
    %swap3A_291 = arith.constant 2 : index
    %swap3A_292 = arith.constant 0 : index
    %swap3A_293 = arith.constant 0 : index
    %swap3A_294 = vector.load %arg3[%swap3A_289, %swap3A_290, %swap3A_291, %swap3A_292, %swap3A_293] : memref<52x8x4x8x128xf32, #tpu.memory_space<vmem>>, vector<4x8x1x8x128xf32>
    tpu.vector_store %arg3[%swap3A_289, %swap3A_290, %swap3A_291, %swap3A_292, %swap3A_293], %reshape3A_288 {strides = array<i32>} : memref<52x8x4x8x128xf32, #tpu.memory_space<vmem>>, vector<4x8x1x8x128xf32>,
    %get3A_295 = arith.constant 5 : index
    %get3A_296 = arith.constant 384 : index
    %get3A_297 = arith.constant 0 : index
    %get3A_298 = vector.load %arg2[%get3A_295, %get3A_296, %get3A_297] : memref<13x512x256xf32, #tpu.memory_space<vmem>>, vector<1x128x256xf32>
    %get3A_299 = vector.shape_cast %get3A_298 : vector<1x128x256xf32> to vector<128x256xf32>
    %transpose3A_300 = tpu.transpose %get3A_299, [1, 0] : vector<128x256xf32> -> vector<256x128xf32>
    %reshape3A_301 = vector.shape_cast %transpose3A_300 : vector<256x128xf32> to vector<4x8x1x8x128xf32>
    %swap3A_302 = arith.constant 20 : index
    %swap3A_303 = arith.constant 0 : index
    %swap3A_304 = arith.constant 3 : index
    %swap3A_305 = arith.constant 0 : index
    %swap3A_306 = arith.constant 0 : index
    %swap3A_307 = vector.load %arg3[%swap3A_302, %swap3A_303, %swap3A_304, %swap3A_305, %swap3A_306] : memref<52x8x4x8x128xf32, #tpu.memory_space<vmem>>, vector<4x8x1x8x128xf32>
    tpu.vector_store %arg3[%swap3A_302, %swap3A_303, %swap3A_304, %swap3A_305, %swap3A_306], %reshape3A_301 {strides = array<i32>} : memref<52x8x4x8x128xf32, #tpu.memory_space<vmem>>, vector<4x8x1x8x128xf32>,
    %get3A_308 = arith.constant 6 : index
    %get3A_309 = arith.constant 0 : index
    %get3A_310 = arith.constant 0 : index
    %get3A_311 = vector.load %arg2[%get3A_308, %get3A_309, %get3A_310] : memref<13x512x256xf32, #tpu.memory_space<vmem>>, vector<1x128x256xf32>
    %get3A_312 = vector.shape_cast %get3A_311 : vector<1x128x256xf32> to vector<128x256xf32>
    %transpose3A_313 = tpu.transpose %get3A_312, [1, 0] : vector<128x256xf32> -> vector<256x128xf32>
    %reshape3A_314 = vector.shape_cast %transpose3A_313 : vector<256x128xf32> to vector<4x8x1x8x128xf32>
    %swap3A_315 = arith.constant 24 : index
    %swap3A_316 = arith.constant 0 : index
    %swap3A_317 = arith.constant 0 : index
    %swap3A_318 = arith.constant 0 : index
    %swap3A_319 = arith.constant 0 : index
    %swap3A_320 = vector.load %arg3[%swap3A_315, %swap3A_316, %swap3A_317, %swap3A_318, %swap3A_319] : memref<52x8x4x8x128xf32, #tpu.memory_space<vmem>>, vector<4x8x1x8x128xf32>
    tpu.vector_store %arg3[%swap3A_315, %swap3A_316, %swap3A_317, %swap3A_318, %swap3A_319], %reshape3A_314 {strides = array<i32>} : memref<52x8x4x8x128xf32, #tpu.memory_space<vmem>>, vector<4x8x1x8x128xf32>,
    %get3A_321 = arith.constant 6 : index
    %get3A_322 = arith.constant 128 : index
    %get3A_323 = arith.constant 0 : index
    %get3A_324 = vector.load %arg2[%get3A_321, %get3A_322, %get3A_323] : memref<13x512x256xf32, #tpu.memory_space<vmem>>, vector<1x128x256xf32>
    %get3A_325 = vector.shape_cast %get3A_324 : vector<1x128x256xf32> to vector<128x256xf32>
    %transpose3A_326 = tpu.transpose %get3A_325, [1, 0] : vector<128x256xf32> -> vector<256x128xf32>
    %reshape3A_327 = vector.shape_cast %transpose3A_326 : vector<256x128xf32> to vector<4x8x1x8x128xf32>
    %swap3A_328 = arith.constant 24 : index
    %swap3A_329 = arith.constant 0 : index
    %swap3A_330 = arith.constant 1 : index
    %swap3A_331 = arith.constant 0 : index
    %swap3A_332 = arith.constant 0 : index
    %swap3A_333 = vector.load %arg3[%swap3A_328, %swap3A_329, %swap3A_330, %swap3A_331, %swap3A_332] : memref<52x8x4x8x128xf32, #tpu.memory_space<vmem>>, vector<4x8x1x8x128xf32>
    tpu.vector_store %arg3[%swap3A_328, %swap3A_329, %swap3A_330, %swap3A_331, %swap3A_332], %reshape3A_327 {strides = array<i32>} : memref<52x8x4x8x128xf32, #tpu.memory_space<vmem>>, vector<4x8x1x8x128xf32>,
    %get3A_334 = arith.constant 6 : index
    %get3A_335 = arith.constant 256 : index
    %get3A_336 = arith.constant 0 : index
    %get3A_337 = vector.load %arg2[%get3A_334, %get3A_335, %get3A_336] : memref<13x512x256xf32, #tpu.memory_space<vmem>>, vector<1x128x256xf32>
    %get3A_338 = vector.shape_cast %get3A_337 : vector<1x128x256xf32> to vector<128x256xf32>
    %transpose3A_339 = tpu.transpose %get3A_338, [1, 0] : vector<128x256xf32> -> vector<256x128xf32>
    %reshape3A_340 = vector.shape_cast %transpose3A_339 : vector<256x128xf32> to vector<4x8x1x8x128xf32>
    %swap3A_341 = arith.constant 24 : index
    %swap3A_342 = arith.constant 0 : index
    %swap3A_343 = arith.constant 2 : index
    %swap3A_344 = arith.constant 0 : index
    %swap3A_345 = arith.constant 0 : index
    %swap3A_346 = vector.load %arg3[%swap3A_341, %swap3A_342, %swap3A_343, %swap3A_344, %swap3A_345] : memref<52x8x4x8x128xf32, #tpu.memory_space<vmem>>, vector<4x8x1x8x128xf32>
    tpu.vector_store %arg3[%swap3A_341, %swap3A_342, %swap3A_343, %swap3A_344, %swap3A_345], %reshape3A_340 {strides = array<i32>} : memref<52x8x4x8x128xf32, #tpu.memory_space<vmem>>, vector<4x8x1x8x128xf32>,
    %get3A_347 = arith.constant 6 : index
    %get3A_348 = arith.constant 384 : index
    %get3A_349 = arith.constant 0 : index
    %get3A_350 = vector.load %arg2[%get3A_347, %get3A_348, %get3A_349] : memref<13x512x256xf32, #tpu.memory_space<vmem>>, vector<1x128x256xf32>
    %get3A_351 = vector.shape_cast %get3A_350 : vector<1x128x256xf32> to vector<128x256xf32>
    %transpose3A_352 = tpu.transpose %get3A_351, [1, 0] : vector<128x256xf32> -> vector<256x128xf32>
    %reshape3A_353 = vector.shape_cast %transpose3A_352 : vector<256x128xf32> to vector<4x8x1x8x128xf32>
    %swap3A_354 = arith.constant 24 : index
    %swap3A_355 = arith.constant 0 : index
    %swap3A_356 = arith.constant 3 : index
    %swap3A_357 = arith.constant 0 : index
    %swap3A_358 = arith.constant 0 : index
    %swap3A_359 = vector.load %arg3[%swap3A_354, %swap3A_355, %swap3A_356, %swap3A_357, %swap3A_358] : memref<52x8x4x8x128xf32, #tpu.memory_space<vmem>>, vector<4x8x1x8x128xf32>
    tpu.vector_store %arg3[%swap3A_354, %swap3A_355, %swap3A_356, %swap3A_357, %swap3A_358], %reshape3A_353 {strides = array<i32>} : memref<52x8x4x8x128xf32, #tpu.memory_space<vmem>>, vector<4x8x1x8x128xf32>,
    %get3A_360 = arith.constant 7 : index
    %get3A_361 = arith.constant 0 : index
    %get3A_362 = arith.constant 0 : index
    %get3A_363 = vector.load %arg2[%get3A_360, %get3A_361, %get3A_362] : memref<13x512x256xf32, #tpu.memory_space<vmem>>, vector<1x128x256xf32>
    %get3A_364 = vector.shape_cast %get3A_363 : vector<1x128x256xf32> to vector<128x256xf32>
    %transpose3A_365 = tpu.transpose %get3A_364, [1, 0] : vector<128x256xf32> -> vector<256x128xf32>
    %reshape3A_366 = vector.shape_cast %transpose3A_365 : vector<256x128xf32> to vector<4x8x1x8x128xf32>
    %swap3A_367 = arith.constant 28 : index
    %swap3A_368 = arith.constant 0 : index
    %swap3A_369 = arith.constant 0 : index
    %swap3A_370 = arith.constant 0 : index
    %swap3A_371 = arith.constant 0 : index
    %swap3A_372 = vector.load %arg3[%swap3A_367, %swap3A_368, %swap3A_369, %swap3A_370, %swap3A_371] : memref<52x8x4x8x128xf32, #tpu.memory_space<vmem>>, vector<4x8x1x8x128xf32>
    tpu.vector_store %arg3[%swap3A_367, %swap3A_368, %swap3A_369, %swap3A_370, %swap3A_371], %reshape3A_366 {strides = array<i32>} : memref<52x8x4x8x128xf32, #tpu.memory_space<vmem>>, vector<4x8x1x8x128xf32>,
    %get3A_373 = arith.constant 7 : index
    %get3A_374 = arith.constant 128 : index
    %get3A_375 = arith.constant 0 : index
    %get3A_376 = vector.load %arg2[%get3A_373, %get3A_374, %get3A_375] : memref<13x512x256xf32, #tpu.memory_space<vmem>>, vector<1x128x256xf32>
    %get3A_377 = vector.shape_cast %get3A_376 : vector<1x128x256xf32> to vector<128x256xf32>
    %transpose3A_378 = tpu.transpose %get3A_377, [1, 0] : vector<128x256xf32> -> vector<256x128xf32>
    %reshape3A_379 = vector.shape_cast %transpose3A_378 : vector<256x128xf32> to vector<4x8x1x8x128xf32>
    %swap3A_380 = arith.constant 28 : index
    %swap3A_381 = arith.constant 0 : index
    %swap3A_382 = arith.constant 1 : index
    %swap3A_383 = arith.constant 0 : index
    %swap3A_384 = arith.constant 0 : index
    %swap3A_385 = vector.load %arg3[%swap3A_380, %swap3A_381, %swap3A_382, %swap3A_383, %swap3A_384] : memref<52x8x4x8x128xf32, #tpu.memory_space<vmem>>, vector<4x8x1x8x128xf32>
    tpu.vector_store %arg3[%swap3A_380, %swap3A_381, %swap3A_382, %swap3A_383, %swap3A_384], %reshape3A_379 {strides = array<i32>} : memref<52x8x4x8x128xf32, #tpu.memory_space<vmem>>, vector<4x8x1x8x128xf32>,
    %get3A_386 = arith.constant 7 : index
    %get3A_387 = arith.constant 256 : index
    %get3A_388 = arith.constant 0 : index
    %get3A_389 = vector.load %arg2[%get3A_386, %get3A_387, %get3A_388] : memref<13x512x256xf32, #tpu.memory_space<vmem>>, vector<1x128x256xf32>
    %get3A_390 = vector.shape_cast %get3A_389 : vector<1x128x256xf32> to vector<128x256xf32>
    %transpose3A_391 = tpu.transpose %get3A_390, [1, 0] : vector<128x256xf32> -> vector<256x128xf32>
    %reshape3A_392 = vector.shape_cast %transpose3A_391 : vector<256x128xf32> to vector<4x8x1x8x128xf32>
    %swap3A_393 = arith.constant 28 : index
    %swap3A_394 = arith.constant 0 : index
    %swap3A_395 = arith.constant 2 : index
    %swap3A_396 = arith.constant 0 : index
    %swap3A_397 = arith.constant 0 : index
    %swap3A_398 = vector.load %arg3[%swap3A_393, %swap3A_394, %swap3A_395, %swap3A_396, %swap3A_397] : memref<52x8x4x8x128xf32, #tpu.memory_space<vmem>>, vector<4x8x1x8x128xf32>
    tpu.vector_store %arg3[%swap3A_393, %swap3A_394, %swap3A_395, %swap3A_396, %swap3A_397], %reshape3A_392 {strides = array<i32>} : memref<52x8x4x8x128xf32, #tpu.memory_space<vmem>>, vector<4x8x1x8x128xf32>,
    %get3A_399 = arith.constant 7 : index
    %get3A_400 = arith.constant 384 : index
    %get3A_401 = arith.constant 0 : index
    %get3A_402 = vector.load %arg2[%get3A_399, %get3A_400, %get3A_401] : memref<13x512x256xf32, #tpu.memory_space<vmem>>, vector<1x128x256xf32>
    %get3A_403 = vector.shape_cast %get3A_402 : vector<1x128x256xf32> to vector<128x256xf32>
    %transpose3A_404 = tpu.transpose %get3A_403, [1, 0] : vector<128x256xf32> -> vector<256x128xf32>
    %reshape3A_405 = vector.shape_cast %transpose3A_404 : vector<256x128xf32> to vector<4x8x1x8x128xf32>
    %swap3A_406 = arith.constant 28 : index
    %swap3A_407 = arith.constant 0 : index
    %swap3A_408 = arith.constant 3 : index
    %swap3A_409 = arith.constant 0 : index
    %swap3A_410 = arith.constant 0 : index
    %swap3A_411 = vector.load %arg3[%swap3A_406, %swap3A_407, %swap3A_408, %swap3A_409, %swap3A_410] : memref<52x8x4x8x128xf32, #tpu.memory_space<vmem>>, vector<4x8x1x8x128xf32>
    tpu.vector_store %arg3[%swap3A_406, %swap3A_407, %swap3A_408, %swap3A_409, %swap3A_410], %reshape3A_405 {strides = array<i32>} : memref<52x8x4x8x128xf32, #tpu.memory_space<vmem>>, vector<4x8x1x8x128xf32>,
    %get3A_412 = arith.constant 8 : index
    %get3A_413 = arith.constant 0 : index
    %get3A_414 = arith.constant 0 : index
    %get3A_415 = vector.load %arg2[%get3A_412, %get3A_413, %get3A_414] : memref<13x512x256xf32, #tpu.memory_space<vmem>>, vector<1x128x256xf32>
    %get3A_416 = vector.shape_cast %get3A_415 : vector<1x128x256xf32> to vector<128x256xf32>
    %transpose3A_417 = tpu.transpose %get3A_416, [1, 0] : vector<128x256xf32> -> vector<256x128xf32>
    %reshape3A_418 = vector.shape_cast %transpose3A_417 : vector<256x128xf32> to vector<4x8x1x8x128xf32>
    %swap3A_419 = arith.constant 32 : index
    %swap3A_420 = arith.constant 0 : index
    %swap3A_421 = arith.constant 0 : index
    %swap3A_422 = arith.constant 0 : index
    %swap3A_423 = arith.constant 0 : index
    %swap3A_424 = vector.load %arg3[%swap3A_419, %swap3A_420, %swap3A_421, %swap3A_422, %swap3A_423] : memref<52x8x4x8x128xf32, #tpu.memory_space<vmem>>, vector<4x8x1x8x128xf32>
    tpu.vector_store %arg3[%swap3A_419, %swap3A_420, %swap3A_421, %swap3A_422, %swap3A_423], %reshape3A_418 {strides = array<i32>} : memref<52x8x4x8x128xf32, #tpu.memory_space<vmem>>, vector<4x8x1x8x128xf32>,
    %get3A_425 = arith.constant 8 : index
    %get3A_426 = arith.constant 128 : index
    %get3A_427 = arith.constant 0 : index
    %get3A_428 = vector.load %arg2[%get3A_425, %get3A_426, %get3A_427] : memref<13x512x256xf32, #tpu.memory_space<vmem>>, vector<1x128x256xf32>
    %get3A_429 = vector.shape_cast %get3A_428 : vector<1x128x256xf32> to vector<128x256xf32>
    %transpose3A_430 = tpu.transpose %get3A_429, [1, 0] : vector<128x256xf32> -> vector<256x128xf32>
    %reshape3A_431 = vector.shape_cast %transpose3A_430 : vector<256x128xf32> to vector<4x8x1x8x128xf32>
    %swap3A_432 = arith.constant 32 : index
    %swap3A_433 = arith.constant 0 : index
    %swap3A_434 = arith.constant 1 : index
    %swap3A_435 = arith.constant 0 : index
    %swap3A_436 = arith.constant 0 : index
    %swap3A_437 = vector.load %arg3[%swap3A_432, %swap3A_433, %swap3A_434, %swap3A_435, %swap3A_436] : memref<52x8x4x8x128xf32, #tpu.memory_space<vmem>>, vector<4x8x1x8x128xf32>
    tpu.vector_store %arg3[%swap3A_432, %swap3A_433, %swap3A_434, %swap3A_435, %swap3A_436], %reshape3A_431 {strides = array<i32>} : memref<52x8x4x8x128xf32, #tpu.memory_space<vmem>>, vector<4x8x1x8x128xf32>,
    %get3A_438 = arith.constant 8 : index
    %get3A_439 = arith.constant 256 : index
    %get3A_440 = arith.constant 0 : index
    %get3A_441 = vector.load %arg2[%get3A_438, %get3A_439, %get3A_440] : memref<13x512x256xf32, #tpu.memory_space<vmem>>, vector<1x128x256xf32>
    %get3A_442 = vector.shape_cast %get3A_441 : vector<1x128x256xf32> to vector<128x256xf32>
    %transpose3A_443 = tpu.transpose %get3A_442, [1, 0] : vector<128x256xf32> -> vector<256x128xf32>
    %reshape3A_444 = vector.shape_cast %transpose3A_443 : vector<256x128xf32> to vector<4x8x1x8x128xf32>
    %swap3A_445 = arith.constant 32 : index
    %swap3A_446 = arith.constant 0 : index
    %swap3A_447 = arith.constant 2 : index
    %swap3A_448 = arith.constant 0 : index
    %swap3A_449 = arith.constant 0 : index
    %swap3A_450 = vector.load %arg3[%swap3A_445, %swap3A_446, %swap3A_447, %swap3A_448, %swap3A_449] : memref<52x8x4x8x128xf32, #tpu.memory_space<vmem>>, vector<4x8x1x8x128xf32>
    tpu.vector_store %arg3[%swap3A_445, %swap3A_446, %swap3A_447, %swap3A_448, %swap3A_449], %reshape3A_444 {strides = array<i32>} : memref<52x8x4x8x128xf32, #tpu.memory_space<vmem>>, vector<4x8x1x8x128xf32>,
    %get3A_451 = arith.constant 8 : index
    %get3A_452 = arith.constant 384 : index
    %get3A_453 = arith.constant 0 : index
    %get3A_454 = vector.load %arg2[%get3A_451, %get3A_452, %get3A_453] : memref<13x512x256xf32, #tpu.memory_space<vmem>>, vector<1x128x256xf32>
    %get3A_455 = vector.shape_cast %get3A_454 : vector<1x128x256xf32> to vector<128x256xf32>
    %transpose3A_456 = tpu.transpose %get3A_455, [1, 0] : vector<128x256xf32> -> vector<256x128xf32>
    %reshape3A_457 = vector.shape_cast %transpose3A_456 : vector<256x128xf32> to vector<4x8x1x8x128xf32>
    %swap3A_458 = arith.constant 32 : index
    %swap3A_459 = arith.constant 0 : index
    %swap3A_460 = arith.constant 3 : index
    %swap3A_461 = arith.constant 0 : index
    %swap3A_462 = arith.constant 0 : index
    %swap3A_463 = vector.load %arg3[%swap3A_458, %swap3A_459, %swap3A_460, %swap3A_461, %swap3A_462] : memref<52x8x4x8x128xf32, #tpu.memory_space<vmem>>, vector<4x8x1x8x128xf32>
    tpu.vector_store %arg3[%swap3A_458, %swap3A_459, %swap3A_460, %swap3A_461, %swap3A_462], %reshape3A_457 {strides = array<i32>} : memref<52x8x4x8x128xf32, #tpu.memory_space<vmem>>, vector<4x8x1x8x128xf32>,
    %get3A_464 = arith.constant 9 : index
    %get3A_465 = arith.constant 0 : index
    %get3A_466 = arith.constant 0 : index
    %get3A_467 = vector.load %arg2[%get3A_464, %get3A_465, %get3A_466] : memref<13x512x256xf32, #tpu.memory_space<vmem>>, vector<1x128x256xf32>
    %get3A_468 = vector.shape_cast %get3A_467 : vector<1x128x256xf32> to vector<128x256xf32>
    %transpose3A_469 = tpu.transpose %get3A_468, [1, 0] : vector<128x256xf32> -> vector<256x128xf32>
    %reshape3A_470 = vector.shape_cast %transpose3A_469 : vector<256x128xf32> to vector<4x8x1x8x128xf32>
    %swap3A_471 = arith.constant 36 : index
    %swap3A_472 = arith.constant 0 : index
    %swap3A_473 = arith.constant 0 : index
    %swap3A_474 = arith.constant 0 : index
    %swap3A_475 = arith.constant 0 : index
    %swap3A_476 = vector.load %arg3[%swap3A_471, %swap3A_472, %swap3A_473, %swap3A_474, %swap3A_475] : memref<52x8x4x8x128xf32, #tpu.memory_space<vmem>>, vector<4x8x1x8x128xf32>
    tpu.vector_store %arg3[%swap3A_471, %swap3A_472, %swap3A_473, %swap3A_474, %swap3A_475], %reshape3A_470 {strides = array<i32>} : memref<52x8x4x8x128xf32, #tpu.memory_space<vmem>>, vector<4x8x1x8x128xf32>,
    %get3A_477 = arith.constant 9 : index
    %get3A_478 = arith.constant 128 : index
    %get3A_479 = arith.constant 0 : index
    %get3A_480 = vector.load %arg2[%get3A_477, %get3A_478, %get3A_479] : memref<13x512x256xf32, #tpu.memory_space<vmem>>, vector<1x128x256xf32>
    %get3A_481 = vector.shape_cast %get3A_480 : vector<1x128x256xf32> to vector<128x256xf32>
    %transpose3A_482 = tpu.transpose %get3A_481, [1, 0] : vector<128x256xf32> -> vector<256x128xf32>
    %reshape3A_483 = vector.shape_cast %transpose3A_482 : vector<256x128xf32> to vector<4x8x1x8x128xf32>
    %swap3A_484 = arith.constant 36 : index
    %swap3A_485 = arith.constant 0 : index
    %swap3A_486 = arith.constant 1 : index
    %swap3A_487 = arith.constant 0 : index
    %swap3A_488 = arith.constant 0 : index
    %swap3A_489 = vector.load %arg3[%swap3A_484, %swap3A_485, %swap3A_486, %swap3A_487, %swap3A_488] : memref<52x8x4x8x128xf32, #tpu.memory_space<vmem>>, vector<4x8x1x8x128xf32>
    tpu.vector_store %arg3[%swap3A_484, %swap3A_485, %swap3A_486, %swap3A_487, %swap3A_488], %reshape3A_483 {strides = array<i32>} : memref<52x8x4x8x128xf32, #tpu.memory_space<vmem>>, vector<4x8x1x8x128xf32>,
    %get3A_490 = arith.constant 9 : index
    %get3A_491 = arith.constant 256 : index
    %get3A_492 = arith.constant 0 : index
    %get3A_493 = vector.load %arg2[%get3A_490, %get3A_491, %get3A_492] : memref<13x512x256xf32, #tpu.memory_space<vmem>>, vector<1x128x256xf32>
    %get3A_494 = vector.shape_cast %get3A_493 : vector<1x128x256xf32> to vector<128x256xf32>
    %transpose3A_495 = tpu.transpose %get3A_494, [1, 0] : vector<128x256xf32> -> vector<256x128xf32>
    %reshape3A_496 = vector.shape_cast %transpose3A_495 : vector<256x128xf32> to vector<4x8x1x8x128xf32>
    %swap3A_497 = arith.constant 36 : index
    %swap3A_498 = arith.constant 0 : index
    %swap3A_499 = arith.constant 2 : index
    %swap3A_500 = arith.constant 0 : index
    %swap3A_501 = arith.constant 0 : index
    %swap3A_502 = vector.load %arg3[%swap3A_497, %swap3A_498, %swap3A_499, %swap3A_500, %swap3A_501] : memref<52x8x4x8x128xf32, #tpu.memory_space<vmem>>, vector<4x8x1x8x128xf32>
    tpu.vector_store %arg3[%swap3A_497, %swap3A_498, %swap3A_499, %swap3A_500, %swap3A_501], %reshape3A_496 {strides = array<i32>} : memref<52x8x4x8x128xf32, #tpu.memory_space<vmem>>, vector<4x8x1x8x128xf32>,
    %get3A_503 = arith.constant 9 : index
    %get3A_504 = arith.constant 384 : index
    %get3A_505 = arith.constant 0 : index
    %get3A_506 = vector.load %arg2[%get3A_503, %get3A_504, %get3A_505] : memref<13x512x256xf32, #tpu.memory_space<vmem>>, vector<1x128x256xf32>
    %get3A_507 = vector.shape_cast %get3A_506 : vector<1x128x256xf32> to vector<128x256xf32>
    %transpose3A_508 = tpu.transpose %get3A_507, [1, 0] : vector<128x256xf32> -> vector<256x128xf32>
    %reshape3A_509 = vector.shape_cast %transpose3A_508 : vector<256x128xf32> to vector<4x8x1x8x128xf32>
    %swap3A_510 = arith.constant 36 : index
    %swap3A_511 = arith.constant 0 : index
    %swap3A_512 = arith.constant 3 : index
    %swap3A_513 = arith.constant 0 : index
    %swap3A_514 = arith.constant 0 : index
    %swap3A_515 = vector.load %arg3[%swap3A_510, %swap3A_511, %swap3A_512, %swap3A_513, %swap3A_514] : memref<52x8x4x8x128xf32, #tpu.memory_space<vmem>>, vector<4x8x1x8x128xf32>
    tpu.vector_store %arg3[%swap3A_510, %swap3A_511, %swap3A_512, %swap3A_513, %swap3A_514], %reshape3A_509 {strides = array<i32>} : memref<52x8x4x8x128xf32, #tpu.memory_space<vmem>>, vector<4x8x1x8x128xf32>,
    %get3A_516 = arith.constant 10 : index
    %get3A_517 = arith.constant 0 : index
    %get3A_518 = arith.constant 0 : index
    %get3A_519 = vector.load %arg2[%get3A_516, %get3A_517, %get3A_518] : memref<13x512x256xf32, #tpu.memory_space<vmem>>, vector<1x128x256xf32>
    %get3A_520 = vector.shape_cast %get3A_519 : vector<1x128x256xf32> to vector<128x256xf32>
    %transpose3A_521 = tpu.transpose %get3A_520, [1, 0] : vector<128x256xf32> -> vector<256x128xf32>
    %reshape3A_522 = vector.shape_cast %transpose3A_521 : vector<256x128xf32> to vector<4x8x1x8x128xf32>
    %swap3A_523 = arith.constant 40 : index
    %swap3A_524 = arith.constant 0 : index
    %swap3A_525 = arith.constant 0 : index
    %swap3A_526 = arith.constant 0 : index
    %swap3A_527 = arith.constant 0 : index
    %swap3A_528 = vector.load %arg3[%swap3A_523, %swap3A_524, %swap3A_525, %swap3A_526, %swap3A_527] : memref<52x8x4x8x128xf32, #tpu.memory_space<vmem>>, vector<4x8x1x8x128xf32>
    tpu.vector_store %arg3[%swap3A_523, %swap3A_524, %swap3A_525, %swap3A_526, %swap3A_527], %reshape3A_522 {strides = array<i32>} : memref<52x8x4x8x128xf32, #tpu.memory_space<vmem>>, vector<4x8x1x8x128xf32>,
    %get3A_529 = arith.constant 10 : index
    %get3A_530 = arith.constant 128 : index
    %get3A_531 = arith.constant 0 : index
    %get3A_532 = vector.load %arg2[%get3A_529, %get3A_530, %get3A_531] : memref<13x512x256xf32, #tpu.memory_space<vmem>>, vector<1x128x256xf32>
    %get3A_533 = vector.shape_cast %get3A_532 : vector<1x128x256xf32> to vector<128x256xf32>
    %transpose3A_534 = tpu.transpose %get3A_533, [1, 0] : vector<128x256xf32> -> vector<256x128xf32>
    %reshape3A_535 = vector.shape_cast %transpose3A_534 : vector<256x128xf32> to vector<4x8x1x8x128xf32>
    %swap3A_536 = arith.constant 40 : index
    %swap3A_537 = arith.constant 0 : index
    %swap3A_538 = arith.constant 1 : index
    %swap3A_539 = arith.constant 0 : index
    %swap3A_540 = arith.constant 0 : index
    %swap3A_541 = vector.load %arg3[%swap3A_536, %swap3A_537, %swap3A_538, %swap3A_539, %swap3A_540] : memref<52x8x4x8x128xf32, #tpu.memory_space<vmem>>, vector<4x8x1x8x128xf32>
    tpu.vector_store %arg3[%swap3A_536, %swap3A_537, %swap3A_538, %swap3A_539, %swap3A_540], %reshape3A_535 {strides = array<i32>} : memref<52x8x4x8x128xf32, #tpu.memory_space<vmem>>, vector<4x8x1x8x128xf32>,
    %get3A_542 = arith.constant 10 : index
    %get3A_543 = arith.constant 256 : index
    %get3A_544 = arith.constant 0 : index
    %get3A_545 = vector.load %arg2[%get3A_542, %get3A_543, %get3A_544] : memref<13x512x256xf32, #tpu.memory_space<vmem>>, vector<1x128x256xf32>
    %get3A_546 = vector.shape_cast %get3A_545 : vector<1x128x256xf32> to vector<128x256xf32>
    %transpose3A_547 = tpu.transpose %get3A_546, [1, 0] : vector<128x256xf32> -> vector<256x128xf32>
    %reshape3A_548 = vector.shape_cast %transpose3A_547 : vector<256x128xf32> to vector<4x8x1x8x128xf32>
    %swap3A_549 = arith.constant 40 : index
    %swap3A_550 = arith.constant 0 : index
    %swap3A_551 = arith.constant 2 : index
    %swap3A_552 = arith.constant 0 : index
    %swap3A_553 = arith.constant 0 : index
    %swap3A_554 = vector.load %arg3[%swap3A_549, %swap3A_550, %swap3A_551, %swap3A_552, %swap3A_553] : memref<52x8x4x8x128xf32, #tpu.memory_space<vmem>>, vector<4x8x1x8x128xf32>
    tpu.vector_store %arg3[%swap3A_549, %swap3A_550, %swap3A_551, %swap3A_552, %swap3A_553], %reshape3A_548 {strides = array<i32>} : memref<52x8x4x8x128xf32, #tpu.memory_space<vmem>>, vector<4x8x1x8x128xf32>,
    %get3A_555 = arith.constant 10 : index
    %get3A_556 = arith.constant 384 : index
    %get3A_557 = arith.constant 0 : index
    %get3A_558 = vector.load %arg2[%get3A_555, %get3A_556, %get3A_557] : memref<13x512x256xf32, #tpu.memory_space<vmem>>, vector<1x128x256xf32>
    %get3A_559 = vector.shape_cast %get3A_558 : vector<1x128x256xf32> to vector<128x256xf32>
    %transpose3A_560 = tpu.transpose %get3A_559, [1, 0] : vector<128x256xf32> -> vector<256x128xf32>
    %reshape3A_561 = vector.shape_cast %transpose3A_560 : vector<256x128xf32> to vector<4x8x1x8x128xf32>
    %swap3A_562 = arith.constant 40 : index
    %swap3A_563 = arith.constant 0 : index
    %swap3A_564 = arith.constant 3 : index
    %swap3A_565 = arith.constant 0 : index
    %swap3A_566 = arith.constant 0 : index
    %swap3A_567 = vector.load %arg3[%swap3A_562, %swap3A_563, %swap3A_564, %swap3A_565, %swap3A_566] : memref<52x8x4x8x128xf32, #tpu.memory_space<vmem>>, vector<4x8x1x8x128xf32>
    tpu.vector_store %arg3[%swap3A_562, %swap3A_563, %swap3A_564, %swap3A_565, %swap3A_566], %reshape3A_561 {strides = array<i32>} : memref<52x8x4x8x128xf32, #tpu.memory_space<vmem>>, vector<4x8x1x8x128xf32>,
    %get3A_568 = arith.constant 11 : index
    %get3A_569 = arith.constant 0 : index
    %get3A_570 = arith.constant 0 : index
    %get3A_571 = vector.load %arg2[%get3A_568, %get3A_569, %get3A_570] : memref<13x512x256xf32, #tpu.memory_space<vmem>>, vector<1x128x256xf32>
    %get3A_572 = vector.shape_cast %get3A_571 : vector<1x128x256xf32> to vector<128x256xf32>
    %transpose3A_573 = tpu.transpose %get3A_572, [1, 0] : vector<128x256xf32> -> vector<256x128xf32>
    %reshape3A_574 = vector.shape_cast %transpose3A_573 : vector<256x128xf32> to vector<4x8x1x8x128xf32>
    %swap3A_575 = arith.constant 44 : index
    %swap3A_576 = arith.constant 0 : index
    %swap3A_577 = arith.constant 0 : index
    %swap3A_578 = arith.constant 0 : index
    %swap3A_579 = arith.constant 0 : index
    %swap3A_580 = vector.load %arg3[%swap3A_575, %swap3A_576, %swap3A_577, %swap3A_578, %swap3A_579] : memref<52x8x4x8x128xf32, #tpu.memory_space<vmem>>, vector<4x8x1x8x128xf32>
    tpu.vector_store %arg3[%swap3A_575, %swap3A_576, %swap3A_577, %swap3A_578, %swap3A_579], %reshape3A_574 {strides = array<i32>} : memref<52x8x4x8x128xf32, #tpu.memory_space<vmem>>, vector<4x8x1x8x128xf32>,
    %get3A_581 = arith.constant 11 : index
    %get3A_582 = arith.constant 128 : index
    %get3A_583 = arith.constant 0 : index
    %get3A_584 = vector.load %arg2[%get3A_581, %get3A_582, %get3A_583] : memref<13x512x256xf32, #tpu.memory_space<vmem>>, vector<1x128x256xf32>
    %get3A_585 = vector.shape_cast %get3A_584 : vector<1x128x256xf32> to vector<128x256xf32>
    %transpose3A_586 = tpu.transpose %get3A_585, [1, 0] : vector<128x256xf32> -> vector<256x128xf32>
    %reshape3A_587 = vector.shape_cast %transpose3A_586 : vector<256x128xf32> to vector<4x8x1x8x128xf32>
    %swap3A_588 = arith.constant 44 : index
    %swap3A_589 = arith.constant 0 : index
    %swap3A_590 = arith.constant 1 : index
    %swap3A_591 = arith.constant 0 : index
    %swap3A_592 = arith.constant 0 : index
    %swap3A_593 = vector.load %arg3[%swap3A_588, %swap3A_589, %swap3A_590, %swap3A_591, %swap3A_592] : memref<52x8x4x8x128xf32, #tpu.memory_space<vmem>>, vector<4x8x1x8x128xf32>
    tpu.vector_store %arg3[%swap3A_588, %swap3A_589, %swap3A_590, %swap3A_591, %swap3A_592], %reshape3A_587 {strides = array<i32>} : memref<52x8x4x8x128xf32, #tpu.memory_space<vmem>>, vector<4x8x1x8x128xf32>,
    %get3A_594 = arith.constant 11 : index
    %get3A_595 = arith.constant 256 : index
    %get3A_596 = arith.constant 0 : index
    %get3A_597 = vector.load %arg2[%get3A_594, %get3A_595, %get3A_596] : memref<13x512x256xf32, #tpu.memory_space<vmem>>, vector<1x128x256xf32>
    %get3A_598 = vector.shape_cast %get3A_597 : vector<1x128x256xf32> to vector<128x256xf32>
    %transpose3A_599 = tpu.transpose %get3A_598, [1, 0] : vector<128x256xf32> -> vector<256x128xf32>
    %reshape3A_600 = vector.shape_cast %transpose3A_599 : vector<256x128xf32> to vector<4x8x1x8x128xf32>
    %swap3A_601 = arith.constant 44 : index
    %swap3A_602 = arith.constant 0 : index
    %swap3A_603 = arith.constant 2 : index
    %swap3A_604 = arith.constant 0 : index
    %swap3A_605 = arith.constant 0 : index
    %swap3A_606 = vector.load %arg3[%swap3A_601, %swap3A_602, %swap3A_603, %swap3A_604, %swap3A_605] : memref<52x8x4x8x128xf32, #tpu.memory_space<vmem>>, vector<4x8x1x8x128xf32>
    tpu.vector_store %arg3[%swap3A_601, %swap3A_602, %swap3A_603, %swap3A_604, %swap3A_605], %reshape3A_600 {strides = array<i32>} : memref<52x8x4x8x128xf32, #tpu.memory_space<vmem>>, vector<4x8x1x8x128xf32>,
    %get3A_607 = arith.constant 11 : index
    %get3A_608 = arith.constant 384 : index
    %get3A_609 = arith.constant 0 : index
    %get3A_610 = vector.load %arg2[%get3A_607, %get3A_608, %get3A_609] : memref<13x512x256xf32, #tpu.memory_space<vmem>>, vector<1x128x256xf32>
    %get3A_611 = vector.shape_cast %get3A_610 : vector<1x128x256xf32> to vector<128x256xf32>
    %transpose3A_612 = tpu.transpose %get3A_611, [1, 0] : vector<128x256xf32> -> vector<256x128xf32>
    %reshape3A_613 = vector.shape_cast %transpose3A_612 : vector<256x128xf32> to vector<4x8x1x8x128xf32>
    %swap3A_614 = arith.constant 44 : index
    %swap3A_615 = arith.constant 0 : index
    %swap3A_616 = arith.constant 3 : index
    %swap3A_617 = arith.constant 0 : index
    %swap3A_618 = arith.constant 0 : index
    %swap3A_619 = vector.load %arg3[%swap3A_614, %swap3A_615, %swap3A_616, %swap3A_617, %swap3A_618] : memref<52x8x4x8x128xf32, #tpu.memory_space<vmem>>, vector<4x8x1x8x128xf32>
    tpu.vector_store %arg3[%swap3A_614, %swap3A_615, %swap3A_616, %swap3A_617, %swap3A_618], %reshape3A_613 {strides = array<i32>} : memref<52x8x4x8x128xf32, #tpu.memory_space<vmem>>, vector<4x8x1x8x128xf32>,
    %get3A_620 = arith.constant 12 : index
    %get3A_621 = arith.constant 0 : index
    %get3A_622 = arith.constant 0 : index
    %get3A_623 = vector.load %arg2[%get3A_620, %get3A_621, %get3A_622] : memref<13x512x256xf32, #tpu.memory_space<vmem>>, vector<1x128x256xf32>
    %get3A_624 = vector.shape_cast %get3A_623 : vector<1x128x256xf32> to vector<128x256xf32>
    %transpose3A_625 = tpu.transpose %get3A_624, [1, 0] : vector<128x256xf32> -> vector<256x128xf32>
    %reshape3A_626 = vector.shape_cast %transpose3A_625 : vector<256x128xf32> to vector<4x8x1x8x128xf32>
    %swap3A_627 = arith.constant 48 : index
    %swap3A_628 = arith.constant 0 : index
    %swap3A_629 = arith.constant 0 : index
    %swap3A_630 = arith.constant 0 : index
    %swap3A_631 = arith.constant 0 : index
    %swap3A_632 = vector.load %arg3[%swap3A_627, %swap3A_628, %swap3A_629, %swap3A_630, %swap3A_631] : memref<52x8x4x8x128xf32, #tpu.memory_space<vmem>>, vector<4x8x1x8x128xf32>
    tpu.vector_store %arg3[%swap3A_627, %swap3A_628, %swap3A_629, %swap3A_630, %swap3A_631], %reshape3A_626 {strides = array<i32>} : memref<52x8x4x8x128xf32, #tpu.memory_space<vmem>>, vector<4x8x1x8x128xf32>,
    %get3A_633 = arith.constant 12 : index
    %get3A_634 = arith.constant 128 : index
    %get3A_635 = arith.constant 0 : index
    %get3A_636 = vector.load %arg2[%get3A_633, %get3A_634, %get3A_635] : memref<13x512x256xf32, #tpu.memory_space<vmem>>, vector<1x128x256xf32>
    %get3A_637 = vector.shape_cast %get3A_636 : vector<1x128x256xf32> to vector<128x256xf32>
    %transpose3A_638 = tpu.transpose %get3A_637, [1, 0] : vector<128x256xf32> -> vector<256x128xf32>
    %reshape3A_639 = vector.shape_cast %transpose3A_638 : vector<256x128xf32> to vector<4x8x1x8x128xf32>
    %swap3A_640 = arith.constant 48 : index
    %swap3A_641 = arith.constant 0 : index
    %swap3A_642 = arith.constant 1 : index
    %swap3A_643 = arith.constant 0 : index
    %swap3A_644 = arith.constant 0 : index
    %swap3A_645 = vector.load %arg3[%swap3A_640, %swap3A_641, %swap3A_642, %swap3A_643, %swap3A_644] : memref<52x8x4x8x128xf32, #tpu.memory_space<vmem>>, vector<4x8x1x8x128xf32>
    tpu.vector_store %arg3[%swap3A_640, %swap3A_641, %swap3A_642, %swap3A_643, %swap3A_644], %reshape3A_639 {strides = array<i32>} : memref<52x8x4x8x128xf32, #tpu.memory_space<vmem>>, vector<4x8x1x8x128xf32>,
    %get3A_646 = arith.constant 12 : index
    %get3A_647 = arith.constant 256 : index
    %get3A_648 = arith.constant 0 : index
    %get3A_649 = vector.load %arg2[%get3A_646, %get3A_647, %get3A_648] : memref<13x512x256xf32, #tpu.memory_space<vmem>>, vector<1x128x256xf32>
    %get3A_650 = vector.shape_cast %get3A_649 : vector<1x128x256xf32> to vector<128x256xf32>
    %transpose3A_651 = tpu.transpose %get3A_650, [1, 0] : vector<128x256xf32> -> vector<256x128xf32>
    %reshape3A_652 = vector.shape_cast %transpose3A_651 : vector<256x128xf32> to vector<4x8x1x8x128xf32>
    %swap3A_653 = arith.constant 48 : index
    %swap3A_654 = arith.constant 0 : index
    %swap3A_655 = arith.constant 2 : index
    %swap3A_656 = arith.constant 0 : index
    %swap3A_657 = arith.constant 0 : index
    %swap3A_658 = vector.load %arg3[%swap3A_653, %swap3A_654, %swap3A_655, %swap3A_656, %swap3A_657] : memref<52x8x4x8x128xf32, #tpu.memory_space<vmem>>, vector<4x8x1x8x128xf32>
    tpu.vector_store %arg3[%swap3A_653, %swap3A_654, %swap3A_655, %swap3A_656, %swap3A_657], %reshape3A_652 {strides = array<i32>} : memref<52x8x4x8x128xf32, #tpu.memory_space<vmem>>, vector<4x8x1x8x128xf32>,
    %get3A_659 = arith.constant 12 : index
    %get3A_660 = arith.constant 384 : index
    %get3A_661 = arith.constant 0 : index
    %get3A_662 = vector.load %arg2[%get3A_659, %get3A_660, %get3A_661] : memref<13x512x256xf32, #tpu.memory_space<vmem>>, vector<1x128x256xf32>
    %get3A_663 = vector.shape_cast %get3A_662 : vector<1x128x256xf32> to vector<128x256xf32>
    %transpose3A_664 = tpu.transpose %get3A_663, [1, 0] : vector<128x256xf32> -> vector<256x128xf32>
    %reshape3A_665 = vector.shape_cast %transpose3A_664 : vector<256x128xf32> to vector<4x8x1x8x128xf32>
    %swap3A_666 = arith.constant 48 : index
    %swap3A_667 = arith.constant 0 : index
    %swap3A_668 = arith.constant 3 : index
    %swap3A_669 = arith.constant 0 : index
    %swap3A_670 = arith.constant 0 : index
    %swap3A_671 = vector.load %arg3[%swap3A_666, %swap3A_667, %swap3A_668, %swap3A_669, %swap3A_670] : memref<52x8x4x8x128xf32, #tpu.memory_space<vmem>>, vector<4x8x1x8x128xf32>
    tpu.vector_store %arg3[%swap3A_666, %swap3A_667, %swap3A_668, %swap3A_669, %swap3A_670], %reshape3A_665 {strides = array<i32>} : memref<52x8x4x8x128xf32, #tpu.memory_space<vmem>>, vector<4x8x1x8x128xf32>,
    return
  }
  func.func @transform_0(%arg0: i32, %arg1: i32) -> (i32, i32, i32) {
    %c0_i32 = arith.constant 0 : i32
    %c0_i32_0 = arith.constant 0 : i32
    return %arg0, %arg1, %c0_i32 : i32, i32, i32
  }
  func.func @transform_1(%arg0: i32, %arg1: i32) -> (i32, i32, i32, i32, i32) {
    %add3A = arith.constant 0 : i32
    %add3A_0 = arith.addi %arg0, %add3A : i32
    %c0_i32 = arith.constant 0 : i32
    %c0_i32_1 = arith.constant 0 : i32
    %c0_i32_2 = arith.constant 0 : i32
    %c0_i32_3 = arith.constant 0 : i32
    return %add3A_0, %c0_i32, %arg1, %c0_i32_1, %c0_i32_2 : i32, i32, i32, i32, i32
  }
}

module attributes {stable_mosaic.version = 14 : i64} {
  func.func @body(%arg0: i32, %arg1: i32, %arg2: memref<13x512x256xf32, #tpu.memory_space<vmem>>, %arg3: memref<104x8x32x8x128xf32, #tpu.memory_space<any>>, %arg4: memref<52x8x4x8x128xf32, #tpu.memory_space<vmem>>) attributes {dimension_semantics = [#tpu.dimension_semantics<arbitrary>, #tpu.dimension_semantics<arbitrary>], iteration_bounds = array<i64: 1, 8>, scalar_prefetch = 0 : i64, scratch_operands = 0 : i64, tpu.core_type = #tpu.core_type<tc>, window_params = [{transform_indices = @transform_0, window_bounds = array<i64: 13, 512, 256>}, {}, {transform_indices = @transform_2, window_bounds = array<i64: 52, 8, 4, 8, 128>}]} {
    %get3A = arith.constant 0 : index
    %get3A_0 = arith.constant 0 : index
    %get3A_1 = arith.constant 0 : index
    %get3A_2 = vector.load %arg2[%get3A, %get3A_0, %get3A_1] : memref<13x512x256xf32, #tpu.memory_space<vmem>>, vector<1x128x256xf32>
    %get3A_3 = vector.shape_cast %get3A_2 : vector<1x128x256xf32> to vector<128x256xf32>
    %transpose3A = tpu.transpose %get3A_3, [1, 0] : vector<128x256xf32> -> vector<256x128xf32>
    %reshape3A = vector.shape_cast %transpose3A : vector<256x128xf32> to vector<4x8x1x8x128xf32>
    %swap3A = arith.constant 0 : index
    %swap3A_4 = arith.constant 0 : index
    %swap3A_5 = arith.constant 0 : index
    %swap3A_6 = arith.constant 0 : index
    %swap3A_7 = arith.constant 0 : index
    %swap3A_8 = vector.load %arg4[%swap3A, %swap3A_4, %swap3A_5, %swap3A_6, %swap3A_7] : memref<52x8x4x8x128xf32, #tpu.memory_space<vmem>>, vector<4x8x1x8x128xf32>
    tpu.vector_store %arg4[%swap3A, %swap3A_4, %swap3A_5, %swap3A_6, %swap3A_7], %reshape3A {strides = array<i32>} : memref<52x8x4x8x128xf32, #tpu.memory_space<vmem>>, vector<4x8x1x8x128xf32>,
    %get3A_9 = arith.constant 0 : index
    %get3A_10 = arith.constant 128 : index
    %get3A_11 = arith.constant 0 : index
    %get3A_12 = vector.load %arg2[%get3A_9, %get3A_10, %get3A_11] : memref<13x512x256xf32, #tpu.memory_space<vmem>>, vector<1x128x256xf32>
    %get3A_13 = vector.shape_cast %get3A_12 : vector<1x128x256xf32> to vector<128x256xf32>
    %transpose3A_14 = tpu.transpose %get3A_13, [1, 0] : vector<128x256xf32> -> vector<256x128xf32>
    %reshape3A_15 = vector.shape_cast %transpose3A_14 : vector<256x128xf32> to vector<4x8x1x8x128xf32>
    %swap3A_16 = arith.constant 0 : index
    %swap3A_17 = arith.constant 0 : index
    %swap3A_18 = arith.constant 1 : index
    %swap3A_19 = arith.constant 0 : index
    %swap3A_20 = arith.constant 0 : index
    %swap3A_21 = vector.load %arg4[%swap3A_16, %swap3A_17, %swap3A_18, %swap3A_19, %swap3A_20] : memref<52x8x4x8x128xf32, #tpu.memory_space<vmem>>, vector<4x8x1x8x128xf32>
    tpu.vector_store %arg4[%swap3A_16, %swap3A_17, %swap3A_18, %swap3A_19, %swap3A_20], %reshape3A_15 {strides = array<i32>} : memref<52x8x4x8x128xf32, #tpu.memory_space<vmem>>, vector<4x8x1x8x128xf32>,
    %get3A_22 = arith.constant 0 : index
    %get3A_23 = arith.constant 256 : index
    %get3A_24 = arith.constant 0 : index
    %get3A_25 = vector.load %arg2[%get3A_22, %get3A_23, %get3A_24] : memref<13x512x256xf32, #tpu.memory_space<vmem>>, vector<1x128x256xf32>
    %get3A_26 = vector.shape_cast %get3A_25 : vector<1x128x256xf32> to vector<128x256xf32>
    %transpose3A_27 = tpu.transpose %get3A_26, [1, 0] : vector<128x256xf32> -> vector<256x128xf32>
    %reshape3A_28 = vector.shape_cast %transpose3A_27 : vector<256x128xf32> to vector<4x8x1x8x128xf32>
    %swap3A_29 = arith.constant 0 : index
    %swap3A_30 = arith.constant 0 : index
    %swap3A_31 = arith.constant 2 : index
    %swap3A_32 = arith.constant 0 : index
    %swap3A_33 = arith.constant 0 : index
    %swap3A_34 = vector.load %arg4[%swap3A_29, %swap3A_30, %swap3A_31, %swap3A_32, %swap3A_33] : memref<52x8x4x8x128xf32, #tpu.memory_space<vmem>>, vector<4x8x1x8x128xf32>
    tpu.vector_store %arg4[%swap3A_29, %swap3A_30, %swap3A_31, %swap3A_32, %swap3A_33], %reshape3A_28 {strides = array<i32>} : memref<52x8x4x8x128xf32, #tpu.memory_space<vmem>>, vector<4x8x1x8x128xf32>,
    %get3A_35 = arith.constant 0 : index
    %get3A_36 = arith.constant 384 : index
    %get3A_37 = arith.constant 0 : index
    %get3A_38 = vector.load %arg2[%get3A_35, %get3A_36, %get3A_37] : memref<13x512x256xf32, #tpu.memory_space<vmem>>, vector<1x128x256xf32>
    %get3A_39 = vector.shape_cast %get3A_38 : vector<1x128x256xf32> to vector<128x256xf32>
    %transpose3A_40 = tpu.transpose %get3A_39, [1, 0] : vector<128x256xf32> -> vector<256x128xf32>
    %reshape3A_41 = vector.shape_cast %transpose3A_40 : vector<256x128xf32> to vector<4x8x1x8x128xf32>
    %swap3A_42 = arith.constant 0 : index
    %swap3A_43 = arith.constant 0 : index
    %swap3A_44 = arith.constant 3 : index
    %swap3A_45 = arith.constant 0 : index
    %swap3A_46 = arith.constant 0 : index
    %swap3A_47 = vector.load %arg4[%swap3A_42, %swap3A_43, %swap3A_44, %swap3A_45, %swap3A_46] : memref<52x8x4x8x128xf32, #tpu.memory_space<vmem>>, vector<4x8x1x8x128xf32>
    tpu.vector_store %arg4[%swap3A_42, %swap3A_43, %swap3A_44, %swap3A_45, %swap3A_46], %reshape3A_41 {strides = array<i32>} : memref<52x8x4x8x128xf32, #tpu.memory_space<vmem>>, vector<4x8x1x8x128xf32>,
    %get3A_48 = arith.constant 1 : index
    %get3A_49 = arith.constant 0 : index
    %get3A_50 = arith.constant 0 : index
    %get3A_51 = vector.load %arg2[%get3A_48, %get3A_49, %get3A_50] : memref<13x512x256xf32, #tpu.memory_space<vmem>>, vector<1x128x256xf32>
    %get3A_52 = vector.shape_cast %get3A_51 : vector<1x128x256xf32> to vector<128x256xf32>
    %transpose3A_53 = tpu.transpose %get3A_52, [1, 0] : vector<128x256xf32> -> vector<256x128xf32>
    %reshape3A_54 = vector.shape_cast %transpose3A_53 : vector<256x128xf32> to vector<4x8x1x8x128xf32>
    %swap3A_55 = arith.constant 4 : index
    %swap3A_56 = arith.constant 0 : index
    %swap3A_57 = arith.constant 0 : index
    %swap3A_58 = arith.constant 0 : index
    %swap3A_59 = arith.constant 0 : index
    %swap3A_60 = vector.load %arg4[%swap3A_55, %swap3A_56, %swap3A_57, %swap3A_58, %swap3A_59] : memref<52x8x4x8x128xf32, #tpu.memory_space<vmem>>, vector<4x8x1x8x128xf32>
    tpu.vector_store %arg4[%swap3A_55, %swap3A_56, %swap3A_57, %swap3A_58, %swap3A_59], %reshape3A_54 {strides = array<i32>} : memref<52x8x4x8x128xf32, #tpu.memory_space<vmem>>, vector<4x8x1x8x128xf32>,
    %get3A_61 = arith.constant 1 : index
    %get3A_62 = arith.constant 128 : index
    %get3A_63 = arith.constant 0 : index
    %get3A_64 = vector.load %arg2[%get3A_61, %get3A_62, %get3A_63] : memref<13x512x256xf32, #tpu.memory_space<vmem>>, vector<1x128x256xf32>
    %get3A_65 = vector.shape_cast %get3A_64 : vector<1x128x256xf32> to vector<128x256xf32>
    %transpose3A_66 = tpu.transpose %get3A_65, [1, 0] : vector<128x256xf32> -> vector<256x128xf32>
    %reshape3A_67 = vector.shape_cast %transpose3A_66 : vector<256x128xf32> to vector<4x8x1x8x128xf32>
    %swap3A_68 = arith.constant 4 : index
    %swap3A_69 = arith.constant 0 : index
    %swap3A_70 = arith.constant 1 : index
    %swap3A_71 = arith.constant 0 : index
    %swap3A_72 = arith.constant 0 : index
    %swap3A_73 = vector.load %arg4[%swap3A_68, %swap3A_69, %swap3A_70, %swap3A_71, %swap3A_72] : memref<52x8x4x8x128xf32, #tpu.memory_space<vmem>>, vector<4x8x1x8x128xf32>
    tpu.vector_store %arg4[%swap3A_68, %swap3A_69, %swap3A_70, %swap3A_71, %swap3A_72], %reshape3A_67 {strides = array<i32>} : memref<52x8x4x8x128xf32, #tpu.memory_space<vmem>>, vector<4x8x1x8x128xf32>,
    %get3A_74 = arith.constant 1 : index
    %get3A_75 = arith.constant 256 : index
    %get3A_76 = arith.constant 0 : index
    %get3A_77 = vector.load %arg2[%get3A_74, %get3A_75, %get3A_76] : memref<13x512x256xf32, #tpu.memory_space<vmem>>, vector<1x128x256xf32>
    %get3A_78 = vector.shape_cast %get3A_77 : vector<1x128x256xf32> to vector<128x256xf32>
    %transpose3A_79 = tpu.transpose %get3A_78, [1, 0] : vector<128x256xf32> -> vector<256x128xf32>
    %reshape3A_80 = vector.shape_cast %transpose3A_79 : vector<256x128xf32> to vector<4x8x1x8x128xf32>
    %swap3A_81 = arith.constant 4 : index
    %swap3A_82 = arith.constant 0 : index
    %swap3A_83 = arith.constant 2 : index
    %swap3A_84 = arith.constant 0 : index
    %swap3A_85 = arith.constant 0 : index
    %swap3A_86 = vector.load %arg4[%swap3A_81, %swap3A_82, %swap3A_83, %swap3A_84, %swap3A_85] : memref<52x8x4x8x128xf32, #tpu.memory_space<vmem>>, vector<4x8x1x8x128xf32>
    tpu.vector_store %arg4[%swap3A_81, %swap3A_82, %swap3A_83, %swap3A_84, %swap3A_85], %reshape3A_80 {strides = array<i32>} : memref<52x8x4x8x128xf32, #tpu.memory_space<vmem>>, vector<4x8x1x8x128xf32>,
    %get3A_87 = arith.constant 1 : index
    %get3A_88 = arith.constant 384 : index
    %get3A_89 = arith.constant 0 : index
    %get3A_90 = vector.load %arg2[%get3A_87, %get3A_88, %get3A_89] : memref<13x512x256xf32, #tpu.memory_space<vmem>>, vector<1x128x256xf32>
    %get3A_91 = vector.shape_cast %get3A_90 : vector<1x128x256xf32> to vector<128x256xf32>
    %transpose3A_92 = tpu.transpose %get3A_91, [1, 0] : vector<128x256xf32> -> vector<256x128xf32>
    %reshape3A_93 = vector.shape_cast %transpose3A_92 : vector<256x128xf32> to vector<4x8x1x8x128xf32>
    %swap3A_94 = arith.constant 4 : index
    %swap3A_95 = arith.constant 0 : index
    %swap3A_96 = arith.constant 3 : index
    %swap3A_97 = arith.constant 0 : index
    %swap3A_98 = arith.constant 0 : index
    %swap3A_99 = vector.load %arg4[%swap3A_94, %swap3A_95, %swap3A_96, %swap3A_97, %swap3A_98] : memref<52x8x4x8x128xf32, #tpu.memory_space<vmem>>, vector<4x8x1x8x128xf32>
    tpu.vector_store %arg4[%swap3A_94, %swap3A_95, %swap3A_96, %swap3A_97, %swap3A_98], %reshape3A_93 {strides = array<i32>} : memref<52x8x4x8x128xf32, #tpu.memory_space<vmem>>, vector<4x8x1x8x128xf32>,
    %get3A_100 = arith.constant 2 : index
    %get3A_101 = arith.constant 0 : index
    %get3A_102 = arith.constant 0 : index
    %get3A_103 = vector.load %arg2[%get3A_100, %get3A_101, %get3A_102] : memref<13x512x256xf32, #tpu.memory_space<vmem>>, vector<1x128x256xf32>
    %get3A_104 = vector.shape_cast %get3A_103 : vector<1x128x256xf32> to vector<128x256xf32>
    %transpose3A_105 = tpu.transpose %get3A_104, [1, 0] : vector<128x256xf32> -> vector<256x128xf32>
    %reshape3A_106 = vector.shape_cast %transpose3A_105 : vector<256x128xf32> to vector<4x8x1x8x128xf32>
    %swap3A_107 = arith.constant 8 : index
    %swap3A_108 = arith.constant 0 : index
    %swap3A_109 = arith.constant 0 : index
    %swap3A_110 = arith.constant 0 : index
    %swap3A_111 = arith.constant 0 : index
    %swap3A_112 = vector.load %arg4[%swap3A_107, %swap3A_108, %swap3A_109, %swap3A_110, %swap3A_111] : memref<52x8x4x8x128xf32, #tpu.memory_space<vmem>>, vector<4x8x1x8x128xf32>
    tpu.vector_store %arg4[%swap3A_107, %swap3A_108, %swap3A_109, %swap3A_110, %swap3A_111], %reshape3A_106 {strides = array<i32>} : memref<52x8x4x8x128xf32, #tpu.memory_space<vmem>>, vector<4x8x1x8x128xf32>,
    %get3A_113 = arith.constant 2 : index
    %get3A_114 = arith.constant 128 : index
    %get3A_115 = arith.constant 0 : index
    %get3A_116 = vector.load %arg2[%get3A_113, %get3A_114, %get3A_115] : memref<13x512x256xf32, #tpu.memory_space<vmem>>, vector<1x128x256xf32>
    %get3A_117 = vector.shape_cast %get3A_116 : vector<1x128x256xf32> to vector<128x256xf32>
    %transpose3A_118 = tpu.transpose %get3A_117, [1, 0] : vector<128x256xf32> -> vector<256x128xf32>
    %reshape3A_119 = vector.shape_cast %transpose3A_118 : vector<256x128xf32> to vector<4x8x1x8x128xf32>
    %swap3A_120 = arith.constant 8 : index
    %swap3A_121 = arith.constant 0 : index
    %swap3A_122 = arith.constant 1 : index
    %swap3A_123 = arith.constant 0 : index
    %swap3A_124 = arith.constant 0 : index
    %swap3A_125 = vector.load %arg4[%swap3A_120, %swap3A_121, %swap3A_122, %swap3A_123, %swap3A_124] : memref<52x8x4x8x128xf32, #tpu.memory_space<vmem>>, vector<4x8x1x8x128xf32>
    tpu.vector_store %arg4[%swap3A_120, %swap3A_121, %swap3A_122, %swap3A_123, %swap3A_124], %reshape3A_119 {strides = array<i32>} : memref<52x8x4x8x128xf32, #tpu.memory_space<vmem>>, vector<4x8x1x8x128xf32>,
    %get3A_126 = arith.constant 2 : index
    %get3A_127 = arith.constant 256 : index
    %get3A_128 = arith.constant 0 : index
    %get3A_129 = vector.load %arg2[%get3A_126, %get3A_127, %get3A_128] : memref<13x512x256xf32, #tpu.memory_space<vmem>>, vector<1x128x256xf32>
    %get3A_130 = vector.shape_cast %get3A_129 : vector<1x128x256xf32> to vector<128x256xf32>
    %transpose3A_131 = tpu.transpose %get3A_130, [1, 0] : vector<128x256xf32> -> vector<256x128xf32>
    %reshape3A_132 = vector.shape_cast %transpose3A_131 : vector<256x128xf32> to vector<4x8x1x8x128xf32>
    %swap3A_133 = arith.constant 8 : index
    %swap3A_134 = arith.constant 0 : index
    %swap3A_135 = arith.constant 2 : index
    %swap3A_136 = arith.constant 0 : index
    %swap3A_137 = arith.constant 0 : index
    %swap3A_138 = vector.load %arg4[%swap3A_133, %swap3A_134, %swap3A_135, %swap3A_136, %swap3A_137] : memref<52x8x4x8x128xf32, #tpu.memory_space<vmem>>, vector<4x8x1x8x128xf32>
    tpu.vector_store %arg4[%swap3A_133, %swap3A_134, %swap3A_135, %swap3A_136, %swap3A_137], %reshape3A_132 {strides = array<i32>} : memref<52x8x4x8x128xf32, #tpu.memory_space<vmem>>, vector<4x8x1x8x128xf32>,
    %get3A_139 = arith.constant 2 : index
    %get3A_140 = arith.constant 384 : index
    %get3A_141 = arith.constant 0 : index
    %get3A_142 = vector.load %arg2[%get3A_139, %get3A_140, %get3A_141] : memref<13x512x256xf32, #tpu.memory_space<vmem>>, vector<1x128x256xf32>
    %get3A_143 = vector.shape_cast %get3A_142 : vector<1x128x256xf32> to vector<128x256xf32>
    %transpose3A_144 = tpu.transpose %get3A_143, [1, 0] : vector<128x256xf32> -> vector<256x128xf32>
    %reshape3A_145 = vector.shape_cast %transpose3A_144 : vector<256x128xf32> to vector<4x8x1x8x128xf32>
    %swap3A_146 = arith.constant 8 : index
    %swap3A_147 = arith.constant 0 : index
    %swap3A_148 = arith.constant 3 : index
    %swap3A_149 = arith.constant 0 : index
    %swap3A_150 = arith.constant 0 : index
    %swap3A_151 = vector.load %arg4[%swap3A_146, %swap3A_147, %swap3A_148, %swap3A_149, %swap3A_150] : memref<52x8x4x8x128xf32, #tpu.memory_space<vmem>>, vector<4x8x1x8x128xf32>
    tpu.vector_store %arg4[%swap3A_146, %swap3A_147, %swap3A_148, %swap3A_149, %swap3A_150], %reshape3A_145 {strides = array<i32>} : memref<52x8x4x8x128xf32, #tpu.memory_space<vmem>>, vector<4x8x1x8x128xf32>,
    %get3A_152 = arith.constant 3 : index
    %get3A_153 = arith.constant 0 : index
    %get3A_154 = arith.constant 0 : index
    %get3A_155 = vector.load %arg2[%get3A_152, %get3A_153, %get3A_154] : memref<13x512x256xf32, #tpu.memory_space<vmem>>, vector<1x128x256xf32>
    %get3A_156 = vector.shape_cast %get3A_155 : vector<1x128x256xf32> to vector<128x256xf32>
    %transpose3A_157 = tpu.transpose %get3A_156, [1, 0] : vector<128x256xf32> -> vector<256x128xf32>
    %reshape3A_158 = vector.shape_cast %transpose3A_157 : vector<256x128xf32> to vector<4x8x1x8x128xf32>
    %swap3A_159 = arith.constant 12 : index
    %swap3A_160 = arith.constant 0 : index
    %swap3A_161 = arith.constant 0 : index
    %swap3A_162 = arith.constant 0 : index
    %swap3A_163 = arith.constant 0 : index
    %swap3A_164 = vector.load %arg4[%swap3A_159, %swap3A_160, %swap3A_161, %swap3A_162, %swap3A_163] : memref<52x8x4x8x128xf32, #tpu.memory_space<vmem>>, vector<4x8x1x8x128xf32>
    tpu.vector_store %arg4[%swap3A_159, %swap3A_160, %swap3A_161, %swap3A_162, %swap3A_163], %reshape3A_158 {strides = array<i32>} : memref<52x8x4x8x128xf32, #tpu.memory_space<vmem>>, vector<4x8x1x8x128xf32>,
    %get3A_165 = arith.constant 3 : index
    %get3A_166 = arith.constant 128 : index
    %get3A_167 = arith.constant 0 : index
    %get3A_168 = vector.load %arg2[%get3A_165, %get3A_166, %get3A_167] : memref<13x512x256xf32, #tpu.memory_space<vmem>>, vector<1x128x256xf32>
    %get3A_169 = vector.shape_cast %get3A_168 : vector<1x128x256xf32> to vector<128x256xf32>
    %transpose3A_170 = tpu.transpose %get3A_169, [1, 0] : vector<128x256xf32> -> vector<256x128xf32>
    %reshape3A_171 = vector.shape_cast %transpose3A_170 : vector<256x128xf32> to vector<4x8x1x8x128xf32>
    %swap3A_172 = arith.constant 12 : index
    %swap3A_173 = arith.constant 0 : index
    %swap3A_174 = arith.constant 1 : index
    %swap3A_175 = arith.constant 0 : index
    %swap3A_176 = arith.constant 0 : index
    %swap3A_177 = vector.load %arg4[%swap3A_172, %swap3A_173, %swap3A_174, %swap3A_175, %swap3A_176] : memref<52x8x4x8x128xf32, #tpu.memory_space<vmem>>, vector<4x8x1x8x128xf32>
    tpu.vector_store %arg4[%swap3A_172, %swap3A_173, %swap3A_174, %swap3A_175, %swap3A_176], %reshape3A_171 {strides = array<i32>} : memref<52x8x4x8x128xf32, #tpu.memory_space<vmem>>, vector<4x8x1x8x128xf32>,
    %get3A_178 = arith.constant 3 : index
    %get3A_179 = arith.constant 256 : index
    %get3A_180 = arith.constant 0 : index
    %get3A_181 = vector.load %arg2[%get3A_178, %get3A_179, %get3A_180] : memref<13x512x256xf32, #tpu.memory_space<vmem>>, vector<1x128x256xf32>
    %get3A_182 = vector.shape_cast %get3A_181 : vector<1x128x256xf32> to vector<128x256xf32>
    %transpose3A_183 = tpu.transpose %get3A_182, [1, 0] : vector<128x256xf32> -> vector<256x128xf32>
    %reshape3A_184 = vector.shape_cast %transpose3A_183 : vector<256x128xf32> to vector<4x8x1x8x128xf32>
    %swap3A_185 = arith.constant 12 : index
    %swap3A_186 = arith.constant 0 : index
    %swap3A_187 = arith.constant 2 : index
    %swap3A_188 = arith.constant 0 : index
    %swap3A_189 = arith.constant 0 : index
    %swap3A_190 = vector.load %arg4[%swap3A_185, %swap3A_186, %swap3A_187, %swap3A_188, %swap3A_189] : memref<52x8x4x8x128xf32, #tpu.memory_space<vmem>>, vector<4x8x1x8x128xf32>
    tpu.vector_store %arg4[%swap3A_185, %swap3A_186, %swap3A_187, %swap3A_188, %swap3A_189], %reshape3A_184 {strides = array<i32>} : memref<52x8x4x8x128xf32, #tpu.memory_space<vmem>>, vector<4x8x1x8x128xf32>,
    %get3A_191 = arith.constant 3 : index
    %get3A_192 = arith.constant 384 : index
    %get3A_193 = arith.constant 0 : index
    %get3A_194 = vector.load %arg2[%get3A_191, %get3A_192, %get3A_193] : memref<13x512x256xf32, #tpu.memory_space<vmem>>, vector<1x128x256xf32>
    %get3A_195 = vector.shape_cast %get3A_194 : vector<1x128x256xf32> to vector<128x256xf32>
    %transpose3A_196 = tpu.transpose %get3A_195, [1, 0] : vector<128x256xf32> -> vector<256x128xf32>
    %reshape3A_197 = vector.shape_cast %transpose3A_196 : vector<256x128xf32> to vector<4x8x1x8x128xf32>
    %swap3A_198 = arith.constant 12 : index
    %swap3A_199 = arith.constant 0 : index
    %swap3A_200 = arith.constant 3 : index
    %swap3A_201 = arith.constant 0 : index
    %swap3A_202 = arith.constant 0 : index
    %swap3A_203 = vector.load %arg4[%swap3A_198, %swap3A_199, %swap3A_200, %swap3A_201, %swap3A_202] : memref<52x8x4x8x128xf32, #tpu.memory_space<vmem>>, vector<4x8x1x8x128xf32>
    tpu.vector_store %arg4[%swap3A_198, %swap3A_199, %swap3A_200, %swap3A_201, %swap3A_202], %reshape3A_197 {strides = array<i32>} : memref<52x8x4x8x128xf32, #tpu.memory_space<vmem>>, vector<4x8x1x8x128xf32>,
    %get3A_204 = arith.constant 4 : index
    %get3A_205 = arith.constant 0 : index
    %get3A_206 = arith.constant 0 : index
    %get3A_207 = vector.load %arg2[%get3A_204, %get3A_205, %get3A_206] : memref<13x512x256xf32, #tpu.memory_space<vmem>>, vector<1x128x256xf32>
    %get3A_208 = vector.shape_cast %get3A_207 : vector<1x128x256xf32> to vector<128x256xf32>
    %transpose3A_209 = tpu.transpose %get3A_208, [1, 0] : vector<128x256xf32> -> vector<256x128xf32>
    %reshape3A_210 = vector.shape_cast %transpose3A_209 : vector<256x128xf32> to vector<4x8x1x8x128xf32>
    %swap3A_211 = arith.constant 16 : index
    %swap3A_212 = arith.constant 0 : index
    %swap3A_213 = arith.constant 0 : index
    %swap3A_214 = arith.constant 0 : index
    %swap3A_215 = arith.constant 0 : index
    %swap3A_216 = vector.load %arg4[%swap3A_211, %swap3A_212, %swap3A_213, %swap3A_214, %swap3A_215] : memref<52x8x4x8x128xf32, #tpu.memory_space<vmem>>, vector<4x8x1x8x128xf32>
    tpu.vector_store %arg4[%swap3A_211, %swap3A_212, %swap3A_213, %swap3A_214, %swap3A_215], %reshape3A_210 {strides = array<i32>} : memref<52x8x4x8x128xf32, #tpu.memory_space<vmem>>, vector<4x8x1x8x128xf32>,
    %get3A_217 = arith.constant 4 : index
    %get3A_218 = arith.constant 128 : index
    %get3A_219 = arith.constant 0 : index
    %get3A_220 = vector.load %arg2[%get3A_217, %get3A_218, %get3A_219] : memref<13x512x256xf32, #tpu.memory_space<vmem>>, vector<1x128x256xf32>
    %get3A_221 = vector.shape_cast %get3A_220 : vector<1x128x256xf32> to vector<128x256xf32>
    %transpose3A_222 = tpu.transpose %get3A_221, [1, 0] : vector<128x256xf32> -> vector<256x128xf32>
    %reshape3A_223 = vector.shape_cast %transpose3A_222 : vector<256x128xf32> to vector<4x8x1x8x128xf32>
    %swap3A_224 = arith.constant 16 : index
    %swap3A_225 = arith.constant 0 : index
    %swap3A_226 = arith.constant 1 : index
    %swap3A_227 = arith.constant 0 : index
    %swap3A_228 = arith.constant 0 : index
    %swap3A_229 = vector.load %arg4[%swap3A_224, %swap3A_225, %swap3A_226, %swap3A_227, %swap3A_228] : memref<52x8x4x8x128xf32, #tpu.memory_space<vmem>>, vector<4x8x1x8x128xf32>
    tpu.vector_store %arg4[%swap3A_224, %swap3A_225, %swap3A_226, %swap3A_227, %swap3A_228], %reshape3A_223 {strides = array<i32>} : memref<52x8x4x8x128xf32, #tpu.memory_space<vmem>>, vector<4x8x1x8x128xf32>,
    %get3A_230 = arith.constant 4 : index
    %get3A_231 = arith.constant 256 : index
    %get3A_232 = arith.constant 0 : index
    %get3A_233 = vector.load %arg2[%get3A_230, %get3A_231, %get3A_232] : memref<13x512x256xf32, #tpu.memory_space<vmem>>, vector<1x128x256xf32>
    %get3A_234 = vector.shape_cast %get3A_233 : vector<1x128x256xf32> to vector<128x256xf32>
    %transpose3A_235 = tpu.transpose %get3A_234, [1, 0] : vector<128x256xf32> -> vector<256x128xf32>
    %reshape3A_236 = vector.shape_cast %transpose3A_235 : vector<256x128xf32> to vector<4x8x1x8x128xf32>
    %swap3A_237 = arith.constant 16 : index
    %swap3A_238 = arith.constant 0 : index
    %swap3A_239 = arith.constant 2 : index
    %swap3A_240 = arith.constant 0 : index
    %swap3A_241 = arith.constant 0 : index
    %swap3A_242 = vector.load %arg4[%swap3A_237, %swap3A_238, %swap3A_239, %swap3A_240, %swap3A_241] : memref<52x8x4x8x128xf32, #tpu.memory_space<vmem>>, vector<4x8x1x8x128xf32>
    tpu.vector_store %arg4[%swap3A_237, %swap3A_238, %swap3A_239, %swap3A_240, %swap3A_241], %reshape3A_236 {strides = array<i32>} : memref<52x8x4x8x128xf32, #tpu.memory_space<vmem>>, vector<4x8x1x8x128xf32>,
    %get3A_243 = arith.constant 4 : index
    %get3A_244 = arith.constant 384 : index
    %get3A_245 = arith.constant 0 : index
    %get3A_246 = vector.load %arg2[%get3A_243, %get3A_244, %get3A_245] : memref<13x512x256xf32, #tpu.memory_space<vmem>>, vector<1x128x256xf32>
    %get3A_247 = vector.shape_cast %get3A_246 : vector<1x128x256xf32> to vector<128x256xf32>
    %transpose3A_248 = tpu.transpose %get3A_247, [1, 0] : vector<128x256xf32> -> vector<256x128xf32>
    %reshape3A_249 = vector.shape_cast %transpose3A_248 : vector<256x128xf32> to vector<4x8x1x8x128xf32>
    %swap3A_250 = arith.constant 16 : index
    %swap3A_251 = arith.constant 0 : index
    %swap3A_252 = arith.constant 3 : index
    %swap3A_253 = arith.constant 0 : index
    %swap3A_254 = arith.constant 0 : index
    %swap3A_255 = vector.load %arg4[%swap3A_250, %swap3A_251, %swap3A_252, %swap3A_253, %swap3A_254] : memref<52x8x4x8x128xf32, #tpu.memory_space<vmem>>, vector<4x8x1x8x128xf32>
    tpu.vector_store %arg4[%swap3A_250, %swap3A_251, %swap3A_252, %swap3A_253, %swap3A_254], %reshape3A_249 {strides = array<i32>} : memref<52x8x4x8x128xf32, #tpu.memory_space<vmem>>, vector<4x8x1x8x128xf32>,
    %get3A_256 = arith.constant 5 : index
    %get3A_257 = arith.constant 0 : index
    %get3A_258 = arith.constant 0 : index
    %get3A_259 = vector.load %arg2[%get3A_256, %get3A_257, %get3A_258] : memref<13x512x256xf32, #tpu.memory_space<vmem>>, vector<1x128x256xf32>
    %get3A_260 = vector.shape_cast %get3A_259 : vector<1x128x256xf32> to vector<128x256xf32>
    %transpose3A_261 = tpu.transpose %get3A_260, [1, 0] : vector<128x256xf32> -> vector<256x128xf32>
    %reshape3A_262 = vector.shape_cast %transpose3A_261 : vector<256x128xf32> to vector<4x8x1x8x128xf32>
    %swap3A_263 = arith.constant 20 : index
    %swap3A_264 = arith.constant 0 : index
    %swap3A_265 = arith.constant 0 : index
    %swap3A_266 = arith.constant 0 : index
    %swap3A_267 = arith.constant 0 : index
    %swap3A_268 = vector.load %arg4[%swap3A_263, %swap3A_264, %swap3A_265, %swap3A_266, %swap3A_267] : memref<52x8x4x8x128xf32, #tpu.memory_space<vmem>>, vector<4x8x1x8x128xf32>
    tpu.vector_store %arg4[%swap3A_263, %swap3A_264, %swap3A_265, %swap3A_266, %swap3A_267], %reshape3A_262 {strides = array<i32>} : memref<52x8x4x8x128xf32, #tpu.memory_space<vmem>>, vector<4x8x1x8x128xf32>,
    %get3A_269 = arith.constant 5 : index
    %get3A_270 = arith.constant 128 : index
    %get3A_271 = arith.constant 0 : index
    %get3A_272 = vector.load %arg2[%get3A_269, %get3A_270, %get3A_271] : memref<13x512x256xf32, #tpu.memory_space<vmem>>, vector<1x128x256xf32>
    %get3A_273 = vector.shape_cast %get3A_272 : vector<1x128x256xf32> to vector<128x256xf32>
    %transpose3A_274 = tpu.transpose %get3A_273, [1, 0] : vector<128x256xf32> -> vector<256x128xf32>
    %reshape3A_275 = vector.shape_cast %transpose3A_274 : vector<256x128xf32> to vector<4x8x1x8x128xf32>
    %swap3A_276 = arith.constant 20 : index
    %swap3A_277 = arith.constant 0 : index
    %swap3A_278 = arith.constant 1 : index
    %swap3A_279 = arith.constant 0 : index
    %swap3A_280 = arith.constant 0 : index
    %swap3A_281 = vector.load %arg4[%swap3A_276, %swap3A_277, %swap3A_278, %swap3A_279, %swap3A_280] : memref<52x8x4x8x128xf32, #tpu.memory_space<vmem>>, vector<4x8x1x8x128xf32>
    tpu.vector_store %arg4[%swap3A_276, %swap3A_277, %swap3A_278, %swap3A_279, %swap3A_280], %reshape3A_275 {strides = array<i32>} : memref<52x8x4x8x128xf32, #tpu.memory_space<vmem>>, vector<4x8x1x8x128xf32>,
    %get3A_282 = arith.constant 5 : index
    %get3A_283 = arith.constant 256 : index
    %get3A_284 = arith.constant 0 : index
    %get3A_285 = vector.load %arg2[%get3A_282, %get3A_283, %get3A_284] : memref<13x512x256xf32, #tpu.memory_space<vmem>>, vector<1x128x256xf32>
    %get3A_286 = vector.shape_cast %get3A_285 : vector<1x128x256xf32> to vector<128x256xf32>
    %transpose3A_287 = tpu.transpose %get3A_286, [1, 0] : vector<128x256xf32> -> vector<256x128xf32>
    %reshape3A_288 = vector.shape_cast %transpose3A_287 : vector<256x128xf32> to vector<4x8x1x8x128xf32>
    %swap3A_289 = arith.constant 20 : index
    %swap3A_290 = arith.constant 0 : index
    %swap3A_291 = arith.constant 2 : index
    %swap3A_292 = arith.constant 0 : index
    %swap3A_293 = arith.constant 0 : index
    %swap3A_294 = vector.load %arg4[%swap3A_289, %swap3A_290, %swap3A_291, %swap3A_292, %swap3A_293] : memref<52x8x4x8x128xf32, #tpu.memory_space<vmem>>, vector<4x8x1x8x128xf32>
    tpu.vector_store %arg4[%swap3A_289, %swap3A_290, %swap3A_291, %swap3A_292, %swap3A_293], %reshape3A_288 {strides = array<i32>} : memref<52x8x4x8x128xf32, #tpu.memory_space<vmem>>, vector<4x8x1x8x128xf32>,
    %get3A_295 = arith.constant 5 : index
    %get3A_296 = arith.constant 384 : index
    %get3A_297 = arith.constant 0 : index
    %get3A_298 = vector.load %arg2[%get3A_295, %get3A_296, %get3A_297] : memref<13x512x256xf32, #tpu.memory_space<vmem>>, vector<1x128x256xf32>
    %get3A_299 = vector.shape_cast %get3A_298 : vector<1x128x256xf32> to vector<128x256xf32>
    %transpose3A_300 = tpu.transpose %get3A_299, [1, 0] : vector<128x256xf32> -> vector<256x128xf32>
    %reshape3A_301 = vector.shape_cast %transpose3A_300 : vector<256x128xf32> to vector<4x8x1x8x128xf32>
    %swap3A_302 = arith.constant 20 : index
    %swap3A_303 = arith.constant 0 : index
    %swap3A_304 = arith.constant 3 : index
    %swap3A_305 = arith.constant 0 : index
    %swap3A_306 = arith.constant 0 : index
    %swap3A_307 = vector.load %arg4[%swap3A_302, %swap3A_303, %swap3A_304, %swap3A_305, %swap3A_306] : memref<52x8x4x8x128xf32, #tpu.memory_space<vmem>>, vector<4x8x1x8x128xf32>
    tpu.vector_store %arg4[%swap3A_302, %swap3A_303, %swap3A_304, %swap3A_305, %swap3A_306], %reshape3A_301 {strides = array<i32>} : memref<52x8x4x8x128xf32, #tpu.memory_space<vmem>>, vector<4x8x1x8x128xf32>,
    %get3A_308 = arith.constant 6 : index
    %get3A_309 = arith.constant 0 : index
    %get3A_310 = arith.constant 0 : index
    %get3A_311 = vector.load %arg2[%get3A_308, %get3A_309, %get3A_310] : memref<13x512x256xf32, #tpu.memory_space<vmem>>, vector<1x128x256xf32>
    %get3A_312 = vector.shape_cast %get3A_311 : vector<1x128x256xf32> to vector<128x256xf32>
    %transpose3A_313 = tpu.transpose %get3A_312, [1, 0] : vector<128x256xf32> -> vector<256x128xf32>
    %reshape3A_314 = vector.shape_cast %transpose3A_313 : vector<256x128xf32> to vector<4x8x1x8x128xf32>
    %swap3A_315 = arith.constant 24 : index
    %swap3A_316 = arith.constant 0 : index
    %swap3A_317 = arith.constant 0 : index
    %swap3A_318 = arith.constant 0 : index
    %swap3A_319 = arith.constant 0 : index
    %swap3A_320 = vector.load %arg4[%swap3A_315, %swap3A_316, %swap3A_317, %swap3A_318, %swap3A_319] : memref<52x8x4x8x128xf32, #tpu.memory_space<vmem>>, vector<4x8x1x8x128xf32>
    tpu.vector_store %arg4[%swap3A_315, %swap3A_316, %swap3A_317, %swap3A_318, %swap3A_319], %reshape3A_314 {strides = array<i32>} : memref<52x8x4x8x128xf32, #tpu.memory_space<vmem>>, vector<4x8x1x8x128xf32>,
    %get3A_321 = arith.constant 6 : index
    %get3A_322 = arith.constant 128 : index
    %get3A_323 = arith.constant 0 : index
    %get3A_324 = vector.load %arg2[%get3A_321, %get3A_322, %get3A_323] : memref<13x512x256xf32, #tpu.memory_space<vmem>>, vector<1x128x256xf32>
    %get3A_325 = vector.shape_cast %get3A_324 : vector<1x128x256xf32> to vector<128x256xf32>
    %transpose3A_326 = tpu.transpose %get3A_325, [1, 0] : vector<128x256xf32> -> vector<256x128xf32>
    %reshape3A_327 = vector.shape_cast %transpose3A_326 : vector<256x128xf32> to vector<4x8x1x8x128xf32>
    %swap3A_328 = arith.constant 24 : index
    %swap3A_329 = arith.constant 0 : index
    %swap3A_330 = arith.constant 1 : index
    %swap3A_331 = arith.constant 0 : index
    %swap3A_332 = arith.constant 0 : index
    %swap3A_333 = vector.load %arg4[%swap3A_328, %swap3A_329, %swap3A_330, %swap3A_331, %swap3A_332] : memref<52x8x4x8x128xf32, #tpu.memory_space<vmem>>, vector<4x8x1x8x128xf32>
    tpu.vector_store %arg4[%swap3A_328, %swap3A_329, %swap3A_330, %swap3A_331, %swap3A_332], %reshape3A_327 {strides = array<i32>} : memref<52x8x4x8x128xf32, #tpu.memory_space<vmem>>, vector<4x8x1x8x128xf32>,
    %get3A_334 = arith.constant 6 : index
    %get3A_335 = arith.constant 256 : index
    %get3A_336 = arith.constant 0 : index
    %get3A_337 = vector.load %arg2[%get3A_334, %get3A_335, %get3A_336] : memref<13x512x256xf32, #tpu.memory_space<vmem>>, vector<1x128x256xf32>
    %get3A_338 = vector.shape_cast %get3A_337 : vector<1x128x256xf32> to vector<128x256xf32>
    %transpose3A_339 = tpu.transpose %get3A_338, [1, 0] : vector<128x256xf32> -> vector<256x128xf32>
    %reshape3A_340 = vector.shape_cast %transpose3A_339 : vector<256x128xf32> to vector<4x8x1x8x128xf32>
    %swap3A_341 = arith.constant 24 : index
    %swap3A_342 = arith.constant 0 : index
    %swap3A_343 = arith.constant 2 : index
    %swap3A_344 = arith.constant 0 : index
    %swap3A_345 = arith.constant 0 : index
    %swap3A_346 = vector.load %arg4[%swap3A_341, %swap3A_342, %swap3A_343, %swap3A_344, %swap3A_345] : memref<52x8x4x8x128xf32, #tpu.memory_space<vmem>>, vector<4x8x1x8x128xf32>
    tpu.vector_store %arg4[%swap3A_341, %swap3A_342, %swap3A_343, %swap3A_344, %swap3A_345], %reshape3A_340 {strides = array<i32>} : memref<52x8x4x8x128xf32, #tpu.memory_space<vmem>>, vector<4x8x1x8x128xf32>,
    %get3A_347 = arith.constant 6 : index
    %get3A_348 = arith.constant 384 : index
    %get3A_349 = arith.constant 0 : index
    %get3A_350 = vector.load %arg2[%get3A_347, %get3A_348, %get3A_349] : memref<13x512x256xf32, #tpu.memory_space<vmem>>, vector<1x128x256xf32>
    %get3A_351 = vector.shape_cast %get3A_350 : vector<1x128x256xf32> to vector<128x256xf32>
    %transpose3A_352 = tpu.transpose %get3A_351, [1, 0] : vector<128x256xf32> -> vector<256x128xf32>
    %reshape3A_353 = vector.shape_cast %transpose3A_352 : vector<256x128xf32> to vector<4x8x1x8x128xf32>
    %swap3A_354 = arith.constant 24 : index
    %swap3A_355 = arith.constant 0 : index
    %swap3A_356 = arith.constant 3 : index
    %swap3A_357 = arith.constant 0 : index
    %swap3A_358 = arith.constant 0 : index
    %swap3A_359 = vector.load %arg4[%swap3A_354, %swap3A_355, %swap3A_356, %swap3A_357, %swap3A_358] : memref<52x8x4x8x128xf32, #tpu.memory_space<vmem>>, vector<4x8x1x8x128xf32>
    tpu.vector_store %arg4[%swap3A_354, %swap3A_355, %swap3A_356, %swap3A_357, %swap3A_358], %reshape3A_353 {strides = array<i32>} : memref<52x8x4x8x128xf32, #tpu.memory_space<vmem>>, vector<4x8x1x8x128xf32>,
    %get3A_360 = arith.constant 7 : index
    %get3A_361 = arith.constant 0 : index
    %get3A_362 = arith.constant 0 : index
    %get3A_363 = vector.load %arg2[%get3A_360, %get3A_361, %get3A_362] : memref<13x512x256xf32, #tpu.memory_space<vmem>>, vector<1x128x256xf32>
    %get3A_364 = vector.shape_cast %get3A_363 : vector<1x128x256xf32> to vector<128x256xf32>
    %transpose3A_365 = tpu.transpose %get3A_364, [1, 0] : vector<128x256xf32> -> vector<256x128xf32>
    %reshape3A_366 = vector.shape_cast %transpose3A_365 : vector<256x128xf32> to vector<4x8x1x8x128xf32>
    %swap3A_367 = arith.constant 28 : index
    %swap3A_368 = arith.constant 0 : index
    %swap3A_369 = arith.constant 0 : index
    %swap3A_370 = arith.constant 0 : index
    %swap3A_371 = arith.constant 0 : index
    %swap3A_372 = vector.load %arg4[%swap3A_367, %swap3A_368, %swap3A_369, %swap3A_370, %swap3A_371] : memref<52x8x4x8x128xf32, #tpu.memory_space<vmem>>, vector<4x8x1x8x128xf32>
    tpu.vector_store %arg4[%swap3A_367, %swap3A_368, %swap3A_369, %swap3A_370, %swap3A_371], %reshape3A_366 {strides = array<i32>} : memref<52x8x4x8x128xf32, #tpu.memory_space<vmem>>, vector<4x8x1x8x128xf32>,
    %get3A_373 = arith.constant 7 : index
    %get3A_374 = arith.constant 128 : index
    %get3A_375 = arith.constant 0 : index
    %get3A_376 = vector.load %arg2[%get3A_373, %get3A_374, %get3A_375] : memref<13x512x256xf32, #tpu.memory_space<vmem>>, vector<1x128x256xf32>
    %get3A_377 = vector.shape_cast %get3A_376 : vector<1x128x256xf32> to vector<128x256xf32>
    %transpose3A_378 = tpu.transpose %get3A_377, [1, 0] : vector<128x256xf32> -> vector<256x128xf32>
    %reshape3A_379 = vector.shape_cast %transpose3A_378 : vector<256x128xf32> to vector<4x8x1x8x128xf32>
    %swap3A_380 = arith.constant 28 : index
    %swap3A_381 = arith.constant 0 : index
    %swap3A_382 = arith.constant 1 : index
    %swap3A_383 = arith.constant 0 : index
    %swap3A_384 = arith.constant 0 : index
    %swap3A_385 = vector.load %arg4[%swap3A_380, %swap3A_381, %swap3A_382, %swap3A_383, %swap3A_384] : memref<52x8x4x8x128xf32, #tpu.memory_space<vmem>>, vector<4x8x1x8x128xf32>
    tpu.vector_store %arg4[%swap3A_380, %swap3A_381, %swap3A_382, %swap3A_383, %swap3A_384], %reshape3A_379 {strides = array<i32>} : memref<52x8x4x8x128xf32, #tpu.memory_space<vmem>>, vector<4x8x1x8x128xf32>,
    %get3A_386 = arith.constant 7 : index
    %get3A_387 = arith.constant 256 : index
    %get3A_388 = arith.constant 0 : index
    %get3A_389 = vector.load %arg2[%get3A_386, %get3A_387, %get3A_388] : memref<13x512x256xf32, #tpu.memory_space<vmem>>, vector<1x128x256xf32>
    %get3A_390 = vector.shape_cast %get3A_389 : vector<1x128x256xf32> to vector<128x256xf32>
    %transpose3A_391 = tpu.transpose %get3A_390, [1, 0] : vector<128x256xf32> -> vector<256x128xf32>
    %reshape3A_392 = vector.shape_cast %transpose3A_391 : vector<256x128xf32> to vector<4x8x1x8x128xf32>
    %swap3A_393 = arith.constant 28 : index
    %swap3A_394 = arith.constant 0 : index
    %swap3A_395 = arith.constant 2 : index
    %swap3A_396 = arith.constant 0 : index
    %swap3A_397 = arith.constant 0 : index
    %swap3A_398 = vector.load %arg4[%swap3A_393, %swap3A_394, %swap3A_395, %swap3A_396, %swap3A_397] : memref<52x8x4x8x128xf32, #tpu.memory_space<vmem>>, vector<4x8x1x8x128xf32>
    tpu.vector_store %arg4[%swap3A_393, %swap3A_394, %swap3A_395, %swap3A_396, %swap3A_397], %reshape3A_392 {strides = array<i32>} : memref<52x8x4x8x128xf32, #tpu.memory_space<vmem>>, vector<4x8x1x8x128xf32>,
    %get3A_399 = arith.constant 7 : index
    %get3A_400 = arith.constant 384 : index
    %get3A_401 = arith.constant 0 : index
    %get3A_402 = vector.load %arg2[%get3A_399, %get3A_400, %get3A_401] : memref<13x512x256xf32, #tpu.memory_space<vmem>>, vector<1x128x256xf32>
    %get3A_403 = vector.shape_cast %get3A_402 : vector<1x128x256xf32> to vector<128x256xf32>
    %transpose3A_404 = tpu.transpose %get3A_403, [1, 0] : vector<128x256xf32> -> vector<256x128xf32>
    %reshape3A_405 = vector.shape_cast %transpose3A_404 : vector<256x128xf32> to vector<4x8x1x8x128xf32>
    %swap3A_406 = arith.constant 28 : index
    %swap3A_407 = arith.constant 0 : index
    %swap3A_408 = arith.constant 3 : index
    %swap3A_409 = arith.constant 0 : index
    %swap3A_410 = arith.constant 0 : index
    %swap3A_411 = vector.load %arg4[%swap3A_406, %swap3A_407, %swap3A_408, %swap3A_409, %swap3A_410] : memref<52x8x4x8x128xf32, #tpu.memory_space<vmem>>, vector<4x8x1x8x128xf32>
    tpu.vector_store %arg4[%swap3A_406, %swap3A_407, %swap3A_408, %swap3A_409, %swap3A_410], %reshape3A_405 {strides = array<i32>} : memref<52x8x4x8x128xf32, #tpu.memory_space<vmem>>, vector<4x8x1x8x128xf32>,
    %get3A_412 = arith.constant 8 : index
    %get3A_413 = arith.constant 0 : index
    %get3A_414 = arith.constant 0 : index
    %get3A_415 = vector.load %arg2[%get3A_412, %get3A_413, %get3A_414] : memref<13x512x256xf32, #tpu.memory_space<vmem>>, vector<1x128x256xf32>
    %get3A_416 = vector.shape_cast %get3A_415 : vector<1x128x256xf32> to vector<128x256xf32>
    %transpose3A_417 = tpu.transpose %get3A_416, [1, 0] : vector<128x256xf32> -> vector<256x128xf32>
    %reshape3A_418 = vector.shape_cast %transpose3A_417 : vector<256x128xf32> to vector<4x8x1x8x128xf32>
    %swap3A_419 = arith.constant 32 : index
    %swap3A_420 = arith.constant 0 : index
    %swap3A_421 = arith.constant 0 : index
    %swap3A_422 = arith.constant 0 : index
    %swap3A_423 = arith.constant 0 : index
    %swap3A_424 = vector.load %arg4[%swap3A_419, %swap3A_420, %swap3A_421, %swap3A_422, %swap3A_423] : memref<52x8x4x8x128xf32, #tpu.memory_space<vmem>>, vector<4x8x1x8x128xf32>
    tpu.vector_store %arg4[%swap3A_419, %swap3A_420, %swap3A_421, %swap3A_422, %swap3A_423], %reshape3A_418 {strides = array<i32>} : memref<52x8x4x8x128xf32, #tpu.memory_space<vmem>>, vector<4x8x1x8x128xf32>,
    %get3A_425 = arith.constant 8 : index
    %get3A_426 = arith.constant 128 : index
    %get3A_427 = arith.constant 0 : index
    %get3A_428 = vector.load %arg2[%get3A_425, %get3A_426, %get3A_427] : memref<13x512x256xf32, #tpu.memory_space<vmem>>, vector<1x128x256xf32>
    %get3A_429 = vector.shape_cast %get3A_428 : vector<1x128x256xf32> to vector<128x256xf32>
    %transpose3A_430 = tpu.transpose %get3A_429, [1, 0] : vector<128x256xf32> -> vector<256x128xf32>
    %reshape3A_431 = vector.shape_cast %transpose3A_430 : vector<256x128xf32> to vector<4x8x1x8x128xf32>
    %swap3A_432 = arith.constant 32 : index
    %swap3A_433 = arith.constant 0 : index
    %swap3A_434 = arith.constant 1 : index
    %swap3A_435 = arith.constant 0 : index
    %swap3A_436 = arith.constant 0 : index
    %swap3A_437 = vector.load %arg4[%swap3A_432, %swap3A_433, %swap3A_434, %swap3A_435, %swap3A_436] : memref<52x8x4x8x128xf32, #tpu.memory_space<vmem>>, vector<4x8x1x8x128xf32>
    tpu.vector_store %arg4[%swap3A_432, %swap3A_433, %swap3A_434, %swap3A_435, %swap3A_436], %reshape3A_431 {strides = array<i32>} : memref<52x8x4x8x128xf32, #tpu.memory_space<vmem>>, vector<4x8x1x8x128xf32>,
    %get3A_438 = arith.constant 8 : index
    %get3A_439 = arith.constant 256 : index
    %get3A_440 = arith.constant 0 : index
    %get3A_441 = vector.load %arg2[%get3A_438, %get3A_439, %get3A_440] : memref<13x512x256xf32, #tpu.memory_space<vmem>>, vector<1x128x256xf32>
    %get3A_442 = vector.shape_cast %get3A_441 : vector<1x128x256xf32> to vector<128x256xf32>
    %transpose3A_443 = tpu.transpose %get3A_442, [1, 0] : vector<128x256xf32> -> vector<256x128xf32>
    %reshape3A_444 = vector.shape_cast %transpose3A_443 : vector<256x128xf32> to vector<4x8x1x8x128xf32>
    %swap3A_445 = arith.constant 32 : index
    %swap3A_446 = arith.constant 0 : index
    %swap3A_447 = arith.constant 2 : index
    %swap3A_448 = arith.constant 0 : index
    %swap3A_449 = arith.constant 0 : index
    %swap3A_450 = vector.load %arg4[%swap3A_445, %swap3A_446, %swap3A_447, %swap3A_448, %swap3A_449] : memref<52x8x4x8x128xf32, #tpu.memory_space<vmem>>, vector<4x8x1x8x128xf32>
    tpu.vector_store %arg4[%swap3A_445, %swap3A_446, %swap3A_447, %swap3A_448, %swap3A_449], %reshape3A_444 {strides = array<i32>} : memref<52x8x4x8x128xf32, #tpu.memory_space<vmem>>, vector<4x8x1x8x128xf32>,
    %get3A_451 = arith.constant 8 : index
    %get3A_452 = arith.constant 384 : index
    %get3A_453 = arith.constant 0 : index
    %get3A_454 = vector.load %arg2[%get3A_451, %get3A_452, %get3A_453] : memref<13x512x256xf32, #tpu.memory_space<vmem>>, vector<1x128x256xf32>
    %get3A_455 = vector.shape_cast %get3A_454 : vector<1x128x256xf32> to vector<128x256xf32>
    %transpose3A_456 = tpu.transpose %get3A_455, [1, 0] : vector<128x256xf32> -> vector<256x128xf32>
    %reshape3A_457 = vector.shape_cast %transpose3A_456 : vector<256x128xf32> to vector<4x8x1x8x128xf32>
    %swap3A_458 = arith.constant 32 : index
    %swap3A_459 = arith.constant 0 : index
    %swap3A_460 = arith.constant 3 : index
    %swap3A_461 = arith.constant 0 : index
    %swap3A_462 = arith.constant 0 : index
    %swap3A_463 = vector.load %arg4[%swap3A_458, %swap3A_459, %swap3A_460, %swap3A_461, %swap3A_462] : memref<52x8x4x8x128xf32, #tpu.memory_space<vmem>>, vector<4x8x1x8x128xf32>
    tpu.vector_store %arg4[%swap3A_458, %swap3A_459, %swap3A_460, %swap3A_461, %swap3A_462], %reshape3A_457 {strides = array<i32>} : memref<52x8x4x8x128xf32, #tpu.memory_space<vmem>>, vector<4x8x1x8x128xf32>,
    %get3A_464 = arith.constant 9 : index
    %get3A_465 = arith.constant 0 : index
    %get3A_466 = arith.constant 0 : index
    %get3A_467 = vector.load %arg2[%get3A_464, %get3A_465, %get3A_466] : memref<13x512x256xf32, #tpu.memory_space<vmem>>, vector<1x128x256xf32>
    %get3A_468 = vector.shape_cast %get3A_467 : vector<1x128x256xf32> to vector<128x256xf32>
    %transpose3A_469 = tpu.transpose %get3A_468, [1, 0] : vector<128x256xf32> -> vector<256x128xf32>
    %reshape3A_470 = vector.shape_cast %transpose3A_469 : vector<256x128xf32> to vector<4x8x1x8x128xf32>
    %swap3A_471 = arith.constant 36 : index
    %swap3A_472 = arith.constant 0 : index
    %swap3A_473 = arith.constant 0 : index
    %swap3A_474 = arith.constant 0 : index
    %swap3A_475 = arith.constant 0 : index
    %swap3A_476 = vector.load %arg4[%swap3A_471, %swap3A_472, %swap3A_473, %swap3A_474, %swap3A_475] : memref<52x8x4x8x128xf32, #tpu.memory_space<vmem>>, vector<4x8x1x8x128xf32>
    tpu.vector_store %arg4[%swap3A_471, %swap3A_472, %swap3A_473, %swap3A_474, %swap3A_475], %reshape3A_470 {strides = array<i32>} : memref<52x8x4x8x128xf32, #tpu.memory_space<vmem>>, vector<4x8x1x8x128xf32>,
    %get3A_477 = arith.constant 9 : index
    %get3A_478 = arith.constant 128 : index
    %get3A_479 = arith.constant 0 : index
    %get3A_480 = vector.load %arg2[%get3A_477, %get3A_478, %get3A_479] : memref<13x512x256xf32, #tpu.memory_space<vmem>>, vector<1x128x256xf32>
    %get3A_481 = vector.shape_cast %get3A_480 : vector<1x128x256xf32> to vector<128x256xf32>
    %transpose3A_482 = tpu.transpose %get3A_481, [1, 0] : vector<128x256xf32> -> vector<256x128xf32>
    %reshape3A_483 = vector.shape_cast %transpose3A_482 : vector<256x128xf32> to vector<4x8x1x8x128xf32>
    %swap3A_484 = arith.constant 36 : index
    %swap3A_485 = arith.constant 0 : index
    %swap3A_486 = arith.constant 1 : index
    %swap3A_487 = arith.constant 0 : index
    %swap3A_488 = arith.constant 0 : index
    %swap3A_489 = vector.load %arg4[%swap3A_484, %swap3A_485, %swap3A_486, %swap3A_487, %swap3A_488] : memref<52x8x4x8x128xf32, #tpu.memory_space<vmem>>, vector<4x8x1x8x128xf32>
    tpu.vector_store %arg4[%swap3A_484, %swap3A_485, %swap3A_486, %swap3A_487, %swap3A_488], %reshape3A_483 {strides = array<i32>} : memref<52x8x4x8x128xf32, #tpu.memory_space<vmem>>, vector<4x8x1x8x128xf32>,
    %get3A_490 = arith.constant 9 : index
    %get3A_491 = arith.constant 256 : index
    %get3A_492 = arith.constant 0 : index
    %get3A_493 = vector.load %arg2[%get3A_490, %get3A_491, %get3A_492] : memref<13x512x256xf32, #tpu.memory_space<vmem>>, vector<1x128x256xf32>
    %get3A_494 = vector.shape_cast %get3A_493 : vector<1x128x256xf32> to vector<128x256xf32>
    %transpose3A_495 = tpu.transpose %get3A_494, [1, 0] : vector<128x256xf32> -> vector<256x128xf32>
    %reshape3A_496 = vector.shape_cast %transpose3A_495 : vector<256x128xf32> to vector<4x8x1x8x128xf32>
    %swap3A_497 = arith.constant 36 : index
    %swap3A_498 = arith.constant 0 : index
    %swap3A_499 = arith.constant 2 : index
    %swap3A_500 = arith.constant 0 : index
    %swap3A_501 = arith.constant 0 : index
    %swap3A_502 = vector.load %arg4[%swap3A_497, %swap3A_498, %swap3A_499, %swap3A_500, %swap3A_501] : memref<52x8x4x8x128xf32, #tpu.memory_space<vmem>>, vector<4x8x1x8x128xf32>
    tpu.vector_store %arg4[%swap3A_497, %swap3A_498, %swap3A_499, %swap3A_500, %swap3A_501], %reshape3A_496 {strides = array<i32>} : memref<52x8x4x8x128xf32, #tpu.memory_space<vmem>>, vector<4x8x1x8x128xf32>,
    %get3A_503 = arith.constant 9 : index
    %get3A_504 = arith.constant 384 : index
    %get3A_505 = arith.constant 0 : index
    %get3A_506 = vector.load %arg2[%get3A_503, %get3A_504, %get3A_505] : memref<13x512x256xf32, #tpu.memory_space<vmem>>, vector<1x128x256xf32>
    %get3A_507 = vector.shape_cast %get3A_506 : vector<1x128x256xf32> to vector<128x256xf32>
    %transpose3A_508 = tpu.transpose %get3A_507, [1, 0] : vector<128x256xf32> -> vector<256x128xf32>
    %reshape3A_509 = vector.shape_cast %transpose3A_508 : vector<256x128xf32> to vector<4x8x1x8x128xf32>
    %swap3A_510 = arith.constant 36 : index
    %swap3A_511 = arith.constant 0 : index
    %swap3A_512 = arith.constant 3 : index
    %swap3A_513 = arith.constant 0 : index
    %swap3A_514 = arith.constant 0 : index
    %swap3A_515 = vector.load %arg4[%swap3A_510, %swap3A_511, %swap3A_512, %swap3A_513, %swap3A_514] : memref<52x8x4x8x128xf32, #tpu.memory_space<vmem>>, vector<4x8x1x8x128xf32>
    tpu.vector_store %arg4[%swap3A_510, %swap3A_511, %swap3A_512, %swap3A_513, %swap3A_514], %reshape3A_509 {strides = array<i32>} : memref<52x8x4x8x128xf32, #tpu.memory_space<vmem>>, vector<4x8x1x8x128xf32>,
    %get3A_516 = arith.constant 10 : index
    %get3A_517 = arith.constant 0 : index
    %get3A_518 = arith.constant 0 : index
    %get3A_519 = vector.load %arg2[%get3A_516, %get3A_517, %get3A_518] : memref<13x512x256xf32, #tpu.memory_space<vmem>>, vector<1x128x256xf32>
    %get3A_520 = vector.shape_cast %get3A_519 : vector<1x128x256xf32> to vector<128x256xf32>
    %transpose3A_521 = tpu.transpose %get3A_520, [1, 0] : vector<128x256xf32> -> vector<256x128xf32>
    %reshape3A_522 = vector.shape_cast %transpose3A_521 : vector<256x128xf32> to vector<4x8x1x8x128xf32>
    %swap3A_523 = arith.constant 40 : index
    %swap3A_524 = arith.constant 0 : index
    %swap3A_525 = arith.constant 0 : index
    %swap3A_526 = arith.constant 0 : index
    %swap3A_527 = arith.constant 0 : index
    %swap3A_528 = vector.load %arg4[%swap3A_523, %swap3A_524, %swap3A_525, %swap3A_526, %swap3A_527] : memref<52x8x4x8x128xf32, #tpu.memory_space<vmem>>, vector<4x8x1x8x128xf32>
    tpu.vector_store %arg4[%swap3A_523, %swap3A_524, %swap3A_525, %swap3A_526, %swap3A_527], %reshape3A_522 {strides = array<i32>} : memref<52x8x4x8x128xf32, #tpu.memory_space<vmem>>, vector<4x8x1x8x128xf32>,
    %get3A_529 = arith.constant 10 : index
    %get3A_530 = arith.constant 128 : index
    %get3A_531 = arith.constant 0 : index
    %get3A_532 = vector.load %arg2[%get3A_529, %get3A_530, %get3A_531] : memref<13x512x256xf32, #tpu.memory_space<vmem>>, vector<1x128x256xf32>
    %get3A_533 = vector.shape_cast %get3A_532 : vector<1x128x256xf32> to vector<128x256xf32>
    %transpose3A_534 = tpu.transpose %get3A_533, [1, 0] : vector<128x256xf32> -> vector<256x128xf32>
    %reshape3A_535 = vector.shape_cast %transpose3A_534 : vector<256x128xf32> to vector<4x8x1x8x128xf32>
    %swap3A_536 = arith.constant 40 : index
    %swap3A_537 = arith.constant 0 : index
    %swap3A_538 = arith.constant 1 : index
    %swap3A_539 = arith.constant 0 : index
    %swap3A_540 = arith.constant 0 : index
    %swap3A_541 = vector.load %arg4[%swap3A_536, %swap3A_537, %swap3A_538, %swap3A_539, %swap3A_540] : memref<52x8x4x8x128xf32, #tpu.memory_space<vmem>>, vector<4x8x1x8x128xf32>
    tpu.vector_store %arg4[%swap3A_536, %swap3A_537, %swap3A_538, %swap3A_539, %swap3A_540], %reshape3A_535 {strides = array<i32>} : memref<52x8x4x8x128xf32, #tpu.memory_space<vmem>>, vector<4x8x1x8x128xf32>,
    %get3A_542 = arith.constant 10 : index
    %get3A_543 = arith.constant 256 : index
    %get3A_544 = arith.constant 0 : index
    %get3A_545 = vector.load %arg2[%get3A_542, %get3A_543, %get3A_544] : memref<13x512x256xf32, #tpu.memory_space<vmem>>, vector<1x128x256xf32>
    %get3A_546 = vector.shape_cast %get3A_545 : vector<1x128x256xf32> to vector<128x256xf32>
    %transpose3A_547 = tpu.transpose %get3A_546, [1, 0] : vector<128x256xf32> -> vector<256x128xf32>
    %reshape3A_548 = vector.shape_cast %transpose3A_547 : vector<256x128xf32> to vector<4x8x1x8x128xf32>
    %swap3A_549 = arith.constant 40 : index
    %swap3A_550 = arith.constant 0 : index
    %swap3A_551 = arith.constant 2 : index
    %swap3A_552 = arith.constant 0 : index
    %swap3A_553 = arith.constant 0 : index
    %swap3A_554 = vector.load %arg4[%swap3A_549, %swap3A_550, %swap3A_551, %swap3A_552, %swap3A_553] : memref<52x8x4x8x128xf32, #tpu.memory_space<vmem>>, vector<4x8x1x8x128xf32>
    tpu.vector_store %arg4[%swap3A_549, %swap3A_550, %swap3A_551, %swap3A_552, %swap3A_553], %reshape3A_548 {strides = array<i32>} : memref<52x8x4x8x128xf32, #tpu.memory_space<vmem>>, vector<4x8x1x8x128xf32>,
    %get3A_555 = arith.constant 10 : index
    %get3A_556 = arith.constant 384 : index
    %get3A_557 = arith.constant 0 : index
    %get3A_558 = vector.load %arg2[%get3A_555, %get3A_556, %get3A_557] : memref<13x512x256xf32, #tpu.memory_space<vmem>>, vector<1x128x256xf32>
    %get3A_559 = vector.shape_cast %get3A_558 : vector<1x128x256xf32> to vector<128x256xf32>
    %transpose3A_560 = tpu.transpose %get3A_559, [1, 0] : vector<128x256xf32> -> vector<256x128xf32>
    %reshape3A_561 = vector.shape_cast %transpose3A_560 : vector<256x128xf32> to vector<4x8x1x8x128xf32>
    %swap3A_562 = arith.constant 40 : index
    %swap3A_563 = arith.constant 0 : index
    %swap3A_564 = arith.constant 3 : index
    %swap3A_565 = arith.constant 0 : index
    %swap3A_566 = arith.constant 0 : index
    %swap3A_567 = vector.load %arg4[%swap3A_562, %swap3A_563, %swap3A_564, %swap3A_565, %swap3A_566] : memref<52x8x4x8x128xf32, #tpu.memory_space<vmem>>, vector<4x8x1x8x128xf32>
    tpu.vector_store %arg4[%swap3A_562, %swap3A_563, %swap3A_564, %swap3A_565, %swap3A_566], %reshape3A_561 {strides = array<i32>} : memref<52x8x4x8x128xf32, #tpu.memory_space<vmem>>, vector<4x8x1x8x128xf32>,
    %get3A_568 = arith.constant 11 : index
    %get3A_569 = arith.constant 0 : index
    %get3A_570 = arith.constant 0 : index
    %get3A_571 = vector.load %arg2[%get3A_568, %get3A_569, %get3A_570] : memref<13x512x256xf32, #tpu.memory_space<vmem>>, vector<1x128x256xf32>
    %get3A_572 = vector.shape_cast %get3A_571 : vector<1x128x256xf32> to vector<128x256xf32>
    %transpose3A_573 = tpu.transpose %get3A_572, [1, 0] : vector<128x256xf32> -> vector<256x128xf32>
    %reshape3A_574 = vector.shape_cast %transpose3A_573 : vector<256x128xf32> to vector<4x8x1x8x128xf32>
    %swap3A_575 = arith.constant 44 : index
    %swap3A_576 = arith.constant 0 : index
    %swap3A_577 = arith.constant 0 : index
    %swap3A_578 = arith.constant 0 : index
    %swap3A_579 = arith.constant 0 : index
    %swap3A_580 = vector.load %arg4[%swap3A_575, %swap3A_576, %swap3A_577, %swap3A_578, %swap3A_579] : memref<52x8x4x8x128xf32, #tpu.memory_space<vmem>>, vector<4x8x1x8x128xf32>
    tpu.vector_store %arg4[%swap3A_575, %swap3A_576, %swap3A_577, %swap3A_578, %swap3A_579], %reshape3A_574 {strides = array<i32>} : memref<52x8x4x8x128xf32, #tpu.memory_space<vmem>>, vector<4x8x1x8x128xf32>,
    %get3A_581 = arith.constant 11 : index
    %get3A_582 = arith.constant 128 : index
    %get3A_583 = arith.constant 0 : index
    %get3A_584 = vector.load %arg2[%get3A_581, %get3A_582, %get3A_583] : memref<13x512x256xf32, #tpu.memory_space<vmem>>, vector<1x128x256xf32>
    %get3A_585 = vector.shape_cast %get3A_584 : vector<1x128x256xf32> to vector<128x256xf32>
    %transpose3A_586 = tpu.transpose %get3A_585, [1, 0] : vector<128x256xf32> -> vector<256x128xf32>
    %reshape3A_587 = vector.shape_cast %transpose3A_586 : vector<256x128xf32> to vector<4x8x1x8x128xf32>
    %swap3A_588 = arith.constant 44 : index
    %swap3A_589 = arith.constant 0 : index
    %swap3A_590 = arith.constant 1 : index
    %swap3A_591 = arith.constant 0 : index
    %swap3A_592 = arith.constant 0 : index
    %swap3A_593 = vector.load %arg4[%swap3A_588, %swap3A_589, %swap3A_590, %swap3A_591, %swap3A_592] : memref<52x8x4x8x128xf32, #tpu.memory_space<vmem>>, vector<4x8x1x8x128xf32>
    tpu.vector_store %arg4[%swap3A_588, %swap3A_589, %swap3A_590, %swap3A_591, %swap3A_592], %reshape3A_587 {strides = array<i32>} : memref<52x8x4x8x128xf32, #tpu.memory_space<vmem>>, vector<4x8x1x8x128xf32>,
    %get3A_594 = arith.constant 11 : index
    %get3A_595 = arith.constant 256 : index
    %get3A_596 = arith.constant 0 : index
    %get3A_597 = vector.load %arg2[%get3A_594, %get3A_595, %get3A_596] : memref<13x512x256xf32, #tpu.memory_space<vmem>>, vector<1x128x256xf32>
    %get3A_598 = vector.shape_cast %get3A_597 : vector<1x128x256xf32> to vector<128x256xf32>
    %transpose3A_599 = tpu.transpose %get3A_598, [1, 0] : vector<128x256xf32> -> vector<256x128xf32>
    %reshape3A_600 = vector.shape_cast %transpose3A_599 : vector<256x128xf32> to vector<4x8x1x8x128xf32>
    %swap3A_601 = arith.constant 44 : index
    %swap3A_602 = arith.constant 0 : index
    %swap3A_603 = arith.constant 2 : index
    %swap3A_604 = arith.constant 0 : index
    %swap3A_605 = arith.constant 0 : index
    %swap3A_606 = vector.load %arg4[%swap3A_601, %swap3A_602, %swap3A_603, %swap3A_604, %swap3A_605] : memref<52x8x4x8x128xf32, #tpu.memory_space<vmem>>, vector<4x8x1x8x128xf32>
    tpu.vector_store %arg4[%swap3A_601, %swap3A_602, %swap3A_603, %swap3A_604, %swap3A_605], %reshape3A_600 {strides = array<i32>} : memref<52x8x4x8x128xf32, #tpu.memory_space<vmem>>, vector<4x8x1x8x128xf32>,
    %get3A_607 = arith.constant 11 : index
    %get3A_608 = arith.constant 384 : index
    %get3A_609 = arith.constant 0 : index
    %get3A_610 = vector.load %arg2[%get3A_607, %get3A_608, %get3A_609] : memref<13x512x256xf32, #tpu.memory_space<vmem>>, vector<1x128x256xf32>
    %get3A_611 = vector.shape_cast %get3A_610 : vector<1x128x256xf32> to vector<128x256xf32>
    %transpose3A_612 = tpu.transpose %get3A_611, [1, 0] : vector<128x256xf32> -> vector<256x128xf32>
    %reshape3A_613 = vector.shape_cast %transpose3A_612 : vector<256x128xf32> to vector<4x8x1x8x128xf32>
    %swap3A_614 = arith.constant 44 : index
    %swap3A_615 = arith.constant 0 : index
    %swap3A_616 = arith.constant 3 : index
    %swap3A_617 = arith.constant 0 : index
    %swap3A_618 = arith.constant 0 : index
    %swap3A_619 = vector.load %arg4[%swap3A_614, %swap3A_615, %swap3A_616, %swap3A_617, %swap3A_618] : memref<52x8x4x8x128xf32, #tpu.memory_space<vmem>>, vector<4x8x1x8x128xf32>
    tpu.vector_store %arg4[%swap3A_614, %swap3A_615, %swap3A_616, %swap3A_617, %swap3A_618], %reshape3A_613 {strides = array<i32>} : memref<52x8x4x8x128xf32, #tpu.memory_space<vmem>>, vector<4x8x1x8x128xf32>,
    %get3A_620 = arith.constant 12 : index
    %get3A_621 = arith.constant 0 : index
    %get3A_622 = arith.constant 0 : index
    %get3A_623 = vector.load %arg2[%get3A_620, %get3A_621, %get3A_622] : memref<13x512x256xf32, #tpu.memory_space<vmem>>, vector<1x128x256xf32>
    %get3A_624 = vector.shape_cast %get3A_623 : vector<1x128x256xf32> to vector<128x256xf32>
    %transpose3A_625 = tpu.transpose %get3A_624, [1, 0] : vector<128x256xf32> -> vector<256x128xf32>
    %reshape3A_626 = vector.shape_cast %transpose3A_625 : vector<256x128xf32> to vector<4x8x1x8x128xf32>
    %swap3A_627 = arith.constant 48 : index
    %swap3A_628 = arith.constant 0 : index
    %swap3A_629 = arith.constant 0 : index
    %swap3A_630 = arith.constant 0 : index
    %swap3A_631 = arith.constant 0 : index
    %swap3A_632 = vector.load %arg4[%swap3A_627, %swap3A_628, %swap3A_629, %swap3A_630, %swap3A_631] : memref<52x8x4x8x128xf32, #tpu.memory_space<vmem>>, vector<4x8x1x8x128xf32>
    tpu.vector_store %arg4[%swap3A_627, %swap3A_628, %swap3A_629, %swap3A_630, %swap3A_631], %reshape3A_626 {strides = array<i32>} : memref<52x8x4x8x128xf32, #tpu.memory_space<vmem>>, vector<4x8x1x8x128xf32>,
    %get3A_633 = arith.constant 12 : index
    %get3A_634 = arith.constant 128 : index
    %get3A_635 = arith.constant 0 : index
    %get3A_636 = vector.load %arg2[%get3A_633, %get3A_634, %get3A_635] : memref<13x512x256xf32, #tpu.memory_space<vmem>>, vector<1x128x256xf32>
    %get3A_637 = vector.shape_cast %get3A_636 : vector<1x128x256xf32> to vector<128x256xf32>
    %transpose3A_638 = tpu.transpose %get3A_637, [1, 0] : vector<128x256xf32> -> vector<256x128xf32>
    %reshape3A_639 = vector.shape_cast %transpose3A_638 : vector<256x128xf32> to vector<4x8x1x8x128xf32>
    %swap3A_640 = arith.constant 48 : index
    %swap3A_641 = arith.constant 0 : index
    %swap3A_642 = arith.constant 1 : index
    %swap3A_643 = arith.constant 0 : index
    %swap3A_644 = arith.constant 0 : index
    %swap3A_645 = vector.load %arg4[%swap3A_640, %swap3A_641, %swap3A_642, %swap3A_643, %swap3A_644] : memref<52x8x4x8x128xf32, #tpu.memory_space<vmem>>, vector<4x8x1x8x128xf32>
    tpu.vector_store %arg4[%swap3A_640, %swap3A_641, %swap3A_642, %swap3A_643, %swap3A_644], %reshape3A_639 {strides = array<i32>} : memref<52x8x4x8x128xf32, #tpu.memory_space<vmem>>, vector<4x8x1x8x128xf32>,
    %get3A_646 = arith.constant 12 : index
    %get3A_647 = arith.constant 256 : index
    %get3A_648 = arith.constant 0 : index
    %get3A_649 = vector.load %arg2[%get3A_646, %get3A_647, %get3A_648] : memref<13x512x256xf32, #tpu.memory_space<vmem>>, vector<1x128x256xf32>
    %get3A_650 = vector.shape_cast %get3A_649 : vector<1x128x256xf32> to vector<128x256xf32>
    %transpose3A_651 = tpu.transpose %get3A_650, [1, 0] : vector<128x256xf32> -> vector<256x128xf32>
    %reshape3A_652 = vector.shape_cast %transpose3A_651 : vector<256x128xf32> to vector<4x8x1x8x128xf32>
    %swap3A_653 = arith.constant 48 : index
    %swap3A_654 = arith.constant 0 : index
    %swap3A_655 = arith.constant 2 : index
    %swap3A_656 = arith.constant 0 : index
    %swap3A_657 = arith.constant 0 : index
    %swap3A_658 = vector.load %arg4[%swap3A_653, %swap3A_654, %swap3A_655, %swap3A_656, %swap3A_657] : memref<52x8x4x8x128xf32, #tpu.memory_space<vmem>>, vector<4x8x1x8x128xf32>
    tpu.vector_store %arg4[%swap3A_653, %swap3A_654, %swap3A_655, %swap3A_656, %swap3A_657], %reshape3A_652 {strides = array<i32>} : memref<52x8x4x8x128xf32, #tpu.memory_space<vmem>>, vector<4x8x1x8x128xf32>,
    %get3A_659 = arith.constant 12 : index
    %get3A_660 = arith.constant 384 : index
    %get3A_661 = arith.constant 0 : index
    %get3A_662 = vector.load %arg2[%get3A_659, %get3A_660, %get3A_661] : memref<13x512x256xf32, #tpu.memory_space<vmem>>, vector<1x128x256xf32>
    %get3A_663 = vector.shape_cast %get3A_662 : vector<1x128x256xf32> to vector<128x256xf32>
    %transpose3A_664 = tpu.transpose %get3A_663, [1, 0] : vector<128x256xf32> -> vector<256x128xf32>
    %reshape3A_665 = vector.shape_cast %transpose3A_664 : vector<256x128xf32> to vector<4x8x1x8x128xf32>
    %swap3A_666 = arith.constant 48 : index
    %swap3A_667 = arith.constant 0 : index
    %swap3A_668 = arith.constant 3 : index
    %swap3A_669 = arith.constant 0 : index
    %swap3A_670 = arith.constant 0 : index
    %swap3A_671 = vector.load %arg4[%swap3A_666, %swap3A_667, %swap3A_668, %swap3A_669, %swap3A_670] : memref<52x8x4x8x128xf32, #tpu.memory_space<vmem>>, vector<4x8x1x8x128xf32>
    tpu.vector_store %arg4[%swap3A_666, %swap3A_667, %swap3A_668, %swap3A_669, %swap3A_670], %reshape3A_665 {strides = array<i32>} : memref<52x8x4x8x128xf32, #tpu.memory_space<vmem>>, vector<4x8x1x8x128xf32>,
    return
  }
  func.func @transform_0(%arg0: i32, %arg1: i32) -> (i32, i32, i32) {
    %c0_i32 = arith.constant 0 : i32
    %c0_i32_0 = arith.constant 0 : i32
    return %arg0, %arg1, %c0_i32 : i32, i32, i32
  }
  func.func @transform_2(%arg0: i32, %arg1: i32) -> (i32, i32, i32, i32, i32) {
    %add3A = arith.constant 1 : i32
    %add3A_0 = arith.addi %arg0, %add3A : i32
    %c0_i32 = arith.constant 0 : i32
    %c0_i32_1 = arith.constant 0 : i32
    %c0_i32_2 = arith.constant 0 : i32
    %c0_i32_3 = arith.constant 0 : i32
    return %add3A_0, %c0_i32, %arg1, %c0_i32_1, %c0_i32_2 : i32, i32, i32, i32, i32
  }
}

</mosaic_0001>

<sc_bundles>
// kernel: kernel.11.cloned.1.call-start
scs
__scs_entry_jumppad:
0x0: {  	(pc) =	sbr.rel $0x88, $3  }
0x1: {  	(tag) =	ssettag $0x0;
	lr =	simm.s32 $0x1  }
0x2: {  	[smem:$0x3F9F] =	sst lr;
	_ =	strace $0xD0000000  }
0x3: {  	_ = 	snop  }
0x4: {  	_ = 	snop  }
0x5: {  	_ = 	snop  }
0x6: {  	_ = 	snop  }
0x7: {  	_ = 	snop  }
__scs_overlays_trampoline_lowered:
0x8: {  	[smem:$0x3FAE] =	sst s0  }
0x9: {  	[smem:$0x3FAF] =	sst s1  }
0xa: {  	[smem:$0x3FB0] =	sst s2  }
0xb: {  	[smem:$0x3FB1] =	sst s3  }
0xc: {  	[smem:$0x3FB2] =	sst s4  }
0xd: {  	[smem:$0x3FB3] =	sst s5  }
0xe: {  	[smem:$0x3FB4] =	sst s6  }
0xf: {  	[smem:$0x3FB5] =	sst s7  }
0x10: {  	[smem:$0x3FB6] =	sst s8  }
0x11: {  	[smem:$0x3FB7] =	sst s9;
	s0 =	simm.s32 @!p0 $0x0  }
0x12: {  	s1 =	sld [smem:$0x3F9D];
	s0 =	simm.s32 @p0 $0x1  }
0x13: {  	[smem:$0x3FB8] =	sst s0;
	s0 =	simm.s32 @!p1 $0x0  }
0x14: {  	s2 =	sld [smem:$0x3F9C];
	s0 =	simm.s32 @p1 $0x1  }
0x15: {  	[smem:$0x3FB9] =	sst s0;
	s0 =	simm.s32 @!p2 $0x0  }
0x16: {  	s3 =	sld [smem:$0x3FDB];
	s0 =	simm.s32 @p2 $0x1  }
0x17: {  	s4 =	simm.s32 $0x1BF5;
	[smem:$0x3FBB] =	sst s0  }
0x18: {  	s0 =	sld [smem:$0x3F9E];
	_ =	swait.ge [sflag:s4], $0x0  }
0x19: {  	s7 =	sld [smem:$0x3F9F]  }
0x1a: {  	s8 =	sadd.s32 $0xFFFFE003, lr  }
0x1b: {  	s9 =	sadd.s32 $0xFFFFFEF7, lr;
	s5 =	simm.s32 $0xFFFFFFFF;
	p2 =	slt.u32 s8, $0xFFFFF086  }
0x1c: {  	p1 =	slt.u32 s9, $0xF7A;
	s5 =	simm.s32 @!p2 $0x0  }
0x1d: {  	s5 =	simm.s32 @p1 $0x1;
	p0 =	seq.s32 s7, s2  }
0x1e: {  	s7 =	smul.u32 @!p0 $0xF7A, s2;
	p2 =	seq.s32 @!p0 s5, $0x0  }
0x1f: {  	s9 =	smul.u32 $0xF7A, s1;
	s8 =	simm.s32 @!p0 $0x1BF5;
	p2 =	por !p2, p0  }
0x20: {  	[sflag:s8] =	ssyncset.s32 @!p0 $0xFFFFF086;
	s6 =	sadd.s32 @!p0 s3, s7;
	s7 =	simm.s32 @!p0 $0x108  }
0x21: {  	s3 =	sadd.s32 s3, s9;
	s6 =	sadd.s32 @!p0 $0x88, s6;
	s7 =	simm.s32 @p2 $0x1082  }
0x22: {  	[simem:s7], [sflag:s8] =	dma.local @!p0 [hbm:s6], $0xF7A  }
0x23: {  	s9 =	sor.u32 $0xD0000000, s2;
	s6 =	simm.s32 $0x108;
	_ =	swait.ge @!p0 [sflag:s8], $0x0  }
0x24: {  	s3 =	sadd.s32 $0x88, s3;
	s6 =	simm.s32 @!p1 $0x1082;
	[sflag:s4] =	ssyncset.s32 $0xFFFFF086  }
0x25: {  	[simem:s6], [sflag:s4] =	dma.local [hbm:s3], $0xF7A  }
0x26: {  	[smem:$0x3F9F] =	sst s1;
	(tag) =	ssettag s2;
	_ =	strace s9  }
0x27: {  	s1 =	sld [smem:$0x3FAF]  }
0x28: {  	s2 =	sld [smem:$0x3FB0]  }
0x29: {  	s4 =	sld [smem:$0x3FB2]  }
0x2a: {  	p0 =	seq.s32 s5, $0x0;
	s5 =	sld [smem:$0x3FB3]  }
0x2b: {  	s6 =	sld [smem:$0x3FB4]  }
0x2c: {  	s7 =	sld [smem:$0x3FB5]  }
0x2d: {  	s3 =	simm.s32 $0x108;
	s8 =	sld [smem:$0x3FB6]  }
0x2e: {  	s3 =	simm.s32 @!p0 $0x1082;
	s9 =	sld [smem:$0x3FB7]  }
0x2f: {  	lr =	sadd.s32 s0, s3;
	s0 =	sld [smem:$0x3FAE]  }
0x30: {  	s3 =	sld [smem:$0x3FB1]  }
0x31: {  	[smem:$0x3FBA] =	sst s10  }
0x32: {  	s10 =	sld [smem:$0x3FB8];
	_ =	sdelay $0x3  }
0x33: {  	p0 =	seq.s32 s10, $0x1;
	s10 =	sld [smem:$0x3FBA];
	_ =	sdelay $0x3  }
0x34: {  	[smem:$0x3FBA] =	sst s10  }
0x35: {  	s10 =	sld [smem:$0x3FB9];
	_ =	sdelay $0x3  }
0x36: {  	p1 =	seq.s32 s10, $0x1;
	s10 =	sld [smem:$0x3FBA];
	_ =	sdelay $0x3  }
0x37: {  	[smem:$0x3FBA] =	sst s10  }
0x38: {  	s10 =	sld [smem:$0x3FBB]  }
0x39: {  	_ = 	snop;
	(pc) =	sbr.ind lr, $3  }
0x3a: {  	_ = 	snop  }
0x3b: {  	_ = 	snop  }
0x3c: {  	p2 =	seq.s32 s10, $0x1;
	s10 =	sld [smem:$0x3FBA]  }
0x3d: {  	_ =	shalt  }
0x3e: {  	_ =	shalt  }
0x3f: {  	_ =	shalt  }
0x40: {  	_ =	shalt  }
0x41: {  	_ =	shalt  }
0x42: {  	_ =	shalt  }
0x43: {  	_ =	shalt  }
0x44: {  	_ =	shalt  }
0x45: {  	_ =	shalt  }
0x46: {  	_ =	shalt  }
0x47: {  	_ =	shalt  }
0x48: {  	_ =	shalt  }
0x49: {  	_ =	shalt  }
0x4a: {  	_ =	shalt  }
0x4b: {  	_ =	shalt  }
0x4c: {  	_ =	shalt  }
0x4d: {  	_ =	shalt  }
0x4e: {  	_ =	shalt  }
0x4f: {  	_ =	shalt  }
0x50: {  	_ =	shalt  }
0x51: {  	_ =	shalt  }
0x52: {  	_ =	shalt  }
0x53: {  	_ =	shalt  }
0x54: {  	_ =	shalt  }
0x55: {  	_ =	shalt  }
0x56: {  	_ =	shalt  }
0x57: {  	_ =	shalt  }
0x58: {  	_ =	shalt  }
0x59: {  	_ =	shalt  }
0x5a: {  	_ =	shalt  }
0x5b: {  	_ =	shalt  }
0x5c: {  	_ =	shalt  }
0x5d: {  	_ =	shalt  }
0x5e: {  	_ =	shalt  }
0x5f: {  	_ =	shalt  }
0x60: {  	_ =	shalt  }
0x61: {  	_ =	shalt  }
0x62: {  	_ =	shalt  }
0x63: {  	_ =	shalt  }
0x64: {  	_ =	shalt  }
0x65: {  	_ =	shalt  }
0x66: {  	_ =	shalt  }
0x67: {  	_ =	shalt  }
0x68: {  	_ =	shalt  }
0x69: {  	_ =	shalt  }
0x6a: {  	_ =	shalt  }
0x6b: {  	_ =	shalt  }
0x6c: {  	_ =	shalt  }
0x6d: {  	_ =	shalt  }
0x6e: {  	_ =	shalt  }
0x6f: {  	_ =	shalt  }
0x70: {  	_ =	shalt  }
0x71: {  	_ =	shalt  }
0x72: {  	_ =	shalt  }
0x73: {  	_ =	shalt  }
0x74: {  	_ =	shalt  }
0x75: {  	_ =	shalt  }
0x76: {  	_ =	shalt  }
0x77: {  	_ =	shalt  }
0x78: {  	_ =	shalt  }
0x79: {  	_ =	shalt  }
0x7a: {  	_ =	shalt  }
0x7b: {  	_ =	shalt  }
0x7c: {  	_ =	shalt  }
0x7d: {  	_ =	shalt  }
0x7e: {  	_ =	shalt  }
0x7f: {  	_ =	shalt  }
0x80: {  	_ =	shalt  }
0x81: {  	_ =	shalt  }
0x82: {  	_ =	shalt  }
0x83: {  	_ =	shalt  }
0x84: {  	_ =	shalt  }
0x85: {  	_ =	shalt  }
0x86: {  	_ =	shalt  }
0x87: {  	_ =	shalt  }
.Lfunc_end0:
.L_simem_size_0:
called_computation.1_lowered:
.L_overlay_start_0:
0x88: {  	s2 =	sld [smem:$0x3FD9]  }
0x89: {  	s3 =	sld [smem:$0x3FFE];
	_ =	sdelay $0x1  }
0x8a: {  	s1 =	srdreg.scid  }
0x8b: {  	s0 =	sand.u32 $0x1, s1  }
0x8c: {  	s16 =	sshll.u32 s0, $0xA;
	s2 =	sadd.s32 s3, s2  }
0x8d: {  	s2 =	sadd.s32 s2, s16  }
0x8e: {  	[smem:$0x3FC6] =	sst s2  }
0x8f: {  	_ = 	snop  }
0x90: {  	(tm) =	ssettm $0x1  }
0x91: {  	s17 =	sld [smem:$0x3FFB];
	_ =	sdelay $0x3  }
0x92: {  	_ =	strace s17  }
0x93: {  	s2 =	sld [smem:$0x3FFC];
	_ =	sdelay $0x3  }
0x94: {  	_ =	strace s2  }
0x95: {  	s2 =	sld [smem:$0x3FFD];
	_ =	sdelay $0x3  }
0x96: {  	_ =	strace s2  }
0x97: {  	_ =	strace $0x8FFFFFFF  }
0x98: {  	s18 =	sld [smem:$0x3FDB];
	_ =	sdelay $0x1  }
0x99: {  	s19 =	simm.s32 $_scs_section_size  }
0x9a: {  	s4 =	simm.s32 $_size__tile_overlayer_lowered;
	s5 =	simm.s32 $_tile_overlayer_lowered  }
0x9b: {  	s22 =	simm.s32 $0x1BFF;
	s21 =	sshll.u32 s5, $0x1;
	s2 =	sadd.s32 s19, s18  }
0x9c: {  	s6 =	simm.s32 $0x0;
	s20 =	sshll.u32 s4, $0x1;
	s4 =	sadd.s32 s21, s2  }
0x9d: {  	[timem:s6], [sflag:s22] =	dma.local [hbm:s4], s20  }
0x9e: {  	_ =	swait.ge [sflag:s22], s20  }
0x9f: {  	s3 =	ssub.s32 $0x0, s20;
	[sflag:s22] =	ssyncset.done $0x0  }
0xa0: {  	[sflag:s22] =	ssyncadd.s32 s3;
	_ =	sdelay $0x1  }
0xa1: {  	s23 =	simm.s32 $0x1B8B  }
0xa2: {  	_ =	swait.ge [sflag:s23], $0x1  }
0xa3: {  	[sflag:s23] =	ssyncset.done $0x0  }
0xa4: {  	s25 =	simm.s32 $0x1B8E;
	s24 =	sld [smem:$0x3FFE];
	[sflag:s23] =	ssyncadd.s32 $0xFFFFFFFF  }
0xa5: {  	s26 =	simm.s32 $execute0_lowered;
	[smem:$0x3FD2] =	sst s25  }
0xa6: {  	s4 =	sshll.u32 s26, $0x1;
	_ =	strace $0x80000049;
	[dreg:$0x1] =	wrdreg $0xFFFFFFFF  }
0xa7: {  	s28 =	simm.s32 $_size_execute0_lowered;
	s2 =	sadd.s32 s2, s4;
	[dreg:$0x0] =	wrdreg $0x0  }
0xa8: {  	s4 =	sshll.u32 s28, $0x1;
	[dreg:$0x2] =	wrdreg s2  }
0xa9: {  	[dreg:$0x3] =	wrdreg s4  }
0xaa: {  	[dreg:$0x4] =	wrdreg $0xC0  }
0xab: {  	_ =	task [dreg:s6], $0x5FFFF  }
0xac: {  	[dreg:$0x1] =	wrdreg $0xFFFFFFFF  }
0xad: {  	[dreg:$0x0] =	wrdreg $0x60  }
0xae: {  	[dreg:$0x2] =	wrdreg s24  }
0xaf: {  	[dreg:$0x3] =	wrdreg $0x9  }
0xb0: {  	_ =	task.clear_ibuf [dreg:s6], $0x4FFFF;
	_ =	strace $0x90000049  }
0xb1: {  	s29 =	simm.s32 $0x9;
	_ =	strace $0x8000004B  }
0xb2: {  	_ =	swait.ge [sflag:s29], $0x1  }
0xb3: {  	[sflag:s29] =	ssyncadd.s32 $0xFFFFFFFF  }
0xb4: {  	_ =	strace $0x9000004B  }
0xb5: {  	_ =	sfence  }
0xb6: {  	s30 =	sld [smem:$0x0];
	_ =	sdelay $0x2  }
0xb7: {  	s31 =	sshll.u32 s1, $0xD;
	s1 =	sshrl.u32 s1, $0x2  }
0xb8: {  	s3 =	sand.u32 $0x4000, s31;
	s1 =	sadd.s32 s1, s30  }
0xb9: {  	s0 =	sor.u32 s3, s0;
	s1 =	sshll.u32 s1, $0x11  }
0xba: {  	s0 =	sor.u32 s1, s0  }
0xbb: {  	s0 =	sadd.s32 $0x8F2B, s0  }
0xbc: {  	[sflag:s0] =	ssyncadd.remote.s32 $0x1  }
0xbd: {  	_ =	sfence.sel $0xFFFF  }
0xbe: {  	[dreg:$0x0] =	wrdreg $0xFFFFFFFF;
	(pc) =	sbr.abs _section_cstart, $3  }
0xbf: {  	[dreg:$0x1] =	wrdreg $0xFFFFFFFF  }
0xc0: {  	_ =	task.clear_ibuf [dreg:s6], $0x2FFFF;
	_ =	strace $0x9FFFFFFF  }
0xc1: {  	(tm) =	ssettm $0x7FFFFFFF  }
tec
execute0_lowered:
.L_overlay_start_1:
0x0: {  	(tag) =	ssettag $0x1  }
0x1: {  	s0 =	srdreg.scid;
	s1 =	stileid.u32  }
0x2: {  	s0 =	sand.u32 $0x1, s0;
	s1 =	sshll.u32 s1, $0x1  }
0x3: {  	s1 =	sor.u32 s0, s1  }
0x4: {  	s3 =	rddreg [dreg:$0x0];
	s4 =	smul.u32 $0x1A0, s1;
	s1 =	sshll.u32 s1, $0xC  }
0x5: {  	s2 =	simm.s32 $0x0;
	s1 =	sadd.s32 s1, s3  }
0x6: {  	[smem:$0x7FF] =	sst s2;
	s16 =	sadd.s32 $0x18DE00, s1  }
0x7: {  	_ =	strace $0x8000004A;
	s17 =	sadd.s32 $0x1ADE00, s1;
	[dreg:$0x3] =	wrdreg s16  }
0x8: {  	s18 =	sadd.s32 $0x1CDE00, s1;
	[dreg:$0x4] =	wrdreg s17  }
0x9: {  	s19 =	sadd.s32 $0x1EDE00, s1;
	[dreg:$0x5] =	wrdreg s18  }
0xa: {  	s20 =	sadd.s32 $0x20DE00, s1;
	[dreg:$0x6] =	wrdreg s19  }
0xb: {  	s28 =	simm.s32 $0x1;
	s21 =	sadd.s32 $0x22DE00, s1;
	[dreg:$0x7] =	wrdreg s20  }
0xc: {  	s30 =	simm.s32 $0x3;
	s22 =	sadd.s32 $0x24DE00, s1;
	[dreg:$0x8] =	wrdreg s21  }
0xd: {  	s31 =	simm.s32 $0x5;
	s23 =	sadd.s32 $0x26DE00, s1;
	[dreg:$0x9] =	wrdreg s22  }
0xe: {  	s0 =	ssub.s32 $0x2, s0;
	s24 =	sadd.s32 $0x28DE00, s1;
	[dreg:$0xa] =	wrdreg s23  }
0xf: {  	s5 =	sshrl.u32 s0, $0x1;
	s25 =	sadd.s32 $0x2ADE00, s1;
	[dreg:$0xb] =	wrdreg s24  }
0x10: {  	s0 =	ssub.s32 s0, s5;
	s26 =	sadd.s32 $0x2CDE00, s1;
	[dreg:$0xc] =	wrdreg s25  }
0x11: {  	s4 =	sadd.s32 s4, s3;
	s29 =	sadd.s32 $0x2EDE00, s1;
	[dreg:$0xd] =	wrdreg s26  }
0x12: {  	v2 =	vlaneseq.u32;
	s3 =	sadd.s32 $0x7400, s3;
	s1 =	sadd.s32 $0x30DE00, s1;
	[dreg:$0xe] =	wrdreg s29  }
0x13: {  	vm0 =	vmmov $0xffff;
	v1 =	vshrl.u32 v2, $0x3;
	s7 =	smax.u32 s0, $0x1;
	s4 =	sadd.s32 $0x4000, s4;
	[dreg:$0xf] =	wrdreg s1  }
0x14: {  	v0 =	vand.u32 $0x7, v2;
	v2 =	vor.u32 $0x8, v2;
	v1 =	vmul.u32 $0x8, v1;
	s25 =	simm.s32 $0x4;
	s26 =	simm.s32 $0x2;
	[dreg:$0x2] =	wrdreg s4  }
.LBB2_1:
0x15: {  	s1 =	rddreg [dreg:$0x2];
	s20 =	simm.s32 $0x7  }
0x16: {  	[tilespmem:s2], [sflag:$0x7] =	stream.linear.gather [hbm4b:s1+s2], $0x680, $0x38;
	[tilespmem:$0x18680] =	vst v63  }
0x17: {  	_ =	swait.ge [sflag:s20], $0x680  }
0x18: {  	[sflag:s20] =	ssyncset.done $0x0  }
0x19: {  	[sflag:s20] =	ssyncadd.s32 $0xFFFFF980  }
0x1a: {  	v3 =	vld [tilespmem:$0x0];
	_ =	sdelay $0x4  }
0x1b: {  	v4 =	vshll.u32 v3, $0x1  }
0x1c: {  	v3 =	vand.u32 $0x7, v3;
	v4 =	vand.u32 $0xFFFFFFF0, v4  }
0x1d: {  	v3 =	vor.u32 v3, v4  }
0x1e: {  	v4 =	vperm.xlane v3, v0;
	_ =	sdelay $0x1  }
0x1f: {  	v3 =	vperm.xlane v3, v2;
	v4 =	vadd.s32 v1, v4;
	_ =	sdelay $0x1  }
0x20: {  	v3 =	vadd.s32 v1, v3;
	_ =	sdelay $0x1  }
0x21: {  	s0 =	simm.s32 $0x680  }
0x22: {  	[tilespmem:s0], [sflag:$0x1] =	stream.indirect_vreg.gather [hbm4b:s3+s2], $0x80, v4, vm0, $0xb8;
	[tilespmem:$0x18680] =	vst v63  }
0x23: {  	s21 =	simm.s32 $0xE80  }
0x24: {  	[tilespmem:s21], [sflag:$0x1] =	stream.indirect_vreg.gather [hbm4b:s3+s2], $0x80, v3, vm0, $0xb8;
	[tilespmem:$0x18680] =	vst v63  }
0x25: {  	v3 =	vld [tilespmem:$0x10];
	_ =	sdelay $0x4  }
0x26: {  	v17 =	vshll.u32 v3, $0x1  }
0x27: {  	v3 =	vand.u32 $0x7, v3;
	v4 =	vand.u32 $0xFFFFFFF0, v17  }
0x28: {  	v3 =	vor.u32 v3, v4  }
0x29: {  	v4 =	vperm.xlane v3, v0;
	_ =	sdelay $0x1  }
0x2a: {  	v3 =	vperm.xlane v3, v2;
	v4 =	vadd.s32 v1, v4;
	_ =	sdelay $0x1  }
0x2b: {  	v3 =	vadd.s32 v1, v3;
	_ =	sdelay $0x1  }
0x2c: {  	s22 =	simm.s32 $0x1680  }
0x2d: {  	[tilespmem:s22], [sflag:$0x1] =	stream.indirect_vreg.gather [hbm4b:s3+s2], $0x80, v4, vm0, $0xb8;
	[tilespmem:$0x18680] =	vst v63  }
0x2e: {  	s23 =	simm.s32 $0x1E80  }
0x2f: {  	[tilespmem:s23], [sflag:$0x1] =	stream.indirect_vreg.gather [hbm4b:s3+s2], $0x80, v3, vm0, $0xb8;
	[tilespmem:$0x18680] =	vst v63  }
0x30: {  	v3 =	vld [tilespmem:$0x20];
	_ =	sdelay $0x4  }
0x31: {  	v18 =	vshll.u32 v3, $0x1  }
0x32: {  	v3 =	vand.u32 $0x7, v3;
	v4 =	vand.u32 $0xFFFFFFF0, v18  }
0x33: {  	v3 =	vor.u32 v3, v4  }
0x34: {  	v4 =	vperm.xlane v3, v0;
	_ =	sdelay $0x1  }
0x35: {  	v3 =	vperm.xlane v3, v2;
	v4 =	vadd.s32 v1, v4;
	_ =	sdelay $0x1  }
0x36: {  	v3 =	vadd.s32 v1, v3;
	_ =	sdelay $0x1  }
0x37: {  	s24 =	simm.s32 $0x2680  }
0x38: {  	[tilespmem:s24], [sflag:$0x1] =	stream.indirect_vreg.gather [hbm4b:s3+s2], $0x80, v4, vm0, $0xb8;
	[tilespmem:$0x18680] =	vst v63  }
0x39: {  	s29 =	simm.s32 $0x2E80  }
0x3a: {  	[tilespmem:s29], [sflag:$0x1] =	stream.indirect_vreg.gather [hbm4b:s3+s2], $0x80, v3, vm0, $0xb8;
	[tilespmem:$0x18680] =	vst v63  }
0x3b: {  	v3 =	vld [tilespmem:$0x30];
	_ =	sdelay $0x4  }
0x3c: {  	v19 =	vshll.u32 v3, $0x1  }
0x3d: {  	v3 =	vand.u32 $0x7, v3;
	v4 =	vand.u32 $0xFFFFFFF0, v19  }
0x3e: {  	v3 =	vor.u32 v3, v4  }
0x3f: {  	v4 =	vperm.xlane v3, v0;
	_ =	sdelay $0x1  }
0x40: {  	v3 =	vperm.xlane v3, v2;
	v4 =	vadd.s32 v1, v4;
	_ =	sdelay $0x1  }
0x41: {  	v3 =	vadd.s32 v1, v3;
	_ =	sdelay $0x1  }
0x42: {  	s1 =	simm.s32 $0x3680  }
0x43: {  	[tilespmem:s1], [sflag:$0x1] =	stream.indirect_vreg.gather [hbm4b:s3+s2], $0x80, v4, vm0, $0xb8;
	[tilespmem:$0x18680] =	vst v63  }
0x44: {  	s9 =	simm.s32 $0x3E80  }
0x45: {  	[tilespmem:s9], [sflag:$0x1] =	stream.indirect_vreg.gather [hbm4b:s3+s2], $0x80, v3, vm0, $0xb8;
	[tilespmem:$0x18680] =	vst v63  }
0x46: {  	v3 =	vld [tilespmem:$0x40];
	_ =	sdelay $0x4  }
0x47: {  	v20 =	vshll.u32 v3, $0x1  }
0x48: {  	v3 =	vand.u32 $0x7, v3;
	v4 =	vand.u32 $0xFFFFFFF0, v20  }
0x49: {  	v3 =	vor.u32 v3, v4  }
0x4a: {  	v4 =	vperm.xlane v3, v0;
	_ =	sdelay $0x1  }
0x4b: {  	v3 =	vperm.xlane v3, v2;
	v4 =	vadd.s32 v1, v4;
	_ =	sdelay $0x1  }
0x4c: {  	v3 =	vadd.s32 v1, v3;
	_ =	sdelay $0x1  }
0x4d: {  	s10 =	simm.s32 $0x4680  }
0x4e: {  	[tilespmem:s10], [sflag:$0x1] =	stream.indirect_vreg.gather [hbm4b:s3+s2], $0x80, v4, vm0, $0xb8;
	[tilespmem:$0x18680] =	vst v63  }
0x4f: {  	s11 =	simm.s32 $0x4E80  }
0x50: {  	[tilespmem:s11], [sflag:$0x1] =	stream.indirect_vreg.gather [hbm4b:s3+s2], $0x80, v3, vm0, $0xb8;
	[tilespmem:$0x18680] =	vst v63  }
0x51: {  	v3 =	vld [tilespmem:$0x50];
	_ =	sdelay $0x4  }
0x52: {  	v21 =	vshll.u32 v3, $0x1  }
0x53: {  	v3 =	vand.u32 $0x7, v3;
	v4 =	vand.u32 $0xFFFFFFF0, v21  }
0x54: {  	v3 =	vor.u32 v3, v4  }
0x55: {  	v4 =	vperm.xlane v3, v0;
	_ =	sdelay $0x1  }
0x56: {  	v3 =	vperm.xlane v3, v2;
	v4 =	vadd.s32 v1, v4;
	_ =	sdelay $0x1  }
0x57: {  	v3 =	vadd.s32 v1, v3;
	_ =	sdelay $0x1  }
0x58: {  	s12 =	simm.s32 $0x5680  }
0x59: {  	[tilespmem:s12], [sflag:$0x1] =	stream.indirect_vreg.gather [hbm4b:s3+s2], $0x80, v4, vm0, $0xb8;
	[tilespmem:$0x18680] =	vst v63  }
0x5a: {  	s13 =	simm.s32 $0x5E80  }
0x5b: {  	[tilespmem:s13], [sflag:$0x1] =	stream.indirect_vreg.gather [hbm4b:s3+s2], $0x80, v3, vm0, $0xb8;
	[tilespmem:$0x18680] =	vst v63  }
0x5c: {  	v3 =	vld [tilespmem:$0x60];
	_ =	sdelay $0x4  }
0x5d: {  	v22 =	vshll.u32 v3, $0x1  }
0x5e: {  	v3 =	vand.u32 $0x7, v3;
	v4 =	vand.u32 $0xFFFFFFF0, v22  }
0x5f: {  	v3 =	vor.u32 v3, v4  }
0x60: {  	v4 =	vperm.xlane v3, v0;
	_ =	sdelay $0x1  }
0x61: {  	v3 =	vperm.xlane v3, v2;
	v4 =	vadd.s32 v1, v4;
	_ =	sdelay $0x1  }
0x62: {  	v3 =	vadd.s32 v1, v3;
	_ =	sdelay $0x1  }
0x63: {  	s14 =	simm.s32 $0x6680  }
0x64: {  	[tilespmem:s14], [sflag:$0x1] =	stream.indirect_vreg.gather [hbm4b:s3+s2], $0x80, v4, vm0, $0xb8;
	[tilespmem:$0x18680] =	vst v63  }
0x65: {  	s15 =	simm.s32 $0x6E80  }
0x66: {  	[tilespmem:s15], [sflag:$0x1] =	stream.indirect_vreg.gather [hbm4b:s3+s2], $0x80, v3, vm0, $0xb8;
	[tilespmem:$0x18680] =	vst v63  }
0x67: {  	v3 =	vld [tilespmem:$0x70];
	_ =	sdelay $0x4  }
0x68: {  	v23 =	vshll.u32 v3, $0x1  }
0x69: {  	v3 =	vand.u32 $0x7, v3;
	v4 =	vand.u32 $0xFFFFFFF0, v23  }
0x6a: {  	v3 =	vor.u32 v3, v4  }
0x6b: {  	v4 =	vperm.xlane v3, v0;
	_ =	sdelay $0x1  }
0x6c: {  	v3 =	vperm.xlane v3, v2;
	v4 =	vadd.s32 v1, v4;
	_ =	sdelay $0x1  }
0x6d: {  	v3 =	vadd.s32 v1, v3;
	_ =	sdelay $0x1  }
0x6e: {  	s16 =	simm.s32 $0x7680  }
0x6f: {  	[tilespmem:s16], [sflag:$0x1] =	stream.indirect_vreg.gather [hbm4b:s3+s2], $0x80, v4, vm0, $0xb8;
	[tilespmem:$0x18680] =	vst v63  }
0x70: {  	s17 =	simm.s32 $0x7E80  }
0x71: {  	[tilespmem:s17], [sflag:$0x1] =	stream.indirect_vreg.gather [hbm4b:s3+s2], $0x80, v3, vm0, $0xb8;
	[tilespmem:$0x18680] =	vst v63  }
0x72: {  	v3 =	vld [tilespmem:$0x80];
	_ =	sdelay $0x4  }
0x73: {  	v24 =	vshll.u32 v3, $0x1  }
0x74: {  	v3 =	vand.u32 $0x7, v3;
	v4 =	vand.u32 $0xFFFFFFF0, v24  }
0x75: {  	v3 =	vor.u32 v3, v4  }
0x76: {  	v4 =	vperm.xlane v3, v0;
	_ =	sdelay $0x1  }
0x77: {  	v3 =	vperm.xlane v3, v2;
	v4 =	vadd.s32 v1, v4;
	_ =	sdelay $0x1  }
0x78: {  	v3 =	vadd.s32 v1, v3;
	_ =	sdelay $0x1  }
0x79: {  	s18 =	simm.s32 $0x8680  }
0x7a: {  	[tilespmem:s18], [sflag:$0x2] =	stream.indirect_vreg.gather [hbm4b:s3+s2], $0x80, v4, vm0, $0xb8;
	[tilespmem:$0x18680] =	vst v63  }
0x7b: {  	s19 =	simm.s32 $0x8E80  }
0x7c: {  	[tilespmem:s19], [sflag:$0x2] =	stream.indirect_vreg.gather [hbm4b:s3+s2], $0x80, v3, vm0, $0xb8;
	[tilespmem:$0x18680] =	vst v63  }
0x7d: {  	v3 =	vld [tilespmem:$0x90];
	_ =	sdelay $0x4  }
0x7e: {  	v25 =	vshll.u32 v3, $0x1  }
0x7f: {  	v3 =	vand.u32 $0x7, v3;
	v4 =	vand.u32 $0xFFFFFFF0, v25  }
0x80: {  	v3 =	vor.u32 v3, v4  }
0x81: {  	v4 =	vperm.xlane v3, v0;
	_ =	sdelay $0x1  }
0x82: {  	v3 =	vperm.xlane v3, v2;
	v4 =	vadd.s32 v1, v4;
	_ =	sdelay $0x1  }
0x83: {  	v3 =	vadd.s32 v1, v3;
	_ =	sdelay $0x1  }
0x84: {  	s20 =	simm.s32 $0x9680  }
0x85: {  	[tilespmem:s20], [sflag:$0x2] =	stream.indirect_vreg.gather [hbm4b:s3+s2], $0x80, v4, vm0, $0xb8;
	[tilespmem:$0x18680] =	vst v63  }
0x86: {  	s21 =	simm.s32 $0x9E80  }
0x87: {  	[tilespmem:s21], [sflag:$0x2] =	stream.indirect_vreg.gather [hbm4b:s3+s2], $0x80, v3, vm0, $0xb8;
	[tilespmem:$0x18680] =	vst v63  }
0x88: {  	v3 =	vld [tilespmem:$0xA0];
	_ =	sdelay $0x4  }
0x89: {  	v26 =	vshll.u32 v3, $0x1  }
0x8a: {  	v3 =	vand.u32 $0x7, v3;
	v4 =	vand.u32 $0xFFFFFFF0, v26  }
0x8b: {  	v3 =	vor.u32 v3, v4  }
0x8c: {  	v4 =	vperm.xlane v3, v0;
	_ =	sdelay $0x1  }
0x8d: {  	v3 =	vperm.xlane v3, v2;
	v4 =	vadd.s32 v1, v4;
	_ =	sdelay $0x1  }
0x8e: {  	v3 =	vadd.s32 v1, v3;
	_ =	sdelay $0x1  }
0x8f: {  	s22 =	simm.s32 $0xA680  }
0x90: {  	[tilespmem:s22], [sflag:$0x2] =	stream.indirect_vreg.gather [hbm4b:s3+s2], $0x80, v4, vm0, $0xb8;
	[tilespmem:$0x18680] =	vst v63  }
0x91: {  	s1 =	simm.s32 $0xAE80  }
0x92: {  	[tilespmem:s1], [sflag:$0x2] =	stream.indirect_vreg.gather [hbm4b:s3+s2], $0x80, v3, vm0, $0xb8;
	[tilespmem:$0x18680] =	vst v63  }
0x93: {  	v3 =	vld [tilespmem:$0xB0];
	_ =	sdelay $0x4  }
0x94: {  	v27 =	vshll.u32 v3, $0x1  }
0x95: {  	v3 =	vand.u32 $0x7, v3;
	v4 =	vand.u32 $0xFFFFFFF0, v27  }
0x96: {  	v3 =	vor.u32 v3, v4  }
0x97: {  	v4 =	vperm.xlane v3, v0;
	_ =	sdelay $0x1  }
0x98: {  	v3 =	vperm.xlane v3, v2;
	v4 =	vadd.s32 v1, v4;
	_ =	sdelay $0x1  }
0x99: {  	v3 =	vadd.s32 v1, v3;
	_ =	sdelay $0x1  }
0x9a: {  	s10 =	simm.s32 $0xB680  }
0x9b: {  	[tilespmem:s10], [sflag:$0x2] =	stream.indirect_vreg.gather [hbm4b:s3+s2], $0x80, v4, vm0, $0xb8;
	[tilespmem:$0x18680] =	vst v63  }
0x9c: {  	s11 =	simm.s32 $0xBE80  }
0x9d: {  	[tilespmem:s11], [sflag:$0x2] =	stream.indirect_vreg.gather [hbm4b:s3+s2], $0x80, v3, vm0, $0xb8;
	[tilespmem:$0x18680] =	vst v63  }
0x9e: {  	v3 =	vld [tilespmem:$0xC0];
	_ =	sdelay $0x4  }
0x9f: {  	v28 =	vshll.u32 v3, $0x1  }
0xa0: {  	v3 =	vand.u32 $0x7, v3;
	v4 =	vand.u32 $0xFFFFFFF0, v28  }
0xa1: {  	v3 =	vor.u32 v3, v4  }
0xa2: {  	v4 =	vperm.xlane v3, v0;
	_ =	sdelay $0x1  }
0xa3: {  	v3 =	vperm.xlane v3, v2;
	v4 =	vadd.s32 v1, v4;
	_ =	sdelay $0x1  }
0xa4: {  	v3 =	vadd.s32 v1, v3;
	_ =	sdelay $0x1  }
0xa5: {  	s12 =	simm.s32 $0xC680  }
0xa6: {  	[tilespmem:s12], [sflag:$0x2] =	stream.indirect_vreg.gather [hbm4b:s3+s2], $0x80, v4, vm0, $0xb8;
	[tilespmem:$0x18680] =	vst v63  }
0xa7: {  	s14 =	simm.s32 $0xCE80  }
0xa8: {  	[tilespmem:s14], [sflag:$0x2] =	stream.indirect_vreg.gather [hbm4b:s3+s2], $0x80, v3, vm0, $0xb8;
	[tilespmem:$0x18680] =	vst v63  }
0xa9: {  	v3 =	vld [tilespmem:$0xD0];
	_ =	sdelay $0x4  }
0xaa: {  	v29 =	vshll.u32 v3, $0x1  }
0xab: {  	v3 =	vand.u32 $0x7, v3;
	v4 =	vand.u32 $0xFFFFFFF0, v29  }
0xac: {  	v3 =	vor.u32 v3, v4  }
0xad: {  	v4 =	vperm.xlane v3, v0;
	_ =	sdelay $0x1  }
0xae: {  	v3 =	vperm.xlane v3, v2;
	v4 =	vadd.s32 v1, v4;
	_ =	sdelay $0x1  }
0xaf: {  	v3 =	vadd.s32 v1, v3;
	_ =	sdelay $0x1  }
0xb0: {  	s15 =	simm.s32 $0xD680  }
0xb1: {  	[tilespmem:s15], [sflag:$0x2] =	stream.indirect_vreg.gather [hbm4b:s3+s2], $0x80, v4, vm0, $0xb8;
	[tilespmem:$0x18680] =	vst v63  }
0xb2: {  	s16 =	simm.s32 $0xDE80  }
0xb3: {  	[tilespmem:s16], [sflag:$0x2] =	stream.indirect_vreg.gather [hbm4b:s3+s2], $0x80, v3, vm0, $0xb8;
	[tilespmem:$0x18680] =	vst v63  }
0xb4: {  	v3 =	vld [tilespmem:$0xE0];
	_ =	sdelay $0x4  }
0xb5: {  	v30 =	vshll.u32 v3, $0x1  }
0xb6: {  	v3 =	vand.u32 $0x7, v3;
	v4 =	vand.u32 $0xFFFFFFF0, v30  }
0xb7: {  	v3 =	vor.u32 v3, v4  }
0xb8: {  	v4 =	vperm.xlane v3, v0;
	_ =	sdelay $0x1  }
0xb9: {  	v3 =	vperm.xlane v3, v2;
	v4 =	vadd.s32 v1, v4;
	_ =	sdelay $0x1  }
0xba: {  	v3 =	vadd.s32 v1, v3;
	_ =	sdelay $0x1  }
0xbb: {  	s17 =	simm.s32 $0xE680  }
0xbc: {  	[tilespmem:s17], [sflag:$0x2] =	stream.indirect_vreg.gather [hbm4b:s3+s2], $0x80, v4, vm0, $0xb8;
	[tilespmem:$0x18680] =	vst v63  }
0xbd: {  	s18 =	simm.s32 $0xEE80  }
0xbe: {  	[tilespmem:s18], [sflag:$0x2] =	stream.indirect_vreg.gather [hbm4b:s3+s2], $0x80, v3, vm0, $0xb8;
	[tilespmem:$0x18680] =	vst v63  }
0xbf: {  	v3 =	vld [tilespmem:$0xF0];
	_ =	sdelay $0x4  }
0xc0: {  	v31 =	vshll.u32 v3, $0x1  }
0xc1: {  	v3 =	vand.u32 $0x7, v3;
	v4 =	vand.u32 $0xFFFFFFF0, v31  }
0xc2: {  	v3 =	vor.u32 v3, v4  }
0xc3: {  	v4 =	vperm.xlane v3, v0;
	_ =	sdelay $0x1  }
0xc4: {  	v3 =	vperm.xlane v3, v2;
	v4 =	vadd.s32 v1, v4;
	_ =	sdelay $0x1  }
0xc5: {  	v3 =	vadd.s32 v1, v3;
	_ =	sdelay $0x1  }
0xc6: {  	s19 =	simm.s32 $0xF680  }
0xc7: {  	[tilespmem:s19], [sflag:$0x2] =	stream.indirect_vreg.gather [hbm4b:s3+s2], $0x80, v4, vm0, $0xb8;
	[tilespmem:$0x18680] =	vst v63  }
0xc8: {  	s20 =	simm.s32 $0xFE80  }
0xc9: {  	[tilespmem:s20], [sflag:$0x2] =	stream.indirect_vreg.gather [hbm4b:s3+s2], $0x80, v3, vm0, $0xb8;
	[tilespmem:$0x18680] =	vst v63  }
0xca: {  	_ =	swait.ge [sflag:s28], $0x8000  }
0xcb: {  	[sflag:s28] =	ssyncset.done $0x0  }
0xcc: {  	s6 =	simm.s32 $0x680;
	s21 =	rddreg [dreg:$0x3];
	[sflag:s28] =	ssyncadd.s32 $0xFFFF8000  }
0xcd: {  	[hbm4b:s21+s2] =	stream.linear.scatter [tilespmem:s6], [sflag:$0x4], $0x8000, $0x38;
	[tilespmem:$0x18680] =	vst v63  }
0xce: {  	v3 =	vld [tilespmem:$0x100];
	_ =	sdelay $0x4  }
0xcf: {  	v32 =	vshll.u32 v3, $0x1  }
0xd0: {  	v3 =	vand.u32 $0x7, v3;
	v4 =	vand.u32 $0xFFFFFFF0, v32  }
0xd1: {  	v3 =	vor.u32 v3, v4  }
0xd2: {  	v4 =	vperm.xlane v3, v0;
	_ =	sdelay $0x1  }
0xd3: {  	v3 =	vperm.xlane v3, v2;
	v4 =	vadd.s32 v1, v4;
	_ =	sdelay $0x1  }
0xd4: {  	v3 =	vadd.s32 v1, v3;
	_ =	sdelay $0x1  }
0xd5: {  	s22 =	simm.s32 $0x10680  }
0xd6: {  	[tilespmem:s22], [sflag:$0x3] =	stream.indirect_vreg.gather [hbm4b:s3+s2], $0x80, v4, vm0, $0xb8;
	[tilespmem:$0x18680] =	vst v63  }
0xd7: {  	s1 =	simm.s32 $0x10E80  }
0xd8: {  	[tilespmem:s1], [sflag:$0x3] =	stream.indirect_vreg.gather [hbm4b:s3+s2], $0x80, v3, vm0, $0xb8;
	[tilespmem:$0x18680] =	vst v63  }
0xd9: {  	v3 =	vld [tilespmem:$0x110];
	_ =	sdelay $0x4  }
0xda: {  	v33 =	vshll.u32 v3, $0x1  }
0xdb: {  	v3 =	vand.u32 $0x7, v3;
	v4 =	vand.u32 $0xFFFFFFF0, v33  }
0xdc: {  	v3 =	vor.u32 v3, v4  }
0xdd: {  	v4 =	vperm.xlane v3, v0;
	_ =	sdelay $0x1  }
0xde: {  	v3 =	vperm.xlane v3, v2;
	v4 =	vadd.s32 v1, v4;
	_ =	sdelay $0x1  }
0xdf: {  	v3 =	vadd.s32 v1, v3;
	_ =	sdelay $0x1  }
0xe0: {  	s6 =	simm.s32 $0x11680  }
0xe1: {  	[tilespmem:s6], [sflag:$0x3] =	stream.indirect_vreg.gather [hbm4b:s3+s2], $0x80, v4, vm0, $0xb8;
	[tilespmem:$0x18680] =	vst v63  }
0xe2: {  	s11 =	simm.s32 $0x11E80  }
0xe3: {  	[tilespmem:s11], [sflag:$0x3] =	stream.indirect_vreg.gather [hbm4b:s3+s2], $0x80, v3, vm0, $0xb8;
	[tilespmem:$0x18680] =	vst v63  }
0xe4: {  	v3 =	vld [tilespmem:$0x120];
	_ =	sdelay $0x4  }
0xe5: {  	v34 =	vshll.u32 v3, $0x1  }
0xe6: {  	v3 =	vand.u32 $0x7, v3;
	v4 =	vand.u32 $0xFFFFFFF0, v34  }
0xe7: {  	v3 =	vor.u32 v3, v4  }
0xe8: {  	v4 =	vperm.xlane v3, v0;
	_ =	sdelay $0x1  }
0xe9: {  	v3 =	vperm.xlane v3, v2;
	v4 =	vadd.s32 v1, v4;
	_ =	sdelay $0x1  }
0xea: {  	v3 =	vadd.s32 v1, v3;
	_ =	sdelay $0x1  }
0xeb: {  	s12 =	simm.s32 $0x12680  }
0xec: {  	[tilespmem:s12], [sflag:$0x3] =	stream.indirect_vreg.gather [hbm4b:s3+s2], $0x80, v4, vm0, $0xb8;
	[tilespmem:$0x18680] =	vst v63  }
0xed: {  	s16 =	simm.s32 $0x12E80  }
0xee: {  	[tilespmem:s16], [sflag:$0x3] =	stream.indirect_vreg.gather [hbm4b:s3+s2], $0x80, v3, vm0, $0xb8;
	[tilespmem:$0x18680] =	vst v63  }
0xef: {  	v3 =	vld [tilespmem:$0x130];
	_ =	sdelay $0x4  }
0xf0: {  	v35 =	vshll.u32 v3, $0x1  }
0xf1: {  	v3 =	vand.u32 $0x7, v3;
	v4 =	vand.u32 $0xFFFFFFF0, v35  }
0xf2: {  	v3 =	vor.u32 v3, v4  }
0xf3: {  	v4 =	vperm.xlane v3, v0;
	_ =	sdelay $0x1  }
0xf4: {  	v3 =	vperm.xlane v3, v2;
	v4 =	vadd.s32 v1, v4;
	_ =	sdelay $0x1  }
0xf5: {  	v3 =	vadd.s32 v1, v3;
	_ =	sdelay $0x1  }
0xf6: {  	s17 =	simm.s32 $0x13680  }
0xf7: {  	[tilespmem:s17], [sflag:$0x3] =	stream.indirect_vreg.gather [hbm4b:s3+s2], $0x80, v4, vm0, $0xb8;
	[tilespmem:$0x18680] =	vst v63  }
0xf8: {  	s18 =	simm.s32 $0x13E80  }
0xf9: {  	[tilespmem:s18], [sflag:$0x3] =	stream.indirect_vreg.gather [hbm4b:s3+s2], $0x80, v3, vm0, $0xb8;
	[tilespmem:$0x18680] =	vst v63  }
0xfa: {  	v3 =	vld [tilespmem:$0x140];
	_ =	sdelay $0x4  }
0xfb: {  	v36 =	vshll.u32 v3, $0x1  }
0xfc: {  	v3 =	vand.u32 $0x7, v3;
	v4 =	vand.u32 $0xFFFFFFF0, v36  }
0xfd: {  	v3 =	vor.u32 v3, v4  }
0xfe: {  	v4 =	vperm.xlane v3, v0;
	_ =	sdelay $0x1  }
0xff: {  	v3 =	vperm.xlane v3, v2;
	v4 =	vadd.s32 v1, v4;
	_ =	sdelay $0x1  }
0x100: {  	v3 =	vadd.s32 v1, v3;
	_ =	sdelay $0x1  }
0x101: {  	s19 =	simm.s32 $0x14680  }
0x102: {  	[tilespmem:s19], [sflag:$0x3] =	stream.indirect_vreg.gather [hbm4b:s3+s2], $0x80, v4, vm0, $0xb8;
	[tilespmem:$0x18680] =	vst v63  }
0x103: {  	s20 =	simm.s32 $0x14E80  }
0x104: {  	[tilespmem:s20], [sflag:$0x3] =	stream.indirect_vreg.gather [hbm4b:s3+s2], $0x80, v3, vm0, $0xb8;
	[tilespmem:$0x18680] =	vst v63  }
0x105: {  	v3 =	vld [tilespmem:$0x150];
	_ =	sdelay $0x4  }
0x106: {  	v37 =	vshll.u32 v3, $0x1  }
0x107: {  	v3 =	vand.u32 $0x7, v3;
	v4 =	vand.u32 $0xFFFFFFF0, v37  }
0x108: {  	v3 =	vor.u32 v3, v4  }
0x109: {  	v4 =	vperm.xlane v3, v0;
	_ =	sdelay $0x1  }
0x10a: {  	v3 =	vperm.xlane v3, v2;
	v4 =	vadd.s32 v1, v4;
	_ =	sdelay $0x1  }
0x10b: {  	v3 =	vadd.s32 v1, v3;
	_ =	sdelay $0x1  }
0x10c: {  	s21 =	simm.s32 $0x15680  }
0x10d: {  	[tilespmem:s21], [sflag:$0x3] =	stream.indirect_vreg.gather [hbm4b:s3+s2], $0x80, v4, vm0, $0xb8;
	[tilespmem:$0x18680] =	vst v63  }
0x10e: {  	s22 =	simm.s32 $0x15E80  }
0x10f: {  	[tilespmem:s22], [sflag:$0x3] =	stream.indirect_vreg.gather [hbm4b:s3+s2], $0x80, v3, vm0, $0xb8;
	[tilespmem:$0x18680] =	vst v63  }
0x110: {  	v3 =	vld [tilespmem:$0x160];
	_ =	sdelay $0x4  }
0x111: {  	v38 =	vshll.u32 v3, $0x1  }
0x112: {  	v3 =	vand.u32 $0x7, v3;
	v4 =	vand.u32 $0xFFFFFFF0, v38  }
0x113: {  	v3 =	vor.u32 v3, v4  }
0x114: {  	v4 =	vperm.xlane v3, v0;
	_ =	sdelay $0x1  }
0x115: {  	v3 =	vperm.xlane v3, v2;
	v4 =	vadd.s32 v1, v4;
	_ =	sdelay $0x1  }
0x116: {  	v3 =	vadd.s32 v1, v3;
	_ =	sdelay $0x1  }
0x117: {  	s1 =	simm.s32 $0x16680  }
0x118: {  	[tilespmem:s1], [sflag:$0x3] =	stream.indirect_vreg.gather [hbm4b:s3+s2], $0x80, v4, vm0, $0xb8;
	[tilespmem:$0x18680] =	vst v63  }
0x119: {  	s6 =	simm.s32 $0x16E80  }
0x11a: {  	[tilespmem:s6], [sflag:$0x3] =	stream.indirect_vreg.gather [hbm4b:s3+s2], $0x80, v3, vm0, $0xb8;
	[tilespmem:$0x18680] =	vst v63  }
0x11b: {  	v3 =	vld [tilespmem:$0x170];
	_ =	sdelay $0x4  }
0x11c: {  	v39 =	vshll.u32 v3, $0x1  }
0x11d: {  	v3 =	vand.u32 $0x7, v3;
	v4 =	vand.u32 $0xFFFFFFF0, v39  }
0x11e: {  	v3 =	vor.u32 v3, v4  }
0x11f: {  	v4 =	vperm.xlane v3, v0;
	_ =	sdelay $0x1  }
0x120: {  	v3 =	vperm.xlane v3, v2;
	v4 =	vadd.s32 v1, v4;
	_ =	sdelay $0x1  }
0x121: {  	v3 =	vadd.s32 v1, v3;
	_ =	sdelay $0x1  }
0x122: {  	s11 =	simm.s32 $0x17680  }
0x123: {  	[tilespmem:s11], [sflag:$0x3] =	stream.indirect_vreg.gather [hbm4b:s3+s2], $0x80, v4, vm0, $0xb8;
	[tilespmem:$0x18680] =	vst v63  }
0x124: {  	s12 =	simm.s32 $0x17E80  }
0x125: {  	[tilespmem:s12], [sflag:$0x3] =	stream.indirect_vreg.gather [hbm4b:s3+s2], $0x80, v3, vm0, $0xb8;
	[tilespmem:$0x18680] =	vst v63  }
0x126: {  	_ =	swait.ge [sflag:s26], $0x8000  }
0x127: {  	[sflag:s26] =	ssyncset.done $0x0  }
0x128: {  	s6 =	simm.s32 $0x8680;
	s20 =	rddreg [dreg:$0x4];
	[sflag:s26] =	ssyncadd.s32 $0xFFFF8000  }
0x129: {  	[hbm4b:s20+s2] =	stream.linear.scatter [tilespmem:s6], [sflag:$0x5], $0x8000, $0x38;
	[tilespmem:$0x18680] =	vst v63  }
0x12a: {  	_ =	swait.ge [sflag:s25], $0x8000  }
0x12b: {  	[sflag:s25] =	ssyncset.done $0x0  }
0x12c: {  	[sflag:s25] =	ssyncadd.s32 $0xFFFF8000  }
0x12d: {  	v3 =	vld [tilespmem:$0x180];
	_ =	sdelay $0x4  }
0x12e: {  	v40 =	vshll.u32 v3, $0x1  }
0x12f: {  	v3 =	vand.u32 $0x7, v3;
	v4 =	vand.u32 $0xFFFFFFF0, v40  }
0x130: {  	v3 =	vor.u32 v3, v4  }
0x131: {  	v4 =	vperm.xlane v3, v0;
	_ =	sdelay $0x1  }
0x132: {  	v3 =	vperm.xlane v3, v2;
	v4 =	vadd.s32 v1, v4;
	_ =	sdelay $0x1  }
0x133: {  	v3 =	vadd.s32 v1, v3;
	_ =	sdelay $0x1  }
0x134: {  	s10 =	simm.s32 $0x680  }
0x135: {  	[tilespmem:s10], [sflag:$0x1] =	stream.indirect_vreg.gather [hbm4b:s3+s2], $0x80, v4, vm0, $0xb8;
	[tilespmem:$0x18680] =	vst v63  }
0x136: {  	s4 =	simm.s32 $0xE80  }
0x137: {  	[tilespmem:s4], [sflag:$0x1] =	stream.indirect_vreg.gather [hbm4b:s3+s2], $0x80, v3, vm0, $0xb8;
	[tilespmem:$0x18680] =	vst v63  }
0x138: {  	v3 =	vld [tilespmem:$0x190];
	_ =	sdelay $0x4  }
0x139: {  	v41 =	vshll.u32 v3, $0x1  }
0x13a: {  	v3 =	vand.u32 $0x7, v3;
	v4 =	vand.u32 $0xFFFFFFF0, v41  }
0x13b: {  	v3 =	vor.u32 v3, v4  }
0x13c: {  	v4 =	vperm.xlane v3, v0;
	_ =	sdelay $0x1  }
0x13d: {  	v3 =	vperm.xlane v3, v2;
	v4 =	vadd.s32 v1, v4;
	_ =	sdelay $0x1  }
0x13e: {  	v3 =	vadd.s32 v1, v3;
	_ =	sdelay $0x1  }
0x13f: {  	s21 =	simm.s32 $0x1680  }
0x140: {  	[tilespmem:s21], [sflag:$0x1] =	stream.indirect_vreg.gather [hbm4b:s3+s2], $0x80, v4, vm0, $0xb8;
	[tilespmem:$0x18680] =	vst v63  }
0x141: {  	s5 =	simm.s32 $0x1E80  }
0x142: {  	[tilespmem:s5], [sflag:$0x1] =	stream.indirect_vreg.gather [hbm4b:s3+s2], $0x80, v3, vm0, $0xb8;
	[tilespmem:$0x18680] =	vst v63  }
0x143: {  	v3 =	vld [tilespmem:$0x1A0];
	_ =	sdelay $0x4  }
0x144: {  	v42 =	vshll.u32 v3, $0x1  }
0x145: {  	v3 =	vand.u32 $0x7, v3;
	v4 =	vand.u32 $0xFFFFFFF0, v42  }
0x146: {  	v3 =	vor.u32 v3, v4  }
0x147: {  	v4 =	vperm.xlane v3, v0;
	_ =	sdelay $0x1  }
0x148: {  	v3 =	vperm.xlane v3, v2;
	v4 =	vadd.s32 v1, v4;
	_ =	sdelay $0x1  }
0x149: {  	v3 =	vadd.s32 v1, v3;
	_ =	sdelay $0x1  }
0x14a: {  	s22 =	simm.s32 $0x2680  }
0x14b: {  	[tilespmem:s22], [sflag:$0x1] =	stream.indirect_vreg.gather [hbm4b:s3+s2], $0x80, v4, vm0, $0xb8;
	[tilespmem:$0x18680] =	vst v63  }
0x14c: {  	s8 =	simm.s32 $0x2E80  }
0x14d: {  	[tilespmem:s8], [sflag:$0x1] =	stream.indirect_vreg.gather [hbm4b:s3+s2], $0x80, v3, vm0, $0xb8;
	[tilespmem:$0x18680] =	vst v63  }
0x14e: {  	v3 =	vld [tilespmem:$0x1B0];
	_ =	sdelay $0x4  }
0x14f: {  	v43 =	vshll.u32 v3, $0x1  }
0x150: {  	v3 =	vand.u32 $0x7, v3;
	v4 =	vand.u32 $0xFFFFFFF0, v43  }
0x151: {  	v3 =	vor.u32 v3, v4  }
0x152: {  	v4 =	vperm.xlane v3, v0;
	_ =	sdelay $0x1  }
0x153: {  	v3 =	vperm.xlane v3, v2;
	v4 =	vadd.s32 v1, v4;
	_ =	sdelay $0x1  }
0x154: {  	v3 =	vadd.s32 v1, v3;
	_ =	sdelay $0x1  }
0x155: {  	s22 =	simm.s32 $0x3680  }
0x156: {  	[tilespmem:s22], [sflag:$0x1] =	stream.indirect_vreg.gather [hbm4b:s3+s2], $0x80, v4, vm0, $0xb8;
	[tilespmem:$0x18680] =	vst v63  }
0x157: {  	s9 =	simm.s32 $0x3E80  }
0x158: {  	[tilespmem:s9], [sflag:$0x1] =	stream.indirect_vreg.gather [hbm4b:s3+s2], $0x80, v3, vm0, $0xb8;
	[tilespmem:$0x18680] =	vst v63  }
0x159: {  	v3 =	vld [tilespmem:$0x1C0];
	_ =	sdelay $0x4  }
0x15a: {  	v44 =	vshll.u32 v3, $0x1  }
0x15b: {  	v3 =	vand.u32 $0x7, v3;
	v4 =	vand.u32 $0xFFFFFFF0, v44  }
0x15c: {  	v3 =	vor.u32 v3, v4  }
0x15d: {  	v4 =	vperm.xlane v3, v0;
	_ =	sdelay $0x1  }
0x15e: {  	v3 =	vperm.xlane v3, v2;
	v4 =	vadd.s32 v1, v4;
	_ =	sdelay $0x1  }
0x15f: {  	v3 =	vadd.s32 v1, v3;
	_ =	sdelay $0x1  }
0x160: {  	s21 =	simm.s32 $0x4680  }
0x161: {  	[tilespmem:s21], [sflag:$0x1] =	stream.indirect_vreg.gather [hbm4b:s3+s2], $0x80, v4, vm0, $0xb8;
	[tilespmem:$0x18680] =	vst v63  }
0x162: {  	s10 =	simm.s32 $0x4E80  }
0x163: {  	[tilespmem:s10], [sflag:$0x1] =	stream.indirect_vreg.gather [hbm4b:s3+s2], $0x80, v3, vm0, $0xb8;
	[tilespmem:$0x18680] =	vst v63  }
0x164: {  	v3 =	vld [tilespmem:$0x1D0];
	_ =	sdelay $0x4  }
0x165: {  	v45 =	vshll.u32 v3, $0x1  }
0x166: {  	v3 =	vand.u32 $0x7, v3;
	v4 =	vand.u32 $0xFFFFFFF0, v45  }
0x167: {  	v3 =	vor.u32 v3, v4  }
0x168: {  	v4 =	vperm.xlane v3, v0;
	_ =	sdelay $0x1  }
0x169: {  	v3 =	vperm.xlane v3, v2;
	v4 =	vadd.s32 v1, v4;
	_ =	sdelay $0x1  }
0x16a: {  	v3 =	vadd.s32 v1, v3;
	_ =	sdelay $0x1  }
0x16b: {  	s1 =	simm.s32 $0x5680  }
0x16c: {  	[tilespmem:s1], [sflag:$0x1] =	stream.indirect_vreg.gather [hbm4b:s3+s2], $0x80, v4, vm0, $0xb8;
	[tilespmem:$0x18680] =	vst v63  }
0x16d: {  	s11 =	simm.s32 $0x5E80  }
0x16e: {  	[tilespmem:s11], [sflag:$0x1] =	stream.indirect_vreg.gather [hbm4b:s3+s2], $0x80, v3, vm0, $0xb8;
	[tilespmem:$0x18680] =	vst v63  }
0x16f: {  	v3 =	vld [tilespmem:$0x1E0];
	_ =	sdelay $0x4  }
0x170: {  	v46 =	vshll.u32 v3, $0x1  }
0x171: {  	v3 =	vand.u32 $0x7, v3;
	v4 =	vand.u32 $0xFFFFFFF0, v46  }
0x172: {  	v3 =	vor.u32 v3, v4  }
0x173: {  	v4 =	vperm.xlane v3, v0;
	_ =	sdelay $0x1  }
0x174: {  	v3 =	vperm.xlane v3, v2;
	v4 =	vadd.s32 v1, v4;
	_ =	sdelay $0x1  }
0x175: {  	v3 =	vadd.s32 v1, v3;
	_ =	sdelay $0x1  }
0x176: {  	s8 =	simm.s32 $0x6680  }
0x177: {  	[tilespmem:s8], [sflag:$0x1] =	stream.indirect_vreg.gather [hbm4b:s3+s2], $0x80, v4, vm0, $0xb8;
	[tilespmem:$0x18680] =	vst v63  }
0x178: {  	s12 =	simm.s32 $0x6E80  }
0x179: {  	[tilespmem:s12], [sflag:$0x1] =	stream.indirect_vreg.gather [hbm4b:s3+s2], $0x80, v3, vm0, $0xb8;
	[tilespmem:$0x18680] =	vst v63  }
0x17a: {  	v3 =	vld [tilespmem:$0x1F0];
	_ =	sdelay $0x4  }
0x17b: {  	v47 =	vshll.u32 v3, $0x1  }
0x17c: {  	v3 =	vand.u32 $0x7, v3;
	v4 =	vand.u32 $0xFFFFFFF0, v47  }
0x17d: {  	v3 =	vor.u32 v3, v4  }
0x17e: {  	v4 =	vperm.xlane v3, v0;
	_ =	sdelay $0x1  }
0x17f: {  	v3 =	vperm.xlane v3, v2;
	v4 =	vadd.s32 v1, v4;
	_ =	sdelay $0x1  }
0x180: {  	v3 =	vadd.s32 v1, v3;
	_ =	sdelay $0x1  }
0x181: {  	s9 =	simm.s32 $0x7680  }
0x182: {  	[tilespmem:s9], [sflag:$0x1] =	stream.indirect_vreg.gather [hbm4b:s3+s2], $0x80, v4, vm0, $0xb8;
	[tilespmem:$0x18680] =	vst v63  }
0x183: {  	s13 =	simm.s32 $0x7E80  }
0x184: {  	[tilespmem:s13], [sflag:$0x1] =	stream.indirect_vreg.gather [hbm4b:s3+s2], $0x80, v3, vm0, $0xb8;
	[tilespmem:$0x18680] =	vst v63  }
0x185: {  	_ =	swait.ge [sflag:s30], $0x8000  }
0x186: {  	[sflag:s30] =	ssyncset.done $0x0  }
0x187: {  	s13 =	simm.s32 $0x10680;
	s4 =	rddreg [dreg:$0x5];
	[sflag:s30] =	ssyncadd.s32 $0xFFFF8000  }
0x188: {  	[hbm4b:s4+s2] =	stream.linear.scatter [tilespmem:s13], [sflag:$0x6], $0x8000, $0x38;
	[tilespmem:$0x18680] =	vst v63  }
0x189: {  	_ =	swait.ge [sflag:s31], $0x8000  }
0x18a: {  	[sflag:s31] =	ssyncset.done $0x0  }
0x18b: {  	[sflag:s31] =	ssyncadd.s32 $0xFFFF8000  }
0x18c: {  	v3 =	vld [tilespmem:$0x200];
	_ =	sdelay $0x4  }
0x18d: {  	v48 =	vshll.u32 v3, $0x1  }
0x18e: {  	v3 =	vand.u32 $0x7, v3;
	v4 =	vand.u32 $0xFFFFFFF0, v48  }
0x18f: {  	v3 =	vor.u32 v3, v4  }
0x190: {  	v4 =	vperm.xlane v3, v0;
	_ =	sdelay $0x1  }
0x191: {  	v3 =	vperm.xlane v3, v2;
	v4 =	vadd.s32 v1, v4;
	_ =	sdelay $0x1  }
0x192: {  	v3 =	vadd.s32 v1, v3;
	_ =	sdelay $0x2  }
0x193: {  	[tilespmem:s6], [sflag:$0x2] =	stream.indirect_vreg.gather [hbm4b:s3+s2], $0x80, v4, vm0, $0xb8;
	[tilespmem:$0x18680] =	vst v63  }
0x194: {  	s24 =	simm.s32 $0x8E80  }
0x195: {  	[tilespmem:s24], [sflag:$0x2] =	stream.indirect_vreg.gather [hbm4b:s3+s2], $0x80, v3, vm0, $0xb8;
	[tilespmem:$0x18680] =	vst v63  }
0x196: {  	v3 =	vld [tilespmem:$0x210];
	_ =	sdelay $0x4  }
0x197: {  	v49 =	vshll.u32 v3, $0x1  }
0x198: {  	v3 =	vand.u32 $0x7, v3;
	v4 =	vand.u32 $0xFFFFFFF0, v49  }
0x199: {  	v3 =	vor.u32 v3, v4  }
0x19a: {  	v4 =	vperm.xlane v3, v0;
	_ =	sdelay $0x1  }
0x19b: {  	v3 =	vperm.xlane v3, v2;
	v4 =	vadd.s32 v1, v4;
	_ =	sdelay $0x1  }
0x19c: {  	v3 =	vadd.s32 v1, v3;
	_ =	sdelay $0x1  }
0x19d: {  	s23 =	simm.s32 $0x9680  }
0x19e: {  	[tilespmem:s23], [sflag:$0x2] =	stream.indirect_vreg.gather [hbm4b:s3+s2], $0x80, v4, vm0, $0xb8;
	[tilespmem:$0x18680] =	vst v63  }
0x19f: {  	s29 =	simm.s32 $0x9E80  }
0x1a0: {  	[tilespmem:s29], [sflag:$0x2] =	stream.indirect_vreg.gather [hbm4b:s3+s2], $0x80, v3, vm0, $0xb8;
	[tilespmem:$0x18680] =	vst v63  }
0x1a1: {  	v3 =	vld [tilespmem:$0x220];
	_ =	sdelay $0x4  }
0x1a2: {  	v50 =	vshll.u32 v3, $0x1  }
0x1a3: {  	v3 =	vand.u32 $0x7, v3;
	v4 =	vand.u32 $0xFFFFFFF0, v50  }
0x1a4: {  	v3 =	vor.u32 v3, v4  }
0x1a5: {  	v4 =	vperm.xlane v3, v0;
	_ =	sdelay $0x1  }
0x1a6: {  	v3 =	vperm.xlane v3, v2;
	v4 =	vadd.s32 v1, v4;
	_ =	sdelay $0x1  }
0x1a7: {  	v3 =	vadd.s32 v1, v3;
	_ =	sdelay $0x1  }
0x1a8: {  	s23 =	simm.s32 $0xA680  }
0x1a9: {  	[tilespmem:s23], [sflag:$0x2] =	stream.indirect_vreg.gather [hbm4b:s3+s2], $0x80, v4, vm0, $0xb8;
	[tilespmem:$0x18680] =	vst v63  }
0x1aa: {  	s5 =	simm.s32 $0xAE80  }
0x1ab: {  	[tilespmem:s5], [sflag:$0x2] =	stream.indirect_vreg.gather [hbm4b:s3+s2], $0x80, v3, vm0, $0xb8;
	[tilespmem:$0x18680] =	vst v63  }
0x1ac: {  	v3 =	vld [tilespmem:$0x230];
	_ =	sdelay $0x4  }
0x1ad: {  	v51 =	vshll.u32 v3, $0x1  }
0x1ae: {  	v3 =	vand.u32 $0x7, v3;
	v4 =	vand.u32 $0xFFFFFFF0, v51  }
0x1af: {  	v3 =	vor.u32 v3, v4  }
0x1b0: {  	v4 =	vperm.xlane v3, v0;
	_ =	sdelay $0x1  }
0x1b1: {  	v3 =	vperm.xlane v3, v2;
	v4 =	vadd.s32 v1, v4;
	_ =	sdelay $0x1  }
0x1b2: {  	v3 =	vadd.s32 v1, v3;
	_ =	sdelay $0x1  }
0x1b3: {  	s6 =	simm.s32 $0xB680  }
0x1b4: {  	[tilespmem:s6], [sflag:$0x2] =	stream.indirect_vreg.gather [hbm4b:s3+s2], $0x80, v4, vm0, $0xb8;
	[tilespmem:$0x18680] =	vst v63  }
0x1b5: {  	s24 =	simm.s32 $0xBE80  }
0x1b6: {  	[tilespmem:s24], [sflag:$0x2] =	stream.indirect_vreg.gather [hbm4b:s3+s2], $0x80, v3, vm0, $0xb8;
	[tilespmem:$0x18680] =	vst v63  }
0x1b7: {  	v3 =	vld [tilespmem:$0x240];
	_ =	sdelay $0x4  }
0x1b8: {  	v52 =	vshll.u32 v3, $0x1  }
0x1b9: {  	v3 =	vand.u32 $0x7, v3;
	v4 =	vand.u32 $0xFFFFFFF0, v52  }
0x1ba: {  	v3 =	vor.u32 v3, v4  }
0x1bb: {  	v4 =	vperm.xlane v3, v0;
	_ =	sdelay $0x1  }
0x1bc: {  	v3 =	vperm.xlane v3, v2;
	v4 =	vadd.s32 v1, v4;
	_ =	sdelay $0x1  }
0x1bd: {  	v3 =	vadd.s32 v1, v3;
	_ =	sdelay $0x1  }
0x1be: {  	s24 =	simm.s32 $0xC680  }
0x1bf: {  	[tilespmem:s24], [sflag:$0x2] =	stream.indirect_vreg.gather [hbm4b:s3+s2], $0x80, v4, vm0, $0xb8;
	[tilespmem:$0x18680] =	vst v63  }
0x1c0: {  	s29 =	simm.s32 $0xCE80  }
0x1c1: {  	[tilespmem:s29], [sflag:$0x2] =	stream.indirect_vreg.gather [hbm4b:s3+s2], $0x80, v3, vm0, $0xb8;
	[tilespmem:$0x18680] =	vst v63  }
0x1c2: {  	v3 =	vld [tilespmem:$0x250];
	_ =	sdelay $0x4  }
0x1c3: {  	v53 =	vshll.u32 v3, $0x1  }
0x1c4: {  	v3 =	vand.u32 $0x7, v3;
	v4 =	vand.u32 $0xFFFFFFF0, v53  }
0x1c5: {  	v3 =	vor.u32 v3, v4  }
0x1c6: {  	v4 =	vperm.xlane v3, v0;
	_ =	sdelay $0x1  }
0x1c7: {  	v3 =	vperm.xlane v3, v2;
	v4 =	vadd.s32 v1, v4;
	_ =	sdelay $0x1  }
0x1c8: {  	v3 =	vadd.s32 v1, v3;
	_ =	sdelay $0x1  }
0x1c9: {  	s29 =	simm.s32 $0xD680  }
0x1ca: {  	[tilespmem:s29], [sflag:$0x2] =	stream.indirect_vreg.gather [hbm4b:s3+s2], $0x80, v4, vm0, $0xb8;
	[tilespmem:$0x18680] =	vst v63  }
0x1cb: {  	s1 =	simm.s32 $0xDE80  }
0x1cc: {  	[tilespmem:s1], [sflag:$0x2] =	stream.indirect_vreg.gather [hbm4b:s3+s2], $0x80, v3, vm0, $0xb8;
	[tilespmem:$0x18680] =	vst v63  }
0x1cd: {  	v3 =	vld [tilespmem:$0x260];
	_ =	sdelay $0x4  }
0x1ce: {  	v54 =	vshll.u32 v3, $0x1  }
0x1cf: {  	v3 =	vand.u32 $0x7, v3;
	v4 =	vand.u32 $0xFFFFFFF0, v54  }
0x1d0: {  	v3 =	vor.u32 v3, v4  }
0x1d1: {  	v4 =	vperm.xlane v3, v0;
	_ =	sdelay $0x1  }
0x1d2: {  	v3 =	vperm.xlane v3, v2;
	v4 =	vadd.s32 v1, v4;
	_ =	sdelay $0x1  }
0x1d3: {  	v3 =	vadd.s32 v1, v3;
	_ =	sdelay $0x1  }
0x1d4: {  	s4 =	simm.s32 $0xE680  }
0x1d5: {  	[tilespmem:s4], [sflag:$0x2] =	stream.indirect_vreg.gather [hbm4b:s3+s2], $0x80, v4, vm0, $0xb8;
	[tilespmem:$0x18680] =	vst v63  }
0x1d6: {  	s5 =	simm.s32 $0xEE80  }
0x1d7: {  	[tilespmem:s5], [sflag:$0x2] =	stream.indirect_vreg.gather [hbm4b:s3+s2], $0x80, v3, vm0, $0xb8;
	[tilespmem:$0x18680] =	vst v63  }
0x1d8: {  	v3 =	vld [tilespmem:$0x270];
	_ =	sdelay $0x4  }
0x1d9: {  	v55 =	vshll.u32 v3, $0x1  }
0x1da: {  	v3 =	vand.u32 $0x7, v3;
	v4 =	vand.u32 $0xFFFFFFF0, v55  }
0x1db: {  	v3 =	vor.u32 v3, v4  }
0x1dc: {  	v4 =	vperm.xlane v3, v0;
	_ =	sdelay $0x1  }
0x1dd: {  	v3 =	vperm.xlane v3, v2;
	v4 =	vadd.s32 v1, v4;
	_ =	sdelay $0x1  }
0x1de: {  	v3 =	vadd.s32 v1, v3;
	_ =	sdelay $0x1  }
0x1df: {  	s6 =	simm.s32 $0xF680  }
0x1e0: {  	[tilespmem:s6], [sflag:$0x2] =	stream.indirect_vreg.gather [hbm4b:s3+s2], $0x80, v4, vm0, $0xb8;
	[tilespmem:$0x18680] =	vst v63  }
0x1e1: {  	s1 =	simm.s32 $0xFE80  }
0x1e2: {  	[tilespmem:s1], [sflag:$0x2] =	stream.indirect_vreg.gather [hbm4b:s3+s2], $0x80, v3, vm0, $0xb8;
	[tilespmem:$0x18680] =	vst v63  }
0x1e3: {  	_ =	swait.ge [sflag:s28], $0x8000  }
0x1e4: {  	s0 =	simm.s32 $0x6;
	[sflag:s28] =	ssyncset.done $0x0  }
0x1e5: {  	s20 =	simm.s32 $0x680;
	s4 =	rddreg [dreg:$0x6];
	[sflag:s28] =	ssyncadd.s32 $0xFFFF8000  }
0x1e6: {  	[hbm4b:s4+s2] =	stream.linear.scatter [tilespmem:s20], [sflag:$0x4], $0x8000, $0x38;
	[tilespmem:$0x18680] =	vst v63  }
0x1e7: {  	_ =	swait.ge [sflag:s0], $0x8000  }
0x1e8: {  	[sflag:s0] =	ssyncset.done $0x0  }
0x1e9: {  	[sflag:s0] =	ssyncadd.s32 $0xFFFF8000  }
0x1ea: {  	v3 =	vld [tilespmem:$0x280];
	_ =	sdelay $0x4  }
0x1eb: {  	v56 =	vshll.u32 v3, $0x1  }
0x1ec: {  	v3 =	vand.u32 $0x7, v3;
	v4 =	vand.u32 $0xFFFFFFF0, v56  }
0x1ed: {  	v3 =	vor.u32 v3, v4  }
0x1ee: {  	v4 =	vperm.xlane v3, v0;
	_ =	sdelay $0x1  }
0x1ef: {  	v3 =	vperm.xlane v3, v2;
	v4 =	vadd.s32 v1, v4;
	_ =	sdelay $0x1  }
0x1f0: {  	v3 =	vadd.s32 v1, v3;
	_ =	sdelay $0x2  }
0x1f1: {  	[tilespmem:s13], [sflag:$0x3] =	stream.indirect_vreg.gather [hbm4b:s3+s2], $0x80, v4, vm0, $0xb8;
	[tilespmem:$0x18680] =	vst v63  }
0x1f2: {  	s14 =	simm.s32 $0x10E80  }
0x1f3: {  	[tilespmem:s14], [sflag:$0x3] =	stream.indirect_vreg.gather [hbm4b:s3+s2], $0x80, v3, vm0, $0xb8;
	[tilespmem:$0x18680] =	vst v63  }
0x1f4: {  	v3 =	vld [tilespmem:$0x290];
	_ =	sdelay $0x4  }
0x1f5: {  	v57 =	vshll.u32 v3, $0x1  }
0x1f6: {  	v3 =	vand.u32 $0x7, v3;
	v4 =	vand.u32 $0xFFFFFFF0, v57  }
0x1f7: {  	v3 =	vor.u32 v3, v4  }
0x1f8: {  	v4 =	vperm.xlane v3, v0;
	_ =	sdelay $0x1  }
0x1f9: {  	v3 =	vperm.xlane v3, v2;
	v4 =	vadd.s32 v1, v4;
	_ =	sdelay $0x1  }
0x1fa: {  	v3 =	vadd.s32 v1, v3;
	_ =	sdelay $0x1  }
0x1fb: {  	s13 =	simm.s32 $0x11680  }
0x1fc: {  	[tilespmem:s13], [sflag:$0x3] =	stream.indirect_vreg.gather [hbm4b:s3+s2], $0x80, v4, vm0, $0xb8;
	[tilespmem:$0x18680] =	vst v63  }
0x1fd: {  	s15 =	simm.s32 $0x11E80  }
0x1fe: {  	[tilespmem:s15], [sflag:$0x3] =	stream.indirect_vreg.gather [hbm4b:s3+s2], $0x80, v3, vm0, $0xb8;
	[tilespmem:$0x18680] =	vst v63  }
0x1ff: {  	v3 =	vld [tilespmem:$0x2A0];
	_ =	sdelay $0x4  }
0x200: {  	v58 =	vshll.u32 v3, $0x1  }
0x201: {  	v3 =	vand.u32 $0x7, v3;
	v4 =	vand.u32 $0xFFFFFFF0, v58  }
0x202: {  	v3 =	vor.u32 v3, v4  }
0x203: {  	v4 =	vperm.xlane v3, v0;
	_ =	sdelay $0x1  }
0x204: {  	v3 =	vperm.xlane v3, v2;
	v4 =	vadd.s32 v1, v4;
	_ =	sdelay $0x1  }
0x205: {  	v3 =	vadd.s32 v1, v3;
	_ =	sdelay $0x1  }
0x206: {  	s14 =	simm.s32 $0x12680  }
0x207: {  	[tilespmem:s14], [sflag:$0x3] =	stream.indirect_vreg.gather [hbm4b:s3+s2], $0x80, v4, vm0, $0xb8;
	[tilespmem:$0x18680] =	vst v63  }
0x208: {  	s16 =	simm.s32 $0x12E80  }
0x209: {  	[tilespmem:s16], [sflag:$0x3] =	stream.indirect_vreg.gather [hbm4b:s3+s2], $0x80, v3, vm0, $0xb8;
	[tilespmem:$0x18680] =	vst v63  }
0x20a: {  	v3 =	vld [tilespmem:$0x2B0];
	_ =	sdelay $0x4  }
0x20b: {  	v59 =	vshll.u32 v3, $0x1  }
0x20c: {  	v3 =	vand.u32 $0x7, v3;
	v4 =	vand.u32 $0xFFFFFFF0, v59  }
0x20d: {  	v3 =	vor.u32 v3, v4  }
0x20e: {  	v4 =	vperm.xlane v3, v0;
	_ =	sdelay $0x1  }
0x20f: {  	v3 =	vperm.xlane v3, v2;
	v4 =	vadd.s32 v1, v4;
	_ =	sdelay $0x1  }
0x210: {  	v3 =	vadd.s32 v1, v3;
	_ =	sdelay $0x1  }
0x211: {  	s15 =	simm.s32 $0x13680  }
0x212: {  	[tilespmem:s15], [sflag:$0x3] =	stream.indirect_vreg.gather [hbm4b:s3+s2], $0x80, v4, vm0, $0xb8;
	[tilespmem:$0x18680] =	vst v63  }
0x213: {  	s17 =	simm.s32 $0x13E80  }
0x214: {  	[tilespmem:s17], [sflag:$0x3] =	stream.indirect_vreg.gather [hbm4b:s3+s2], $0x80, v3, vm0, $0xb8;
	[tilespmem:$0x18680] =	vst v63  }
0x215: {  	v3 =	vld [tilespmem:$0x2C0];
	_ =	sdelay $0x4  }
0x216: {  	v60 =	vshll.u32 v3, $0x1  }
0x217: {  	v3 =	vand.u32 $0x7, v3;
	v4 =	vand.u32 $0xFFFFFFF0, v60  }
0x218: {  	v3 =	vor.u32 v3, v4  }
0x219: {  	v4 =	vperm.xlane v3, v0;
	_ =	sdelay $0x1  }
0x21a: {  	v3 =	vperm.xlane v3, v2;
	v4 =	vadd.s32 v1, v4;
	_ =	sdelay $0x1  }
0x21b: {  	v3 =	vadd.s32 v1, v3;
	_ =	sdelay $0x1  }
0x21c: {  	s16 =	simm.s32 $0x14680  }
0x21d: {  	[tilespmem:s16], [sflag:$0x3] =	stream.indirect_vreg.gather [hbm4b:s3+s2], $0x80, v4, vm0, $0xb8;
	[tilespmem:$0x18680] =	vst v63  }
0x21e: {  	s18 =	simm.s32 $0x14E80  }
0x21f: {  	[tilespmem:s18], [sflag:$0x3] =	stream.indirect_vreg.gather [hbm4b:s3+s2], $0x80, v3, vm0, $0xb8;
	[tilespmem:$0x18680] =	vst v63  }
0x220: {  	v3 =	vld [tilespmem:$0x2D0];
	_ =	sdelay $0x4  }
0x221: {  	v61 =	vshll.u32 v3, $0x1  }
0x222: {  	v3 =	vand.u32 $0x7, v3;
	v4 =	vand.u32 $0xFFFFFFF0, v61  }
0x223: {  	v3 =	vor.u32 v3, v4  }
0x224: {  	v4 =	vperm.xlane v3, v0;
	_ =	sdelay $0x1  }
0x225: {  	v3 =	vperm.xlane v3, v2;
	v4 =	vadd.s32 v1, v4;
	_ =	sdelay $0x1  }
0x226: {  	v3 =	vadd.s32 v1, v3;
	_ =	sdelay $0x1  }
0x227: {  	s17 =	simm.s32 $0x15680  }
0x228: {  	[tilespmem:s17], [sflag:$0x3] =	stream.indirect_vreg.gather [hbm4b:s3+s2], $0x80, v4, vm0, $0xb8;
	[tilespmem:$0x18680] =	vst v63  }
0x229: {  	s19 =	simm.s32 $0x15E80  }
0x22a: {  	[tilespmem:s19], [sflag:$0x3] =	stream.indirect_vreg.gather [hbm4b:s3+s2], $0x80, v3, vm0, $0xb8;
	[tilespmem:$0x18680] =	vst v63  }
0x22b: {  	v3 =	vld [tilespmem:$0x2E0];
	_ =	sdelay $0x4  }
0x22c: {  	v62 =	vshll.u32 v3, $0x1  }
0x22d: {  	v3 =	vand.u32 $0x7, v3;
	v4 =	vand.u32 $0xFFFFFFF0, v62  }
0x22e: {  	v3 =	vor.u32 v3, v4  }
0x22f: {  	v4 =	vperm.xlane v3, v0;
	_ =	sdelay $0x1  }
0x230: {  	v3 =	vperm.xlane v3, v2;
	v4 =	vadd.s32 v1, v4;
	_ =	sdelay $0x1  }
0x231: {  	v3 =	vadd.s32 v1, v3;
	_ =	sdelay $0x1  }
0x232: {  	s18 =	simm.s32 $0x16680  }
0x233: {  	[tilespmem:s18], [sflag:$0x3] =	stream.indirect_vreg.gather [hbm4b:s3+s2], $0x80, v4, vm0, $0xb8;
	[tilespmem:$0x18680] =	vst v63  }
0x234: {  	s20 =	simm.s32 $0x16E80  }
0x235: {  	[tilespmem:s20], [sflag:$0x3] =	stream.indirect_vreg.gather [hbm4b:s3+s2], $0x80, v3, vm0, $0xb8;
	[tilespmem:$0x18680] =	vst v63  }
0x236: {  	v3 =	vld [tilespmem:$0x2F0];
	_ =	sdelay $0x4  }
0x237: {  	v63 =	vshll.u32 v3, $0x1  }
0x238: {  	v3 =	vand.u32 $0x7, v3;
	v4 =	vand.u32 $0xFFFFFFF0, v63  }
0x239: {  	v3 =	vor.u32 v3, v4  }
0x23a: {  	v4 =	vperm.xlane v3, v0;
	_ =	sdelay $0x1  }
0x23b: {  	v3 =	vperm.xlane v3, v2;
	v4 =	vadd.s32 v1, v4;
	_ =	sdelay $0x1  }
0x23c: {  	v3 =	vadd.s32 v1, v3;
	_ =	sdelay $0x1  }
0x23d: {  	s19 =	simm.s32 $0x17680  }
0x23e: {  	[tilespmem:s19], [sflag:$0x3] =	stream.indirect_vreg.gather [hbm4b:s3+s2], $0x80, v4, vm0, $0xb8;
	[tilespmem:$0x18680] =	vst v63  }
0x23f: {  	s5 =	simm.s32 $0x17E80  }
0x240: {  	[tilespmem:s5], [sflag:$0x3] =	stream.indirect_vreg.gather [hbm4b:s3+s2], $0x80, v3, vm0, $0xb8;
	[tilespmem:$0x18680] =	vst v63  }
0x241: {  	_ =	swait.ge [sflag:s26], $0x8000  }
0x242: {  	[sflag:s26] =	ssyncset.done $0x0  }
0x243: {  	s5 =	simm.s32 $0x8680;
	s1 =	rddreg [dreg:$0x7];
	[sflag:s26] =	ssyncadd.s32 $0xFFFF8000  }
0x244: {  	[hbm4b:s1+s2] =	stream.linear.scatter [tilespmem:s5], [sflag:$0x5], $0x8000, $0x38;
	[tilespmem:$0x18680] =	vst v63  }
0x245: {  	_ =	swait.ge [sflag:s25], $0x8000  }
0x246: {  	[sflag:s25] =	ssyncset.done $0x0  }
0x247: {  	[sflag:s25] =	ssyncadd.s32 $0xFFFF8000  }
0x248: {  	v3 =	vld [tilespmem:$0x300];
	_ =	sdelay $0x4  }
0x249: {  	v8 =	vshll.u32 v3, $0x1  }
0x24a: {  	v3 =	vand.u32 $0x7, v3;
	v4 =	vand.u32 $0xFFFFFFF0, v8  }
0x24b: {  	v3 =	vor.u32 v3, v4  }
0x24c: {  	v4 =	vperm.xlane v3, v0;
	_ =	sdelay $0x1  }
0x24d: {  	v3 =	vperm.xlane v3, v2;
	v4 =	vadd.s32 v1, v4;
	_ =	sdelay $0x1  }
0x24e: {  	v3 =	vadd.s32 v1, v3;
	_ =	sdelay $0x1  }
0x24f: {  	s4 =	simm.s32 $0x680  }
0x250: {  	[tilespmem:s4], [sflag:$0x1] =	stream.indirect_vreg.gather [hbm4b:s3+s2], $0x80, v4, vm0, $0xb8;
	[tilespmem:$0x18680] =	vst v63  }
0x251: {  	s4 =	simm.s32 $0xE80  }
0x252: {  	[tilespmem:s4], [sflag:$0x1] =	stream.indirect_vreg.gather [hbm4b:s3+s2], $0x80, v3, vm0, $0xb8;
	[tilespmem:$0x18680] =	vst v63  }
0x253: {  	v3 =	vld [tilespmem:$0x310];
	_ =	sdelay $0x4  }
0x254: {  	v9 =	vshll.u32 v3, $0x1  }
0x255: {  	v3 =	vand.u32 $0x7, v3;
	v4 =	vand.u32 $0xFFFFFFF0, v9  }
0x256: {  	v3 =	vor.u32 v3, v4  }
0x257: {  	v4 =	vperm.xlane v3, v0;
	_ =	sdelay $0x1  }
0x258: {  	v3 =	vperm.xlane v3, v2;
	v4 =	vadd.s32 v1, v4;
	_ =	sdelay $0x1  }
0x259: {  	v3 =	vadd.s32 v1, v3;
	_ =	sdelay $0x1  }
0x25a: {  	s4 =	simm.s32 $0x1680  }
0x25b: {  	[tilespmem:s4], [sflag:$0x1] =	stream.indirect_vreg.gather [hbm4b:s3+s2], $0x80, v4, vm0, $0xb8;
	[tilespmem:$0x18680] =	vst v63  }
0x25c: {  	s4 =	simm.s32 $0x1E80  }
0x25d: {  	[tilespmem:s4], [sflag:$0x1] =	stream.indirect_vreg.gather [hbm4b:s3+s2], $0x80, v3, vm0, $0xb8;
	[tilespmem:$0x18680] =	vst v63  }
0x25e: {  	v3 =	vld [tilespmem:$0x320];
	_ =	sdelay $0x4  }
0x25f: {  	v10 =	vshll.u32 v3, $0x1  }
0x260: {  	v3 =	vand.u32 $0x7, v3;
	v4 =	vand.u32 $0xFFFFFFF0, v10  }
0x261: {  	v3 =	vor.u32 v3, v4  }
0x262: {  	v4 =	vperm.xlane v3, v0;
	_ =	sdelay $0x1  }
0x263: {  	v3 =	vperm.xlane v3, v2;
	v4 =	vadd.s32 v1, v4;
	_ =	sdelay $0x1  }
0x264: {  	v3 =	vadd.s32 v1, v3;
	_ =	sdelay $0x1  }
0x265: {  	s4 =	simm.s32 $0x2680  }
0x266: {  	[tilespmem:s4], [sflag:$0x1] =	stream.indirect_vreg.gather [hbm4b:s3+s2], $0x80, v4, vm0, $0xb8;
	[tilespmem:$0x18680] =	vst v63  }
0x267: {  	s4 =	simm.s32 $0x2E80  }
0x268: {  	[tilespmem:s4], [sflag:$0x1] =	stream.indirect_vreg.gather [hbm4b:s3+s2], $0x80, v3, vm0, $0xb8;
	[tilespmem:$0x18680] =	vst v63  }
0x269: {  	v3 =	vld [tilespmem:$0x330];
	_ =	sdelay $0x4  }
0x26a: {  	v11 =	vshll.u32 v3, $0x1  }
0x26b: {  	v3 =	vand.u32 $0x7, v3;
	v4 =	vand.u32 $0xFFFFFFF0, v11  }
0x26c: {  	v3 =	vor.u32 v3, v4  }
0x26d: {  	v4 =	vperm.xlane v3, v0;
	_ =	sdelay $0x1  }
0x26e: {  	v3 =	vperm.xlane v3, v2;
	v4 =	vadd.s32 v1, v4;
	_ =	sdelay $0x1  }
0x26f: {  	v3 =	vadd.s32 v1, v3;
	_ =	sdelay $0x2  }
0x270: {  	[tilespmem:s22], [sflag:$0x1] =	stream.indirect_vreg.gather [hbm4b:s3+s2], $0x80, v4, vm0, $0xb8;
	[tilespmem:$0x18680] =	vst v63  }
0x271: {  	s22 =	simm.s32 $0x3E80  }
0x272: {  	[tilespmem:s22], [sflag:$0x1] =	stream.indirect_vreg.gather [hbm4b:s3+s2], $0x80, v3, vm0, $0xb8;
	[tilespmem:$0x18680] =	vst v63  }
0x273: {  	v3 =	vld [tilespmem:$0x340];
	_ =	sdelay $0x4  }
0x274: {  	v12 =	vshll.u32 v3, $0x1  }
0x275: {  	v3 =	vand.u32 $0x7, v3;
	v4 =	vand.u32 $0xFFFFFFF0, v12  }
0x276: {  	v3 =	vor.u32 v3, v4  }
0x277: {  	v4 =	vperm.xlane v3, v0;
	_ =	sdelay $0x1  }
0x278: {  	v3 =	vperm.xlane v3, v2;
	v4 =	vadd.s32 v1, v4;
	_ =	sdelay $0x1  }
0x279: {  	v3 =	vadd.s32 v1, v3;
	_ =	sdelay $0x2  }
0x27a: {  	[tilespmem:s21], [sflag:$0x1] =	stream.indirect_vreg.gather [hbm4b:s3+s2], $0x80, v4, vm0, $0xb8;
	[tilespmem:$0x18680] =	vst v63  }
0x27b: {  	_ = 	snop  }
0x27c: {  	[tilespmem:s10], [sflag:$0x1] =	stream.indirect_vreg.gather [hbm4b:s3+s2], $0x80, v3, vm0, $0xb8;
	[tilespmem:$0x18680] =	vst v63  }
0x27d: {  	v3 =	vld [tilespmem:$0x350];
	_ =	sdelay $0x4  }
0x27e: {  	v13 =	vshll.u32 v3, $0x1  }
0x27f: {  	v3 =	vand.u32 $0x7, v3;
	v4 =	vand.u32 $0xFFFFFFF0, v13  }
0x280: {  	v3 =	vor.u32 v3, v4  }
0x281: {  	v4 =	vperm.xlane v3, v0;
	_ =	sdelay $0x1  }
0x282: {  	v3 =	vperm.xlane v3, v2;
	v4 =	vadd.s32 v1, v4;
	_ =	sdelay $0x1  }
0x283: {  	v3 =	vadd.s32 v1, v3;
	_ =	sdelay $0x1  }
0x284: {  	s4 =	simm.s32 $0x5680  }
0x285: {  	[tilespmem:s4], [sflag:$0x1] =	stream.indirect_vreg.gather [hbm4b:s3+s2], $0x80, v4, vm0, $0xb8;
	[tilespmem:$0x18680] =	vst v63  }
0x286: {  	_ = 	snop  }
0x287: {  	[tilespmem:s11], [sflag:$0x1] =	stream.indirect_vreg.gather [hbm4b:s3+s2], $0x80, v3, vm0, $0xb8;
	[tilespmem:$0x18680] =	vst v63  }
0x288: {  	v3 =	vld [tilespmem:$0x360];
	_ =	sdelay $0x4  }
0x289: {  	v14 =	vshll.u32 v3, $0x1  }
0x28a: {  	v3 =	vand.u32 $0x7, v3;
	v4 =	vand.u32 $0xFFFFFFF0, v14  }
0x28b: {  	v3 =	vor.u32 v3, v4  }
0x28c: {  	v4 =	vperm.xlane v3, v0;
	_ =	sdelay $0x1  }
0x28d: {  	v3 =	vperm.xlane v3, v2;
	v4 =	vadd.s32 v1, v4;
	_ =	sdelay $0x1  }
0x28e: {  	v3 =	vadd.s32 v1, v3;
	_ =	sdelay $0x2  }
0x28f: {  	[tilespmem:s8], [sflag:$0x1] =	stream.indirect_vreg.gather [hbm4b:s3+s2], $0x80, v4, vm0, $0xb8;
	[tilespmem:$0x18680] =	vst v63  }
0x290: {  	_ = 	snop  }
0x291: {  	[tilespmem:s12], [sflag:$0x1] =	stream.indirect_vreg.gather [hbm4b:s3+s2], $0x80, v3, vm0, $0xb8;
	[tilespmem:$0x18680] =	vst v63  }
0x292: {  	v3 =	vld [tilespmem:$0x370];
	_ =	sdelay $0x4  }
0x293: {  	v15 =	vshll.u32 v3, $0x1  }
0x294: {  	v3 =	vand.u32 $0x7, v3;
	v4 =	vand.u32 $0xFFFFFFF0, v15  }
0x295: {  	v3 =	vor.u32 v3, v4  }
0x296: {  	v4 =	vperm.xlane v3, v0;
	_ =	sdelay $0x1  }
0x297: {  	v3 =	vperm.xlane v3, v2;
	v4 =	vadd.s32 v1, v4;
	_ =	sdelay $0x1  }
0x298: {  	v3 =	vadd.s32 v1, v3;
	_ =	sdelay $0x2  }
0x299: {  	[tilespmem:s9], [sflag:$0x1] =	stream.indirect_vreg.gather [hbm4b:s3+s2], $0x80, v4, vm0, $0xb8;
	[tilespmem:$0x18680] =	vst v63  }
0x29a: {  	s8 =	simm.s32 $0x7E80  }
0x29b: {  	[tilespmem:s8], [sflag:$0x1] =	stream.indirect_vreg.gather [hbm4b:s3+s2], $0x80, v3, vm0, $0xb8;
	[tilespmem:$0x18680] =	vst v63  }
0x29c: {  	_ =	swait.ge [sflag:s30], $0x8000  }
0x29d: {  	[sflag:s30] =	ssyncset.done $0x0  }
0x29e: {  	s6 =	simm.s32 $0x10680;
	s9 =	rddreg [dreg:$0x8];
	[sflag:s30] =	ssyncadd.s32 $0xFFFF8000  }
0x29f: {  	[hbm4b:s9+s2] =	stream.linear.scatter [tilespmem:s6], [sflag:$0x6], $0x8000, $0x38;
	[tilespmem:$0x18680] =	vst v63  }
0x2a0: {  	_ =	swait.ge [sflag:s31], $0x8000  }
0x2a1: {  	[sflag:s31] =	ssyncset.done $0x0  }
0x2a2: {  	[sflag:s31] =	ssyncadd.s32 $0xFFFF8000  }
0x2a3: {  	v3 =	vld [tilespmem:$0x380];
	_ =	sdelay $0x4  }
0x2a4: {  	v16 =	vshll.u32 v3, $0x1  }
0x2a5: {  	v3 =	vand.u32 $0x7, v3;
	v4 =	vand.u32 $0xFFFFFFF0, v16  }
0x2a6: {  	v3 =	vor.u32 v3, v4  }
0x2a7: {  	v4 =	vperm.xlane v3, v0;
	_ =	sdelay $0x1  }
0x2a8: {  	v3 =	vperm.xlane v3, v2;
	v4 =	vadd.s32 v1, v4;
	_ =	sdelay $0x1  }
0x2a9: {  	v3 =	vadd.s32 v1, v3;
	_ =	sdelay $0x2  }
0x2aa: {  	[tilespmem:s5], [sflag:$0x2] =	stream.indirect_vreg.gather [hbm4b:s3+s2], $0x80, v4, vm0, $0xb8;
	[tilespmem:$0x18680] =	vst v63  }
0x2ab: {  	s10 =	simm.s32 $0x8E80  }
0x2ac: {  	[tilespmem:s10], [sflag:$0x2] =	stream.indirect_vreg.gather [hbm4b:s3+s2], $0x80, v3, vm0, $0xb8;
	[tilespmem:$0x18680] =	vst v63  }
0x2ad: {  	v3 =	vld [tilespmem:$0x390];
	_ =	sdelay $0x4  }
0x2ae: {  	v17 =	vshll.u32 v3, $0x1  }
0x2af: {  	v3 =	vand.u32 $0x7, v3;
	v4 =	vand.u32 $0xFFFFFFF0, v17  }
0x2b0: {  	v3 =	vor.u32 v3, v4  }
0x2b1: {  	v4 =	vperm.xlane v3, v0;
	_ =	sdelay $0x1  }
0x2b2: {  	v3 =	vperm.xlane v3, v2;
	v4 =	vadd.s32 v1, v4;
	_ =	sdelay $0x1  }
0x2b3: {  	v3 =	vadd.s32 v1, v3;
	_ =	sdelay $0x1  }
0x2b4: {  	s11 =	simm.s32 $0x9680  }
0x2b5: {  	[tilespmem:s11], [sflag:$0x2] =	stream.indirect_vreg.gather [hbm4b:s3+s2], $0x80, v4, vm0, $0xb8;
	[tilespmem:$0x18680] =	vst v63  }
0x2b6: {  	s12 =	simm.s32 $0x9E80  }
0x2b7: {  	[tilespmem:s12], [sflag:$0x2] =	stream.indirect_vreg.gather [hbm4b:s3+s2], $0x80, v3, vm0, $0xb8;
	[tilespmem:$0x18680] =	vst v63  }
0x2b8: {  	v3 =	vld [tilespmem:$0x3A0];
	_ =	sdelay $0x4  }
0x2b9: {  	v18 =	vshll.u32 v3, $0x1  }
0x2ba: {  	v3 =	vand.u32 $0x7, v3;
	v4 =	vand.u32 $0xFFFFFFF0, v18  }
0x2bb: {  	v3 =	vor.u32 v3, v4  }
0x2bc: {  	v4 =	vperm.xlane v3, v0;
	_ =	sdelay $0x1  }
0x2bd: {  	v3 =	vperm.xlane v3, v2;
	v4 =	vadd.s32 v1, v4;
	_ =	sdelay $0x1  }
0x2be: {  	v3 =	vadd.s32 v1, v3;
	_ =	sdelay $0x2  }
0x2bf: {  	[tilespmem:s23], [sflag:$0x2] =	stream.indirect_vreg.gather [hbm4b:s3+s2], $0x80, v4, vm0, $0xb8;
	[tilespmem:$0x18680] =	vst v63  }
0x2c0: {  	s21 =	simm.s32 $0xAE80  }
0x2c1: {  	[tilespmem:s21], [sflag:$0x2] =	stream.indirect_vreg.gather [hbm4b:s3+s2], $0x80, v3, vm0, $0xb8;
	[tilespmem:$0x18680] =	vst v63  }
0x2c2: {  	v3 =	vld [tilespmem:$0x3B0];
	_ =	sdelay $0x4  }
0x2c3: {  	v19 =	vshll.u32 v3, $0x1  }
0x2c4: {  	v3 =	vand.u32 $0x7, v3;
	v4 =	vand.u32 $0xFFFFFFF0, v19  }
0x2c5: {  	v3 =	vor.u32 v3, v4  }
0x2c6: {  	v4 =	vperm.xlane v3, v0;
	_ =	sdelay $0x1  }
0x2c7: {  	v3 =	vperm.xlane v3, v2;
	v4 =	vadd.s32 v1, v4;
	_ =	sdelay $0x1  }
0x2c8: {  	v3 =	vadd.s32 v1, v3;
	_ =	sdelay $0x1  }
0x2c9: {  	s22 =	simm.s32 $0xB680  }
0x2ca: {  	[tilespmem:s22], [sflag:$0x2] =	stream.indirect_vreg.gather [hbm4b:s3+s2], $0x80, v4, vm0, $0xb8;
	[tilespmem:$0x18680] =	vst v63  }
0x2cb: {  	s4 =	simm.s32 $0xBE80  }
0x2cc: {  	[tilespmem:s4], [sflag:$0x2] =	stream.indirect_vreg.gather [hbm4b:s3+s2], $0x80, v3, vm0, $0xb8;
	[tilespmem:$0x18680] =	vst v63  }
0x2cd: {  	v3 =	vld [tilespmem:$0x3C0];
	_ =	sdelay $0x4  }
0x2ce: {  	v20 =	vshll.u32 v3, $0x1  }
0x2cf: {  	v3 =	vand.u32 $0x7, v3;
	v4 =	vand.u32 $0xFFFFFFF0, v20  }
0x2d0: {  	v3 =	vor.u32 v3, v4  }
0x2d1: {  	v4 =	vperm.xlane v3, v0;
	_ =	sdelay $0x1  }
0x2d2: {  	v3 =	vperm.xlane v3, v2;
	v4 =	vadd.s32 v1, v4;
	_ =	sdelay $0x1  }
0x2d3: {  	v3 =	vadd.s32 v1, v3;
	_ =	sdelay $0x2  }
0x2d4: {  	[tilespmem:s24], [sflag:$0x2] =	stream.indirect_vreg.gather [hbm4b:s3+s2], $0x80, v4, vm0, $0xb8;
	[tilespmem:$0x18680] =	vst v63  }
0x2d5: {  	s5 =	simm.s32 $0xCE80  }
0x2d6: {  	[tilespmem:s5], [sflag:$0x2] =	stream.indirect_vreg.gather [hbm4b:s3+s2], $0x80, v3, vm0, $0xb8;
	[tilespmem:$0x18680] =	vst v63  }
0x2d7: {  	v3 =	vld [tilespmem:$0x3D0];
	_ =	sdelay $0x4  }
0x2d8: {  	v21 =	vshll.u32 v3, $0x1  }
0x2d9: {  	v3 =	vand.u32 $0x7, v3;
	v4 =	vand.u32 $0xFFFFFFF0, v21  }
0x2da: {  	v3 =	vor.u32 v3, v4  }
0x2db: {  	v4 =	vperm.xlane v3, v0;
	_ =	sdelay $0x1  }
0x2dc: {  	v3 =	vperm.xlane v3, v2;
	v4 =	vadd.s32 v1, v4;
	_ =	sdelay $0x1  }
0x2dd: {  	v3 =	vadd.s32 v1, v3;
	_ =	sdelay $0x2  }
0x2de: {  	[tilespmem:s29], [sflag:$0x2] =	stream.indirect_vreg.gather [hbm4b:s3+s2], $0x80, v4, vm0, $0xb8;
	[tilespmem:$0x18680] =	vst v63  }
0x2df: {  	s9 =	simm.s32 $0xDE80  }
0x2e0: {  	[tilespmem:s9], [sflag:$0x2] =	stream.indirect_vreg.gather [hbm4b:s3+s2], $0x80, v3, vm0, $0xb8;
	[tilespmem:$0x18680] =	vst v63  }
0x2e1: {  	v3 =	vld [tilespmem:$0x3E0];
	_ =	sdelay $0x4  }
0x2e2: {  	v22 =	vshll.u32 v3, $0x1  }
0x2e3: {  	v3 =	vand.u32 $0x7, v3;
	v4 =	vand.u32 $0xFFFFFFF0, v22  }
0x2e4: {  	v3 =	vor.u32 v3, v4  }
0x2e5: {  	v4 =	vperm.xlane v3, v0;
	_ =	sdelay $0x1  }
0x2e6: {  	v3 =	vperm.xlane v3, v2;
	v4 =	vadd.s32 v1, v4;
	_ =	sdelay $0x1  }
0x2e7: {  	v3 =	vadd.s32 v1, v3;
	_ =	sdelay $0x1  }
0x2e8: {  	s12 =	simm.s32 $0xE680  }
0x2e9: {  	[tilespmem:s12], [sflag:$0x2] =	stream.indirect_vreg.gather [hbm4b:s3+s2], $0x80, v4, vm0, $0xb8;
	[tilespmem:$0x18680] =	vst v63  }
0x2ea: {  	s22 =	simm.s32 $0xEE80  }
0x2eb: {  	[tilespmem:s22], [sflag:$0x2] =	stream.indirect_vreg.gather [hbm4b:s3+s2], $0x80, v3, vm0, $0xb8;
	[tilespmem:$0x18680] =	vst v63  }
0x2ec: {  	v3 =	vld [tilespmem:$0x3F0];
	_ =	sdelay $0x4  }
0x2ed: {  	v23 =	vshll.u32 v3, $0x1  }
0x2ee: {  	v3 =	vand.u32 $0x7, v3;
	v4 =	vand.u32 $0xFFFFFFF0, v23  }
0x2ef: {  	v3 =	vor.u32 v3, v4  }
0x2f0: {  	v4 =	vperm.xlane v3, v0;
	_ =	sdelay $0x1  }
0x2f1: {  	v3 =	vperm.xlane v3, v2;
	v4 =	vadd.s32 v1, v4;
	_ =	sdelay $0x1  }
0x2f2: {  	v3 =	vadd.s32 v1, v3;
	_ =	sdelay $0x1  }
0x2f3: {  	s4 =	simm.s32 $0xF680  }
0x2f4: {  	[tilespmem:s4], [sflag:$0x2] =	stream.indirect_vreg.gather [hbm4b:s3+s2], $0x80, v4, vm0, $0xb8;
	[tilespmem:$0x18680] =	vst v63  }
0x2f5: {  	s5 =	simm.s32 $0xFE80  }
0x2f6: {  	[tilespmem:s5], [sflag:$0x2] =	stream.indirect_vreg.gather [hbm4b:s3+s2], $0x80, v3, vm0, $0xb8;
	[tilespmem:$0x18680] =	vst v63  }
0x2f7: {  	_ =	swait.ge [sflag:s28], $0x8000  }
0x2f8: {  	[sflag:s28] =	ssyncset.done $0x0  }
0x2f9: {  	s4 =	simm.s32 $0x680;
	s9 =	rddreg [dreg:$0x9];
	[sflag:s28] =	ssyncadd.s32 $0xFFFF8000  }
0x2fa: {  	[hbm4b:s9+s2] =	stream.linear.scatter [tilespmem:s4], [sflag:$0x4], $0x8000, $0x38;
	[tilespmem:$0x18680] =	vst v63  }
0x2fb: {  	_ =	swait.ge [sflag:s0], $0x8000  }
0x2fc: {  	[sflag:s0] =	ssyncset.done $0x0  }
0x2fd: {  	[sflag:s0] =	ssyncadd.s32 $0xFFFF8000  }
0x2fe: {  	v3 =	vld [tilespmem:$0x400];
	_ =	sdelay $0x4  }
0x2ff: {  	v24 =	vshll.u32 v3, $0x1  }
0x300: {  	v3 =	vand.u32 $0x7, v3;
	v4 =	vand.u32 $0xFFFFFFF0, v24  }
0x301: {  	v3 =	vor.u32 v3, v4  }
0x302: {  	v4 =	vperm.xlane v3, v0;
	_ =	sdelay $0x1  }
0x303: {  	v3 =	vperm.xlane v3, v2;
	v4 =	vadd.s32 v1, v4;
	_ =	sdelay $0x1  }
0x304: {  	v3 =	vadd.s32 v1, v3;
	_ =	sdelay $0x1  }
0x305: {  	s6 =	simm.s32 $0x10680  }
0x306: {  	[tilespmem:s6], [sflag:$0x3] =	stream.indirect_vreg.gather [hbm4b:s3+s2], $0x80, v4, vm0, $0xb8;
	[tilespmem:$0x18680] =	vst v63  }
0x307: {  	s12 =	simm.s32 $0x10E80  }
0x308: {  	[tilespmem:s12], [sflag:$0x3] =	stream.indirect_vreg.gather [hbm4b:s3+s2], $0x80, v3, vm0, $0xb8;
	[tilespmem:$0x18680] =	vst v63  }
0x309: {  	v3 =	vld [tilespmem:$0x410];
	_ =	sdelay $0x4  }
0x30a: {  	v25 =	vshll.u32 v3, $0x1  }
0x30b: {  	v3 =	vand.u32 $0x7, v3;
	v4 =	vand.u32 $0xFFFFFFF0, v25  }
0x30c: {  	v3 =	vor.u32 v3, v4  }
0x30d: {  	v4 =	vperm.xlane v3, v0;
	_ =	sdelay $0x1  }
0x30e: {  	v3 =	vperm.xlane v3, v2;
	v4 =	vadd.s32 v1, v4;
	_ =	sdelay $0x1  }
0x30f: {  	v3 =	vadd.s32 v1, v3;
	_ =	sdelay $0x2  }
0x310: {  	[tilespmem:s13], [sflag:$0x3] =	stream.indirect_vreg.gather [hbm4b:s3+s2], $0x80, v4, vm0, $0xb8;
	[tilespmem:$0x18680] =	vst v63  }
0x311: {  	s13 =	simm.s32 $0x11E80  }
0x312: {  	[tilespmem:s13], [sflag:$0x3] =	stream.indirect_vreg.gather [hbm4b:s3+s2], $0x80, v3, vm0, $0xb8;
	[tilespmem:$0x18680] =	vst v63  }
0x313: {  	v3 =	vld [tilespmem:$0x420];
	_ =	sdelay $0x4  }
0x314: {  	v26 =	vshll.u32 v3, $0x1  }
0x315: {  	v3 =	vand.u32 $0x7, v3;
	v4 =	vand.u32 $0xFFFFFFF0, v26  }
0x316: {  	v3 =	vor.u32 v3, v4  }
0x317: {  	v4 =	vperm.xlane v3, v0;
	_ =	sdelay $0x1  }
0x318: {  	v3 =	vperm.xlane v3, v2;
	v4 =	vadd.s32 v1, v4;
	_ =	sdelay $0x1  }
0x319: {  	v3 =	vadd.s32 v1, v3;
	_ =	sdelay $0x2  }
0x31a: {  	[tilespmem:s14], [sflag:$0x3] =	stream.indirect_vreg.gather [hbm4b:s3+s2], $0x80, v4, vm0, $0xb8;
	[tilespmem:$0x18680] =	vst v63  }
0x31b: {  	s14 =	simm.s32 $0x12E80  }
0x31c: {  	[tilespmem:s14], [sflag:$0x3] =	stream.indirect_vreg.gather [hbm4b:s3+s2], $0x80, v3, vm0, $0xb8;
	[tilespmem:$0x18680] =	vst v63  }
0x31d: {  	v3 =	vld [tilespmem:$0x430];
	_ =	sdelay $0x4  }
0x31e: {  	v27 =	vshll.u32 v3, $0x1  }
0x31f: {  	v3 =	vand.u32 $0x7, v3;
	v4 =	vand.u32 $0xFFFFFFF0, v27  }
0x320: {  	v3 =	vor.u32 v3, v4  }
0x321: {  	v4 =	vperm.xlane v3, v0;
	_ =	sdelay $0x1  }
0x322: {  	v3 =	vperm.xlane v3, v2;
	v4 =	vadd.s32 v1, v4;
	_ =	sdelay $0x1  }
0x323: {  	v3 =	vadd.s32 v1, v3;
	_ =	sdelay $0x2  }
0x324: {  	[tilespmem:s15], [sflag:$0x3] =	stream.indirect_vreg.gather [hbm4b:s3+s2], $0x80, v4, vm0, $0xb8;
	[tilespmem:$0x18680] =	vst v63  }
0x325: {  	s15 =	simm.s32 $0x13E80  }
0x326: {  	[tilespmem:s15], [sflag:$0x3] =	stream.indirect_vreg.gather [hbm4b:s3+s2], $0x80, v3, vm0, $0xb8;
	[tilespmem:$0x18680] =	vst v63  }
0x327: {  	v3 =	vld [tilespmem:$0x440];
	_ =	sdelay $0x4  }
0x328: {  	v28 =	vshll.u32 v3, $0x1  }
0x329: {  	v3 =	vand.u32 $0x7, v3;
	v4 =	vand.u32 $0xFFFFFFF0, v28  }
0x32a: {  	v3 =	vor.u32 v3, v4  }
0x32b: {  	v4 =	vperm.xlane v3, v0;
	_ =	sdelay $0x1  }
0x32c: {  	v3 =	vperm.xlane v3, v2;
	v4 =	vadd.s32 v1, v4;
	_ =	sdelay $0x1  }
0x32d: {  	v3 =	vadd.s32 v1, v3;
	_ =	sdelay $0x2  }
0x32e: {  	[tilespmem:s16], [sflag:$0x3] =	stream.indirect_vreg.gather [hbm4b:s3+s2], $0x80, v4, vm0, $0xb8;
	[tilespmem:$0x18680] =	vst v63  }
0x32f: {  	s16 =	simm.s32 $0x14E80  }
0x330: {  	[tilespmem:s16], [sflag:$0x3] =	stream.indirect_vreg.gather [hbm4b:s3+s2], $0x80, v3, vm0, $0xb8;
	[tilespmem:$0x18680] =	vst v63  }
0x331: {  	v3 =	vld [tilespmem:$0x450];
	_ =	sdelay $0x4  }
0x332: {  	v29 =	vshll.u32 v3, $0x1  }
0x333: {  	v3 =	vand.u32 $0x7, v3;
	v4 =	vand.u32 $0xFFFFFFF0, v29  }
0x334: {  	v3 =	vor.u32 v3, v4  }
0x335: {  	v4 =	vperm.xlane v3, v0;
	_ =	sdelay $0x1  }
0x336: {  	v3 =	vperm.xlane v3, v2;
	v4 =	vadd.s32 v1, v4;
	_ =	sdelay $0x1  }
0x337: {  	v3 =	vadd.s32 v1, v3;
	_ =	sdelay $0x2  }
0x338: {  	[tilespmem:s17], [sflag:$0x3] =	stream.indirect_vreg.gather [hbm4b:s3+s2], $0x80, v4, vm0, $0xb8;
	[tilespmem:$0x18680] =	vst v63  }
0x339: {  	s17 =	simm.s32 $0x15E80  }
0x33a: {  	[tilespmem:s17], [sflag:$0x3] =	stream.indirect_vreg.gather [hbm4b:s3+s2], $0x80, v3, vm0, $0xb8;
	[tilespmem:$0x18680] =	vst v63  }
0x33b: {  	v3 =	vld [tilespmem:$0x460];
	_ =	sdelay $0x4  }
0x33c: {  	v30 =	vshll.u32 v3, $0x1  }
0x33d: {  	v3 =	vand.u32 $0x7, v3;
	v4 =	vand.u32 $0xFFFFFFF0, v30  }
0x33e: {  	v3 =	vor.u32 v3, v4  }
0x33f: {  	v4 =	vperm.xlane v3, v0;
	_ =	sdelay $0x1  }
0x340: {  	v3 =	vperm.xlane v3, v2;
	v4 =	vadd.s32 v1, v4;
	_ =	sdelay $0x1  }
0x341: {  	v3 =	vadd.s32 v1, v3;
	_ =	sdelay $0x2  }
0x342: {  	[tilespmem:s18], [sflag:$0x3] =	stream.indirect_vreg.gather [hbm4b:s3+s2], $0x80, v4, vm0, $0xb8;
	[tilespmem:$0x18680] =	vst v63  }
0x343: {  	_ = 	snop  }
0x344: {  	[tilespmem:s20], [sflag:$0x3] =	stream.indirect_vreg.gather [hbm4b:s3+s2], $0x80, v3, vm0, $0xb8;
	[tilespmem:$0x18680] =	vst v63  }
0x345: {  	v3 =	vld [tilespmem:$0x470];
	_ =	sdelay $0x4  }
0x346: {  	v31 =	vshll.u32 v3, $0x1  }
0x347: {  	v3 =	vand.u32 $0x7, v3;
	v4 =	vand.u32 $0xFFFFFFF0, v31  }
0x348: {  	v3 =	vor.u32 v3, v4  }
0x349: {  	v4 =	vperm.xlane v3, v0;
	_ =	sdelay $0x1  }
0x34a: {  	v3 =	vperm.xlane v3, v2;
	v4 =	vadd.s32 v1, v4;
	_ =	sdelay $0x1  }
0x34b: {  	v3 =	vadd.s32 v1, v3;
	_ =	sdelay $0x2  }
0x34c: {  	[tilespmem:s19], [sflag:$0x3] =	stream.indirect_vreg.gather [hbm4b:s3+s2], $0x80, v4, vm0, $0xb8;
	[tilespmem:$0x18680] =	vst v63  }
0x34d: {  	s5 =	simm.s32 $0x17E80  }
0x34e: {  	[tilespmem:s5], [sflag:$0x3] =	stream.indirect_vreg.gather [hbm4b:s3+s2], $0x80, v3, vm0, $0xb8;
	[tilespmem:$0x18680] =	vst v63  }
0x34f: {  	_ =	swait.ge [sflag:s26], $0x8000  }
0x350: {  	[sflag:s26] =	ssyncset.done $0x0  }
0x351: {  	s8 =	simm.s32 $0x8680;
	s19 =	rddreg [dreg:$0xa];
	[sflag:s26] =	ssyncadd.s32 $0xFFFF8000  }
0x352: {  	[hbm4b:s19+s2] =	stream.linear.scatter [tilespmem:s8], [sflag:$0x5], $0x8000, $0x38;
	[tilespmem:$0x18680] =	vst v63  }
0x353: {  	_ =	swait.ge [sflag:s25], $0x8000  }
0x354: {  	[sflag:s25] =	ssyncset.done $0x0  }
0x355: {  	[sflag:s25] =	ssyncadd.s32 $0xFFFF8000  }
0x356: {  	v3 =	vld [tilespmem:$0x480];
	_ =	sdelay $0x4  }
0x357: {  	v32 =	vshll.u32 v3, $0x1  }
0x358: {  	v3 =	vand.u32 $0x7, v3;
	v4 =	vand.u32 $0xFFFFFFF0, v32  }
0x359: {  	v3 =	vor.u32 v3, v4  }
0x35a: {  	v4 =	vperm.xlane v3, v0;
	_ =	sdelay $0x1  }
0x35b: {  	v3 =	vperm.xlane v3, v2;
	v4 =	vadd.s32 v1, v4;
	_ =	sdelay $0x1  }
0x35c: {  	v3 =	vadd.s32 v1, v3;
	_ =	sdelay $0x2  }
0x35d: {  	[tilespmem:s4], [sflag:$0x1] =	stream.indirect_vreg.gather [hbm4b:s3+s2], $0x80, v4, vm0, $0xb8;
	[tilespmem:$0x18680] =	vst v63  }
0x35e: {  	s5 =	simm.s32 $0xE80  }
0x35f: {  	[tilespmem:s5], [sflag:$0x1] =	stream.indirect_vreg.gather [hbm4b:s3+s2], $0x80, v3, vm0, $0xb8;
	[tilespmem:$0x18680] =	vst v63  }
0x360: {  	v3 =	vld [tilespmem:$0x490];
	_ =	sdelay $0x4  }
0x361: {  	v33 =	vshll.u32 v3, $0x1  }
0x362: {  	v3 =	vand.u32 $0x7, v3;
	v4 =	vand.u32 $0xFFFFFFF0, v33  }
0x363: {  	v3 =	vor.u32 v3, v4  }
0x364: {  	v4 =	vperm.xlane v3, v0;
	_ =	sdelay $0x1  }
0x365: {  	v3 =	vperm.xlane v3, v2;
	v4 =	vadd.s32 v1, v4;
	_ =	sdelay $0x1  }
0x366: {  	v3 =	vadd.s32 v1, v3;
	_ =	sdelay $0x1  }
0x367: {  	s19 =	simm.s32 $0x1680  }
0x368: {  	[tilespmem:s19], [sflag:$0x1] =	stream.indirect_vreg.gather [hbm4b:s3+s2], $0x80, v4, vm0, $0xb8;
	[tilespmem:$0x18680] =	vst v63  }
0x369: {  	s20 =	simm.s32 $0x1E80  }
0x36a: {  	[tilespmem:s20], [sflag:$0x1] =	stream.indirect_vreg.gather [hbm4b:s3+s2], $0x80, v3, vm0, $0xb8;
	[tilespmem:$0x18680] =	vst v63  }
0x36b: {  	v3 =	vld [tilespmem:$0x4A0];
	_ =	sdelay $0x4  }
0x36c: {  	v34 =	vshll.u32 v3, $0x1  }
0x36d: {  	v3 =	vand.u32 $0x7, v3;
	v4 =	vand.u32 $0xFFFFFFF0, v34  }
0x36e: {  	v3 =	vor.u32 v3, v4  }
0x36f: {  	v4 =	vperm.xlane v3, v0;
	_ =	sdelay $0x1  }
0x370: {  	v3 =	vperm.xlane v3, v2;
	v4 =	vadd.s32 v1, v4;
	_ =	sdelay $0x1  }
0x371: {  	v3 =	vadd.s32 v1, v3;
	_ =	sdelay $0x1  }
0x372: {  	s20 =	simm.s32 $0x2680  }
0x373: {  	[tilespmem:s20], [sflag:$0x1] =	stream.indirect_vreg.gather [hbm4b:s3+s2], $0x80, v4, vm0, $0xb8;
	[tilespmem:$0x18680] =	vst v63  }
0x374: {  	s1 =	simm.s32 $0x2E80  }
0x375: {  	[tilespmem:s1], [sflag:$0x1] =	stream.indirect_vreg.gather [hbm4b:s3+s2], $0x80, v3, vm0, $0xb8;
	[tilespmem:$0x18680] =	vst v63  }
0x376: {  	v3 =	vld [tilespmem:$0x4B0];
	_ =	sdelay $0x4  }
0x377: {  	v35 =	vshll.u32 v3, $0x1  }
0x378: {  	v3 =	vand.u32 $0x7, v3;
	v4 =	vand.u32 $0xFFFFFFF0, v35  }
0x379: {  	v3 =	vor.u32 v3, v4  }
0x37a: {  	v4 =	vperm.xlane v3, v0;
	_ =	sdelay $0x1  }
0x37b: {  	v3 =	vperm.xlane v3, v2;
	v4 =	vadd.s32 v1, v4;
	_ =	sdelay $0x1  }
0x37c: {  	v3 =	vadd.s32 v1, v3;
	_ =	sdelay $0x1  }
0x37d: {  	s1 =	simm.s32 $0x3680  }
0x37e: {  	[tilespmem:s1], [sflag:$0x1] =	stream.indirect_vreg.gather [hbm4b:s3+s2], $0x80, v4, vm0, $0xb8;
	[tilespmem:$0x18680] =	vst v63  }
0x37f: {  	s1 =	simm.s32 $0x3E80  }
0x380: {  	[tilespmem:s1], [sflag:$0x1] =	stream.indirect_vreg.gather [hbm4b:s3+s2], $0x80, v3, vm0, $0xb8;
	[tilespmem:$0x18680] =	vst v63  }
0x381: {  	v3 =	vld [tilespmem:$0x4C0];
	_ =	sdelay $0x4  }
0x382: {  	v36 =	vshll.u32 v3, $0x1  }
0x383: {  	v3 =	vand.u32 $0x7, v3;
	v4 =	vand.u32 $0xFFFFFFF0, v36  }
0x384: {  	v3 =	vor.u32 v3, v4  }
0x385: {  	v4 =	vperm.xlane v3, v0;
	_ =	sdelay $0x1  }
0x386: {  	v3 =	vperm.xlane v3, v2;
	v4 =	vadd.s32 v1, v4;
	_ =	sdelay $0x1  }
0x387: {  	v3 =	vadd.s32 v1, v3;
	_ =	sdelay $0x1  }
0x388: {  	s1 =	simm.s32 $0x4680  }
0x389: {  	[tilespmem:s1], [sflag:$0x1] =	stream.indirect_vreg.gather [hbm4b:s3+s2], $0x80, v4, vm0, $0xb8;
	[tilespmem:$0x18680] =	vst v63  }
0x38a: {  	s1 =	simm.s32 $0x4E80  }
0x38b: {  	[tilespmem:s1], [sflag:$0x1] =	stream.indirect_vreg.gather [hbm4b:s3+s2], $0x80, v3, vm0, $0xb8;
	[tilespmem:$0x18680] =	vst v63  }
0x38c: {  	v3 =	vld [tilespmem:$0x4D0];
	_ =	sdelay $0x4  }
0x38d: {  	v37 =	vshll.u32 v3, $0x1  }
0x38e: {  	v3 =	vand.u32 $0x7, v3;
	v4 =	vand.u32 $0xFFFFFFF0, v37  }
0x38f: {  	v3 =	vor.u32 v3, v4  }
0x390: {  	v4 =	vperm.xlane v3, v0;
	_ =	sdelay $0x1  }
0x391: {  	v3 =	vperm.xlane v3, v2;
	v4 =	vadd.s32 v1, v4;
	_ =	sdelay $0x1  }
0x392: {  	v3 =	vadd.s32 v1, v3;
	_ =	sdelay $0x1  }
0x393: {  	s1 =	simm.s32 $0x5680  }
0x394: {  	[tilespmem:s1], [sflag:$0x1] =	stream.indirect_vreg.gather [hbm4b:s3+s2], $0x80, v4, vm0, $0xb8;
	[tilespmem:$0x18680] =	vst v63  }
0x395: {  	s1 =	simm.s32 $0x5E80  }
0x396: {  	[tilespmem:s1], [sflag:$0x1] =	stream.indirect_vreg.gather [hbm4b:s3+s2], $0x80, v3, vm0, $0xb8;
	[tilespmem:$0x18680] =	vst v63  }
0x397: {  	v3 =	vld [tilespmem:$0x4E0];
	_ =	sdelay $0x4  }
0x398: {  	v38 =	vshll.u32 v3, $0x1  }
0x399: {  	v3 =	vand.u32 $0x7, v3;
	v4 =	vand.u32 $0xFFFFFFF0, v38  }
0x39a: {  	v3 =	vor.u32 v3, v4  }
0x39b: {  	v4 =	vperm.xlane v3, v0;
	_ =	sdelay $0x1  }
0x39c: {  	v3 =	vperm.xlane v3, v2;
	v4 =	vadd.s32 v1, v4;
	_ =	sdelay $0x1  }
0x39d: {  	v3 =	vadd.s32 v1, v3;
	_ =	sdelay $0x1  }
0x39e: {  	s1 =	simm.s32 $0x6680  }
0x39f: {  	[tilespmem:s1], [sflag:$0x1] =	stream.indirect_vreg.gather [hbm4b:s3+s2], $0x80, v4, vm0, $0xb8;
	[tilespmem:$0x18680] =	vst v63  }
0x3a0: {  	s1 =	simm.s32 $0x6E80  }
0x3a1: {  	[tilespmem:s1], [sflag:$0x1] =	stream.indirect_vreg.gather [hbm4b:s3+s2], $0x80, v3, vm0, $0xb8;
	[tilespmem:$0x18680] =	vst v63  }
0x3a2: {  	v3 =	vld [tilespmem:$0x4F0];
	_ =	sdelay $0x4  }
0x3a3: {  	v39 =	vshll.u32 v3, $0x1  }
0x3a4: {  	v3 =	vand.u32 $0x7, v3;
	v4 =	vand.u32 $0xFFFFFFF0, v39  }
0x3a5: {  	v3 =	vor.u32 v3, v4  }
0x3a6: {  	v4 =	vperm.xlane v3, v0;
	_ =	sdelay $0x1  }
0x3a7: {  	v3 =	vperm.xlane v3, v2;
	v4 =	vadd.s32 v1, v4;
	_ =	sdelay $0x1  }
0x3a8: {  	v3 =	vadd.s32 v1, v3;
	_ =	sdelay $0x1  }
0x3a9: {  	s1 =	simm.s32 $0x7680  }
0x3aa: {  	[tilespmem:s1], [sflag:$0x1] =	stream.indirect_vreg.gather [hbm4b:s3+s2], $0x80, v4, vm0, $0xb8;
	[tilespmem:$0x18680] =	vst v63  }
0x3ab: {  	s1 =	simm.s32 $0x7E80  }
0x3ac: {  	[tilespmem:s1], [sflag:$0x1] =	stream.indirect_vreg.gather [hbm4b:s3+s2], $0x80, v3, vm0, $0xb8;
	[tilespmem:$0x18680] =	vst v63  }
0x3ad: {  	_ =	swait.ge [sflag:s30], $0x8000  }
0x3ae: {  	[sflag:s30] =	ssyncset.done $0x0  }
0x3af: {  	s1 =	rddreg [dreg:$0xb];
	[sflag:s30] =	ssyncadd.s32 $0xFFFF8000  }
0x3b0: {  	[hbm4b:s1+s2] =	stream.linear.scatter [tilespmem:s6], [sflag:$0x6], $0x8000, $0x38;
	[tilespmem:$0x18680] =	vst v63  }
0x3b1: {  	_ =	swait.ge [sflag:s31], $0x8000  }
0x3b2: {  	[sflag:s31] =	ssyncset.done $0x0  }
0x3b3: {  	[sflag:s31] =	ssyncadd.s32 $0xFFFF8000  }
0x3b4: {  	v3 =	vld [tilespmem:$0x500];
	_ =	sdelay $0x4  }
0x3b5: {  	v40 =	vshll.u32 v3, $0x1  }
0x3b6: {  	v3 =	vand.u32 $0x7, v3;
	v4 =	vand.u32 $0xFFFFFFF0, v40  }
0x3b7: {  	v3 =	vor.u32 v3, v4  }
0x3b8: {  	v4 =	vperm.xlane v3, v0;
	_ =	sdelay $0x1  }
0x3b9: {  	v3 =	vperm.xlane v3, v2;
	v4 =	vadd.s32 v1, v4;
	_ =	sdelay $0x1  }
0x3ba: {  	v3 =	vadd.s32 v1, v3;
	_ =	sdelay $0x2  }
0x3bb: {  	[tilespmem:s8], [sflag:$0x2] =	stream.indirect_vreg.gather [hbm4b:s3+s2], $0x80, v4, vm0, $0xb8;
	[tilespmem:$0x18680] =	vst v63  }
0x3bc: {  	s1 =	simm.s32 $0x8E80  }
0x3bd: {  	[tilespmem:s1], [sflag:$0x2] =	stream.indirect_vreg.gather [hbm4b:s3+s2], $0x80, v3, vm0, $0xb8;
	[tilespmem:$0x18680] =	vst v63  }
0x3be: {  	v3 =	vld [tilespmem:$0x510];
	_ =	sdelay $0x4  }
0x3bf: {  	v41 =	vshll.u32 v3, $0x1  }
0x3c0: {  	v3 =	vand.u32 $0x7, v3;
	v4 =	vand.u32 $0xFFFFFFF0, v41  }
0x3c1: {  	v3 =	vor.u32 v3, v4  }
0x3c2: {  	v4 =	vperm.xlane v3, v0;
	_ =	sdelay $0x1  }
0x3c3: {  	v3 =	vperm.xlane v3, v2;
	v4 =	vadd.s32 v1, v4;
	_ =	sdelay $0x1  }
0x3c4: {  	v3 =	vadd.s32 v1, v3;
	_ =	sdelay $0x1  }
0x3c5: {  	s1 =	simm.s32 $0x9680  }
0x3c6: {  	[tilespmem:s1], [sflag:$0x2] =	stream.indirect_vreg.gather [hbm4b:s3+s2], $0x80, v4, vm0, $0xb8;
	[tilespmem:$0x18680] =	vst v63  }
0x3c7: {  	s1 =	simm.s32 $0x9E80  }
0x3c8: {  	[tilespmem:s1], [sflag:$0x2] =	stream.indirect_vreg.gather [hbm4b:s3+s2], $0x80, v3, vm0, $0xb8;
	[tilespmem:$0x18680] =	vst v63  }
0x3c9: {  	v3 =	vld [tilespmem:$0x520];
	_ =	sdelay $0x4  }
0x3ca: {  	v42 =	vshll.u32 v3, $0x1  }
0x3cb: {  	v3 =	vand.u32 $0x7, v3;
	v4 =	vand.u32 $0xFFFFFFF0, v42  }
0x3cc: {  	v3 =	vor.u32 v3, v4  }
0x3cd: {  	v4 =	vperm.xlane v3, v0;
	_ =	sdelay $0x1  }
0x3ce: {  	v3 =	vperm.xlane v3, v2;
	v4 =	vadd.s32 v1, v4;
	_ =	sdelay $0x1  }
0x3cf: {  	v3 =	vadd.s32 v1, v3;
	_ =	sdelay $0x1  }
0x3d0: {  	s23 =	simm.s32 $0xA680  }
0x3d1: {  	[tilespmem:s23], [sflag:$0x2] =	stream.indirect_vreg.gather [hbm4b:s3+s2], $0x80, v4, vm0, $0xb8;
	[tilespmem:$0x18680] =	vst v63  }
0x3d2: {  	s23 =	simm.s32 $0xAE80  }
0x3d3: {  	[tilespmem:s23], [sflag:$0x2] =	stream.indirect_vreg.gather [hbm4b:s3+s2], $0x80, v3, vm0, $0xb8;
	[tilespmem:$0x18680] =	vst v63  }
0x3d4: {  	v3 =	vld [tilespmem:$0x530];
	_ =	sdelay $0x4  }
0x3d5: {  	v43 =	vshll.u32 v3, $0x1  }
0x3d6: {  	v3 =	vand.u32 $0x7, v3;
	v4 =	vand.u32 $0xFFFFFFF0, v43  }
0x3d7: {  	v3 =	vor.u32 v3, v4  }
0x3d8: {  	v4 =	vperm.xlane v3, v0;
	_ =	sdelay $0x1  }
0x3d9: {  	v3 =	vperm.xlane v3, v2;
	v4 =	vadd.s32 v1, v4;
	_ =	sdelay $0x1  }
0x3da: {  	v3 =	vadd.s32 v1, v3;
	_ =	sdelay $0x1  }
0x3db: {  	s23 =	simm.s32 $0xB680  }
0x3dc: {  	[tilespmem:s23], [sflag:$0x2] =	stream.indirect_vreg.gather [hbm4b:s3+s2], $0x80, v4, vm0, $0xb8;
	[tilespmem:$0x18680] =	vst v63  }
0x3dd: {  	s10 =	simm.s32 $0xBE80  }
0x3de: {  	[tilespmem:s10], [sflag:$0x2] =	stream.indirect_vreg.gather [hbm4b:s3+s2], $0x80, v3, vm0, $0xb8;
	[tilespmem:$0x18680] =	vst v63  }
0x3df: {  	v3 =	vld [tilespmem:$0x540];
	_ =	sdelay $0x4  }
0x3e0: {  	v44 =	vshll.u32 v3, $0x1  }
0x3e1: {  	v3 =	vand.u32 $0x7, v3;
	v4 =	vand.u32 $0xFFFFFFF0, v44  }
0x3e2: {  	v3 =	vor.u32 v3, v4  }
0x3e3: {  	v4 =	vperm.xlane v3, v0;
	_ =	sdelay $0x1  }
0x3e4: {  	v3 =	vperm.xlane v3, v2;
	v4 =	vadd.s32 v1, v4;
	_ =	sdelay $0x1  }
0x3e5: {  	v3 =	vadd.s32 v1, v3;
	_ =	sdelay $0x1  }
0x3e6: {  	s24 =	simm.s32 $0xC680  }
0x3e7: {  	[tilespmem:s24], [sflag:$0x2] =	stream.indirect_vreg.gather [hbm4b:s3+s2], $0x80, v4, vm0, $0xb8;
	[tilespmem:$0x18680] =	vst v63  }
0x3e8: {  	s11 =	simm.s32 $0xCE80  }
0x3e9: {  	[tilespmem:s11], [sflag:$0x2] =	stream.indirect_vreg.gather [hbm4b:s3+s2], $0x80, v3, vm0, $0xb8;
	[tilespmem:$0x18680] =	vst v63  }
0x3ea: {  	v3 =	vld [tilespmem:$0x550];
	_ =	sdelay $0x4  }
0x3eb: {  	v45 =	vshll.u32 v3, $0x1  }
0x3ec: {  	v3 =	vand.u32 $0x7, v3;
	v4 =	vand.u32 $0xFFFFFFF0, v45  }
0x3ed: {  	v3 =	vor.u32 v3, v4  }
0x3ee: {  	v4 =	vperm.xlane v3, v0;
	_ =	sdelay $0x1  }
0x3ef: {  	v3 =	vperm.xlane v3, v2;
	v4 =	vadd.s32 v1, v4;
	_ =	sdelay $0x1  }
0x3f0: {  	v3 =	vadd.s32 v1, v3;
	_ =	sdelay $0x1  }
0x3f1: {  	s29 =	simm.s32 $0xD680  }
0x3f2: {  	[tilespmem:s29], [sflag:$0x2] =	stream.indirect_vreg.gather [hbm4b:s3+s2], $0x80, v4, vm0, $0xb8;
	[tilespmem:$0x18680] =	vst v63  }
0x3f3: {  	s21 =	simm.s32 $0xDE80  }
0x3f4: {  	[tilespmem:s21], [sflag:$0x2] =	stream.indirect_vreg.gather [hbm4b:s3+s2], $0x80, v3, vm0, $0xb8;
	[tilespmem:$0x18680] =	vst v63  }
0x3f5: {  	v3 =	vld [tilespmem:$0x560];
	_ =	sdelay $0x4  }
0x3f6: {  	v46 =	vshll.u32 v3, $0x1  }
0x3f7: {  	v3 =	vand.u32 $0x7, v3;
	v4 =	vand.u32 $0xFFFFFFF0, v46  }
0x3f8: {  	v3 =	vor.u32 v3, v4  }
0x3f9: {  	v4 =	vperm.xlane v3, v0;
	_ =	sdelay $0x1  }
0x3fa: {  	v3 =	vperm.xlane v3, v2;
	v4 =	vadd.s32 v1, v4;
	_ =	sdelay $0x1  }
0x3fb: {  	v3 =	vadd.s32 v1, v3;
	_ =	sdelay $0x1  }
0x3fc: {  	s24 =	simm.s32 $0xE680  }
0x3fd: {  	[tilespmem:s24], [sflag:$0x2] =	stream.indirect_vreg.gather [hbm4b:s3+s2], $0x80, v4, vm0, $0xb8;
	[tilespmem:$0x18680] =	vst v63  }
0x3fe: {  	s22 =	simm.s32 $0xEE80  }
0x3ff: {  	[tilespmem:s22], [sflag:$0x2] =	stream.indirect_vreg.gather [hbm4b:s3+s2], $0x80, v3, vm0, $0xb8;
	[tilespmem:$0x18680] =	vst v63  }
0x400: {  	v3 =	vld [tilespmem:$0x570];
	_ =	sdelay $0x4  }
0x401: {  	v47 =	vshll.u32 v3, $0x1  }
0x402: {  	v3 =	vand.u32 $0x7, v3;
	v4 =	vand.u32 $0xFFFFFFF0, v47  }
0x403: {  	v3 =	vor.u32 v3, v4  }
0x404: {  	v4 =	vperm.xlane v3, v0;
	_ =	sdelay $0x1  }
0x405: {  	v3 =	vperm.xlane v3, v2;
	v4 =	vadd.s32 v1, v4;
	_ =	sdelay $0x1  }
0x406: {  	v3 =	vadd.s32 v1, v3;
	_ =	sdelay $0x1  }
0x407: {  	s29 =	simm.s32 $0xF680  }
0x408: {  	[tilespmem:s29], [sflag:$0x2] =	stream.indirect_vreg.gather [hbm4b:s3+s2], $0x80, v4, vm0, $0xb8;
	[tilespmem:$0x18680] =	vst v63  }
0x409: {  	s10 =	simm.s32 $0xFE80  }
0x40a: {  	[tilespmem:s10], [sflag:$0x2] =	stream.indirect_vreg.gather [hbm4b:s3+s2], $0x80, v3, vm0, $0xb8;
	[tilespmem:$0x18680] =	vst v63  }
0x40b: {  	_ =	swait.ge [sflag:s28], $0x8000  }
0x40c: {  	[sflag:s28] =	ssyncset.done $0x0  }
0x40d: {  	s11 =	rddreg [dreg:$0xc];
	[sflag:s28] =	ssyncadd.s32 $0xFFFF8000  }
0x40e: {  	[hbm4b:s11+s2] =	stream.linear.scatter [tilespmem:s4], [sflag:$0x4], $0x8000, $0x38;
	[tilespmem:$0x18680] =	vst v63  }
0x40f: {  	_ =	swait.ge [sflag:s0], $0x8000  }
0x410: {  	[sflag:s0] =	ssyncset.done $0x0  }
0x411: {  	[sflag:s0] =	ssyncadd.s32 $0xFFFF8000  }
0x412: {  	v3 =	vld [tilespmem:$0x580];
	_ =	sdelay $0x4  }
0x413: {  	v48 =	vshll.u32 v3, $0x1  }
0x414: {  	v3 =	vand.u32 $0x7, v3;
	v4 =	vand.u32 $0xFFFFFFF0, v48  }
0x415: {  	v3 =	vor.u32 v3, v4  }
0x416: {  	v4 =	vperm.xlane v3, v0;
	_ =	sdelay $0x1  }
0x417: {  	v3 =	vperm.xlane v3, v2;
	v4 =	vadd.s32 v1, v4;
	_ =	sdelay $0x1  }
0x418: {  	v3 =	vadd.s32 v1, v3;
	_ =	sdelay $0x2  }
0x419: {  	[tilespmem:s6], [sflag:$0x3] =	stream.indirect_vreg.gather [hbm4b:s3+s2], $0x80, v4, vm0, $0xb8;
	[tilespmem:$0x18680] =	vst v63  }
0x41a: {  	s21 =	simm.s32 $0x10E80  }
0x41b: {  	[tilespmem:s21], [sflag:$0x3] =	stream.indirect_vreg.gather [hbm4b:s3+s2], $0x80, v3, vm0, $0xb8;
	[tilespmem:$0x18680] =	vst v63  }
0x41c: {  	v3 =	vld [tilespmem:$0x590];
	_ =	sdelay $0x4  }
0x41d: {  	v49 =	vshll.u32 v3, $0x1  }
0x41e: {  	v3 =	vand.u32 $0x7, v3;
	v4 =	vand.u32 $0xFFFFFFF0, v49  }
0x41f: {  	v3 =	vor.u32 v3, v4  }
0x420: {  	v4 =	vperm.xlane v3, v0;
	_ =	sdelay $0x1  }
0x421: {  	v3 =	vperm.xlane v3, v2;
	v4 =	vadd.s32 v1, v4;
	_ =	sdelay $0x1  }
0x422: {  	v3 =	vadd.s32 v1, v3;
	_ =	sdelay $0x1  }
0x423: {  	s9 =	simm.s32 $0x11680  }
0x424: {  	[tilespmem:s9], [sflag:$0x3] =	stream.indirect_vreg.gather [hbm4b:s3+s2], $0x80, v4, vm0, $0xb8;
	[tilespmem:$0x18680] =	vst v63  }
0x425: {  	s22 =	simm.s32 $0x11E80  }
0x426: {  	[tilespmem:s22], [sflag:$0x3] =	stream.indirect_vreg.gather [hbm4b:s3+s2], $0x80, v3, vm0, $0xb8;
	[tilespmem:$0x18680] =	vst v63  }
0x427: {  	v3 =	vld [tilespmem:$0x5A0];
	_ =	sdelay $0x4  }
0x428: {  	v50 =	vshll.u32 v3, $0x1  }
0x429: {  	v3 =	vand.u32 $0x7, v3;
	v4 =	vand.u32 $0xFFFFFFF0, v50  }
0x42a: {  	v3 =	vor.u32 v3, v4  }
0x42b: {  	v4 =	vperm.xlane v3, v0;
	_ =	sdelay $0x1  }
0x42c: {  	v3 =	vperm.xlane v3, v2;
	v4 =	vadd.s32 v1, v4;
	_ =	sdelay $0x1  }
0x42d: {  	v3 =	vadd.s32 v1, v3;
	_ =	sdelay $0x1  }
0x42e: {  	s12 =	simm.s32 $0x12680  }
0x42f: {  	[tilespmem:s12], [sflag:$0x3] =	stream.indirect_vreg.gather [hbm4b:s3+s2], $0x80, v4, vm0, $0xb8;
	[tilespmem:$0x18680] =	vst v63  }
0x430: {  	s23 =	simm.s32 $0x12E80  }
0x431: {  	[tilespmem:s23], [sflag:$0x3] =	stream.indirect_vreg.gather [hbm4b:s3+s2], $0x80, v3, vm0, $0xb8;
	[tilespmem:$0x18680] =	vst v63  }
0x432: {  	v3 =	vld [tilespmem:$0x5B0];
	_ =	sdelay $0x4  }
0x433: {  	v51 =	vshll.u32 v3, $0x1  }
0x434: {  	v3 =	vand.u32 $0x7, v3;
	v4 =	vand.u32 $0xFFFFFFF0, v51  }
0x435: {  	v3 =	vor.u32 v3, v4  }
0x436: {  	v4 =	vperm.xlane v3, v0;
	_ =	sdelay $0x1  }
0x437: {  	v3 =	vperm.xlane v3, v2;
	v4 =	vadd.s32 v1, v4;
	_ =	sdelay $0x1  }
0x438: {  	v3 =	vadd.s32 v1, v3;
	_ =	sdelay $0x1  }
0x439: {  	s13 =	simm.s32 $0x13680  }
0x43a: {  	[tilespmem:s13], [sflag:$0x3] =	stream.indirect_vreg.gather [hbm4b:s3+s2], $0x80, v4, vm0, $0xb8;
	[tilespmem:$0x18680] =	vst v63  }
0x43b: {  	s24 =	simm.s32 $0x13E80  }
0x43c: {  	[tilespmem:s24], [sflag:$0x3] =	stream.indirect_vreg.gather [hbm4b:s3+s2], $0x80, v3, vm0, $0xb8;
	[tilespmem:$0x18680] =	vst v63  }
0x43d: {  	v3 =	vld [tilespmem:$0x5C0];
	_ =	sdelay $0x4  }
0x43e: {  	v52 =	vshll.u32 v3, $0x1  }
0x43f: {  	v3 =	vand.u32 $0x7, v3;
	v4 =	vand.u32 $0xFFFFFFF0, v52  }
0x440: {  	v3 =	vor.u32 v3, v4  }
0x441: {  	v4 =	vperm.xlane v3, v0;
	_ =	sdelay $0x1  }
0x442: {  	v3 =	vperm.xlane v3, v2;
	v4 =	vadd.s32 v1, v4;
	_ =	sdelay $0x1  }
0x443: {  	v3 =	vadd.s32 v1, v3;
	_ =	sdelay $0x1  }
0x444: {  	s14 =	simm.s32 $0x14680  }
0x445: {  	[tilespmem:s14], [sflag:$0x3] =	stream.indirect_vreg.gather [hbm4b:s3+s2], $0x80, v4, vm0, $0xb8;
	[tilespmem:$0x18680] =	vst v63  }
0x446: {  	s29 =	simm.s32 $0x14E80  }
0x447: {  	[tilespmem:s29], [sflag:$0x3] =	stream.indirect_vreg.gather [hbm4b:s3+s2], $0x80, v3, vm0, $0xb8;
	[tilespmem:$0x18680] =	vst v63  }
0x448: {  	v3 =	vld [tilespmem:$0x5D0];
	_ =	sdelay $0x4  }
0x449: {  	v53 =	vshll.u32 v3, $0x1  }
0x44a: {  	v3 =	vand.u32 $0x7, v3;
	v4 =	vand.u32 $0xFFFFFFF0, v53  }
0x44b: {  	v3 =	vor.u32 v3, v4  }
0x44c: {  	v4 =	vperm.xlane v3, v0;
	_ =	sdelay $0x1  }
0x44d: {  	v3 =	vperm.xlane v3, v2;
	v4 =	vadd.s32 v1, v4;
	_ =	sdelay $0x1  }
0x44e: {  	v3 =	vadd.s32 v1, v3;
	_ =	sdelay $0x1  }
0x44f: {  	s15 =	simm.s32 $0x15680  }
0x450: {  	[tilespmem:s15], [sflag:$0x3] =	stream.indirect_vreg.gather [hbm4b:s3+s2], $0x80, v4, vm0, $0xb8;
	[tilespmem:$0x18680] =	vst v63  }
0x451: {  	s9 =	simm.s32 $0x15E80  }
0x452: {  	[tilespmem:s9], [sflag:$0x3] =	stream.indirect_vreg.gather [hbm4b:s3+s2], $0x80, v3, vm0, $0xb8;
	[tilespmem:$0x18680] =	vst v63  }
0x453: {  	v3 =	vld [tilespmem:$0x5E0];
	_ =	sdelay $0x4  }
0x454: {  	v54 =	vshll.u32 v3, $0x1  }
0x455: {  	v3 =	vand.u32 $0x7, v3;
	v4 =	vand.u32 $0xFFFFFFF0, v54  }
0x456: {  	v3 =	vor.u32 v3, v4  }
0x457: {  	v4 =	vperm.xlane v3, v0;
	_ =	sdelay $0x1  }
0x458: {  	v3 =	vperm.xlane v3, v2;
	v4 =	vadd.s32 v1, v4;
	_ =	sdelay $0x1  }
0x459: {  	v3 =	vadd.s32 v1, v3;
	_ =	sdelay $0x1  }
0x45a: {  	s16 =	simm.s32 $0x16680  }
0x45b: {  	[tilespmem:s16], [sflag:$0x3] =	stream.indirect_vreg.gather [hbm4b:s3+s2], $0x80, v4, vm0, $0xb8;
	[tilespmem:$0x18680] =	vst v63  }
0x45c: {  	s18 =	simm.s32 $0x16E80  }
0x45d: {  	[tilespmem:s18], [sflag:$0x3] =	stream.indirect_vreg.gather [hbm4b:s3+s2], $0x80, v3, vm0, $0xb8;
	[tilespmem:$0x18680] =	vst v63  }
0x45e: {  	v3 =	vld [tilespmem:$0x5F0];
	_ =	sdelay $0x4  }
0x45f: {  	v55 =	vshll.u32 v3, $0x1  }
0x460: {  	v3 =	vand.u32 $0x7, v3;
	v4 =	vand.u32 $0xFFFFFFF0, v55  }
0x461: {  	v3 =	vor.u32 v3, v4  }
0x462: {  	v4 =	vperm.xlane v3, v0;
	_ =	sdelay $0x1  }
0x463: {  	v3 =	vperm.xlane v3, v2;
	v4 =	vadd.s32 v1, v4;
	_ =	sdelay $0x1  }
0x464: {  	v3 =	vadd.s32 v1, v3;
	_ =	sdelay $0x1  }
0x465: {  	s17 =	simm.s32 $0x17680  }
0x466: {  	[tilespmem:s17], [sflag:$0x3] =	stream.indirect_vreg.gather [hbm4b:s3+s2], $0x80, v4, vm0, $0xb8;
	[tilespmem:$0x18680] =	vst v63  }
0x467: {  	s10 =	simm.s32 $0x17E80  }
0x468: {  	[tilespmem:s10], [sflag:$0x3] =	stream.indirect_vreg.gather [hbm4b:s3+s2], $0x80, v3, vm0, $0xb8;
	[tilespmem:$0x18680] =	vst v63  }
0x469: {  	_ =	swait.ge [sflag:s26], $0x8000  }
0x46a: {  	[sflag:s26] =	ssyncset.done $0x0  }
0x46b: {  	s11 =	rddreg [dreg:$0xd];
	[sflag:s26] =	ssyncadd.s32 $0xFFFF8000  }
0x46c: {  	[hbm4b:s11+s2] =	stream.linear.scatter [tilespmem:s8], [sflag:$0x5], $0x8000, $0x38;
	[tilespmem:$0x18680] =	vst v63  }
0x46d: {  	_ =	swait.ge [sflag:s25], $0x8000  }
0x46e: {  	[sflag:s25] =	ssyncset.done $0x0  }
0x46f: {  	[sflag:s25] =	ssyncadd.s32 $0xFFFF8000  }
0x470: {  	v3 =	vld [tilespmem:$0x600];
	_ =	sdelay $0x4  }
0x471: {  	v56 =	vshll.u32 v3, $0x1  }
0x472: {  	v3 =	vand.u32 $0x7, v3;
	v4 =	vand.u32 $0xFFFFFFF0, v56  }
0x473: {  	v3 =	vor.u32 v3, v4  }
0x474: {  	v4 =	vperm.xlane v3, v0;
	_ =	sdelay $0x1  }
0x475: {  	v3 =	vperm.xlane v3, v2;
	v4 =	vadd.s32 v1, v4;
	_ =	sdelay $0x1  }
0x476: {  	v3 =	vadd.s32 v1, v3;
	_ =	sdelay $0x1  }
0x477: {  	s4 =	simm.s32 $0x680  }
0x478: {  	[tilespmem:s4], [sflag:$0x1] =	stream.indirect_vreg.gather [hbm4b:s3+s2], $0x80, v4, vm0, $0xb8;
	[tilespmem:$0x18680] =	vst v63  }
0x479: {  	_ = 	snop  }
0x47a: {  	[tilespmem:s5], [sflag:$0x1] =	stream.indirect_vreg.gather [hbm4b:s3+s2], $0x80, v3, vm0, $0xb8;
	[tilespmem:$0x18680] =	vst v63  }
0x47b: {  	v3 =	vld [tilespmem:$0x610];
	_ =	sdelay $0x4  }
0x47c: {  	v57 =	vshll.u32 v3, $0x1  }
0x47d: {  	v3 =	vand.u32 $0x7, v3;
	v4 =	vand.u32 $0xFFFFFFF0, v57  }
0x47e: {  	v3 =	vor.u32 v3, v4  }
0x47f: {  	v4 =	vperm.xlane v3, v0;
	_ =	sdelay $0x1  }
0x480: {  	v3 =	vperm.xlane v3, v2;
	v4 =	vadd.s32 v1, v4;
	_ =	sdelay $0x1  }
0x481: {  	v3 =	vadd.s32 v1, v3;
	_ =	sdelay $0x2  }
0x482: {  	[tilespmem:s19], [sflag:$0x1] =	stream.indirect_vreg.gather [hbm4b:s3+s2], $0x80, v4, vm0, $0xb8;
	[tilespmem:$0x18680] =	vst v63  }
0x483: {  	s12 =	simm.s32 $0x1E80  }
0x484: {  	[tilespmem:s12], [sflag:$0x1] =	stream.indirect_vreg.gather [hbm4b:s3+s2], $0x80, v3, vm0, $0xb8;
	[tilespmem:$0x18680] =	vst v63  }
0x485: {  	v3 =	vld [tilespmem:$0x620];
	_ =	sdelay $0x4  }
0x486: {  	v58 =	vshll.u32 v3, $0x1  }
0x487: {  	v3 =	vand.u32 $0x7, v3;
	v4 =	vand.u32 $0xFFFFFFF0, v58  }
0x488: {  	v3 =	vor.u32 v3, v4  }
0x489: {  	v4 =	vperm.xlane v3, v0;
	_ =	sdelay $0x1  }
0x48a: {  	v3 =	vperm.xlane v3, v2;
	v4 =	vadd.s32 v1, v4;
	_ =	sdelay $0x1  }
0x48b: {  	v3 =	vadd.s32 v1, v3;
	_ =	sdelay $0x2  }
0x48c: {  	[tilespmem:s20], [sflag:$0x1] =	stream.indirect_vreg.gather [hbm4b:s3+s2], $0x80, v4, vm0, $0xb8;
	[tilespmem:$0x18680] =	vst v63  }
0x48d: {  	s13 =	simm.s32 $0x2E80  }
0x48e: {  	[tilespmem:s13], [sflag:$0x1] =	stream.indirect_vreg.gather [hbm4b:s3+s2], $0x80, v3, vm0, $0xb8;
	[tilespmem:$0x18680] =	vst v63  }
0x48f: {  	v3 =	vld [tilespmem:$0x630];
	_ =	sdelay $0x4  }
0x490: {  	v59 =	vshll.u32 v3, $0x1  }
0x491: {  	v3 =	vand.u32 $0x7, v3;
	v4 =	vand.u32 $0xFFFFFFF0, v59  }
0x492: {  	v3 =	vor.u32 v3, v4  }
0x493: {  	v4 =	vperm.xlane v3, v0;
	_ =	sdelay $0x1  }
0x494: {  	v3 =	vperm.xlane v3, v2;
	v4 =	vadd.s32 v1, v4;
	_ =	sdelay $0x1  }
0x495: {  	v3 =	vadd.s32 v1, v3;
	_ =	sdelay $0x1  }
0x496: {  	s14 =	simm.s32 $0x3680  }
0x497: {  	[tilespmem:s14], [sflag:$0x1] =	stream.indirect_vreg.gather [hbm4b:s3+s2], $0x80, v4, vm0, $0xb8;
	[tilespmem:$0x18680] =	vst v63  }
0x498: {  	s15 =	simm.s32 $0x3E80  }
0x499: {  	[tilespmem:s15], [sflag:$0x1] =	stream.indirect_vreg.gather [hbm4b:s3+s2], $0x80, v3, vm0, $0xb8;
	[tilespmem:$0x18680] =	vst v63  }
0x49a: {  	v3 =	vld [tilespmem:$0x640];
	_ =	sdelay $0x4  }
0x49b: {  	v60 =	vshll.u32 v3, $0x1  }
0x49c: {  	v3 =	vand.u32 $0x7, v3;
	v4 =	vand.u32 $0xFFFFFFF0, v60  }
0x49d: {  	v3 =	vor.u32 v3, v4  }
0x49e: {  	v4 =	vperm.xlane v3, v0;
	_ =	sdelay $0x1  }
0x49f: {  	v3 =	vperm.xlane v3, v2;
	v4 =	vadd.s32 v1, v4;
	_ =	sdelay $0x1  }
0x4a0: {  	v3 =	vadd.s32 v1, v3;
	_ =	sdelay $0x1  }
0x4a1: {  	s16 =	simm.s32 $0x4680  }
0x4a2: {  	[tilespmem:s16], [sflag:$0x1] =	stream.indirect_vreg.gather [hbm4b:s3+s2], $0x80, v4, vm0, $0xb8;
	[tilespmem:$0x18680] =	vst v63  }
0x4a3: {  	s17 =	simm.s32 $0x4E80  }
0x4a4: {  	[tilespmem:s17], [sflag:$0x1] =	stream.indirect_vreg.gather [hbm4b:s3+s2], $0x80, v3, vm0, $0xb8;
	[tilespmem:$0x18680] =	vst v63  }
0x4a5: {  	v3 =	vld [tilespmem:$0x650];
	_ =	sdelay $0x4  }
0x4a6: {  	v61 =	vshll.u32 v3, $0x1  }
0x4a7: {  	v3 =	vand.u32 $0x7, v3;
	v4 =	vand.u32 $0xFFFFFFF0, v61  }
0x4a8: {  	v3 =	vor.u32 v3, v4  }
0x4a9: {  	v4 =	vperm.xlane v3, v0;
	_ =	sdelay $0x1  }
0x4aa: {  	v3 =	vperm.xlane v3, v2;
	v4 =	vadd.s32 v1, v4;
	_ =	sdelay $0x1  }
0x4ab: {  	v3 =	vadd.s32 v1, v3;
	_ =	sdelay $0x1  }
0x4ac: {  	s18 =	simm.s32 $0x5680  }
0x4ad: {  	[tilespmem:s18], [sflag:$0x1] =	stream.indirect_vreg.gather [hbm4b:s3+s2], $0x80, v4, vm0, $0xb8;
	[tilespmem:$0x18680] =	vst v63  }
0x4ae: {  	s19 =	simm.s32 $0x5E80  }
0x4af: {  	[tilespmem:s19], [sflag:$0x1] =	stream.indirect_vreg.gather [hbm4b:s3+s2], $0x80, v3, vm0, $0xb8;
	[tilespmem:$0x18680] =	vst v63  }
0x4b0: {  	v3 =	vld [tilespmem:$0x660];
	_ =	sdelay $0x4  }
0x4b1: {  	v62 =	vshll.u32 v3, $0x1  }
0x4b2: {  	v3 =	vand.u32 $0x7, v3;
	v4 =	vand.u32 $0xFFFFFFF0, v62  }
0x4b3: {  	v3 =	vor.u32 v3, v4  }
0x4b4: {  	v4 =	vperm.xlane v3, v0;
	_ =	sdelay $0x1  }
0x4b5: {  	v3 =	vperm.xlane v3, v2;
	v4 =	vadd.s32 v1, v4;
	_ =	sdelay $0x1  }
0x4b6: {  	v3 =	vadd.s32 v1, v3;
	_ =	sdelay $0x1  }
0x4b7: {  	s20 =	simm.s32 $0x6680  }
0x4b8: {  	[tilespmem:s20], [sflag:$0x1] =	stream.indirect_vreg.gather [hbm4b:s3+s2], $0x80, v4, vm0, $0xb8;
	[tilespmem:$0x18680] =	vst v63  }
0x4b9: {  	s21 =	simm.s32 $0x6E80  }
0x4ba: {  	[tilespmem:s21], [sflag:$0x1] =	stream.indirect_vreg.gather [hbm4b:s3+s2], $0x80, v3, vm0, $0xb8;
	[tilespmem:$0x18680] =	vst v63  }
0x4bb: {  	v3 =	vld [tilespmem:$0x670];
	_ =	sdelay $0x4  }
0x4bc: {  	v63 =	vshll.u32 v3, $0x1  }
0x4bd: {  	v3 =	vand.u32 $0x7, v3;
	v4 =	vand.u32 $0xFFFFFFF0, v63  }
0x4be: {  	v3 =	vor.u32 v3, v4  }
0x4bf: {  	v4 =	vperm.xlane v3, v0;
	_ =	sdelay $0x1  }
0x4c0: {  	v3 =	vperm.xlane v3, v2;
	v4 =	vadd.s32 v1, v4;
	_ =	sdelay $0x1  }
0x4c1: {  	v3 =	vadd.s32 v1, v3;
	_ =	sdelay $0x1  }
0x4c2: {  	s22 =	simm.s32 $0x7680  }
0x4c3: {  	[tilespmem:s22], [sflag:$0x1] =	stream.indirect_vreg.gather [hbm4b:s3+s2], $0x80, v4, vm0, $0xb8;
	[tilespmem:$0x18680] =	vst v63  }
0x4c4: {  	s23 =	simm.s32 $0x7E80  }
0x4c5: {  	[tilespmem:s23], [sflag:$0x1] =	stream.indirect_vreg.gather [hbm4b:s3+s2], $0x80, v3, vm0, $0xb8;
	[tilespmem:$0x18680] =	vst v63  }
0x4c6: {  	_ =	swait.ge [sflag:s30], $0x8000  }
0x4c7: {  	[sflag:s30] =	ssyncset.done $0x0  }
0x4c8: {  	s24 =	rddreg [dreg:$0xe];
	[sflag:s30] =	ssyncadd.s32 $0xFFFF8000  }
0x4c9: {  	[hbm4b:s24+s2] =	stream.linear.scatter [tilespmem:s6], [sflag:$0x6], $0x8000, $0x38;
	[tilespmem:$0x18680] =	vst v63  }
0x4ca: {  	_ =	swait.ge [sflag:s28], $0x8000  }
0x4cb: {  	[sflag:s28] =	ssyncset.done $0x0  }
0x4cc: {  	s29 =	rddreg [dreg:$0xf];
	[sflag:s28] =	ssyncadd.s32 $0xFFFF8000  }
0x4cd: {  	[hbm4b:s29+s2] =	stream.linear.scatter [tilespmem:s4], [sflag:$0x4], $0x8000, $0x38;
	[tilespmem:$0x18680] =	vst v63  }
0x4ce: {  	_ =	swait.ge [sflag:s31], $0x8000  }
0x4cf: {  	[sflag:s31] =	ssyncset.done $0x0  }
0x4d0: {  	[sflag:s31] =	ssyncadd.s32 $0xFFFF8000  }
0x4d1: {  	p0 =	sne.s32 s7, $0x1;
	_ =	swait.ge [sflag:s0], $0x8000  }
.Ltmp0:
0x4d2: {  	[sflag:s0] =	ssyncset.done $0x0;
	(pc) =	sbr.rel @p0 .LBB2_1-.Ltmp0, $4  }
0x4d3: {  	[sflag:s0] =	ssyncadd.s32 $0xFFFF8000  }
0x4d4: {  	_ =	swait.ge [sflag:s25], $0x8000  }
0x4d5: {  	[sflag:s25] =	ssyncset.done $0x0  }
0x4d6: {  	s7 =	sadd.s32 $0xFFFFFFFF, s7;
	[sflag:s25] =	ssyncadd.s32 $0xFFFF8000  }
0x4d7: {  	_ =	sfence.sel $0x180000  }
0x4d8: {  	[bflag:$0x0] =	sbarrier.arrive $0xFFFF  }
0x4d9: {  	_ =	strace $0x9000004A  }
0x4da: {  	s0 =	stileid.u32;
	[bflag:$0x2] =	sbarrier.arrive $0xFFFF  }
0x4db: {  	p0 =	sne.s32 s0, $0x0;
	s0 =	rddreg [dreg:$0x1]  }
0x4dc: {  	s0 =	sadd.s32 @!p0 $0x100000, s0  }
0x4dd: {  	[sflag:s0] =	ssyncadd.tile.s32 @!p0 $0x1;
	_ =	shalt  }
.Lfunc_end2:
_tile_overlayer_lowered:
.L_overlay_start_2:
0x4de: {  	(tag) =	ssettag $0x2  }
0x4df: {  	s0 =	rddreg [dreg:$0x0];
	s2 =	stileid.u32  }
0x4e0: {  	s1 =	rddreg [dreg:$0x1];
	p0 =	sne.s32 s2, $0x0  }
0x4e1: {  	s3 =	rddreg [dreg:$0x2];
	[bflag:$0x3] =	sbarrier.arrive $0xFFFF;
	s2 =	simm.s32 @!p0 $0x1C07  }
0x4e2: {  	[timem:s3], [sflag:s2] =	dma.local @!p0 [hbm:s0], s1  }
0x4e3: {  	s0 =	simm.s32 @!p0 $0x7  }
0x4e4: {  	_ =	swait.ge @!p0 [sflag:s0], s1  }
0x4e5: {  	s1 =	ssub.s32 @!p0 $0x0, s1;
	[sflag:s0] =	ssyncset.done @!p0 $0x0  }
0x4e6: {  	[sflag:s0] =	ssyncadd.s32 @!p0 s1  }
0x4e7: {  	[bflag:$0x3] =	sbarrier.arrive $0xFFFF  }
0x4e8: {  	_ =	shalt  }

// kernel: kernel.14.cloned.1.call-start
scs
__scs_entry_jumppad:
0x0: {  	(pc) =	sbr.rel $0x88, $3  }
0x1: {  	(tag) =	ssettag $0x0;
	lr =	simm.s32 $0x1  }
0x2: {  	[smem:$0x3F9F] =	sst lr;
	_ =	strace $0xD0000000  }
0x3: {  	_ = 	snop  }
0x4: {  	_ = 	snop  }
0x5: {  	_ = 	snop  }
0x6: {  	_ = 	snop  }
0x7: {  	_ = 	snop  }
__scs_overlays_trampoline_lowered:
0x8: {  	[smem:$0x3FAE] =	sst s0  }
0x9: {  	[smem:$0x3FAF] =	sst s1  }
0xa: {  	[smem:$0x3FB0] =	sst s2  }
0xb: {  	[smem:$0x3FB1] =	sst s3  }
0xc: {  	[smem:$0x3FB2] =	sst s4  }
0xd: {  	[smem:$0x3FB3] =	sst s5  }
0xe: {  	[smem:$0x3FB4] =	sst s6  }
0xf: {  	[smem:$0x3FB5] =	sst s7  }
0x10: {  	[smem:$0x3FB6] =	sst s8  }
0x11: {  	[smem:$0x3FB7] =	sst s9;
	s0 =	simm.s32 @!p0 $0x0  }
0x12: {  	s1 =	sld [smem:$0x3F9D];
	s0 =	simm.s32 @p0 $0x1  }
0x13: {  	[smem:$0x3FB8] =	sst s0;
	s0 =	simm.s32 @!p1 $0x0  }
0x14: {  	s2 =	sld [smem:$0x3F9C];
	s0 =	simm.s32 @p1 $0x1  }
0x15: {  	[smem:$0x3FB9] =	sst s0;
	s0 =	simm.s32 @!p2 $0x0  }
0x16: {  	s3 =	sld [smem:$0x3FDB];
	s0 =	simm.s32 @p2 $0x1  }
0x17: {  	s4 =	simm.s32 $0x1BF5;
	[smem:$0x3FBB] =	sst s0  }
0x18: {  	s0 =	sld [smem:$0x3F9E];
	_ =	swait.ge [sflag:s4], $0x0  }
0x19: {  	s7 =	sld [smem:$0x3F9F]  }
0x1a: {  	s8 =	sadd.s32 $0xFFFFE003, lr  }
0x1b: {  	s9 =	sadd.s32 $0xFFFFFEF7, lr;
	s5 =	simm.s32 $0xFFFFFFFF;
	p2 =	slt.u32 s8, $0xFFFFF086  }
0x1c: {  	p1 =	slt.u32 s9, $0xF7A;
	s5 =	simm.s32 @!p2 $0x0  }
0x1d: {  	s5 =	simm.s32 @p1 $0x1;
	p0 =	seq.s32 s7, s2  }
0x1e: {  	s7 =	smul.u32 @!p0 $0xF7A, s2;
	p2 =	seq.s32 @!p0 s5, $0x0  }
0x1f: {  	s9 =	smul.u32 $0xF7A, s1;
	s8 =	simm.s32 @!p0 $0x1BF5;
	p2 =	por !p2, p0  }
0x20: {  	[sflag:s8] =	ssyncset.s32 @!p0 $0xFFFFF086;
	s6 =	sadd.s32 @!p0 s3, s7;
	s7 =	simm.s32 @!p0 $0x108  }
0x21: {  	s3 =	sadd.s32 s3, s9;
	s6 =	sadd.s32 @!p0 $0x88, s6;
	s7 =	simm.s32 @p2 $0x1082  }
0x22: {  	[simem:s7], [sflag:s8] =	dma.local @!p0 [hbm:s6], $0xF7A  }
0x23: {  	s9 =	sor.u32 $0xD0000000, s2;
	s6 =	simm.s32 $0x108;
	_ =	swait.ge @!p0 [sflag:s8], $0x0  }
0x24: {  	s3 =	sadd.s32 $0x88, s3;
	s6 =	simm.s32 @!p1 $0x1082;
	[sflag:s4] =	ssyncset.s32 $0xFFFFF086  }
0x25: {  	[simem:s6], [sflag:s4] =	dma.local [hbm:s3], $0xF7A  }
0x26: {  	[smem:$0x3F9F] =	sst s1;
	(tag) =	ssettag s2;
	_ =	strace s9  }
0x27: {  	s1 =	sld [smem:$0x3FAF]  }
0x28: {  	s2 =	sld [smem:$0x3FB0]  }
0x29: {  	s4 =	sld [smem:$0x3FB2]  }
0x2a: {  	p0 =	seq.s32 s5, $0x0;
	s5 =	sld [smem:$0x3FB3]  }
0x2b: {  	s6 =	sld [smem:$0x3FB4]  }
0x2c: {  	s7 =	sld [smem:$0x3FB5]  }
0x2d: {  	s3 =	simm.s32 $0x108;
	s8 =	sld [smem:$0x3FB6]  }
0x2e: {  	s3 =	simm.s32 @!p0 $0x1082;
	s9 =	sld [smem:$0x3FB7]  }
0x2f: {  	lr =	sadd.s32 s0, s3;
	s0 =	sld [smem:$0x3FAE]  }
0x30: {  	s3 =	sld [smem:$0x3FB1]  }
0x31: {  	[smem:$0x3FBA] =	sst s10  }
0x32: {  	s10 =	sld [smem:$0x3FB8];
	_ =	sdelay $0x3  }
0x33: {  	p0 =	seq.s32 s10, $0x1;
	s10 =	sld [smem:$0x3FBA];
	_ =	sdelay $0x3  }
0x34: {  	[smem:$0x3FBA] =	sst s10  }
0x35: {  	s10 =	sld [smem:$0x3FB9];
	_ =	sdelay $0x3  }
0x36: {  	p1 =	seq.s32 s10, $0x1;
	s10 =	sld [smem:$0x3FBA];
	_ =	sdelay $0x3  }
0x37: {  	[smem:$0x3FBA] =	sst s10  }
0x38: {  	s10 =	sld [smem:$0x3FBB]  }
0x39: {  	_ = 	snop;
	(pc) =	sbr.ind lr, $3  }
0x3a: {  	_ = 	snop  }
0x3b: {  	_ = 	snop  }
0x3c: {  	p2 =	seq.s32 s10, $0x1;
	s10 =	sld [smem:$0x3FBA]  }
0x3d: {  	_ =	shalt  }
0x3e: {  	_ =	shalt  }
0x3f: {  	_ =	shalt  }
0x40: {  	_ =	shalt  }
0x41: {  	_ =	shalt  }
0x42: {  	_ =	shalt  }
0x43: {  	_ =	shalt  }
0x44: {  	_ =	shalt  }
0x45: {  	_ =	shalt  }
0x46: {  	_ =	shalt  }
0x47: {  	_ =	shalt  }
0x48: {  	_ =	shalt  }
0x49: {  	_ =	shalt  }
0x4a: {  	_ =	shalt  }
0x4b: {  	_ =	shalt  }
0x4c: {  	_ =	shalt  }
0x4d: {  	_ =	shalt  }
0x4e: {  	_ =	shalt  }
0x4f: {  	_ =	shalt  }
0x50: {  	_ =	shalt  }
0x51: {  	_ =	shalt  }
0x52: {  	_ =	shalt  }
0x53: {  	_ =	shalt  }
0x54: {  	_ =	shalt  }
0x55: {  	_ =	shalt  }
0x56: {  	_ =	shalt  }
0x57: {  	_ =	shalt  }
0x58: {  	_ =	shalt  }
0x59: {  	_ =	shalt  }
0x5a: {  	_ =	shalt  }
0x5b: {  	_ =	shalt  }
0x5c: {  	_ =	shalt  }
0x5d: {  	_ =	shalt  }
0x5e: {  	_ =	shalt  }
0x5f: {  	_ =	shalt  }
0x60: {  	_ =	shalt  }
0x61: {  	_ =	shalt  }
0x62: {  	_ =	shalt  }
0x63: {  	_ =	shalt  }
0x64: {  	_ =	shalt  }
0x65: {  	_ =	shalt  }
0x66: {  	_ =	shalt  }
0x67: {  	_ =	shalt  }
0x68: {  	_ =	shalt  }
0x69: {  	_ =	shalt  }
0x6a: {  	_ =	shalt  }
0x6b: {  	_ =	shalt  }
0x6c: {  	_ =	shalt  }
0x6d: {  	_ =	shalt  }
0x6e: {  	_ =	shalt  }
0x6f: {  	_ =	shalt  }
0x70: {  	_ =	shalt  }
0x71: {  	_ =	shalt  }
0x72: {  	_ =	shalt  }
0x73: {  	_ =	shalt  }
0x74: {  	_ =	shalt  }
0x75: {  	_ =	shalt  }
0x76: {  	_ =	shalt  }
0x77: {  	_ =	shalt  }
0x78: {  	_ =	shalt  }
0x79: {  	_ =	shalt  }
0x7a: {  	_ =	shalt  }
0x7b: {  	_ =	shalt  }
0x7c: {  	_ =	shalt  }
0x7d: {  	_ =	shalt  }
0x7e: {  	_ =	shalt  }
0x7f: {  	_ =	shalt  }
0x80: {  	_ =	shalt  }
0x81: {  	_ =	shalt  }
0x82: {  	_ =	shalt  }
0x83: {  	_ =	shalt  }
0x84: {  	_ =	shalt  }
0x85: {  	_ =	shalt  }
0x86: {  	_ =	shalt  }
0x87: {  	_ =	shalt  }
.Lfunc_end0:
.L_simem_size_0:
called_computation.2_lowered:
.L_overlay_start_0:
0x88: {  	s2 =	sld [smem:$0x3FD9]  }
0x89: {  	s3 =	sld [smem:$0x3FFE];
	_ =	sdelay $0x1  }
0x8a: {  	s1 =	srdreg.scid  }
0x8b: {  	s0 =	sand.u32 $0x1, s1  }
0x8c: {  	s17 =	sshll.u32 s0, $0xA;
	s2 =	sadd.s32 s3, s2  }
0x8d: {  	s2 =	sadd.s32 s2, s17  }
0x8e: {  	[smem:$0x3FC6] =	sst s2  }
0x8f: {  	_ = 	snop  }
0x90: {  	(tm) =	ssettm $0x1  }
0x91: {  	s18 =	sld [smem:$0x3FFB];
	_ =	sdelay $0x3  }
0x92: {  	_ =	strace s18  }
0x93: {  	s2 =	sld [smem:$0x3FFC];
	_ =	sdelay $0x3  }
0x94: {  	_ =	strace s2  }
0x95: {  	s2 =	sld [smem:$0x3FFD];
	_ =	sdelay $0x3  }
0x96: {  	_ =	strace s2  }
0x97: {  	_ =	strace $0x8FFFFFFF  }
0x98: {  	s19 =	sld [smem:$0x3FDB];
	_ =	sdelay $0x1  }
0x99: {  	s20 =	simm.s32 $_scs_section_size  }
0x9a: {  	s4 =	simm.s32 $_size__tile_overlayer_lowered;
	s5 =	simm.s32 $_tile_overlayer_lowered  }
0x9b: {  	s6 =	simm.s32 $0x1BFF;
	s21 =	sshll.u32 s5, $0x1;
	s3 =	sadd.s32 s20, s19  }
0x9c: {  	s22 =	simm.s32 $0x0;
	s4 =	sshll.u32 s4, $0x1;
	s5 =	sadd.s32 s21, s3  }
0x9d: {  	[timem:s22], [sflag:s6] =	dma.local [hbm:s5], s4  }
0x9e: {  	_ =	swait.ge [sflag:s6], s4  }
0x9f: {  	s4 =	ssub.s32 $0x0, s4;
	[sflag:s6] =	ssyncset.done $0x0  }
0xa0: {  	[sflag:s6] =	ssyncadd.s32 s4;
	_ =	sdelay $0x1  }
0xa1: {  	s23 =	simm.s32 $0x1B8B  }
0xa2: {  	_ =	swait.ge [sflag:s23], $0x1  }
0xa3: {  	[sflag:s23] =	ssyncset.done $0x0  }
0xa4: {  	[sflag:s23] =	ssyncadd.s32 $0xFFFFFFFF  }
0xa5: {  	s4 =	sld [smem:$0x0]  }
0xa6: {  	s5 =	sand.u32 $0xFFFFFFFE, s1  }
0xa7: {  	p0 =	sne.s32 s1, s5  }
0xa8: {  	s5 =	sshll.u32 @p0 s5, $0xE  }
0xa9: {  	s5 =	sadd.s32 @p0 $0x11B8D, s5;
	s6 =	sshll.u32 @p0 s4, $0x11  }
0xaa: {  	s5 =	sor.u32 @p0 s6, s5  }
0xab: {  	[sflag:s5] =	ssyncadd.remote.s32 @p0 $0x1;
	_ =	sdelay $0x1  }
0xac: {  	s5 =	simm.s32 @p0 $0x1B8D  }
0xad: {  	_ =	swait.eq @p0 [sflag:s5], $0x1  }
0xae: {  	[sflag:s5] =	ssyncadd.s32 @p0 $0xFFFFFFFF  }
0xaf: {  	s6 =	sshll.u32 @!p0 s1, $0xE  }
0xb0: {  	s6 =	sor.u32 @!p0 $0x4000, s6;
	s5 =	simm.s32 @!p0 $0x1B8D  }
0xb1: {  	s4 =	sshll.u32 @!p0 s4, $0x11;
	s6 =	sadd.s32 @!p0 $0x11B8D, s6;
	_ =	swait.eq @!p0 [sflag:s5], $0x1  }
0xb2: {  	s4 =	sor.u32 @!p0 s4, s6;
	[sflag:s5] =	ssyncadd.s32 @!p0 $0xFFFFFFFF  }
0xb3: {  	s25 =	simm.s32 $0x1B8E;
	s24 =	sld [smem:$0x3FFE];
	[sflag:s4] =	ssyncadd.remote.s32 @!p0 $0x1  }
0xb4: {  	s26 =	simm.s32 $execute0_lowered;
	[smem:$0x3FD2] =	sst s25  }
0xb5: {  	s5 =	sshll.u32 s26, $0x1;
	_ =	strace $0x8000004C;
	[dreg:$0x1] =	wrdreg $0xFFFFFFFF  }
0xb6: {  	s28 =	simm.s32 $_size_execute0_lowered;
	s3 =	sadd.s32 s3, s5;
	[dreg:$0x0] =	wrdreg $0x0  }
0xb7: {  	s5 =	sshll.u32 s28, $0x1;
	[dreg:$0x2] =	wrdreg s3  }
0xb8: {  	[dreg:$0x3] =	wrdreg s5  }
0xb9: {  	[dreg:$0x4] =	wrdreg $0xC0  }
0xba: {  	_ =	task [dreg:s22], $0x5FFFF  }
0xbb: {  	[dreg:$0x1] =	wrdreg $0xFFFFFFFF  }
0xbc: {  	[dreg:$0x0] =	wrdreg $0x60  }
0xbd: {  	[dreg:$0x2] =	wrdreg s24  }
0xbe: {  	[dreg:$0x3] =	wrdreg $0xA  }
0xbf: {  	_ =	task.clear_ibuf [dreg:s22], $0x4FFFF;
	_ =	strace $0x9000004C  }
0xc0: {  	s29 =	simm.s32 $0xA;
	_ =	strace $0x8000004E  }
0xc1: {  	_ =	swait.ge [sflag:s29], $0x1  }
0xc2: {  	[sflag:s29] =	ssyncadd.s32 $0xFFFFFFFF  }
0xc3: {  	_ =	strace $0x9000004E  }
0xc4: {  	_ =	sfence  }
0xc5: {  	s30 =	sld [smem:$0x0];
	_ =	sdelay $0x2  }
0xc6: {  	s31 =	sshll.u32 s1, $0xD;
	s1 =	sshrl.u32 s1, $0x2  }
0xc7: {  	s4 =	sand.u32 $0x4000, s31;
	s1 =	sadd.s32 s1, s30  }
0xc8: {  	s0 =	sor.u32 s4, s0;
	s1 =	sshll.u32 s1, $0x11  }
0xc9: {  	s0 =	sor.u32 s1, s0  }
0xca: {  	s0 =	sadd.s32 $0x8F2B, s0  }
0xcb: {  	[sflag:s0] =	ssyncadd.remote.s32 $0x1  }
0xcc: {  	_ =	sfence.sel $0xFFFF  }
0xcd: {  	[dreg:$0x0] =	wrdreg $0xFFFFFFFF;
	(pc) =	sbr.abs _section_cstart, $3  }
0xce: {  	[dreg:$0x1] =	wrdreg $0xFFFFFFFF  }
0xcf: {  	_ =	task.clear_ibuf [dreg:s22], $0x2FFFF;
	_ =	strace $0x9FFFFFFF  }
0xd0: {  	(tm) =	ssettm $0x7FFFFFFF  }
0xd1: {  	_ =	shalt  }
tec
execute0_lowered:
.L_overlay_start_1:
0x0: {  	(tag) =	ssettag $0x1  }
0x1: {  	s0 =	srdreg.scid;
	s1 =	stileid.u32  }
0x2: {  	s0 =	sand.u32 $0x1, s0;
	s1 =	sshll.u32 s1, $0x1  }
0x3: {  	s1 =	sor.u32 s0, s1  }
0x4: {  	s4 =	rddreg [dreg:$0x0];
	s3 =	smul.u32 $0xD00, s1;
	s1 =	sshll.u32 s1, $0xC  }
0x5: {  	s2 =	simm.s32 $0x0;
	s1 =	sadd.s32 s1, s4  }
0x6: {  	[smem:$0x7FF] =	sst s2;
	s16 =	sadd.s32 $0x32DE00, s1  }
0x7: {  	_ =	strace $0x8000004D;
	s17 =	sadd.s32 $0x34DE00, s1;
	[dreg:$0x3] =	wrdreg s16  }
0x8: {  	s18 =	sadd.s32 $0x36DE00, s1;
	[dreg:$0x4] =	wrdreg s17  }
0x9: {  	s19 =	sadd.s32 $0x38DE00, s1;
	[dreg:$0x5] =	wrdreg s18  }
0xa: {  	s28 =	simm.s32 $0x1;
	s20 =	sadd.s32 $0x3ADE00, s1;
	[dreg:$0x6] =	wrdreg s19  }
0xb: {  	s30 =	simm.s32 $0x3;
	s21 =	sadd.s32 $0x3CDE00, s1;
	[dreg:$0x7] =	wrdreg s20  }
0xc: {  	s31 =	simm.s32 $0x5;
	s22 =	sadd.s32 $0x3EDE00, s1;
	[dreg:$0x8] =	wrdreg s21  }
0xd: {  	s0 =	ssub.s32 $0x2, s0;
	s23 =	sadd.s32 $0x40DE00, s1;
	[dreg:$0x9] =	wrdreg s22  }
0xe: {  	s26 =	sshrl.u32 s0, $0x1;
	s5 =	sadd.s32 $0x42DE00, s1;
	[dreg:$0xa] =	wrdreg s23  }
0xf: {  	s0 =	ssub.s32 s0, s26;
	s24 =	sadd.s32 $0x44DE00, s1;
	[dreg:$0xb] =	wrdreg s5  }
0x10: {  	s26 =	simm.s32 $0x2;
	s25 =	sadd.s32 $0x46DE00, s1;
	[dreg:$0xc] =	wrdreg s24  }
0x11: {  	s3 =	sshrl.u32 s3, $0x3;
	s29 =	sadd.s32 $0x48DE00, s1;
	[dreg:$0xd] =	wrdreg s25  }
0x12: {  	v2 =	vlaneseq.u32;
	s1 =	sadd.s32 $0x4ADE00, s1;
	s3 =	sadd.s32 s4, s3;
	[dreg:$0xe] =	wrdreg s29  }
0x13: {  	vm0 =	vmmov $0xffff;
	v1 =	vshrl.u32 v2, $0x3;
	s7 =	smax.u32 s0, $0x1;
	[dreg:$0xf] =	wrdreg s1;
	s3 =	sadd.s32 $0x40D0, s3  }
0x14: {  	v0 =	vand.u32 $0x7, v2;
	v2 =	vor.u32 $0x8, v2;
	v1 =	vmul.u32 $0x8, v1;
	s25 =	simm.s32 $0x4;
	[dreg:$0x2] =	wrdreg s3;
	s3 =	sadd.s32 $0x7400, s4  }
.LBB2_1:
0x15: {  	s1 =	rddreg [dreg:$0x2];
	s20 =	simm.s32 $0x7  }
0x16: {  	[tilespmem:s2], [sflag:$0x7] =	stream.linear.gather [hbm4b:s1+s2], $0x680, $0x38;
	[tilespmem:$0x18680] =	vst v63  }
0x17: {  	_ =	swait.ge [sflag:s20], $0x680  }
0x18: {  	[sflag:s20] =	ssyncset.done $0x0  }
0x19: {  	[sflag:s20] =	ssyncadd.s32 $0xFFFFF980  }
0x1a: {  	v3 =	vld [tilespmem:$0x0];
	_ =	sdelay $0x4  }
0x1b: {  	v4 =	vshll.u32 v3, $0x1  }
0x1c: {  	v3 =	vand.u32 $0x7, v3;
	v4 =	vand.u32 $0xFFFFFFF0, v4  }
0x1d: {  	v3 =	vor.u32 v3, v4  }
0x1e: {  	v4 =	vperm.xlane v3, v0;
	_ =	sdelay $0x1  }
0x1f: {  	v3 =	vperm.xlane v3, v2;
	v4 =	vadd.s32 v1, v4;
	_ =	sdelay $0x1  }
0x20: {  	v3 =	vadd.s32 v1, v3;
	_ =	sdelay $0x1  }
0x21: {  	s0 =	simm.s32 $0x680  }
0x22: {  	[tilespmem:s0], [sflag:$0x1] =	stream.indirect_vreg.gather [hbm4b:s3+s2], $0x80, v4, vm0, $0xb8;
	[tilespmem:$0x18680] =	vst v63  }
0x23: {  	s21 =	simm.s32 $0xE80  }
0x24: {  	[tilespmem:s21], [sflag:$0x1] =	stream.indirect_vreg.gather [hbm4b:s3+s2], $0x80, v3, vm0, $0xb8;
	[tilespmem:$0x18680] =	vst v63  }
0x25: {  	v3 =	vld [tilespmem:$0x10];
	_ =	sdelay $0x4  }
0x26: {  	v17 =	vshll.u32 v3, $0x1  }
0x27: {  	v3 =	vand.u32 $0x7, v3;
	v4 =	vand.u32 $0xFFFFFFF0, v17  }
0x28: {  	v3 =	vor.u32 v3, v4  }
0x29: {  	v4 =	vperm.xlane v3, v0;
	_ =	sdelay $0x1  }
0x2a: {  	v3 =	vperm.xlane v3, v2;
	v4 =	vadd.s32 v1, v4;
	_ =	sdelay $0x1  }
0x2b: {  	v3 =	vadd.s32 v1, v3;
	_ =	sdelay $0x1  }
0x2c: {  	s22 =	simm.s32 $0x1680  }
0x2d: {  	[tilespmem:s22], [sflag:$0x1] =	stream.indirect_vreg.gather [hbm4b:s3+s2], $0x80, v4, vm0, $0xb8;
	[tilespmem:$0x18680] =	vst v63  }
0x2e: {  	s23 =	simm.s32 $0x1E80  }
0x2f: {  	[tilespmem:s23], [sflag:$0x1] =	stream.indirect_vreg.gather [hbm4b:s3+s2], $0x80, v3, vm0, $0xb8;
	[tilespmem:$0x18680] =	vst v63  }
0x30: {  	v3 =	vld [tilespmem:$0x20];
	_ =	sdelay $0x4  }
0x31: {  	v18 =	vshll.u32 v3, $0x1  }
0x32: {  	v3 =	vand.u32 $0x7, v3;
	v4 =	vand.u32 $0xFFFFFFF0, v18  }
0x33: {  	v3 =	vor.u32 v3, v4  }
0x34: {  	v4 =	vperm.xlane v3, v0;
	_ =	sdelay $0x1  }
0x35: {  	v3 =	vperm.xlane v3, v2;
	v4 =	vadd.s32 v1, v4;
	_ =	sdelay $0x1  }
0x36: {  	v3 =	vadd.s32 v1, v3;
	_ =	sdelay $0x1  }
0x37: {  	s24 =	simm.s32 $0x2680  }
0x38: {  	[tilespmem:s24], [sflag:$0x1] =	stream.indirect_vreg.gather [hbm4b:s3+s2], $0x80, v4, vm0, $0xb8;
	[tilespmem:$0x18680] =	vst v63  }
0x39: {  	s29 =	simm.s32 $0x2E80  }
0x3a: {  	[tilespmem:s29], [sflag:$0x1] =	stream.indirect_vreg.gather [hbm4b:s3+s2], $0x80, v3, vm0, $0xb8;
	[tilespmem:$0x18680] =	vst v63  }
0x3b: {  	v3 =	vld [tilespmem:$0x30];
	_ =	sdelay $0x4  }
0x3c: {  	v19 =	vshll.u32 v3, $0x1  }
0x3d: {  	v3 =	vand.u32 $0x7, v3;
	v4 =	vand.u32 $0xFFFFFFF0, v19  }
0x3e: {  	v3 =	vor.u32 v3, v4  }
0x3f: {  	v4 =	vperm.xlane v3, v0;
	_ =	sdelay $0x1  }
0x40: {  	v3 =	vperm.xlane v3, v2;
	v4 =	vadd.s32 v1, v4;
	_ =	sdelay $0x1  }
0x41: {  	v3 =	vadd.s32 v1, v3;
	_ =	sdelay $0x1  }
0x42: {  	s1 =	simm.s32 $0x3680  }
0x43: {  	[tilespmem:s1], [sflag:$0x1] =	stream.indirect_vreg.gather [hbm4b:s3+s2], $0x80, v4, vm0, $0xb8;
	[tilespmem:$0x18680] =	vst v63  }
0x44: {  	s9 =	simm.s32 $0x3E80  }
0x45: {  	[tilespmem:s9], [sflag:$0x1] =	stream.indirect_vreg.gather [hbm4b:s3+s2], $0x80, v3, vm0, $0xb8;
	[tilespmem:$0x18680] =	vst v63  }
0x46: {  	v3 =	vld [tilespmem:$0x40];
	_ =	sdelay $0x4  }
0x47: {  	v20 =	vshll.u32 v3, $0x1  }
0x48: {  	v3 =	vand.u32 $0x7, v3;
	v4 =	vand.u32 $0xFFFFFFF0, v20  }
0x49: {  	v3 =	vor.u32 v3, v4  }
0x4a: {  	v4 =	vperm.xlane v3, v0;
	_ =	sdelay $0x1  }
0x4b: {  	v3 =	vperm.xlane v3, v2;
	v4 =	vadd.s32 v1, v4;
	_ =	sdelay $0x1  }
0x4c: {  	v3 =	vadd.s32 v1, v3;
	_ =	sdelay $0x1  }
0x4d: {  	s10 =	simm.s32 $0x4680  }
0x4e: {  	[tilespmem:s10], [sflag:$0x1] =	stream.indirect_vreg.gather [hbm4b:s3+s2], $0x80, v4, vm0, $0xb8;
	[tilespmem:$0x18680] =	vst v63  }
0x4f: {  	s11 =	simm.s32 $0x4E80  }
0x50: {  	[tilespmem:s11], [sflag:$0x1] =	stream.indirect_vreg.gather [hbm4b:s3+s2], $0x80, v3, vm0, $0xb8;
	[tilespmem:$0x18680] =	vst v63  }
0x51: {  	v3 =	vld [tilespmem:$0x50];
	_ =	sdelay $0x4  }
0x52: {  	v21 =	vshll.u32 v3, $0x1  }
0x53: {  	v3 =	vand.u32 $0x7, v3;
	v4 =	vand.u32 $0xFFFFFFF0, v21  }
0x54: {  	v3 =	vor.u32 v3, v4  }
0x55: {  	v4 =	vperm.xlane v3, v0;
	_ =	sdelay $0x1  }
0x56: {  	v3 =	vperm.xlane v3, v2;
	v4 =	vadd.s32 v1, v4;
	_ =	sdelay $0x1  }
0x57: {  	v3 =	vadd.s32 v1, v3;
	_ =	sdelay $0x1  }
0x58: {  	s12 =	simm.s32 $0x5680  }
0x59: {  	[tilespmem:s12], [sflag:$0x1] =	stream.indirect_vreg.gather [hbm4b:s3+s2], $0x80, v4, vm0, $0xb8;
	[tilespmem:$0x18680] =	vst v63  }
0x5a: {  	s13 =	simm.s32 $0x5E80  }
0x5b: {  	[tilespmem:s13], [sflag:$0x1] =	stream.indirect_vreg.gather [hbm4b:s3+s2], $0x80, v3, vm0, $0xb8;
	[tilespmem:$0x18680] =	vst v63  }
0x5c: {  	v3 =	vld [tilespmem:$0x60];
	_ =	sdelay $0x4  }
0x5d: {  	v22 =	vshll.u32 v3, $0x1  }
0x5e: {  	v3 =	vand.u32 $0x7, v3;
	v4 =	vand.u32 $0xFFFFFFF0, v22  }
0x5f: {  	v3 =	vor.u32 v3, v4  }
0x60: {  	v4 =	vperm.xlane v3, v0;
	_ =	sdelay $0x1  }
0x61: {  	v3 =	vperm.xlane v3, v2;
	v4 =	vadd.s32 v1, v4;
	_ =	sdelay $0x1  }
0x62: {  	v3 =	vadd.s32 v1, v3;
	_ =	sdelay $0x1  }
0x63: {  	s14 =	simm.s32 $0x6680  }
0x64: {  	[tilespmem:s14], [sflag:$0x1] =	stream.indirect_vreg.gather [hbm4b:s3+s2], $0x80, v4, vm0, $0xb8;
	[tilespmem:$0x18680] =	vst v63  }
0x65: {  	s15 =	simm.s32 $0x6E80  }
0x66: {  	[tilespmem:s15], [sflag:$0x1] =	stream.indirect_vreg.gather [hbm4b:s3+s2], $0x80, v3, vm0, $0xb8;
	[tilespmem:$0x18680] =	vst v63  }
0x67: {  	v3 =	vld [tilespmem:$0x70];
	_ =	sdelay $0x4  }
0x68: {  	v23 =	vshll.u32 v3, $0x1  }
0x69: {  	v3 =	vand.u32 $0x7, v3;
	v4 =	vand.u32 $0xFFFFFFF0, v23  }
0x6a: {  	v3 =	vor.u32 v3, v4  }
0x6b: {  	v4 =	vperm.xlane v3, v0;
	_ =	sdelay $0x1  }
0x6c: {  	v3 =	vperm.xlane v3, v2;
	v4 =	vadd.s32 v1, v4;
	_ =	sdelay $0x1  }
0x6d: {  	v3 =	vadd.s32 v1, v3;
	_ =	sdelay $0x1  }
0x6e: {  	s16 =	simm.s32 $0x7680  }
0x6f: {  	[tilespmem:s16], [sflag:$0x1] =	stream.indirect_vreg.gather [hbm4b:s3+s2], $0x80, v4, vm0, $0xb8;
	[tilespmem:$0x18680] =	vst v63  }
0x70: {  	s17 =	simm.s32 $0x7E80  }
0x71: {  	[tilespmem:s17], [sflag:$0x1] =	stream.indirect_vreg.gather [hbm4b:s3+s2], $0x80, v3, vm0, $0xb8;
	[tilespmem:$0x18680] =	vst v63  }
0x72: {  	v3 =	vld [tilespmem:$0x80];
	_ =	sdelay $0x4  }
0x73: {  	v24 =	vshll.u32 v3, $0x1  }
0x74: {  	v3 =	vand.u32 $0x7, v3;
	v4 =	vand.u32 $0xFFFFFFF0, v24  }
0x75: {  	v3 =	vor.u32 v3, v4  }
0x76: {  	v4 =	vperm.xlane v3, v0;
	_ =	sdelay $0x1  }
0x77: {  	v3 =	vperm.xlane v3, v2;
	v4 =	vadd.s32 v1, v4;
	_ =	sdelay $0x1  }
0x78: {  	v3 =	vadd.s32 v1, v3;
	_ =	sdelay $0x1  }
0x79: {  	s18 =	simm.s32 $0x8680  }
0x7a: {  	[tilespmem:s18], [sflag:$0x2] =	stream.indirect_vreg.gather [hbm4b:s3+s2], $0x80, v4, vm0, $0xb8;
	[tilespmem:$0x18680] =	vst v63  }
0x7b: {  	s19 =	simm.s32 $0x8E80  }
0x7c: {  	[tilespmem:s19], [sflag:$0x2] =	stream.indirect_vreg.gather [hbm4b:s3+s2], $0x80, v3, vm0, $0xb8;
	[tilespmem:$0x18680] =	vst v63  }
0x7d: {  	v3 =	vld [tilespmem:$0x90];
	_ =	sdelay $0x4  }
0x7e: {  	v25 =	vshll.u32 v3, $0x1  }
0x7f: {  	v3 =	vand.u32 $0x7, v3;
	v4 =	vand.u32 $0xFFFFFFF0, v25  }
0x80: {  	v3 =	vor.u32 v3, v4  }
0x81: {  	v4 =	vperm.xlane v3, v0;
	_ =	sdelay $0x1  }
0x82: {  	v3 =	vperm.xlane v3, v2;
	v4 =	vadd.s32 v1, v4;
	_ =	sdelay $0x1  }
0x83: {  	v3 =	vadd.s32 v1, v3;
	_ =	sdelay $0x1  }
0x84: {  	s20 =	simm.s32 $0x9680  }
0x85: {  	[tilespmem:s20], [sflag:$0x2] =	stream.indirect_vreg.gather [hbm4b:s3+s2], $0x80, v4, vm0, $0xb8;
	[tilespmem:$0x18680] =	vst v63  }
0x86: {  	s21 =	simm.s32 $0x9E80  }
0x87: {  	[tilespmem:s21], [sflag:$0x2] =	stream.indirect_vreg.gather [hbm4b:s3+s2], $0x80, v3, vm0, $0xb8;
	[tilespmem:$0x18680] =	vst v63  }
0x88: {  	v3 =	vld [tilespmem:$0xA0];
	_ =	sdelay $0x4  }
0x89: {  	v26 =	vshll.u32 v3, $0x1  }
0x8a: {  	v3 =	vand.u32 $0x7, v3;
	v4 =	vand.u32 $0xFFFFFFF0, v26  }
0x8b: {  	v3 =	vor.u32 v3, v4  }
0x8c: {  	v4 =	vperm.xlane v3, v0;
	_ =	sdelay $0x1  }
0x8d: {  	v3 =	vperm.xlane v3, v2;
	v4 =	vadd.s32 v1, v4;
	_ =	sdelay $0x1  }
0x8e: {  	v3 =	vadd.s32 v1, v3;
	_ =	sdelay $0x1  }
0x8f: {  	s22 =	simm.s32 $0xA680  }
0x90: {  	[tilespmem:s22], [sflag:$0x2] =	stream.indirect_vreg.gather [hbm4b:s3+s2], $0x80, v4, vm0, $0xb8;
	[tilespmem:$0x18680] =	vst v63  }
0x91: {  	s1 =	simm.s32 $0xAE80  }
0x92: {  	[tilespmem:s1], [sflag:$0x2] =	stream.indirect_vreg.gather [hbm4b:s3+s2], $0x80, v3, vm0, $0xb8;
	[tilespmem:$0x18680] =	vst v63  }
0x93: {  	v3 =	vld [tilespmem:$0xB0];
	_ =	sdelay $0x4  }
0x94: {  	v27 =	vshll.u32 v3, $0x1  }
0x95: {  	v3 =	vand.u32 $0x7, v3;
	v4 =	vand.u32 $0xFFFFFFF0, v27  }
0x96: {  	v3 =	vor.u32 v3, v4  }
0x97: {  	v4 =	vperm.xlane v3, v0;
	_ =	sdelay $0x1  }
0x98: {  	v3 =	vperm.xlane v3, v2;
	v4 =	vadd.s32 v1, v4;
	_ =	sdelay $0x1  }
0x99: {  	v3 =	vadd.s32 v1, v3;
	_ =	sdelay $0x1  }
0x9a: {  	s10 =	simm.s32 $0xB680  }
0x9b: {  	[tilespmem:s10], [sflag:$0x2] =	stream.indirect_vreg.gather [hbm4b:s3+s2], $0x80, v4, vm0, $0xb8;
	[tilespmem:$0x18680] =	vst v63  }
0x9c: {  	s11 =	simm.s32 $0xBE80  }
0x9d: {  	[tilespmem:s11], [sflag:$0x2] =	stream.indirect_vreg.gather [hbm4b:s3+s2], $0x80, v3, vm0, $0xb8;
	[tilespmem:$0x18680] =	vst v63  }
0x9e: {  	v3 =	vld [tilespmem:$0xC0];
	_ =	sdelay $0x4  }
0x9f: {  	v28 =	vshll.u32 v3, $0x1  }
0xa0: {  	v3 =	vand.u32 $0x7, v3;
	v4 =	vand.u32 $0xFFFFFFF0, v28  }
0xa1: {  	v3 =	vor.u32 v3, v4  }
0xa2: {  	v4 =	vperm.xlane v3, v0;
	_ =	sdelay $0x1  }
0xa3: {  	v3 =	vperm.xlane v3, v2;
	v4 =	vadd.s32 v1, v4;
	_ =	sdelay $0x1  }
0xa4: {  	v3 =	vadd.s32 v1, v3;
	_ =	sdelay $0x1  }
0xa5: {  	s12 =	simm.s32 $0xC680  }
0xa6: {  	[tilespmem:s12], [sflag:$0x2] =	stream.indirect_vreg.gather [hbm4b:s3+s2], $0x80, v4, vm0, $0xb8;
	[tilespmem:$0x18680] =	vst v63  }
0xa7: {  	s14 =	simm.s32 $0xCE80  }
0xa8: {  	[tilespmem:s14], [sflag:$0x2] =	stream.indirect_vreg.gather [hbm4b:s3+s2], $0x80, v3, vm0, $0xb8;
	[tilespmem:$0x18680] =	vst v63  }
0xa9: {  	v3 =	vld [tilespmem:$0xD0];
	_ =	sdelay $0x4  }
0xaa: {  	v29 =	vshll.u32 v3, $0x1  }
0xab: {  	v3 =	vand.u32 $0x7, v3;
	v4 =	vand.u32 $0xFFFFFFF0, v29  }
0xac: {  	v3 =	vor.u32 v3, v4  }
0xad: {  	v4 =	vperm.xlane v3, v0;
	_ =	sdelay $0x1  }
0xae: {  	v3 =	vperm.xlane v3, v2;
	v4 =	vadd.s32 v1, v4;
	_ =	sdelay $0x1  }
0xaf: {  	v3 =	vadd.s32 v1, v3;
	_ =	sdelay $0x1  }
0xb0: {  	s15 =	simm.s32 $0xD680  }
0xb1: {  	[tilespmem:s15], [sflag:$0x2] =	stream.indirect_vreg.gather [hbm4b:s3+s2], $0x80, v4, vm0, $0xb8;
	[tilespmem:$0x18680] =	vst v63  }
0xb2: {  	s16 =	simm.s32 $0xDE80  }
0xb3: {  	[tilespmem:s16], [sflag:$0x2] =	stream.indirect_vreg.gather [hbm4b:s3+s2], $0x80, v3, vm0, $0xb8;
	[tilespmem:$0x18680] =	vst v63  }
0xb4: {  	v3 =	vld [tilespmem:$0xE0];
	_ =	sdelay $0x4  }
0xb5: {  	v30 =	vshll.u32 v3, $0x1  }
0xb6: {  	v3 =	vand.u32 $0x7, v3;
	v4 =	vand.u32 $0xFFFFFFF0, v30  }
0xb7: {  	v3 =	vor.u32 v3, v4  }
0xb8: {  	v4 =	vperm.xlane v3, v0;
	_ =	sdelay $0x1  }
0xb9: {  	v3 =	vperm.xlane v3, v2;
	v4 =	vadd.s32 v1, v4;
	_ =	sdelay $0x1  }
0xba: {  	v3 =	vadd.s32 v1, v3;
	_ =	sdelay $0x1  }
0xbb: {  	s17 =	simm.s32 $0xE680  }
0xbc: {  	[tilespmem:s17], [sflag:$0x2] =	stream.indirect_vreg.gather [hbm4b:s3+s2], $0x80, v4, vm0, $0xb8;
	[tilespmem:$0x18680] =	vst v63  }
0xbd: {  	s18 =	simm.s32 $0xEE80  }
0xbe: {  	[tilespmem:s18], [sflag:$0x2] =	stream.indirect_vreg.gather [hbm4b:s3+s2], $0x80, v3, vm0, $0xb8;
	[tilespmem:$0x18680] =	vst v63  }
0xbf: {  	v3 =	vld [tilespmem:$0xF0];
	_ =	sdelay $0x4  }
0xc0: {  	v31 =	vshll.u32 v3, $0x1  }
0xc1: {  	v3 =	vand.u32 $0x7, v3;
	v4 =	vand.u32 $0xFFFFFFF0, v31  }
0xc2: {  	v3 =	vor.u32 v3, v4  }
0xc3: {  	v4 =	vperm.xlane v3, v0;
	_ =	sdelay $0x1  }
0xc4: {  	v3 =	vperm.xlane v3, v2;
	v4 =	vadd.s32 v1, v4;
	_ =	sdelay $0x1  }
0xc5: {  	v3 =	vadd.s32 v1, v3;
	_ =	sdelay $0x1  }
0xc6: {  	s19 =	simm.s32 $0xF680  }
0xc7: {  	[tilespmem:s19], [sflag:$0x2] =	stream.indirect_vreg.gather [hbm4b:s3+s2], $0x80, v4, vm0, $0xb8;
	[tilespmem:$0x18680] =	vst v63  }
0xc8: {  	s20 =	simm.s32 $0xFE80  }
0xc9: {  	[tilespmem:s20], [sflag:$0x2] =	stream.indirect_vreg.gather [hbm4b:s3+s2], $0x80, v3, vm0, $0xb8;
	[tilespmem:$0x18680] =	vst v63  }
0xca: {  	_ =	swait.ge [sflag:s28], $0x8000  }
0xcb: {  	[sflag:s28] =	ssyncset.done $0x0  }
0xcc: {  	s6 =	simm.s32 $0x680;
	s21 =	rddreg [dreg:$0x3];
	[sflag:s28] =	ssyncadd.s32 $0xFFFF8000  }
0xcd: {  	[hbm4b:s21+s2] =	stream.linear.scatter [tilespmem:s6], [sflag:$0x4], $0x8000, $0x38;
	[tilespmem:$0x18680] =	vst v63  }
0xce: {  	v3 =	vld [tilespmem:$0x100];
	_ =	sdelay $0x4  }
0xcf: {  	v32 =	vshll.u32 v3, $0x1  }
0xd0: {  	v3 =	vand.u32 $0x7, v3;
	v4 =	vand.u32 $0xFFFFFFF0, v32  }
0xd1: {  	v3 =	vor.u32 v3, v4  }
0xd2: {  	v4 =	vperm.xlane v3, v0;
	_ =	sdelay $0x1  }
0xd3: {  	v3 =	vperm.xlane v3, v2;
	v4 =	vadd.s32 v1, v4;
	_ =	sdelay $0x1  }
0xd4: {  	v3 =	vadd.s32 v1, v3;
	_ =	sdelay $0x1  }
0xd5: {  	s22 =	simm.s32 $0x10680  }
0xd6: {  	[tilespmem:s22], [sflag:$0x3] =	stream.indirect_vreg.gather [hbm4b:s3+s2], $0x80, v4, vm0, $0xb8;
	[tilespmem:$0x18680] =	vst v63  }
0xd7: {  	s1 =	simm.s32 $0x10E80  }
0xd8: {  	[tilespmem:s1], [sflag:$0x3] =	stream.indirect_vreg.gather [hbm4b:s3+s2], $0x80, v3, vm0, $0xb8;
	[tilespmem:$0x18680] =	vst v63  }
0xd9: {  	v3 =	vld [tilespmem:$0x110];
	_ =	sdelay $0x4  }
0xda: {  	v33 =	vshll.u32 v3, $0x1  }
0xdb: {  	v3 =	vand.u32 $0x7, v3;
	v4 =	vand.u32 $0xFFFFFFF0, v33  }
0xdc: {  	v3 =	vor.u32 v3, v4  }
0xdd: {  	v4 =	vperm.xlane v3, v0;
	_ =	sdelay $0x1  }
0xde: {  	v3 =	vperm.xlane v3, v2;
	v4 =	vadd.s32 v1, v4;
	_ =	sdelay $0x1  }
0xdf: {  	v3 =	vadd.s32 v1, v3;
	_ =	sdelay $0x1  }
0xe0: {  	s6 =	simm.s32 $0x11680  }
0xe1: {  	[tilespmem:s6], [sflag:$0x3] =	stream.indirect_vreg.gather [hbm4b:s3+s2], $0x80, v4, vm0, $0xb8;
	[tilespmem:$0x18680] =	vst v63  }
0xe2: {  	s11 =	simm.s32 $0x11E80  }
0xe3: {  	[tilespmem:s11], [sflag:$0x3] =	stream.indirect_vreg.gather [hbm4b:s3+s2], $0x80, v3, vm0, $0xb8;
	[tilespmem:$0x18680] =	vst v63  }
0xe4: {  	v3 =	vld [tilespmem:$0x120];
	_ =	sdelay $0x4  }
0xe5: {  	v34 =	vshll.u32 v3, $0x1  }
0xe6: {  	v3 =	vand.u32 $0x7, v3;
	v4 =	vand.u32 $0xFFFFFFF0, v34  }
0xe7: {  	v3 =	vor.u32 v3, v4  }
0xe8: {  	v4 =	vperm.xlane v3, v0;
	_ =	sdelay $0x1  }
0xe9: {  	v3 =	vperm.xlane v3, v2;
	v4 =	vadd.s32 v1, v4;
	_ =	sdelay $0x1  }
0xea: {  	v3 =	vadd.s32 v1, v3;
	_ =	sdelay $0x1  }
0xeb: {  	s12 =	simm.s32 $0x12680  }
0xec: {  	[tilespmem:s12], [sflag:$0x3] =	stream.indirect_vreg.gather [hbm4b:s3+s2], $0x80, v4, vm0, $0xb8;
	[tilespmem:$0x18680] =	vst v63  }
0xed: {  	s16 =	simm.s32 $0x12E80  }
0xee: {  	[tilespmem:s16], [sflag:$0x3] =	stream.indirect_vreg.gather [hbm4b:s3+s2], $0x80, v3, vm0, $0xb8;
	[tilespmem:$0x18680] =	vst v63  }
0xef: {  	v3 =	vld [tilespmem:$0x130];
	_ =	sdelay $0x4  }
0xf0: {  	v35 =	vshll.u32 v3, $0x1  }
0xf1: {  	v3 =	vand.u32 $0x7, v3;
	v4 =	vand.u32 $0xFFFFFFF0, v35  }
0xf2: {  	v3 =	vor.u32 v3, v4  }
0xf3: {  	v4 =	vperm.xlane v3, v0;
	_ =	sdelay $0x1  }
0xf4: {  	v3 =	vperm.xlane v3, v2;
	v4 =	vadd.s32 v1, v4;
	_ =	sdelay $0x1  }
0xf5: {  	v3 =	vadd.s32 v1, v3;
	_ =	sdelay $0x1  }
0xf6: {  	s17 =	simm.s32 $0x13680  }
0xf7: {  	[tilespmem:s17], [sflag:$0x3] =	stream.indirect_vreg.gather [hbm4b:s3+s2], $0x80, v4, vm0, $0xb8;
	[tilespmem:$0x18680] =	vst v63  }
0xf8: {  	s18 =	simm.s32 $0x13E80  }
0xf9: {  	[tilespmem:s18], [sflag:$0x3] =	stream.indirect_vreg.gather [hbm4b:s3+s2], $0x80, v3, vm0, $0xb8;
	[tilespmem:$0x18680] =	vst v63  }
0xfa: {  	v3 =	vld [tilespmem:$0x140];
	_ =	sdelay $0x4  }
0xfb: {  	v36 =	vshll.u32 v3, $0x1  }
0xfc: {  	v3 =	vand.u32 $0x7, v3;
	v4 =	vand.u32 $0xFFFFFFF0, v36  }
0xfd: {  	v3 =	vor.u32 v3, v4  }
0xfe: {  	v4 =	vperm.xlane v3, v0;
	_ =	sdelay $0x1  }
0xff: {  	v3 =	vperm.xlane v3, v2;
	v4 =	vadd.s32 v1, v4;
	_ =	sdelay $0x1  }
0x100: {  	v3 =	vadd.s32 v1, v3;
	_ =	sdelay $0x1  }
0x101: {  	s19 =	simm.s32 $0x14680  }
0x102: {  	[tilespmem:s19], [sflag:$0x3] =	stream.indirect_vreg.gather [hbm4b:s3+s2], $0x80, v4, vm0, $0xb8;
	[tilespmem:$0x18680] =	vst v63  }
0x103: {  	s20 =	simm.s32 $0x14E80  }
0x104: {  	[tilespmem:s20], [sflag:$0x3] =	stream.indirect_vreg.gather [hbm4b:s3+s2], $0x80, v3, vm0, $0xb8;
	[tilespmem:$0x18680] =	vst v63  }
0x105: {  	v3 =	vld [tilespmem:$0x150];
	_ =	sdelay $0x4  }
0x106: {  	v37 =	vshll.u32 v3, $0x1  }
0x107: {  	v3 =	vand.u32 $0x7, v3;
	v4 =	vand.u32 $0xFFFFFFF0, v37  }
0x108: {  	v3 =	vor.u32 v3, v4  }
0x109: {  	v4 =	vperm.xlane v3, v0;
	_ =	sdelay $0x1  }
0x10a: {  	v3 =	vperm.xlane v3, v2;
	v4 =	vadd.s32 v1, v4;
	_ =	sdelay $0x1  }
0x10b: {  	v3 =	vadd.s32 v1, v3;
	_ =	sdelay $0x1  }
0x10c: {  	s21 =	simm.s32 $0x15680  }
0x10d: {  	[tilespmem:s21], [sflag:$0x3] =	stream.indirect_vreg.gather [hbm4b:s3+s2], $0x80, v4, vm0, $0xb8;
	[tilespmem:$0x18680] =	vst v63  }
0x10e: {  	s22 =	simm.s32 $0x15E80  }
0x10f: {  	[tilespmem:s22], [sflag:$0x3] =	stream.indirect_vreg.gather [hbm4b:s3+s2], $0x80, v3, vm0, $0xb8;
	[tilespmem:$0x18680] =	vst v63  }
0x110: {  	v3 =	vld [tilespmem:$0x160];
	_ =	sdelay $0x4  }
0x111: {  	v38 =	vshll.u32 v3, $0x1  }
0x112: {  	v3 =	vand.u32 $0x7, v3;
	v4 =	vand.u32 $0xFFFFFFF0, v38  }
0x113: {  	v3 =	vor.u32 v3, v4  }
0x114: {  	v4 =	vperm.xlane v3, v0;
	_ =	sdelay $0x1  }
0x115: {  	v3 =	vperm.xlane v3, v2;
	v4 =	vadd.s32 v1, v4;
	_ =	sdelay $0x1  }
0x116: {  	v3 =	vadd.s32 v1, v3;
	_ =	sdelay $0x1  }
0x117: {  	s1 =	simm.s32 $0x16680  }
0x118: {  	[tilespmem:s1], [sflag:$0x3] =	stream.indirect_vreg.gather [hbm4b:s3+s2], $0x80, v4, vm0, $0xb8;
	[tilespmem:$0x18680] =	vst v63  }
0x119: {  	s6 =	simm.s32 $0x16E80  }
0x11a: {  	[tilespmem:s6], [sflag:$0x3] =	stream.indirect_vreg.gather [hbm4b:s3+s2], $0x80, v3, vm0, $0xb8;
	[tilespmem:$0x18680] =	vst v63  }
0x11b: {  	v3 =	vld [tilespmem:$0x170];
	_ =	sdelay $0x4  }
0x11c: {  	v39 =	vshll.u32 v3, $0x1  }
0x11d: {  	v3 =	vand.u32 $0x7, v3;
	v4 =	vand.u32 $0xFFFFFFF0, v39  }
0x11e: {  	v3 =	vor.u32 v3, v4  }
0x11f: {  	v4 =	vperm.xlane v3, v0;
	_ =	sdelay $0x1  }
0x120: {  	v3 =	vperm.xlane v3, v2;
	v4 =	vadd.s32 v1, v4;
	_ =	sdelay $0x1  }
0x121: {  	v3 =	vadd.s32 v1, v3;
	_ =	sdelay $0x1  }
0x122: {  	s11 =	simm.s32 $0x17680  }
0x123: {  	[tilespmem:s11], [sflag:$0x3] =	stream.indirect_vreg.gather [hbm4b:s3+s2], $0x80, v4, vm0, $0xb8;
	[tilespmem:$0x18680] =	vst v63  }
0x124: {  	s12 =	simm.s32 $0x17E80  }
0x125: {  	[tilespmem:s12], [sflag:$0x3] =	stream.indirect_vreg.gather [hbm4b:s3+s2], $0x80, v3, vm0, $0xb8;
	[tilespmem:$0x18680] =	vst v63  }
0x126: {  	_ =	swait.ge [sflag:s26], $0x8000  }
0x127: {  	[sflag:s26] =	ssyncset.done $0x0  }
0x128: {  	s6 =	simm.s32 $0x8680;
	s20 =	rddreg [dreg:$0x4];
	[sflag:s26] =	ssyncadd.s32 $0xFFFF8000  }
0x129: {  	[hbm4b:s20+s2] =	stream.linear.scatter [tilespmem:s6], [sflag:$0x5], $0x8000, $0x38;
	[tilespmem:$0x18680] =	vst v63  }
0x12a: {  	_ =	swait.ge [sflag:s25], $0x8000  }
0x12b: {  	[sflag:s25] =	ssyncset.done $0x0  }
0x12c: {  	[sflag:s25] =	ssyncadd.s32 $0xFFFF8000  }
0x12d: {  	v3 =	vld [tilespmem:$0x180];
	_ =	sdelay $0x4  }
0x12e: {  	v40 =	vshll.u32 v3, $0x1  }
0x12f: {  	v3 =	vand.u32 $0x7, v3;
	v4 =	vand.u32 $0xFFFFFFF0, v40  }
0x130: {  	v3 =	vor.u32 v3, v4  }
0x131: {  	v4 =	vperm.xlane v3, v0;
	_ =	sdelay $0x1  }
0x132: {  	v3 =	vperm.xlane v3, v2;
	v4 =	vadd.s32 v1, v4;
	_ =	sdelay $0x1  }
0x133: {  	v3 =	vadd.s32 v1, v3;
	_ =	sdelay $0x1  }
0x134: {  	s10 =	simm.s32 $0x680  }
0x135: {  	[tilespmem:s10], [sflag:$0x1] =	stream.indirect_vreg.gather [hbm4b:s3+s2], $0x80, v4, vm0, $0xb8;
	[tilespmem:$0x18680] =	vst v63  }
0x136: {  	s4 =	simm.s32 $0xE80  }
0x137: {  	[tilespmem:s4], [sflag:$0x1] =	stream.indirect_vreg.gather [hbm4b:s3+s2], $0x80, v3, vm0, $0xb8;
	[tilespmem:$0x18680] =	vst v63  }
0x138: {  	v3 =	vld [tilespmem:$0x190];
	_ =	sdelay $0x4  }
0x139: {  	v41 =	vshll.u32 v3, $0x1  }
0x13a: {  	v3 =	vand.u32 $0x7, v3;
	v4 =	vand.u32 $0xFFFFFFF0, v41  }
0x13b: {  	v3 =	vor.u32 v3, v4  }
0x13c: {  	v4 =	vperm.xlane v3, v0;
	_ =	sdelay $0x1  }
0x13d: {  	v3 =	vperm.xlane v3, v2;
	v4 =	vadd.s32 v1, v4;
	_ =	sdelay $0x1  }
0x13e: {  	v3 =	vadd.s32 v1, v3;
	_ =	sdelay $0x1  }
0x13f: {  	s21 =	simm.s32 $0x1680  }
0x140: {  	[tilespmem:s21], [sflag:$0x1] =	stream.indirect_vreg.gather [hbm4b:s3+s2], $0x80, v4, vm0, $0xb8;
	[tilespmem:$0x18680] =	vst v63  }
0x141: {  	s5 =	simm.s32 $0x1E80  }
0x142: {  	[tilespmem:s5], [sflag:$0x1] =	stream.indirect_vreg.gather [hbm4b:s3+s2], $0x80, v3, vm0, $0xb8;
	[tilespmem:$0x18680] =	vst v63  }
0x143: {  	v3 =	vld [tilespmem:$0x1A0];
	_ =	sdelay $0x4  }
0x144: {  	v42 =	vshll.u32 v3, $0x1  }
0x145: {  	v3 =	vand.u32 $0x7, v3;
	v4 =	vand.u32 $0xFFFFFFF0, v42  }
0x146: {  	v3 =	vor.u32 v3, v4  }
0x147: {  	v4 =	vperm.xlane v3, v0;
	_ =	sdelay $0x1  }
0x148: {  	v3 =	vperm.xlane v3, v2;
	v4 =	vadd.s32 v1, v4;
	_ =	sdelay $0x1  }
0x149: {  	v3 =	vadd.s32 v1, v3;
	_ =	sdelay $0x1  }
0x14a: {  	s22 =	simm.s32 $0x2680  }
0x14b: {  	[tilespmem:s22], [sflag:$0x1] =	stream.indirect_vreg.gather [hbm4b:s3+s2], $0x80, v4, vm0, $0xb8;
	[tilespmem:$0x18680] =	vst v63  }
0x14c: {  	s8 =	simm.s32 $0x2E80  }
0x14d: {  	[tilespmem:s8], [sflag:$0x1] =	stream.indirect_vreg.gather [hbm4b:s3+s2], $0x80, v3, vm0, $0xb8;
	[tilespmem:$0x18680] =	vst v63  }
0x14e: {  	v3 =	vld [tilespmem:$0x1B0];
	_ =	sdelay $0x4  }
0x14f: {  	v43 =	vshll.u32 v3, $0x1  }
0x150: {  	v3 =	vand.u32 $0x7, v3;
	v4 =	vand.u32 $0xFFFFFFF0, v43  }
0x151: {  	v3 =	vor.u32 v3, v4  }
0x152: {  	v4 =	vperm.xlane v3, v0;
	_ =	sdelay $0x1  }
0x153: {  	v3 =	vperm.xlane v3, v2;
	v4 =	vadd.s32 v1, v4;
	_ =	sdelay $0x1  }
0x154: {  	v3 =	vadd.s32 v1, v3;
	_ =	sdelay $0x1  }
0x155: {  	s22 =	simm.s32 $0x3680  }
0x156: {  	[tilespmem:s22], [sflag:$0x1] =	stream.indirect_vreg.gather [hbm4b:s3+s2], $0x80, v4, vm0, $0xb8;
	[tilespmem:$0x18680] =	vst v63  }
0x157: {  	s9 =	simm.s32 $0x3E80  }
0x158: {  	[tilespmem:s9], [sflag:$0x1] =	stream.indirect_vreg.gather [hbm4b:s3+s2], $0x80, v3, vm0, $0xb8;
	[tilespmem:$0x18680] =	vst v63  }
0x159: {  	v3 =	vld [tilespmem:$0x1C0];
	_ =	sdelay $0x4  }
0x15a: {  	v44 =	vshll.u32 v3, $0x1  }
0x15b: {  	v3 =	vand.u32 $0x7, v3;
	v4 =	vand.u32 $0xFFFFFFF0, v44  }
0x15c: {  	v3 =	vor.u32 v3, v4  }
0x15d: {  	v4 =	vperm.xlane v3, v0;
	_ =	sdelay $0x1  }
0x15e: {  	v3 =	vperm.xlane v3, v2;
	v4 =	vadd.s32 v1, v4;
	_ =	sdelay $0x1  }
0x15f: {  	v3 =	vadd.s32 v1, v3;
	_ =	sdelay $0x1  }
0x160: {  	s21 =	simm.s32 $0x4680  }
0x161: {  	[tilespmem:s21], [sflag:$0x1] =	stream.indirect_vreg.gather [hbm4b:s3+s2], $0x80, v4, vm0, $0xb8;
	[tilespmem:$0x18680] =	vst v63  }
0x162: {  	s10 =	simm.s32 $0x4E80  }
0x163: {  	[tilespmem:s10], [sflag:$0x1] =	stream.indirect_vreg.gather [hbm4b:s3+s2], $0x80, v3, vm0, $0xb8;
	[tilespmem:$0x18680] =	vst v63  }
0x164: {  	v3 =	vld [tilespmem:$0x1D0];
	_ =	sdelay $0x4  }
0x165: {  	v45 =	vshll.u32 v3, $0x1  }
0x166: {  	v3 =	vand.u32 $0x7, v3;
	v4 =	vand.u32 $0xFFFFFFF0, v45  }
0x167: {  	v3 =	vor.u32 v3, v4  }
0x168: {  	v4 =	vperm.xlane v3, v0;
	_ =	sdelay $0x1  }
0x169: {  	v3 =	vperm.xlane v3, v2;
	v4 =	vadd.s32 v1, v4;
	_ =	sdelay $0x1  }
0x16a: {  	v3 =	vadd.s32 v1, v3;
	_ =	sdelay $0x1  }
0x16b: {  	s1 =	simm.s32 $0x5680  }
0x16c: {  	[tilespmem:s1], [sflag:$0x1] =	stream.indirect_vreg.gather [hbm4b:s3+s2], $0x80, v4, vm0, $0xb8;
	[tilespmem:$0x18680] =	vst v63  }
0x16d: {  	s11 =	simm.s32 $0x5E80  }
0x16e: {  	[tilespmem:s11], [sflag:$0x1] =	stream.indirect_vreg.gather [hbm4b:s3+s2], $0x80, v3, vm0, $0xb8;
	[tilespmem:$0x18680] =	vst v63  }
0x16f: {  	v3 =	vld [tilespmem:$0x1E0];
	_ =	sdelay $0x4  }
0x170: {  	v46 =	vshll.u32 v3, $0x1  }
0x171: {  	v3 =	vand.u32 $0x7, v3;
	v4 =	vand.u32 $0xFFFFFFF0, v46  }
0x172: {  	v3 =	vor.u32 v3, v4  }
0x173: {  	v4 =	vperm.xlane v3, v0;
	_ =	sdelay $0x1  }
0x174: {  	v3 =	vperm.xlane v3, v2;
	v4 =	vadd.s32 v1, v4;
	_ =	sdelay $0x1  }
0x175: {  	v3 =	vadd.s32 v1, v3;
	_ =	sdelay $0x1  }
0x176: {  	s8 =	simm.s32 $0x6680  }
0x177: {  	[tilespmem:s8], [sflag:$0x1] =	stream.indirect_vreg.gather [hbm4b:s3+s2], $0x80, v4, vm0, $0xb8;
	[tilespmem:$0x18680] =	vst v63  }
0x178: {  	s12 =	simm.s32 $0x6E80  }
0x179: {  	[tilespmem:s12], [sflag:$0x1] =	stream.indirect_vreg.gather [hbm4b:s3+s2], $0x80, v3, vm0, $0xb8;
	[tilespmem:$0x18680] =	vst v63  }
0x17a: {  	v3 =	vld [tilespmem:$0x1F0];
	_ =	sdelay $0x4  }
0x17b: {  	v47 =	vshll.u32 v3, $0x1  }
0x17c: {  	v3 =	vand.u32 $0x7, v3;
	v4 =	vand.u32 $0xFFFFFFF0, v47  }
0x17d: {  	v3 =	vor.u32 v3, v4  }
0x17e: {  	v4 =	vperm.xlane v3, v0;
	_ =	sdelay $0x1  }
0x17f: {  	v3 =	vperm.xlane v3, v2;
	v4 =	vadd.s32 v1, v4;
	_ =	sdelay $0x1  }
0x180: {  	v3 =	vadd.s32 v1, v3;
	_ =	sdelay $0x1  }
0x181: {  	s9 =	simm.s32 $0x7680  }
0x182: {  	[tilespmem:s9], [sflag:$0x1] =	stream.indirect_vreg.gather [hbm4b:s3+s2], $0x80, v4, vm0, $0xb8;
	[tilespmem:$0x18680] =	vst v63  }
0x183: {  	s13 =	simm.s32 $0x7E80  }
0x184: {  	[tilespmem:s13], [sflag:$0x1] =	stream.indirect_vreg.gather [hbm4b:s3+s2], $0x80, v3, vm0, $0xb8;
	[tilespmem:$0x18680] =	vst v63  }
0x185: {  	_ =	swait.ge [sflag:s30], $0x8000  }
0x186: {  	[sflag:s30] =	ssyncset.done $0x0  }
0x187: {  	s13 =	simm.s32 $0x10680;
	s4 =	rddreg [dreg:$0x5];
	[sflag:s30] =	ssyncadd.s32 $0xFFFF8000  }
0x188: {  	[hbm4b:s4+s2] =	stream.linear.scatter [tilespmem:s13], [sflag:$0x6], $0x8000, $0x38;
	[tilespmem:$0x18680] =	vst v63  }
0x189: {  	_ =	swait.ge [sflag:s31], $0x8000  }
0x18a: {  	[sflag:s31] =	ssyncset.done $0x0  }
0x18b: {  	[sflag:s31] =	ssyncadd.s32 $0xFFFF8000  }
0x18c: {  	v3 =	vld [tilespmem:$0x200];
	_ =	sdelay $0x4  }
0x18d: {  	v48 =	vshll.u32 v3, $0x1  }
0x18e: {  	v3 =	vand.u32 $0x7, v3;
	v4 =	vand.u32 $0xFFFFFFF0, v48  }
0x18f: {  	v3 =	vor.u32 v3, v4  }
0x190: {  	v4 =	vperm.xlane v3, v0;
	_ =	sdelay $0x1  }
0x191: {  	v3 =	vperm.xlane v3, v2;
	v4 =	vadd.s32 v1, v4;
	_ =	sdelay $0x1  }
0x192: {  	v3 =	vadd.s32 v1, v3;
	_ =	sdelay $0x2  }
0x193: {  	[tilespmem:s6], [sflag:$0x2] =	stream.indirect_vreg.gather [hbm4b:s3+s2], $0x80, v4, vm0, $0xb8;
	[tilespmem:$0x18680] =	vst v63  }
0x194: {  	s24 =	simm.s32 $0x8E80  }
0x195: {  	[tilespmem:s24], [sflag:$0x2] =	stream.indirect_vreg.gather [hbm4b:s3+s2], $0x80, v3, vm0, $0xb8;
	[tilespmem:$0x18680] =	vst v63  }
0x196: {  	v3 =	vld [tilespmem:$0x210];
	_ =	sdelay $0x4  }
0x197: {  	v49 =	vshll.u32 v3, $0x1  }
0x198: {  	v3 =	vand.u32 $0x7, v3;
	v4 =	vand.u32 $0xFFFFFFF0, v49  }
0x199: {  	v3 =	vor.u32 v3, v4  }
0x19a: {  	v4 =	vperm.xlane v3, v0;
	_ =	sdelay $0x1  }
0x19b: {  	v3 =	vperm.xlane v3, v2;
	v4 =	vadd.s32 v1, v4;
	_ =	sdelay $0x1  }
0x19c: {  	v3 =	vadd.s32 v1, v3;
	_ =	sdelay $0x1  }
0x19d: {  	s23 =	simm.s32 $0x9680  }
0x19e: {  	[tilespmem:s23], [sflag:$0x2] =	stream.indirect_vreg.gather [hbm4b:s3+s2], $0x80, v4, vm0, $0xb8;
	[tilespmem:$0x18680] =	vst v63  }
0x19f: {  	s29 =	simm.s32 $0x9E80  }
0x1a0: {  	[tilespmem:s29], [sflag:$0x2] =	stream.indirect_vreg.gather [hbm4b:s3+s2], $0x80, v3, vm0, $0xb8;
	[tilespmem:$0x18680] =	vst v63  }
0x1a1: {  	v3 =	vld [tilespmem:$0x220];
	_ =	sdelay $0x4  }
0x1a2: {  	v50 =	vshll.u32 v3, $0x1  }
0x1a3: {  	v3 =	vand.u32 $0x7, v3;
	v4 =	vand.u32 $0xFFFFFFF0, v50  }
0x1a4: {  	v3 =	vor.u32 v3, v4  }
0x1a5: {  	v4 =	vperm.xlane v3, v0;
	_ =	sdelay $0x1  }
0x1a6: {  	v3 =	vperm.xlane v3, v2;
	v4 =	vadd.s32 v1, v4;
	_ =	sdelay $0x1  }
0x1a7: {  	v3 =	vadd.s32 v1, v3;
	_ =	sdelay $0x1  }
0x1a8: {  	s23 =	simm.s32 $0xA680  }
0x1a9: {  	[tilespmem:s23], [sflag:$0x2] =	stream.indirect_vreg.gather [hbm4b:s3+s2], $0x80, v4, vm0, $0xb8;
	[tilespmem:$0x18680] =	vst v63  }
0x1aa: {  	s5 =	simm.s32 $0xAE80  }
0x1ab: {  	[tilespmem:s5], [sflag:$0x2] =	stream.indirect_vreg.gather [hbm4b:s3+s2], $0x80, v3, vm0, $0xb8;
	[tilespmem:$0x18680] =	vst v63  }
0x1ac: {  	v3 =	vld [tilespmem:$0x230];
	_ =	sdelay $0x4  }
0x1ad: {  	v51 =	vshll.u32 v3, $0x1  }
0x1ae: {  	v3 =	vand.u32 $0x7, v3;
	v4 =	vand.u32 $0xFFFFFFF0, v51  }
0x1af: {  	v3 =	vor.u32 v3, v4  }
0x1b0: {  	v4 =	vperm.xlane v3, v0;
	_ =	sdelay $0x1  }
0x1b1: {  	v3 =	vperm.xlane v3, v2;
	v4 =	vadd.s32 v1, v4;
	_ =	sdelay $0x1  }
0x1b2: {  	v3 =	vadd.s32 v1, v3;
	_ =	sdelay $0x1  }
0x1b3: {  	s6 =	simm.s32 $0xB680  }
0x1b4: {  	[tilespmem:s6], [sflag:$0x2] =	stream.indirect_vreg.gather [hbm4b:s3+s2], $0x80, v4, vm0, $0xb8;
	[tilespmem:$0x18680] =	vst v63  }
0x1b5: {  	s24 =	simm.s32 $0xBE80  }
0x1b6: {  	[tilespmem:s24], [sflag:$0x2] =	stream.indirect_vreg.gather [hbm4b:s3+s2], $0x80, v3, vm0, $0xb8;
	[tilespmem:$0x18680] =	vst v63  }
0x1b7: {  	v3 =	vld [tilespmem:$0x240];
	_ =	sdelay $0x4  }
0x1b8: {  	v52 =	vshll.u32 v3, $0x1  }
0x1b9: {  	v3 =	vand.u32 $0x7, v3;
	v4 =	vand.u32 $0xFFFFFFF0, v52  }
0x1ba: {  	v3 =	vor.u32 v3, v4  }
0x1bb: {  	v4 =	vperm.xlane v3, v0;
	_ =	sdelay $0x1  }
0x1bc: {  	v3 =	vperm.xlane v3, v2;
	v4 =	vadd.s32 v1, v4;
	_ =	sdelay $0x1  }
0x1bd: {  	v3 =	vadd.s32 v1, v3;
	_ =	sdelay $0x1  }
0x1be: {  	s24 =	simm.s32 $0xC680  }
0x1bf: {  	[tilespmem:s24], [sflag:$0x2] =	stream.indirect_vreg.gather [hbm4b:s3+s2], $0x80, v4, vm0, $0xb8;
	[tilespmem:$0x18680] =	vst v63  }
0x1c0: {  	s29 =	simm.s32 $0xCE80  }
0x1c1: {  	[tilespmem:s29], [sflag:$0x2] =	stream.indirect_vreg.gather [hbm4b:s3+s2], $0x80, v3, vm0, $0xb8;
	[tilespmem:$0x18680] =	vst v63  }
0x1c2: {  	v3 =	vld [tilespmem:$0x250];
	_ =	sdelay $0x4  }
0x1c3: {  	v53 =	vshll.u32 v3, $0x1  }
0x1c4: {  	v3 =	vand.u32 $0x7, v3;
	v4 =	vand.u32 $0xFFFFFFF0, v53  }
0x1c5: {  	v3 =	vor.u32 v3, v4  }
0x1c6: {  	v4 =	vperm.xlane v3, v0;
	_ =	sdelay $0x1  }
0x1c7: {  	v3 =	vperm.xlane v3, v2;
	v4 =	vadd.s32 v1, v4;
	_ =	sdelay $0x1  }
0x1c8: {  	v3 =	vadd.s32 v1, v3;
	_ =	sdelay $0x1  }
0x1c9: {  	s29 =	simm.s32 $0xD680  }
0x1ca: {  	[tilespmem:s29], [sflag:$0x2] =	stream.indirect_vreg.gather [hbm4b:s3+s2], $0x80, v4, vm0, $0xb8;
	[tilespmem:$0x18680] =	vst v63  }
0x1cb: {  	s1 =	simm.s32 $0xDE80  }
0x1cc: {  	[tilespmem:s1], [sflag:$0x2] =	stream.indirect_vreg.gather [hbm4b:s3+s2], $0x80, v3, vm0, $0xb8;
	[tilespmem:$0x18680] =	vst v63  }
0x1cd: {  	v3 =	vld [tilespmem:$0x260];
	_ =	sdelay $0x4  }
0x1ce: {  	v54 =	vshll.u32 v3, $0x1  }
0x1cf: {  	v3 =	vand.u32 $0x7, v3;
	v4 =	vand.u32 $0xFFFFFFF0, v54  }
0x1d0: {  	v3 =	vor.u32 v3, v4  }
0x1d1: {  	v4 =	vperm.xlane v3, v0;
	_ =	sdelay $0x1  }
0x1d2: {  	v3 =	vperm.xlane v3, v2;
	v4 =	vadd.s32 v1, v4;
	_ =	sdelay $0x1  }
0x1d3: {  	v3 =	vadd.s32 v1, v3;
	_ =	sdelay $0x1  }
0x1d4: {  	s4 =	simm.s32 $0xE680  }
0x1d5: {  	[tilespmem:s4], [sflag:$0x2] =	stream.indirect_vreg.gather [hbm4b:s3+s2], $0x80, v4, vm0, $0xb8;
	[tilespmem:$0x18680] =	vst v63  }
0x1d6: {  	s5 =	simm.s32 $0xEE80  }
0x1d7: {  	[tilespmem:s5], [sflag:$0x2] =	stream.indirect_vreg.gather [hbm4b:s3+s2], $0x80, v3, vm0, $0xb8;
	[tilespmem:$0x18680] =	vst v63  }
0x1d8: {  	v3 =	vld [tilespmem:$0x270];
	_ =	sdelay $0x4  }
0x1d9: {  	v55 =	vshll.u32 v3, $0x1  }
0x1da: {  	v3 =	vand.u32 $0x7, v3;
	v4 =	vand.u32 $0xFFFFFFF0, v55  }
0x1db: {  	v3 =	vor.u32 v3, v4  }
0x1dc: {  	v4 =	vperm.xlane v3, v0;
	_ =	sdelay $0x1  }
0x1dd: {  	v3 =	vperm.xlane v3, v2;
	v4 =	vadd.s32 v1, v4;
	_ =	sdelay $0x1  }
0x1de: {  	v3 =	vadd.s32 v1, v3;
	_ =	sdelay $0x1  }
0x1df: {  	s6 =	simm.s32 $0xF680  }
0x1e0: {  	[tilespmem:s6], [sflag:$0x2] =	stream.indirect_vreg.gather [hbm4b:s3+s2], $0x80, v4, vm0, $0xb8;
	[tilespmem:$0x18680] =	vst v63  }
0x1e1: {  	s1 =	simm.s32 $0xFE80  }
0x1e2: {  	[tilespmem:s1], [sflag:$0x2] =	stream.indirect_vreg.gather [hbm4b:s3+s2], $0x80, v3, vm0, $0xb8;
	[tilespmem:$0x18680] =	vst v63  }
0x1e3: {  	_ =	swait.ge [sflag:s28], $0x8000  }
0x1e4: {  	s0 =	simm.s32 $0x6;
	[sflag:s28] =	ssyncset.done $0x0  }
0x1e5: {  	s20 =	simm.s32 $0x680;
	s4 =	rddreg [dreg:$0x6];
	[sflag:s28] =	ssyncadd.s32 $0xFFFF8000  }
0x1e6: {  	[hbm4b:s4+s2] =	stream.linear.scatter [tilespmem:s20], [sflag:$0x4], $0x8000, $0x38;
	[tilespmem:$0x18680] =	vst v63  }
0x1e7: {  	_ =	swait.ge [sflag:s0], $0x8000  }
0x1e8: {  	[sflag:s0] =	ssyncset.done $0x0  }
0x1e9: {  	[sflag:s0] =	ssyncadd.s32 $0xFFFF8000  }
0x1ea: {  	v3 =	vld [tilespmem:$0x280];
	_ =	sdelay $0x4  }
0x1eb: {  	v56 =	vshll.u32 v3, $0x1  }
0x1ec: {  	v3 =	vand.u32 $0x7, v3;
	v4 =	vand.u32 $0xFFFFFFF0, v56  }
0x1ed: {  	v3 =	vor.u32 v3, v4  }
0x1ee: {  	v4 =	vperm.xlane v3, v0;
	_ =	sdelay $0x1  }
0x1ef: {  	v3 =	vperm.xlane v3, v2;
	v4 =	vadd.s32 v1, v4;
	_ =	sdelay $0x1  }
0x1f0: {  	v3 =	vadd.s32 v1, v3;
	_ =	sdelay $0x2  }
0x1f1: {  	[tilespmem:s13], [sflag:$0x3] =	stream.indirect_vreg.gather [hbm4b:s3+s2], $0x80, v4, vm0, $0xb8;
	[tilespmem:$0x18680] =	vst v63  }
0x1f2: {  	s14 =	simm.s32 $0x10E80  }
0x1f3: {  	[tilespmem:s14], [sflag:$0x3] =	stream.indirect_vreg.gather [hbm4b:s3+s2], $0x80, v3, vm0, $0xb8;
	[tilespmem:$0x18680] =	vst v63  }
0x1f4: {  	v3 =	vld [tilespmem:$0x290];
	_ =	sdelay $0x4  }
0x1f5: {  	v57 =	vshll.u32 v3, $0x1  }
0x1f6: {  	v3 =	vand.u32 $0x7, v3;
	v4 =	vand.u32 $0xFFFFFFF0, v57  }
0x1f7: {  	v3 =	vor.u32 v3, v4  }
0x1f8: {  	v4 =	vperm.xlane v3, v0;
	_ =	sdelay $0x1  }
0x1f9: {  	v3 =	vperm.xlane v3, v2;
	v4 =	vadd.s32 v1, v4;
	_ =	sdelay $0x1  }
0x1fa: {  	v3 =	vadd.s32 v1, v3;
	_ =	sdelay $0x1  }
0x1fb: {  	s13 =	simm.s32 $0x11680  }
0x1fc: {  	[tilespmem:s13], [sflag:$0x3] =	stream.indirect_vreg.gather [hbm4b:s3+s2], $0x80, v4, vm0, $0xb8;
	[tilespmem:$0x18680] =	vst v63  }
0x1fd: {  	s15 =	simm.s32 $0x11E80  }
0x1fe: {  	[tilespmem:s15], [sflag:$0x3] =	stream.indirect_vreg.gather [hbm4b:s3+s2], $0x80, v3, vm0, $0xb8;
	[tilespmem:$0x18680] =	vst v63  }
0x1ff: {  	v3 =	vld [tilespmem:$0x2A0];
	_ =	sdelay $0x4  }
0x200: {  	v58 =	vshll.u32 v3, $0x1  }
0x201: {  	v3 =	vand.u32 $0x7, v3;
	v4 =	vand.u32 $0xFFFFFFF0, v58  }
0x202: {  	v3 =	vor.u32 v3, v4  }
0x203: {  	v4 =	vperm.xlane v3, v0;
	_ =	sdelay $0x1  }
0x204: {  	v3 =	vperm.xlane v3, v2;
	v4 =	vadd.s32 v1, v4;
	_ =	sdelay $0x1  }
0x205: {  	v3 =	vadd.s32 v1, v3;
	_ =	sdelay $0x1  }
0x206: {  	s14 =	simm.s32 $0x12680  }
0x207: {  	[tilespmem:s14], [sflag:$0x3] =	stream.indirect_vreg.gather [hbm4b:s3+s2], $0x80, v4, vm0, $0xb8;
	[tilespmem:$0x18680] =	vst v63  }
0x208: {  	s16 =	simm.s32 $0x12E80  }
0x209: {  	[tilespmem:s16], [sflag:$0x3] =	stream.indirect_vreg.gather [hbm4b:s3+s2], $0x80, v3, vm0, $0xb8;
	[tilespmem:$0x18680] =	vst v63  }
0x20a: {  	v3 =	vld [tilespmem:$0x2B0];
	_ =	sdelay $0x4  }
0x20b: {  	v59 =	vshll.u32 v3, $0x1  }
0x20c: {  	v3 =	vand.u32 $0x7, v3;
	v4 =	vand.u32 $0xFFFFFFF0, v59  }
0x20d: {  	v3 =	vor.u32 v3, v4  }
0x20e: {  	v4 =	vperm.xlane v3, v0;
	_ =	sdelay $0x1  }
0x20f: {  	v3 =	vperm.xlane v3, v2;
	v4 =	vadd.s32 v1, v4;
	_ =	sdelay $0x1  }
0x210: {  	v3 =	vadd.s32 v1, v3;
	_ =	sdelay $0x1  }
0x211: {  	s15 =	simm.s32 $0x13680  }
0x212: {  	[tilespmem:s15], [sflag:$0x3] =	stream.indirect_vreg.gather [hbm4b:s3+s2], $0x80, v4, vm0, $0xb8;
	[tilespmem:$0x18680] =	vst v63  }
0x213: {  	s17 =	simm.s32 $0x13E80  }
0x214: {  	[tilespmem:s17], [sflag:$0x3] =	stream.indirect_vreg.gather [hbm4b:s3+s2], $0x80, v3, vm0, $0xb8;
	[tilespmem:$0x18680] =	vst v63  }
0x215: {  	v3 =	vld [tilespmem:$0x2C0];
	_ =	sdelay $0x4  }
0x216: {  	v60 =	vshll.u32 v3, $0x1  }
0x217: {  	v3 =	vand.u32 $0x7, v3;
	v4 =	vand.u32 $0xFFFFFFF0, v60  }
0x218: {  	v3 =	vor.u32 v3, v4  }
0x219: {  	v4 =	vperm.xlane v3, v0;
	_ =	sdelay $0x1  }
0x21a: {  	v3 =	vperm.xlane v3, v2;
	v4 =	vadd.s32 v1, v4;
	_ =	sdelay $0x1  }
0x21b: {  	v3 =	vadd.s32 v1, v3;
	_ =	sdelay $0x1  }
0x21c: {  	s16 =	simm.s32 $0x14680  }
0x21d: {  	[tilespmem:s16], [sflag:$0x3] =	stream.indirect_vreg.gather [hbm4b:s3+s2], $0x80, v4, vm0, $0xb8;
	[tilespmem:$0x18680] =	vst v63  }
0x21e: {  	s18 =	simm.s32 $0x14E80  }
0x21f: {  	[tilespmem:s18], [sflag:$0x3] =	stream.indirect_vreg.gather [hbm4b:s3+s2], $0x80, v3, vm0, $0xb8;
	[tilespmem:$0x18680] =	vst v63  }
0x220: {  	v3 =	vld [tilespmem:$0x2D0];
	_ =	sdelay $0x4  }
0x221: {  	v61 =	vshll.u32 v3, $0x1  }
0x222: {  	v3 =	vand.u32 $0x7, v3;
	v4 =	vand.u32 $0xFFFFFFF0, v61  }
0x223: {  	v3 =	vor.u32 v3, v4  }
0x224: {  	v4 =	vperm.xlane v3, v0;
	_ =	sdelay $0x1  }
0x225: {  	v3 =	vperm.xlane v3, v2;
	v4 =	vadd.s32 v1, v4;
	_ =	sdelay $0x1  }
0x226: {  	v3 =	vadd.s32 v1, v3;
	_ =	sdelay $0x1  }
0x227: {  	s17 =	simm.s32 $0x15680  }
0x228: {  	[tilespmem:s17], [sflag:$0x3] =	stream.indirect_vreg.gather [hbm4b:s3+s2], $0x80, v4, vm0, $0xb8;
	[tilespmem:$0x18680] =	vst v63  }
0x229: {  	s19 =	simm.s32 $0x15E80  }
0x22a: {  	[tilespmem:s19], [sflag:$0x3] =	stream.indirect_vreg.gather [hbm4b:s3+s2], $0x80, v3, vm0, $0xb8;
	[tilespmem:$0x18680] =	vst v63  }
0x22b: {  	v3 =	vld [tilespmem:$0x2E0];
	_ =	sdelay $0x4  }
0x22c: {  	v62 =	vshll.u32 v3, $0x1  }
0x22d: {  	v3 =	vand.u32 $0x7, v3;
	v4 =	vand.u32 $0xFFFFFFF0, v62  }
0x22e: {  	v3 =	vor.u32 v3, v4  }
0x22f: {  	v4 =	vperm.xlane v3, v0;
	_ =	sdelay $0x1  }
0x230: {  	v3 =	vperm.xlane v3, v2;
	v4 =	vadd.s32 v1, v4;
	_ =	sdelay $0x1  }
0x231: {  	v3 =	vadd.s32 v1, v3;
	_ =	sdelay $0x1  }
0x232: {  	s18 =	simm.s32 $0x16680  }
0x233: {  	[tilespmem:s18], [sflag:$0x3] =	stream.indirect_vreg.gather [hbm4b:s3+s2], $0x80, v4, vm0, $0xb8;
	[tilespmem:$0x18680] =	vst v63  }
0x234: {  	s20 =	simm.s32 $0x16E80  }
0x235: {  	[tilespmem:s20], [sflag:$0x3] =	stream.indirect_vreg.gather [hbm4b:s3+s2], $0x80, v3, vm0, $0xb8;
	[tilespmem:$0x18680] =	vst v63  }
0x236: {  	v3 =	vld [tilespmem:$0x2F0];
	_ =	sdelay $0x4  }
0x237: {  	v63 =	vshll.u32 v3, $0x1  }
0x238: {  	v3 =	vand.u32 $0x7, v3;
	v4 =	vand.u32 $0xFFFFFFF0, v63  }
0x239: {  	v3 =	vor.u32 v3, v4  }
0x23a: {  	v4 =	vperm.xlane v3, v0;
	_ =	sdelay $0x1  }
0x23b: {  	v3 =	vperm.xlane v3, v2;
	v4 =	vadd.s32 v1, v4;
	_ =	sdelay $0x1  }
0x23c: {  	v3 =	vadd.s32 v1, v3;
	_ =	sdelay $0x1  }
0x23d: {  	s19 =	simm.s32 $0x17680  }
0x23e: {  	[tilespmem:s19], [sflag:$0x3] =	stream.indirect_vreg.gather [hbm4b:s3+s2], $0x80, v4, vm0, $0xb8;
	[tilespmem:$0x18680] =	vst v63  }
0x23f: {  	s5 =	simm.s32 $0x17E80  }
0x240: {  	[tilespmem:s5], [sflag:$0x3] =	stream.indirect_vreg.gather [hbm4b:s3+s2], $0x80, v3, vm0, $0xb8;
	[tilespmem:$0x18680] =	vst v63  }
0x241: {  	_ =	swait.ge [sflag:s26], $0x8000  }
0x242: {  	[sflag:s26] =	ssyncset.done $0x0  }
0x243: {  	s5 =	simm.s32 $0x8680;
	s1 =	rddreg [dreg:$0x7];
	[sflag:s26] =	ssyncadd.s32 $0xFFFF8000  }
0x244: {  	[hbm4b:s1+s2] =	stream.linear.scatter [tilespmem:s5], [sflag:$0x5], $0x8000, $0x38;
	[tilespmem:$0x18680] =	vst v63  }
0x245: {  	_ =	swait.ge [sflag:s25], $0x8000  }
0x246: {  	[sflag:s25] =	ssyncset.done $0x0  }
0x247: {  	[sflag:s25] =	ssyncadd.s32 $0xFFFF8000  }
0x248: {  	v3 =	vld [tilespmem:$0x300];
	_ =	sdelay $0x4  }
0x249: {  	v8 =	vshll.u32 v3, $0x1  }
0x24a: {  	v3 =	vand.u32 $0x7, v3;
	v4 =	vand.u32 $0xFFFFFFF0, v8  }
0x24b: {  	v3 =	vor.u32 v3, v4  }
0x24c: {  	v4 =	vperm.xlane v3, v0;
	_ =	sdelay $0x1  }
0x24d: {  	v3 =	vperm.xlane v3, v2;
	v4 =	vadd.s32 v1, v4;
	_ =	sdelay $0x1  }
0x24e: {  	v3 =	vadd.s32 v1, v3;
	_ =	sdelay $0x1  }
0x24f: {  	s4 =	simm.s32 $0x680  }
0x250: {  	[tilespmem:s4], [sflag:$0x1] =	stream.indirect_vreg.gather [hbm4b:s3+s2], $0x80, v4, vm0, $0xb8;
	[tilespmem:$0x18680] =	vst v63  }
0x251: {  	s4 =	simm.s32 $0xE80  }
0x252: {  	[tilespmem:s4], [sflag:$0x1] =	stream.indirect_vreg.gather [hbm4b:s3+s2], $0x80, v3, vm0, $0xb8;
	[tilespmem:$0x18680] =	vst v63  }
0x253: {  	v3 =	vld [tilespmem:$0x310];
	_ =	sdelay $0x4  }
0x254: {  	v9 =	vshll.u32 v3, $0x1  }
0x255: {  	v3 =	vand.u32 $0x7, v3;
	v4 =	vand.u32 $0xFFFFFFF0, v9  }
0x256: {  	v3 =	vor.u32 v3, v4  }
0x257: {  	v4 =	vperm.xlane v3, v0;
	_ =	sdelay $0x1  }
0x258: {  	v3 =	vperm.xlane v3, v2;
	v4 =	vadd.s32 v1, v4;
	_ =	sdelay $0x1  }
0x259: {  	v3 =	vadd.s32 v1, v3;
	_ =	sdelay $0x1  }
0x25a: {  	s4 =	simm.s32 $0x1680  }
0x25b: {  	[tilespmem:s4], [sflag:$0x1] =	stream.indirect_vreg.gather [hbm4b:s3+s2], $0x80, v4, vm0, $0xb8;
	[tilespmem:$0x18680] =	vst v63  }
0x25c: {  	s4 =	simm.s32 $0x1E80  }
0x25d: {  	[tilespmem:s4], [sflag:$0x1] =	stream.indirect_vreg.gather [hbm4b:s3+s2], $0x80, v3, vm0, $0xb8;
	[tilespmem:$0x18680] =	vst v63  }
0x25e: {  	v3 =	vld [tilespmem:$0x320];
	_ =	sdelay $0x4  }
0x25f: {  	v10 =	vshll.u32 v3, $0x1  }
0x260: {  	v3 =	vand.u32 $0x7, v3;
	v4 =	vand.u32 $0xFFFFFFF0, v10  }
0x261: {  	v3 =	vor.u32 v3, v4  }
0x262: {  	v4 =	vperm.xlane v3, v0;
	_ =	sdelay $0x1  }
0x263: {  	v3 =	vperm.xlane v3, v2;
	v4 =	vadd.s32 v1, v4;
	_ =	sdelay $0x1  }
0x264: {  	v3 =	vadd.s32 v1, v3;
	_ =	sdelay $0x1  }
0x265: {  	s4 =	simm.s32 $0x2680  }
0x266: {  	[tilespmem:s4], [sflag:$0x1] =	stream.indirect_vreg.gather [hbm4b:s3+s2], $0x80, v4, vm0, $0xb8;
	[tilespmem:$0x18680] =	vst v63  }
0x267: {  	s4 =	simm.s32 $0x2E80  }
0x268: {  	[tilespmem:s4], [sflag:$0x1] =	stream.indirect_vreg.gather [hbm4b:s3+s2], $0x80, v3, vm0, $0xb8;
	[tilespmem:$0x18680] =	vst v63  }
0x269: {  	v3 =	vld [tilespmem:$0x330];
	_ =	sdelay $0x4  }
0x26a: {  	v11 =	vshll.u32 v3, $0x1  }
0x26b: {  	v3 =	vand.u32 $0x7, v3;
	v4 =	vand.u32 $0xFFFFFFF0, v11  }
0x26c: {  	v3 =	vor.u32 v3, v4  }
0x26d: {  	v4 =	vperm.xlane v3, v0;
	_ =	sdelay $0x1  }
0x26e: {  	v3 =	vperm.xlane v3, v2;
	v4 =	vadd.s32 v1, v4;
	_ =	sdelay $0x1  }
0x26f: {  	v3 =	vadd.s32 v1, v3;
	_ =	sdelay $0x2  }
0x270: {  	[tilespmem:s22], [sflag:$0x1] =	stream.indirect_vreg.gather [hbm4b:s3+s2], $0x80, v4, vm0, $0xb8;
	[tilespmem:$0x18680] =	vst v63  }
0x271: {  	s22 =	simm.s32 $0x3E80  }
0x272: {  	[tilespmem:s22], [sflag:$0x1] =	stream.indirect_vreg.gather [hbm4b:s3+s2], $0x80, v3, vm0, $0xb8;
	[tilespmem:$0x18680] =	vst v63  }
0x273: {  	v3 =	vld [tilespmem:$0x340];
	_ =	sdelay $0x4  }
0x274: {  	v12 =	vshll.u32 v3, $0x1  }
0x275: {  	v3 =	vand.u32 $0x7, v3;
	v4 =	vand.u32 $0xFFFFFFF0, v12  }
0x276: {  	v3 =	vor.u32 v3, v4  }
0x277: {  	v4 =	vperm.xlane v3, v0;
	_ =	sdelay $0x1  }
0x278: {  	v3 =	vperm.xlane v3, v2;
	v4 =	vadd.s32 v1, v4;
	_ =	sdelay $0x1  }
0x279: {  	v3 =	vadd.s32 v1, v3;
	_ =	sdelay $0x2  }
0x27a: {  	[tilespmem:s21], [sflag:$0x1] =	stream.indirect_vreg.gather [hbm4b:s3+s2], $0x80, v4, vm0, $0xb8;
	[tilespmem:$0x18680] =	vst v63  }
0x27b: {  	_ = 	snop  }
0x27c: {  	[tilespmem:s10], [sflag:$0x1] =	stream.indirect_vreg.gather [hbm4b:s3+s2], $0x80, v3, vm0, $0xb8;
	[tilespmem:$0x18680] =	vst v63  }
0x27d: {  	v3 =	vld [tilespmem:$0x350];
	_ =	sdelay $0x4  }
0x27e: {  	v13 =	vshll.u32 v3, $0x1  }
0x27f: {  	v3 =	vand.u32 $0x7, v3;
	v4 =	vand.u32 $0xFFFFFFF0, v13  }
0x280: {  	v3 =	vor.u32 v3, v4  }
0x281: {  	v4 =	vperm.xlane v3, v0;
	_ =	sdelay $0x1  }
0x282: {  	v3 =	vperm.xlane v3, v2;
	v4 =	vadd.s32 v1, v4;
	_ =	sdelay $0x1  }
0x283: {  	v3 =	vadd.s32 v1, v3;
	_ =	sdelay $0x1  }
0x284: {  	s4 =	simm.s32 $0x5680  }
0x285: {  	[tilespmem:s4], [sflag:$0x1] =	stream.indirect_vreg.gather [hbm4b:s3+s2], $0x80, v4, vm0, $0xb8;
	[tilespmem:$0x18680] =	vst v63  }
0x286: {  	_ = 	snop  }
0x287: {  	[tilespmem:s11], [sflag:$0x1] =	stream.indirect_vreg.gather [hbm4b:s3+s2], $0x80, v3, vm0, $0xb8;
	[tilespmem:$0x18680] =	vst v63  }
0x288: {  	v3 =	vld [tilespmem:$0x360];
	_ =	sdelay $0x4  }
0x289: {  	v14 =	vshll.u32 v3, $0x1  }
0x28a: {  	v3 =	vand.u32 $0x7, v3;
	v4 =	vand.u32 $0xFFFFFFF0, v14  }
0x28b: {  	v3 =	vor.u32 v3, v4  }
0x28c: {  	v4 =	vperm.xlane v3, v0;
	_ =	sdelay $0x1  }
0x28d: {  	v3 =	vperm.xlane v3, v2;
	v4 =	vadd.s32 v1, v4;
	_ =	sdelay $0x1  }
0x28e: {  	v3 =	vadd.s32 v1, v3;
	_ =	sdelay $0x2  }
0x28f: {  	[tilespmem:s8], [sflag:$0x1] =	stream.indirect_vreg.gather [hbm4b:s3+s2], $0x80, v4, vm0, $0xb8;
	[tilespmem:$0x18680] =	vst v63  }
0x290: {  	_ = 	snop  }
0x291: {  	[tilespmem:s12], [sflag:$0x1] =	stream.indirect_vreg.gather [hbm4b:s3+s2], $0x80, v3, vm0, $0xb8;
	[tilespmem:$0x18680] =	vst v63  }
0x292: {  	v3 =	vld [tilespmem:$0x370];
	_ =	sdelay $0x4  }
0x293: {  	v15 =	vshll.u32 v3, $0x1  }
0x294: {  	v3 =	vand.u32 $0x7, v3;
	v4 =	vand.u32 $0xFFFFFFF0, v15  }
0x295: {  	v3 =	vor.u32 v3, v4  }
0x296: {  	v4 =	vperm.xlane v3, v0;
	_ =	sdelay $0x1  }
0x297: {  	v3 =	vperm.xlane v3, v2;
	v4 =	vadd.s32 v1, v4;
	_ =	sdelay $0x1  }
0x298: {  	v3 =	vadd.s32 v1, v3;
	_ =	sdelay $0x2  }
0x299: {  	[tilespmem:s9], [sflag:$0x1] =	stream.indirect_vreg.gather [hbm4b:s3+s2], $0x80, v4, vm0, $0xb8;
	[tilespmem:$0x18680] =	vst v63  }
0x29a: {  	s8 =	simm.s32 $0x7E80  }
0x29b: {  	[tilespmem:s8], [sflag:$0x1] =	stream.indirect_vreg.gather [hbm4b:s3+s2], $0x80, v3, vm0, $0xb8;
	[tilespmem:$0x18680] =	vst v63  }
0x29c: {  	_ =	swait.ge [sflag:s30], $0x8000  }
0x29d: {  	[sflag:s30] =	ssyncset.done $0x0  }
0x29e: {  	s6 =	simm.s32 $0x10680;
	s9 =	rddreg [dreg:$0x8];
	[sflag:s30] =	ssyncadd.s32 $0xFFFF8000  }
0x29f: {  	[hbm4b:s9+s2] =	stream.linear.scatter [tilespmem:s6], [sflag:$0x6], $0x8000, $0x38;
	[tilespmem:$0x18680] =	vst v63  }
0x2a0: {  	_ =	swait.ge [sflag:s31], $0x8000  }
0x2a1: {  	[sflag:s31] =	ssyncset.done $0x0  }
0x2a2: {  	[sflag:s31] =	ssyncadd.s32 $0xFFFF8000  }
0x2a3: {  	v3 =	vld [tilespmem:$0x380];
	_ =	sdelay $0x4  }
0x2a4: {  	v16 =	vshll.u32 v3, $0x1  }
0x2a5: {  	v3 =	vand.u32 $0x7, v3;
	v4 =	vand.u32 $0xFFFFFFF0, v16  }
0x2a6: {  	v3 =	vor.u32 v3, v4  }
0x2a7: {  	v4 =	vperm.xlane v3, v0;
	_ =	sdelay $0x1  }
0x2a8: {  	v3 =	vperm.xlane v3, v2;
	v4 =	vadd.s32 v1, v4;
	_ =	sdelay $0x1  }
0x2a9: {  	v3 =	vadd.s32 v1, v3;
	_ =	sdelay $0x2  }
0x2aa: {  	[tilespmem:s5], [sflag:$0x2] =	stream.indirect_vreg.gather [hbm4b:s3+s2], $0x80, v4, vm0, $0xb8;
	[tilespmem:$0x18680] =	vst v63  }
0x2ab: {  	s10 =	simm.s32 $0x8E80  }
0x2ac: {  	[tilespmem:s10], [sflag:$0x2] =	stream.indirect_vreg.gather [hbm4b:s3+s2], $0x80, v3, vm0, $0xb8;
	[tilespmem:$0x18680] =	vst v63  }
0x2ad: {  	v3 =	vld [tilespmem:$0x390];
	_ =	sdelay $0x4  }
0x2ae: {  	v17 =	vshll.u32 v3, $0x1  }
0x2af: {  	v3 =	vand.u32 $0x7, v3;
	v4 =	vand.u32 $0xFFFFFFF0, v17  }
0x2b0: {  	v3 =	vor.u32 v3, v4  }
0x2b1: {  	v4 =	vperm.xlane v3, v0;
	_ =	sdelay $0x1  }
0x2b2: {  	v3 =	vperm.xlane v3, v2;
	v4 =	vadd.s32 v1, v4;
	_ =	sdelay $0x1  }
0x2b3: {  	v3 =	vadd.s32 v1, v3;
	_ =	sdelay $0x1  }
0x2b4: {  	s11 =	simm.s32 $0x9680  }
0x2b5: {  	[tilespmem:s11], [sflag:$0x2] =	stream.indirect_vreg.gather [hbm4b:s3+s2], $0x80, v4, vm0, $0xb8;
	[tilespmem:$0x18680] =	vst v63  }
0x2b6: {  	s12 =	simm.s32 $0x9E80  }
0x2b7: {  	[tilespmem:s12], [sflag:$0x2] =	stream.indirect_vreg.gather [hbm4b:s3+s2], $0x80, v3, vm0, $0xb8;
	[tilespmem:$0x18680] =	vst v63  }
0x2b8: {  	v3 =	vld [tilespmem:$0x3A0];
	_ =	sdelay $0x4  }
0x2b9: {  	v18 =	vshll.u32 v3, $0x1  }
0x2ba: {  	v3 =	vand.u32 $0x7, v3;
	v4 =	vand.u32 $0xFFFFFFF0, v18  }
0x2bb: {  	v3 =	vor.u32 v3, v4  }
0x2bc: {  	v4 =	vperm.xlane v3, v0;
	_ =	sdelay $0x1  }
0x2bd: {  	v3 =	vperm.xlane v3, v2;
	v4 =	vadd.s32 v1, v4;
	_ =	sdelay $0x1  }
0x2be: {  	v3 =	vadd.s32 v1, v3;
	_ =	sdelay $0x2  }
0x2bf: {  	[tilespmem:s23], [sflag:$0x2] =	stream.indirect_vreg.gather [hbm4b:s3+s2], $0x80, v4, vm0, $0xb8;
	[tilespmem:$0x18680] =	vst v63  }
0x2c0: {  	s21 =	simm.s32 $0xAE80  }
0x2c1: {  	[tilespmem:s21], [sflag:$0x2] =	stream.indirect_vreg.gather [hbm4b:s3+s2], $0x80, v3, vm0, $0xb8;
	[tilespmem:$0x18680] =	vst v63  }
0x2c2: {  	v3 =	vld [tilespmem:$0x3B0];
	_ =	sdelay $0x4  }
0x2c3: {  	v19 =	vshll.u32 v3, $0x1  }
0x2c4: {  	v3 =	vand.u32 $0x7, v3;
	v4 =	vand.u32 $0xFFFFFFF0, v19  }
0x2c5: {  	v3 =	vor.u32 v3, v4  }
0x2c6: {  	v4 =	vperm.xlane v3, v0;
	_ =	sdelay $0x1  }
0x2c7: {  	v3 =	vperm.xlane v3, v2;
	v4 =	vadd.s32 v1, v4;
	_ =	sdelay $0x1  }
0x2c8: {  	v3 =	vadd.s32 v1, v3;
	_ =	sdelay $0x1  }
0x2c9: {  	s22 =	simm.s32 $0xB680  }
0x2ca: {  	[tilespmem:s22], [sflag:$0x2] =	stream.indirect_vreg.gather [hbm4b:s3+s2], $0x80, v4, vm0, $0xb8;
	[tilespmem:$0x18680] =	vst v63  }
0x2cb: {  	s4 =	simm.s32 $0xBE80  }
0x2cc: {  	[tilespmem:s4], [sflag:$0x2] =	stream.indirect_vreg.gather [hbm4b:s3+s2], $0x80, v3, vm0, $0xb8;
	[tilespmem:$0x18680] =	vst v63  }
0x2cd: {  	v3 =	vld [tilespmem:$0x3C0];
	_ =	sdelay $0x4  }
0x2ce: {  	v20 =	vshll.u32 v3, $0x1  }
0x2cf: {  	v3 =	vand.u32 $0x7, v3;
	v4 =	vand.u32 $0xFFFFFFF0, v20  }
0x2d0: {  	v3 =	vor.u32 v3, v4  }
0x2d1: {  	v4 =	vperm.xlane v3, v0;
	_ =	sdelay $0x1  }
0x2d2: {  	v3 =	vperm.xlane v3, v2;
	v4 =	vadd.s32 v1, v4;
	_ =	sdelay $0x1  }
0x2d3: {  	v3 =	vadd.s32 v1, v3;
	_ =	sdelay $0x2  }
0x2d4: {  	[tilespmem:s24], [sflag:$0x2] =	stream.indirect_vreg.gather [hbm4b:s3+s2], $0x80, v4, vm0, $0xb8;
	[tilespmem:$0x18680] =	vst v63  }
0x2d5: {  	s5 =	simm.s32 $0xCE80  }
0x2d6: {  	[tilespmem:s5], [sflag:$0x2] =	stream.indirect_vreg.gather [hbm4b:s3+s2], $0x80, v3, vm0, $0xb8;
	[tilespmem:$0x18680] =	vst v63  }
0x2d7: {  	v3 =	vld [tilespmem:$0x3D0];
	_ =	sdelay $0x4  }
0x2d8: {  	v21 =	vshll.u32 v3, $0x1  }
0x2d9: {  	v3 =	vand.u32 $0x7, v3;
	v4 =	vand.u32 $0xFFFFFFF0, v21  }
0x2da: {  	v3 =	vor.u32 v3, v4  }
0x2db: {  	v4 =	vperm.xlane v3, v0;
	_ =	sdelay $0x1  }
0x2dc: {  	v3 =	vperm.xlane v3, v2;
	v4 =	vadd.s32 v1, v4;
	_ =	sdelay $0x1  }
0x2dd: {  	v3 =	vadd.s32 v1, v3;
	_ =	sdelay $0x2  }
0x2de: {  	[tilespmem:s29], [sflag:$0x2] =	stream.indirect_vreg.gather [hbm4b:s3+s2], $0x80, v4, vm0, $0xb8;
	[tilespmem:$0x18680] =	vst v63  }
0x2df: {  	s9 =	simm.s32 $0xDE80  }
0x2e0: {  	[tilespmem:s9], [sflag:$0x2] =	stream.indirect_vreg.gather [hbm4b:s3+s2], $0x80, v3, vm0, $0xb8;
	[tilespmem:$0x18680] =	vst v63  }
0x2e1: {  	v3 =	vld [tilespmem:$0x3E0];
	_ =	sdelay $0x4  }
0x2e2: {  	v22 =	vshll.u32 v3, $0x1  }
0x2e3: {  	v3 =	vand.u32 $0x7, v3;
	v4 =	vand.u32 $0xFFFFFFF0, v22  }
0x2e4: {  	v3 =	vor.u32 v3, v4  }
0x2e5: {  	v4 =	vperm.xlane v3, v0;
	_ =	sdelay $0x1  }
0x2e6: {  	v3 =	vperm.xlane v3, v2;
	v4 =	vadd.s32 v1, v4;
	_ =	sdelay $0x1  }
0x2e7: {  	v3 =	vadd.s32 v1, v3;
	_ =	sdelay $0x1  }
0x2e8: {  	s12 =	simm.s32 $0xE680  }
0x2e9: {  	[tilespmem:s12], [sflag:$0x2] =	stream.indirect_vreg.gather [hbm4b:s3+s2], $0x80, v4, vm0, $0xb8;
	[tilespmem:$0x18680] =	vst v63  }
0x2ea: {  	s22 =	simm.s32 $0xEE80  }
0x2eb: {  	[tilespmem:s22], [sflag:$0x2] =	stream.indirect_vreg.gather [hbm4b:s3+s2], $0x80, v3, vm0, $0xb8;
	[tilespmem:$0x18680] =	vst v63  }
0x2ec: {  	v3 =	vld [tilespmem:$0x3F0];
	_ =	sdelay $0x4  }
0x2ed: {  	v23 =	vshll.u32 v3, $0x1  }
0x2ee: {  	v3 =	vand.u32 $0x7, v3;
	v4 =	vand.u32 $0xFFFFFFF0, v23  }
0x2ef: {  	v3 =	vor.u32 v3, v4  }
0x2f0: {  	v4 =	vperm.xlane v3, v0;
	_ =	sdelay $0x1  }
0x2f1: {  	v3 =	vperm.xlane v3, v2;
	v4 =	vadd.s32 v1, v4;
	_ =	sdelay $0x1  }
0x2f2: {  	v3 =	vadd.s32 v1, v3;
	_ =	sdelay $0x1  }
0x2f3: {  	s4 =	simm.s32 $0xF680  }
0x2f4: {  	[tilespmem:s4], [sflag:$0x2] =	stream.indirect_vreg.gather [hbm4b:s3+s2], $0x80, v4, vm0, $0xb8;
	[tilespmem:$0x18680] =	vst v63  }
0x2f5: {  	s5 =	simm.s32 $0xFE80  }
0x2f6: {  	[tilespmem:s5], [sflag:$0x2] =	stream.indirect_vreg.gather [hbm4b:s3+s2], $0x80, v3, vm0, $0xb8;
	[tilespmem:$0x18680] =	vst v63  }
0x2f7: {  	_ =	swait.ge [sflag:s28], $0x8000  }
0x2f8: {  	[sflag:s28] =	ssyncset.done $0x0  }
0x2f9: {  	s4 =	simm.s32 $0x680;
	s9 =	rddreg [dreg:$0x9];
	[sflag:s28] =	ssyncadd.s32 $0xFFFF8000  }
0x2fa: {  	[hbm4b:s9+s2] =	stream.linear.scatter [tilespmem:s4], [sflag:$0x4], $0x8000, $0x38;
	[tilespmem:$0x18680] =	vst v63  }
0x2fb: {  	_ =	swait.ge [sflag:s0], $0x8000  }
0x2fc: {  	[sflag:s0] =	ssyncset.done $0x0  }
0x2fd: {  	[sflag:s0] =	ssyncadd.s32 $0xFFFF8000  }
0x2fe: {  	v3 =	vld [tilespmem:$0x400];
	_ =	sdelay $0x4  }
0x2ff: {  	v24 =	vshll.u32 v3, $0x1  }
0x300: {  	v3 =	vand.u32 $0x7, v3;
	v4 =	vand.u32 $0xFFFFFFF0, v24  }
0x301: {  	v3 =	vor.u32 v3, v4  }
0x302: {  	v4 =	vperm.xlane v3, v0;
	_ =	sdelay $0x1  }
0x303: {  	v3 =	vperm.xlane v3, v2;
	v4 =	vadd.s32 v1, v4;
	_ =	sdelay $0x1  }
0x304: {  	v3 =	vadd.s32 v1, v3;
	_ =	sdelay $0x1  }
0x305: {  	s6 =	simm.s32 $0x10680  }
0x306: {  	[tilespmem:s6], [sflag:$0x3] =	stream.indirect_vreg.gather [hbm4b:s3+s2], $0x80, v4, vm0, $0xb8;
	[tilespmem:$0x18680] =	vst v63  }
0x307: {  	s12 =	simm.s32 $0x10E80  }
0x308: {  	[tilespmem:s12], [sflag:$0x3] =	stream.indirect_vreg.gather [hbm4b:s3+s2], $0x80, v3, vm0, $0xb8;
	[tilespmem:$0x18680] =	vst v63  }
0x309: {  	v3 =	vld [tilespmem:$0x410];
	_ =	sdelay $0x4  }
0x30a: {  	v25 =	vshll.u32 v3, $0x1  }
0x30b: {  	v3 =	vand.u32 $0x7, v3;
	v4 =	vand.u32 $0xFFFFFFF0, v25  }
0x30c: {  	v3 =	vor.u32 v3, v4  }
0x30d: {  	v4 =	vperm.xlane v3, v0;
	_ =	sdelay $0x1  }
0x30e: {  	v3 =	vperm.xlane v3, v2;
	v4 =	vadd.s32 v1, v4;
	_ =	sdelay $0x1  }
0x30f: {  	v3 =	vadd.s32 v1, v3;
	_ =	sdelay $0x2  }
0x310: {  	[tilespmem:s13], [sflag:$0x3] =	stream.indirect_vreg.gather [hbm4b:s3+s2], $0x80, v4, vm0, $0xb8;
	[tilespmem:$0x18680] =	vst v63  }
0x311: {  	s13 =	simm.s32 $0x11E80  }
0x312: {  	[tilespmem:s13], [sflag:$0x3] =	stream.indirect_vreg.gather [hbm4b:s3+s2], $0x80, v3, vm0, $0xb8;
	[tilespmem:$0x18680] =	vst v63  }
0x313: {  	v3 =	vld [tilespmem:$0x420];
	_ =	sdelay $0x4  }
0x314: {  	v26 =	vshll.u32 v3, $0x1  }
0x315: {  	v3 =	vand.u32 $0x7, v3;
	v4 =	vand.u32 $0xFFFFFFF0, v26  }
0x316: {  	v3 =	vor.u32 v3, v4  }
0x317: {  	v4 =	vperm.xlane v3, v0;
	_ =	sdelay $0x1  }
0x318: {  	v3 =	vperm.xlane v3, v2;
	v4 =	vadd.s32 v1, v4;
	_ =	sdelay $0x1  }
0x319: {  	v3 =	vadd.s32 v1, v3;
	_ =	sdelay $0x2  }
0x31a: {  	[tilespmem:s14], [sflag:$0x3] =	stream.indirect_vreg.gather [hbm4b:s3+s2], $0x80, v4, vm0, $0xb8;
	[tilespmem:$0x18680] =	vst v63  }
0x31b: {  	s14 =	simm.s32 $0x12E80  }
0x31c: {  	[tilespmem:s14], [sflag:$0x3] =	stream.indirect_vreg.gather [hbm4b:s3+s2], $0x80, v3, vm0, $0xb8;
	[tilespmem:$0x18680] =	vst v63  }
0x31d: {  	v3 =	vld [tilespmem:$0x430];
	_ =	sdelay $0x4  }
0x31e: {  	v27 =	vshll.u32 v3, $0x1  }
0x31f: {  	v3 =	vand.u32 $0x7, v3;
	v4 =	vand.u32 $0xFFFFFFF0, v27  }
0x320: {  	v3 =	vor.u32 v3, v4  }
0x321: {  	v4 =	vperm.xlane v3, v0;
	_ =	sdelay $0x1  }
0x322: {  	v3 =	vperm.xlane v3, v2;
	v4 =	vadd.s32 v1, v4;
	_ =	sdelay $0x1  }
0x323: {  	v3 =	vadd.s32 v1, v3;
	_ =	sdelay $0x2  }
0x324: {  	[tilespmem:s15], [sflag:$0x3] =	stream.indirect_vreg.gather [hbm4b:s3+s2], $0x80, v4, vm0, $0xb8;
	[tilespmem:$0x18680] =	vst v63  }
0x325: {  	s15 =	simm.s32 $0x13E80  }
0x326: {  	[tilespmem:s15], [sflag:$0x3] =	stream.indirect_vreg.gather [hbm4b:s3+s2], $0x80, v3, vm0, $0xb8;
	[tilespmem:$0x18680] =	vst v63  }
0x327: {  	v3 =	vld [tilespmem:$0x440];
	_ =	sdelay $0x4  }
0x328: {  	v28 =	vshll.u32 v3, $0x1  }
0x329: {  	v3 =	vand.u32 $0x7, v3;
	v4 =	vand.u32 $0xFFFFFFF0, v28  }
0x32a: {  	v3 =	vor.u32 v3, v4  }
0x32b: {  	v4 =	vperm.xlane v3, v0;
	_ =	sdelay $0x1  }
0x32c: {  	v3 =	vperm.xlane v3, v2;
	v4 =	vadd.s32 v1, v4;
	_ =	sdelay $0x1  }
0x32d: {  	v3 =	vadd.s32 v1, v3;
	_ =	sdelay $0x2  }
0x32e: {  	[tilespmem:s16], [sflag:$0x3] =	stream.indirect_vreg.gather [hbm4b:s3+s2], $0x80, v4, vm0, $0xb8;
	[tilespmem:$0x18680] =	vst v63  }
0x32f: {  	s16 =	simm.s32 $0x14E80  }
0x330: {  	[tilespmem:s16], [sflag:$0x3] =	stream.indirect_vreg.gather [hbm4b:s3+s2], $0x80, v3, vm0, $0xb8;
	[tilespmem:$0x18680] =	vst v63  }
0x331: {  	v3 =	vld [tilespmem:$0x450];
	_ =	sdelay $0x4  }
0x332: {  	v29 =	vshll.u32 v3, $0x1  }
0x333: {  	v3 =	vand.u32 $0x7, v3;
	v4 =	vand.u32 $0xFFFFFFF0, v29  }
0x334: {  	v3 =	vor.u32 v3, v4  }
0x335: {  	v4 =	vperm.xlane v3, v0;
	_ =	sdelay $0x1  }
0x336: {  	v3 =	vperm.xlane v3, v2;
	v4 =	vadd.s32 v1, v4;
	_ =	sdelay $0x1  }
0x337: {  	v3 =	vadd.s32 v1, v3;
	_ =	sdelay $0x2  }
0x338: {  	[tilespmem:s17], [sflag:$0x3] =	stream.indirect_vreg.gather [hbm4b:s3+s2], $0x80, v4, vm0, $0xb8;
	[tilespmem:$0x18680] =	vst v63  }
0x339: {  	s17 =	simm.s32 $0x15E80  }
0x33a: {  	[tilespmem:s17], [sflag:$0x3] =	stream.indirect_vreg.gather [hbm4b:s3+s2], $0x80, v3, vm0, $0xb8;
	[tilespmem:$0x18680] =	vst v63  }
0x33b: {  	v3 =	vld [tilespmem:$0x460];
	_ =	sdelay $0x4  }
0x33c: {  	v30 =	vshll.u32 v3, $0x1  }
0x33d: {  	v3 =	vand.u32 $0x7, v3;
	v4 =	vand.u32 $0xFFFFFFF0, v30  }
0x33e: {  	v3 =	vor.u32 v3, v4  }
0x33f: {  	v4 =	vperm.xlane v3, v0;
	_ =	sdelay $0x1  }
0x340: {  	v3 =	vperm.xlane v3, v2;
	v4 =	vadd.s32 v1, v4;
	_ =	sdelay $0x1  }
0x341: {  	v3 =	vadd.s32 v1, v3;
	_ =	sdelay $0x2  }
0x342: {  	[tilespmem:s18], [sflag:$0x3] =	stream.indirect_vreg.gather [hbm4b:s3+s2], $0x80, v4, vm0, $0xb8;
	[tilespmem:$0x18680] =	vst v63  }
0x343: {  	_ = 	snop  }
0x344: {  	[tilespmem:s20], [sflag:$0x3] =	stream.indirect_vreg.gather [hbm4b:s3+s2], $0x80, v3, vm0, $0xb8;
	[tilespmem:$0x18680] =	vst v63  }
0x345: {  	v3 =	vld [tilespmem:$0x470];
	_ =	sdelay $0x4  }
0x346: {  	v31 =	vshll.u32 v3, $0x1  }
0x347: {  	v3 =	vand.u32 $0x7, v3;
	v4 =	vand.u32 $0xFFFFFFF0, v31  }
0x348: {  	v3 =	vor.u32 v3, v4  }
0x349: {  	v4 =	vperm.xlane v3, v0;
	_ =	sdelay $0x1  }
0x34a: {  	v3 =	vperm.xlane v3, v2;
	v4 =	vadd.s32 v1, v4;
	_ =	sdelay $0x1  }
0x34b: {  	v3 =	vadd.s32 v1, v3;
	_ =	sdelay $0x2  }
0x34c: {  	[tilespmem:s19], [sflag:$0x3] =	stream.indirect_vreg.gather [hbm4b:s3+s2], $0x80, v4, vm0, $0xb8;
	[tilespmem:$0x18680] =	vst v63  }
0x34d: {  	s5 =	simm.s32 $0x17E80  }
0x34e: {  	[tilespmem:s5], [sflag:$0x3] =	stream.indirect_vreg.gather [hbm4b:s3+s2], $0x80, v3, vm0, $0xb8;
	[tilespmem:$0x18680] =	vst v63  }
0x34f: {  	_ =	swait.ge [sflag:s26], $0x8000  }
0x350: {  	[sflag:s26] =	ssyncset.done $0x0  }
0x351: {  	s8 =	simm.s32 $0x8680;
	s19 =	rddreg [dreg:$0xa];
	[sflag:s26] =	ssyncadd.s32 $0xFFFF8000  }
0x352: {  	[hbm4b:s19+s2] =	stream.linear.scatter [tilespmem:s8], [sflag:$0x5], $0x8000, $0x38;
	[tilespmem:$0x18680] =	vst v63  }
0x353: {  	_ =	swait.ge [sflag:s25], $0x8000  }
0x354: {  	[sflag:s25] =	ssyncset.done $0x0  }
0x355: {  	[sflag:s25] =	ssyncadd.s32 $0xFFFF8000  }
0x356: {  	v3 =	vld [tilespmem:$0x480];
	_ =	sdelay $0x4  }
0x357: {  	v32 =	vshll.u32 v3, $0x1  }
0x358: {  	v3 =	vand.u32 $0x7, v3;
	v4 =	vand.u32 $0xFFFFFFF0, v32  }
0x359: {  	v3 =	vor.u32 v3, v4  }
0x35a: {  	v4 =	vperm.xlane v3, v0;
	_ =	sdelay $0x1  }
0x35b: {  	v3 =	vperm.xlane v3, v2;
	v4 =	vadd.s32 v1, v4;
	_ =	sdelay $0x1  }
0x35c: {  	v3 =	vadd.s32 v1, v3;
	_ =	sdelay $0x2  }
0x35d: {  	[tilespmem:s4], [sflag:$0x1] =	stream.indirect_vreg.gather [hbm4b:s3+s2], $0x80, v4, vm0, $0xb8;
	[tilespmem:$0x18680] =	vst v63  }
0x35e: {  	s5 =	simm.s32 $0xE80  }
0x35f: {  	[tilespmem:s5], [sflag:$0x1] =	stream.indirect_vreg.gather [hbm4b:s3+s2], $0x80, v3, vm0, $0xb8;
	[tilespmem:$0x18680] =	vst v63  }
0x360: {  	v3 =	vld [tilespmem:$0x490];
	_ =	sdelay $0x4  }
0x361: {  	v33 =	vshll.u32 v3, $0x1  }
0x362: {  	v3 =	vand.u32 $0x7, v3;
	v4 =	vand.u32 $0xFFFFFFF0, v33  }
0x363: {  	v3 =	vor.u32 v3, v4  }
0x364: {  	v4 =	vperm.xlane v3, v0;
	_ =	sdelay $0x1  }
0x365: {  	v3 =	vperm.xlane v3, v2;
	v4 =	vadd.s32 v1, v4;
	_ =	sdelay $0x1  }
0x366: {  	v3 =	vadd.s32 v1, v3;
	_ =	sdelay $0x1  }
0x367: {  	s19 =	simm.s32 $0x1680  }
0x368: {  	[tilespmem:s19], [sflag:$0x1] =	stream.indirect_vreg.gather [hbm4b:s3+s2], $0x80, v4, vm0, $0xb8;
	[tilespmem:$0x18680] =	vst v63  }
0x369: {  	s20 =	simm.s32 $0x1E80  }
0x36a: {  	[tilespmem:s20], [sflag:$0x1] =	stream.indirect_vreg.gather [hbm4b:s3+s2], $0x80, v3, vm0, $0xb8;
	[tilespmem:$0x18680] =	vst v63  }
0x36b: {  	v3 =	vld [tilespmem:$0x4A0];
	_ =	sdelay $0x4  }
0x36c: {  	v34 =	vshll.u32 v3, $0x1  }
0x36d: {  	v3 =	vand.u32 $0x7, v3;
	v4 =	vand.u32 $0xFFFFFFF0, v34  }
0x36e: {  	v3 =	vor.u32 v3, v4  }
0x36f: {  	v4 =	vperm.xlane v3, v0;
	_ =	sdelay $0x1  }
0x370: {  	v3 =	vperm.xlane v3, v2;
	v4 =	vadd.s32 v1, v4;
	_ =	sdelay $0x1  }
0x371: {  	v3 =	vadd.s32 v1, v3;
	_ =	sdelay $0x1  }
0x372: {  	s20 =	simm.s32 $0x2680  }
0x373: {  	[tilespmem:s20], [sflag:$0x1] =	stream.indirect_vreg.gather [hbm4b:s3+s2], $0x80, v4, vm0, $0xb8;
	[tilespmem:$0x18680] =	vst v63  }
0x374: {  	s1 =	simm.s32 $0x2E80  }
0x375: {  	[tilespmem:s1], [sflag:$0x1] =	stream.indirect_vreg.gather [hbm4b:s3+s2], $0x80, v3, vm0, $0xb8;
	[tilespmem:$0x18680] =	vst v63  }
0x376: {  	v3 =	vld [tilespmem:$0x4B0];
	_ =	sdelay $0x4  }
0x377: {  	v35 =	vshll.u32 v3, $0x1  }
0x378: {  	v3 =	vand.u32 $0x7, v3;
	v4 =	vand.u32 $0xFFFFFFF0, v35  }
0x379: {  	v3 =	vor.u32 v3, v4  }
0x37a: {  	v4 =	vperm.xlane v3, v0;
	_ =	sdelay $0x1  }
0x37b: {  	v3 =	vperm.xlane v3, v2;
	v4 =	vadd.s32 v1, v4;
	_ =	sdelay $0x1  }
0x37c: {  	v3 =	vadd.s32 v1, v3;
	_ =	sdelay $0x1  }
0x37d: {  	s1 =	simm.s32 $0x3680  }
0x37e: {  	[tilespmem:s1], [sflag:$0x1] =	stream.indirect_vreg.gather [hbm4b:s3+s2], $0x80, v4, vm0, $0xb8;
	[tilespmem:$0x18680] =	vst v63  }
0x37f: {  	s1 =	simm.s32 $0x3E80  }
0x380: {  	[tilespmem:s1], [sflag:$0x1] =	stream.indirect_vreg.gather [hbm4b:s3+s2], $0x80, v3, vm0, $0xb8;
	[tilespmem:$0x18680] =	vst v63  }
0x381: {  	v3 =	vld [tilespmem:$0x4C0];
	_ =	sdelay $0x4  }
0x382: {  	v36 =	vshll.u32 v3, $0x1  }
0x383: {  	v3 =	vand.u32 $0x7, v3;
	v4 =	vand.u32 $0xFFFFFFF0, v36  }
0x384: {  	v3 =	vor.u32 v3, v4  }
0x385: {  	v4 =	vperm.xlane v3, v0;
	_ =	sdelay $0x1  }
0x386: {  	v3 =	vperm.xlane v3, v2;
	v4 =	vadd.s32 v1, v4;
	_ =	sdelay $0x1  }
0x387: {  	v3 =	vadd.s32 v1, v3;
	_ =	sdelay $0x1  }
0x388: {  	s1 =	simm.s32 $0x4680  }
0x389: {  	[tilespmem:s1], [sflag:$0x1] =	stream.indirect_vreg.gather [hbm4b:s3+s2], $0x80, v4, vm0, $0xb8;
	[tilespmem:$0x18680] =	vst v63  }
0x38a: {  	s1 =	simm.s32 $0x4E80  }
0x38b: {  	[tilespmem:s1], [sflag:$0x1] =	stream.indirect_vreg.gather [hbm4b:s3+s2], $0x80, v3, vm0, $0xb8;
	[tilespmem:$0x18680] =	vst v63  }
0x38c: {  	v3 =	vld [tilespmem:$0x4D0];
	_ =	sdelay $0x4  }
0x38d: {  	v37 =	vshll.u32 v3, $0x1  }
0x38e: {  	v3 =	vand.u32 $0x7, v3;
	v4 =	vand.u32 $0xFFFFFFF0, v37  }
0x38f: {  	v3 =	vor.u32 v3, v4  }
0x390: {  	v4 =	vperm.xlane v3, v0;
	_ =	sdelay $0x1  }
0x391: {  	v3 =	vperm.xlane v3, v2;
	v4 =	vadd.s32 v1, v4;
	_ =	sdelay $0x1  }
0x392: {  	v3 =	vadd.s32 v1, v3;
	_ =	sdelay $0x1  }
0x393: {  	s1 =	simm.s32 $0x5680  }
0x394: {  	[tilespmem:s1], [sflag:$0x1] =	stream.indirect_vreg.gather [hbm4b:s3+s2], $0x80, v4, vm0, $0xb8;
	[tilespmem:$0x18680] =	vst v63  }
0x395: {  	s1 =	simm.s32 $0x5E80  }
0x396: {  	[tilespmem:s1], [sflag:$0x1] =	stream.indirect_vreg.gather [hbm4b:s3+s2], $0x80, v3, vm0, $0xb8;
	[tilespmem:$0x18680] =	vst v63  }
0x397: {  	v3 =	vld [tilespmem:$0x4E0];
	_ =	sdelay $0x4  }
0x398: {  	v38 =	vshll.u32 v3, $0x1  }
0x399: {  	v3 =	vand.u32 $0x7, v3;
	v4 =	vand.u32 $0xFFFFFFF0, v38  }
0x39a: {  	v3 =	vor.u32 v3, v4  }
0x39b: {  	v4 =	vperm.xlane v3, v0;
	_ =	sdelay $0x1  }
0x39c: {  	v3 =	vperm.xlane v3, v2;
	v4 =	vadd.s32 v1, v4;
	_ =	sdelay $0x1  }
0x39d: {  	v3 =	vadd.s32 v1, v3;
	_ =	sdelay $0x1  }
0x39e: {  	s1 =	simm.s32 $0x6680  }
0x39f: {  	[tilespmem:s1], [sflag:$0x1] =	stream.indirect_vreg.gather [hbm4b:s3+s2], $0x80, v4, vm0, $0xb8;
	[tilespmem:$0x18680] =	vst v63  }
0x3a0: {  	s1 =	simm.s32 $0x6E80  }
0x3a1: {  	[tilespmem:s1], [sflag:$0x1] =	stream.indirect_vreg.gather [hbm4b:s3+s2], $0x80, v3, vm0, $0xb8;
	[tilespmem:$0x18680] =	vst v63  }
0x3a2: {  	v3 =	vld [tilespmem:$0x4F0];
	_ =	sdelay $0x4  }
0x3a3: {  	v39 =	vshll.u32 v3, $0x1  }
0x3a4: {  	v3 =	vand.u32 $0x7, v3;
	v4 =	vand.u32 $0xFFFFFFF0, v39  }
0x3a5: {  	v3 =	vor.u32 v3, v4  }
0x3a6: {  	v4 =	vperm.xlane v3, v0;
	_ =	sdelay $0x1  }
0x3a7: {  	v3 =	vperm.xlane v3, v2;
	v4 =	vadd.s32 v1, v4;
	_ =	sdelay $0x1  }
0x3a8: {  	v3 =	vadd.s32 v1, v3;
	_ =	sdelay $0x1  }
0x3a9: {  	s1 =	simm.s32 $0x7680  }
0x3aa: {  	[tilespmem:s1], [sflag:$0x1] =	stream.indirect_vreg.gather [hbm4b:s3+s2], $0x80, v4, vm0, $0xb8;
	[tilespmem:$0x18680] =	vst v63  }
0x3ab: {  	s1 =	simm.s32 $0x7E80  }
0x3ac: {  	[tilespmem:s1], [sflag:$0x1] =	stream.indirect_vreg.gather [hbm4b:s3+s2], $0x80, v3, vm0, $0xb8;
	[tilespmem:$0x18680] =	vst v63  }
0x3ad: {  	_ =	swait.ge [sflag:s30], $0x8000  }
0x3ae: {  	[sflag:s30] =	ssyncset.done $0x0  }
0x3af: {  	s1 =	rddreg [dreg:$0xb];
	[sflag:s30] =	ssyncadd.s32 $0xFFFF8000  }
0x3b0: {  	[hbm4b:s1+s2] =	stream.linear.scatter [tilespmem:s6], [sflag:$0x6], $0x8000, $0x38;
	[tilespmem:$0x18680] =	vst v63  }
0x3b1: {  	_ =	swait.ge [sflag:s31], $0x8000  }
0x3b2: {  	[sflag:s31] =	ssyncset.done $0x0  }
0x3b3: {  	[sflag:s31] =	ssyncadd.s32 $0xFFFF8000  }
0x3b4: {  	v3 =	vld [tilespmem:$0x500];
	_ =	sdelay $0x4  }
0x3b5: {  	v40 =	vshll.u32 v3, $0x1  }
0x3b6: {  	v3 =	vand.u32 $0x7, v3;
	v4 =	vand.u32 $0xFFFFFFF0, v40  }
0x3b7: {  	v3 =	vor.u32 v3, v4  }
0x3b8: {  	v4 =	vperm.xlane v3, v0;
	_ =	sdelay $0x1  }
0x3b9: {  	v3 =	vperm.xlane v3, v2;
	v4 =	vadd.s32 v1, v4;
	_ =	sdelay $0x1  }
0x3ba: {  	v3 =	vadd.s32 v1, v3;
	_ =	sdelay $0x2  }
0x3bb: {  	[tilespmem:s8], [sflag:$0x2] =	stream.indirect_vreg.gather [hbm4b:s3+s2], $0x80, v4, vm0, $0xb8;
	[tilespmem:$0x18680] =	vst v63  }
0x3bc: {  	s1 =	simm.s32 $0x8E80  }
0x3bd: {  	[tilespmem:s1], [sflag:$0x2] =	stream.indirect_vreg.gather [hbm4b:s3+s2], $0x80, v3, vm0, $0xb8;
	[tilespmem:$0x18680] =	vst v63  }
0x3be: {  	v3 =	vld [tilespmem:$0x510];
	_ =	sdelay $0x4  }
0x3bf: {  	v41 =	vshll.u32 v3, $0x1  }
0x3c0: {  	v3 =	vand.u32 $0x7, v3;
	v4 =	vand.u32 $0xFFFFFFF0, v41  }
0x3c1: {  	v3 =	vor.u32 v3, v4  }
0x3c2: {  	v4 =	vperm.xlane v3, v0;
	_ =	sdelay $0x1  }
0x3c3: {  	v3 =	vperm.xlane v3, v2;
	v4 =	vadd.s32 v1, v4;
	_ =	sdelay $0x1  }
0x3c4: {  	v3 =	vadd.s32 v1, v3;
	_ =	sdelay $0x1  }
0x3c5: {  	s1 =	simm.s32 $0x9680  }
0x3c6: {  	[tilespmem:s1], [sflag:$0x2] =	stream.indirect_vreg.gather [hbm4b:s3+s2], $0x80, v4, vm0, $0xb8;
	[tilespmem:$0x18680] =	vst v63  }
0x3c7: {  	s1 =	simm.s32 $0x9E80  }
0x3c8: {  	[tilespmem:s1], [sflag:$0x2] =	stream.indirect_vreg.gather [hbm4b:s3+s2], $0x80, v3, vm0, $0xb8;
	[tilespmem:$0x18680] =	vst v63  }
0x3c9: {  	v3 =	vld [tilespmem:$0x520];
	_ =	sdelay $0x4  }
0x3ca: {  	v42 =	vshll.u32 v3, $0x1  }
0x3cb: {  	v3 =	vand.u32 $0x7, v3;
	v4 =	vand.u32 $0xFFFFFFF0, v42  }
0x3cc: {  	v3 =	vor.u32 v3, v4  }
0x3cd: {  	v4 =	vperm.xlane v3, v0;
	_ =	sdelay $0x1  }
0x3ce: {  	v3 =	vperm.xlane v3, v2;
	v4 =	vadd.s32 v1, v4;
	_ =	sdelay $0x1  }
0x3cf: {  	v3 =	vadd.s32 v1, v3;
	_ =	sdelay $0x1  }
0x3d0: {  	s23 =	simm.s32 $0xA680  }
0x3d1: {  	[tilespmem:s23], [sflag:$0x2] =	stream.indirect_vreg.gather [hbm4b:s3+s2], $0x80, v4, vm0, $0xb8;
	[tilespmem:$0x18680] =	vst v63  }
0x3d2: {  	s23 =	simm.s32 $0xAE80  }
0x3d3: {  	[tilespmem:s23], [sflag:$0x2] =	stream.indirect_vreg.gather [hbm4b:s3+s2], $0x80, v3, vm0, $0xb8;
	[tilespmem:$0x18680] =	vst v63  }
0x3d4: {  	v3 =	vld [tilespmem:$0x530];
	_ =	sdelay $0x4  }
0x3d5: {  	v43 =	vshll.u32 v3, $0x1  }
0x3d6: {  	v3 =	vand.u32 $0x7, v3;
	v4 =	vand.u32 $0xFFFFFFF0, v43  }
0x3d7: {  	v3 =	vor.u32 v3, v4  }
0x3d8: {  	v4 =	vperm.xlane v3, v0;
	_ =	sdelay $0x1  }
0x3d9: {  	v3 =	vperm.xlane v3, v2;
	v4 =	vadd.s32 v1, v4;
	_ =	sdelay $0x1  }
0x3da: {  	v3 =	vadd.s32 v1, v3;
	_ =	sdelay $0x1  }
0x3db: {  	s23 =	simm.s32 $0xB680  }
0x3dc: {  	[tilespmem:s23], [sflag:$0x2] =	stream.indirect_vreg.gather [hbm4b:s3+s2], $0x80, v4, vm0, $0xb8;
	[tilespmem:$0x18680] =	vst v63  }
0x3dd: {  	s10 =	simm.s32 $0xBE80  }
0x3de: {  	[tilespmem:s10], [sflag:$0x2] =	stream.indirect_vreg.gather [hbm4b:s3+s2], $0x80, v3, vm0, $0xb8;
	[tilespmem:$0x18680] =	vst v63  }
0x3df: {  	v3 =	vld [tilespmem:$0x540];
	_ =	sdelay $0x4  }
0x3e0: {  	v44 =	vshll.u32 v3, $0x1  }
0x3e1: {  	v3 =	vand.u32 $0x7, v3;
	v4 =	vand.u32 $0xFFFFFFF0, v44  }
0x3e2: {  	v3 =	vor.u32 v3, v4  }
0x3e3: {  	v4 =	vperm.xlane v3, v0;
	_ =	sdelay $0x1  }
0x3e4: {  	v3 =	vperm.xlane v3, v2;
	v4 =	vadd.s32 v1, v4;
	_ =	sdelay $0x1  }
0x3e5: {  	v3 =	vadd.s32 v1, v3;
	_ =	sdelay $0x1  }
0x3e6: {  	s24 =	simm.s32 $0xC680  }
0x3e7: {  	[tilespmem:s24], [sflag:$0x2] =	stream.indirect_vreg.gather [hbm4b:s3+s2], $0x80, v4, vm0, $0xb8;
	[tilespmem:$0x18680] =	vst v63  }
0x3e8: {  	s11 =	simm.s32 $0xCE80  }
0x3e9: {  	[tilespmem:s11], [sflag:$0x2] =	stream.indirect_vreg.gather [hbm4b:s3+s2], $0x80, v3, vm0, $0xb8;
	[tilespmem:$0x18680] =	vst v63  }
0x3ea: {  	v3 =	vld [tilespmem:$0x550];
	_ =	sdelay $0x4  }
0x3eb: {  	v45 =	vshll.u32 v3, $0x1  }
0x3ec: {  	v3 =	vand.u32 $0x7, v3;
	v4 =	vand.u32 $0xFFFFFFF0, v45  }
0x3ed: {  	v3 =	vor.u32 v3, v4  }
0x3ee: {  	v4 =	vperm.xlane v3, v0;
	_ =	sdelay $0x1  }
0x3ef: {  	v3 =	vperm.xlane v3, v2;
	v4 =	vadd.s32 v1, v4;
	_ =	sdelay $0x1  }
0x3f0: {  	v3 =	vadd.s32 v1, v3;
	_ =	sdelay $0x1  }
0x3f1: {  	s29 =	simm.s32 $0xD680  }
0x3f2: {  	[tilespmem:s29], [sflag:$0x2] =	stream.indirect_vreg.gather [hbm4b:s3+s2], $0x80, v4, vm0, $0xb8;
	[tilespmem:$0x18680] =	vst v63  }
0x3f3: {  	s21 =	simm.s32 $0xDE80  }
0x3f4: {  	[tilespmem:s21], [sflag:$0x2] =	stream.indirect_vreg.gather [hbm4b:s3+s2], $0x80, v3, vm0, $0xb8;
	[tilespmem:$0x18680] =	vst v63  }
0x3f5: {  	v3 =	vld [tilespmem:$0x560];
	_ =	sdelay $0x4  }
0x3f6: {  	v46 =	vshll.u32 v3, $0x1  }
0x3f7: {  	v3 =	vand.u32 $0x7, v3;
	v4 =	vand.u32 $0xFFFFFFF0, v46  }
0x3f8: {  	v3 =	vor.u32 v3, v4  }
0x3f9: {  	v4 =	vperm.xlane v3, v0;
	_ =	sdelay $0x1  }
0x3fa: {  	v3 =	vperm.xlane v3, v2;
	v4 =	vadd.s32 v1, v4;
	_ =	sdelay $0x1  }
0x3fb: {  	v3 =	vadd.s32 v1, v3;
	_ =	sdelay $0x1  }
0x3fc: {  	s24 =	simm.s32 $0xE680  }
0x3fd: {  	[tilespmem:s24], [sflag:$0x2] =	stream.indirect_vreg.gather [hbm4b:s3+s2], $0x80, v4, vm0, $0xb8;
	[tilespmem:$0x18680] =	vst v63  }
0x3fe: {  	s22 =	simm.s32 $0xEE80  }
0x3ff: {  	[tilespmem:s22], [sflag:$0x2] =	stream.indirect_vreg.gather [hbm4b:s3+s2], $0x80, v3, vm0, $0xb8;
	[tilespmem:$0x18680] =	vst v63  }
0x400: {  	v3 =	vld [tilespmem:$0x570];
	_ =	sdelay $0x4  }
0x401: {  	v47 =	vshll.u32 v3, $0x1  }
0x402: {  	v3 =	vand.u32 $0x7, v3;
	v4 =	vand.u32 $0xFFFFFFF0, v47  }
0x403: {  	v3 =	vor.u32 v3, v4  }
0x404: {  	v4 =	vperm.xlane v3, v0;
	_ =	sdelay $0x1  }
0x405: {  	v3 =	vperm.xlane v3, v2;
	v4 =	vadd.s32 v1, v4;
	_ =	sdelay $0x1  }
0x406: {  	v3 =	vadd.s32 v1, v3;
	_ =	sdelay $0x1  }
0x407: {  	s29 =	simm.s32 $0xF680  }
0x408: {  	[tilespmem:s29], [sflag:$0x2] =	stream.indirect_vreg.gather [hbm4b:s3+s2], $0x80, v4, vm0, $0xb8;
	[tilespmem:$0x18680] =	vst v63  }
0x409: {  	s10 =	simm.s32 $0xFE80  }
0x40a: {  	[tilespmem:s10], [sflag:$0x2] =	stream.indirect_vreg.gather [hbm4b:s3+s2], $0x80, v3, vm0, $0xb8;
	[tilespmem:$0x18680] =	vst v63  }
0x40b: {  	_ =	swait.ge [sflag:s28], $0x8000  }
0x40c: {  	[sflag:s28] =	ssyncset.done $0x0  }
0x40d: {  	s11 =	rddreg [dreg:$0xc];
	[sflag:s28] =	ssyncadd.s32 $0xFFFF8000  }
0x40e: {  	[hbm4b:s11+s2] =	stream.linear.scatter [tilespmem:s4], [sflag:$0x4], $0x8000, $0x38;
	[tilespmem:$0x18680] =	vst v63  }
0x40f: {  	_ =	swait.ge [sflag:s0], $0x8000  }
0x410: {  	[sflag:s0] =	ssyncset.done $0x0  }
0x411: {  	[sflag:s0] =	ssyncadd.s32 $0xFFFF8000  }
0x412: {  	v3 =	vld [tilespmem:$0x580];
	_ =	sdelay $0x4  }
0x413: {  	v48 =	vshll.u32 v3, $0x1  }
0x414: {  	v3 =	vand.u32 $0x7, v3;
	v4 =	vand.u32 $0xFFFFFFF0, v48  }
0x415: {  	v3 =	vor.u32 v3, v4  }
0x416: {  	v4 =	vperm.xlane v3, v0;
	_ =	sdelay $0x1  }
0x417: {  	v3 =	vperm.xlane v3, v2;
	v4 =	vadd.s32 v1, v4;
	_ =	sdelay $0x1  }
0x418: {  	v3 =	vadd.s32 v1, v3;
	_ =	sdelay $0x2  }
0x419: {  	[tilespmem:s6], [sflag:$0x3] =	stream.indirect_vreg.gather [hbm4b:s3+s2], $0x80, v4, vm0, $0xb8;
	[tilespmem:$0x18680] =	vst v63  }
0x41a: {  	s21 =	simm.s32 $0x10E80  }
0x41b: {  	[tilespmem:s21], [sflag:$0x3] =	stream.indirect_vreg.gather [hbm4b:s3+s2], $0x80, v3, vm0, $0xb8;
	[tilespmem:$0x18680] =	vst v63  }
0x41c: {  	v3 =	vld [tilespmem:$0x590];
	_ =	sdelay $0x4  }
0x41d: {  	v49 =	vshll.u32 v3, $0x1  }
0x41e: {  	v3 =	vand.u32 $0x7, v3;
	v4 =	vand.u32 $0xFFFFFFF0, v49  }
0x41f: {  	v3 =	vor.u32 v3, v4  }
0x420: {  	v4 =	vperm.xlane v3, v0;
	_ =	sdelay $0x1  }
0x421: {  	v3 =	vperm.xlane v3, v2;
	v4 =	vadd.s32 v1, v4;
	_ =	sdelay $0x1  }
0x422: {  	v3 =	vadd.s32 v1, v3;
	_ =	sdelay $0x1  }
0x423: {  	s9 =	simm.s32 $0x11680  }
0x424: {  	[tilespmem:s9], [sflag:$0x3] =	stream.indirect_vreg.gather [hbm4b:s3+s2], $0x80, v4, vm0, $0xb8;
	[tilespmem:$0x18680] =	vst v63  }
0x425: {  	s22 =	simm.s32 $0x11E80  }
0x426: {  	[tilespmem:s22], [sflag:$0x3] =	stream.indirect_vreg.gather [hbm4b:s3+s2], $0x80, v3, vm0, $0xb8;
	[tilespmem:$0x18680] =	vst v63  }
0x427: {  	v3 =	vld [tilespmem:$0x5A0];
	_ =	sdelay $0x4  }
0x428: {  	v50 =	vshll.u32 v3, $0x1  }
0x429: {  	v3 =	vand.u32 $0x7, v3;
	v4 =	vand.u32 $0xFFFFFFF0, v50  }
0x42a: {  	v3 =	vor.u32 v3, v4  }
0x42b: {  	v4 =	vperm.xlane v3, v0;
	_ =	sdelay $0x1  }
0x42c: {  	v3 =	vperm.xlane v3, v2;
	v4 =	vadd.s32 v1, v4;
	_ =	sdelay $0x1  }
0x42d: {  	v3 =	vadd.s32 v1, v3;
	_ =	sdelay $0x1  }
0x42e: {  	s12 =	simm.s32 $0x12680  }
0x42f: {  	[tilespmem:s12], [sflag:$0x3] =	stream.indirect_vreg.gather [hbm4b:s3+s2], $0x80, v4, vm0, $0xb8;
	[tilespmem:$0x18680] =	vst v63  }
0x430: {  	s23 =	simm.s32 $0x12E80  }
0x431: {  	[tilespmem:s23], [sflag:$0x3] =	stream.indirect_vreg.gather [hbm4b:s3+s2], $0x80, v3, vm0, $0xb8;
	[tilespmem:$0x18680] =	vst v63  }
0x432: {  	v3 =	vld [tilespmem:$0x5B0];
	_ =	sdelay $0x4  }
0x433: {  	v51 =	vshll.u32 v3, $0x1  }
0x434: {  	v3 =	vand.u32 $0x7, v3;
	v4 =	vand.u32 $0xFFFFFFF0, v51  }
0x435: {  	v3 =	vor.u32 v3, v4  }
0x436: {  	v4 =	vperm.xlane v3, v0;
	_ =	sdelay $0x1  }
0x437: {  	v3 =	vperm.xlane v3, v2;
	v4 =	vadd.s32 v1, v4;
	_ =	sdelay $0x1  }
0x438: {  	v3 =	vadd.s32 v1, v3;
	_ =	sdelay $0x1  }
0x439: {  	s13 =	simm.s32 $0x13680  }
0x43a: {  	[tilespmem:s13], [sflag:$0x3] =	stream.indirect_vreg.gather [hbm4b:s3+s2], $0x80, v4, vm0, $0xb8;
	[tilespmem:$0x18680] =	vst v63  }
0x43b: {  	s24 =	simm.s32 $0x13E80  }
0x43c: {  	[tilespmem:s24], [sflag:$0x3] =	stream.indirect_vreg.gather [hbm4b:s3+s2], $0x80, v3, vm0, $0xb8;
	[tilespmem:$0x18680] =	vst v63  }
0x43d: {  	v3 =	vld [tilespmem:$0x5C0];
	_ =	sdelay $0x4  }
0x43e: {  	v52 =	vshll.u32 v3, $0x1  }
0x43f: {  	v3 =	vand.u32 $0x7, v3;
	v4 =	vand.u32 $0xFFFFFFF0, v52  }
0x440: {  	v3 =	vor.u32 v3, v4  }
0x441: {  	v4 =	vperm.xlane v3, v0;
	_ =	sdelay $0x1  }
0x442: {  	v3 =	vperm.xlane v3, v2;
	v4 =	vadd.s32 v1, v4;
	_ =	sdelay $0x1  }
0x443: {  	v3 =	vadd.s32 v1, v3;
	_ =	sdelay $0x1  }
0x444: {  	s14 =	simm.s32 $0x14680  }
0x445: {  	[tilespmem:s14], [sflag:$0x3] =	stream.indirect_vreg.gather [hbm4b:s3+s2], $0x80, v4, vm0, $0xb8;
	[tilespmem:$0x18680] =	vst v63  }
0x446: {  	s29 =	simm.s32 $0x14E80  }
0x447: {  	[tilespmem:s29], [sflag:$0x3] =	stream.indirect_vreg.gather [hbm4b:s3+s2], $0x80, v3, vm0, $0xb8;
	[tilespmem:$0x18680] =	vst v63  }
0x448: {  	v3 =	vld [tilespmem:$0x5D0];
	_ =	sdelay $0x4  }
0x449: {  	v53 =	vshll.u32 v3, $0x1  }
0x44a: {  	v3 =	vand.u32 $0x7, v3;
	v4 =	vand.u32 $0xFFFFFFF0, v53  }
0x44b: {  	v3 =	vor.u32 v3, v4  }
0x44c: {  	v4 =	vperm.xlane v3, v0;
	_ =	sdelay $0x1  }
0x44d: {  	v3 =	vperm.xlane v3, v2;
	v4 =	vadd.s32 v1, v4;
	_ =	sdelay $0x1  }
0x44e: {  	v3 =	vadd.s32 v1, v3;
	_ =	sdelay $0x1  }
0x44f: {  	s15 =	simm.s32 $0x15680  }
0x450: {  	[tilespmem:s15], [sflag:$0x3] =	stream.indirect_vreg.gather [hbm4b:s3+s2], $0x80, v4, vm0, $0xb8;
	[tilespmem:$0x18680] =	vst v63  }
0x451: {  	s9 =	simm.s32 $0x15E80  }
0x452: {  	[tilespmem:s9], [sflag:$0x3] =	stream.indirect_vreg.gather [hbm4b:s3+s2], $0x80, v3, vm0, $0xb8;
	[tilespmem:$0x18680] =	vst v63  }
0x453: {  	v3 =	vld [tilespmem:$0x5E0];
	_ =	sdelay $0x4  }
0x454: {  	v54 =	vshll.u32 v3, $0x1  }
0x455: {  	v3 =	vand.u32 $0x7, v3;
	v4 =	vand.u32 $0xFFFFFFF0, v54  }
0x456: {  	v3 =	vor.u32 v3, v4  }
0x457: {  	v4 =	vperm.xlane v3, v0;
	_ =	sdelay $0x1  }
0x458: {  	v3 =	vperm.xlane v3, v2;
	v4 =	vadd.s32 v1, v4;
	_ =	sdelay $0x1  }
0x459: {  	v3 =	vadd.s32 v1, v3;
	_ =	sdelay $0x1  }
0x45a: {  	s16 =	simm.s32 $0x16680  }
0x45b: {  	[tilespmem:s16], [sflag:$0x3] =	stream.indirect_vreg.gather [hbm4b:s3+s2], $0x80, v4, vm0, $0xb8;
	[tilespmem:$0x18680] =	vst v63  }
0x45c: {  	s18 =	simm.s32 $0x16E80  }
0x45d: {  	[tilespmem:s18], [sflag:$0x3] =	stream.indirect_vreg.gather [hbm4b:s3+s2], $0x80, v3, vm0, $0xb8;
	[tilespmem:$0x18680] =	vst v63  }
0x45e: {  	v3 =	vld [tilespmem:$0x5F0];
	_ =	sdelay $0x4  }
0x45f: {  	v55 =	vshll.u32 v3, $0x1  }
0x460: {  	v3 =	vand.u32 $0x7, v3;
	v4 =	vand.u32 $0xFFFFFFF0, v55  }
0x461: {  	v3 =	vor.u32 v3, v4  }
0x462: {  	v4 =	vperm.xlane v3, v0;
	_ =	sdelay $0x1  }
0x463: {  	v3 =	vperm.xlane v3, v2;
	v4 =	vadd.s32 v1, v4;
	_ =	sdelay $0x1  }
0x464: {  	v3 =	vadd.s32 v1, v3;
	_ =	sdelay $0x1  }
0x465: {  	s17 =	simm.s32 $0x17680  }
0x466: {  	[tilespmem:s17], [sflag:$0x3] =	stream.indirect_vreg.gather [hbm4b:s3+s2], $0x80, v4, vm0, $0xb8;
	[tilespmem:$0x18680] =	vst v63  }
0x467: {  	s10 =	simm.s32 $0x17E80  }
0x468: {  	[tilespmem:s10], [sflag:$0x3] =	stream.indirect_vreg.gather [hbm4b:s3+s2], $0x80, v3, vm0, $0xb8;
	[tilespmem:$0x18680] =	vst v63  }
0x469: {  	_ =	swait.ge [sflag:s26], $0x8000  }
0x46a: {  	[sflag:s26] =	ssyncset.done $0x0  }
0x46b: {  	s11 =	rddreg [dreg:$0xd];
	[sflag:s26] =	ssyncadd.s32 $0xFFFF8000  }
0x46c: {  	[hbm4b:s11+s2] =	stream.linear.scatter [tilespmem:s8], [sflag:$0x5], $0x8000, $0x38;
	[tilespmem:$0x18680] =	vst v63  }
0x46d: {  	_ =	swait.ge [sflag:s25], $0x8000  }
0x46e: {  	[sflag:s25] =	ssyncset.done $0x0  }
0x46f: {  	[sflag:s25] =	ssyncadd.s32 $0xFFFF8000  }
0x470: {  	v3 =	vld [tilespmem:$0x600];
	_ =	sdelay $0x4  }
0x471: {  	v56 =	vshll.u32 v3, $0x1  }
0x472: {  	v3 =	vand.u32 $0x7, v3;
	v4 =	vand.u32 $0xFFFFFFF0, v56  }
0x473: {  	v3 =	vor.u32 v3, v4  }
0x474: {  	v4 =	vperm.xlane v3, v0;
	_ =	sdelay $0x1  }
0x475: {  	v3 =	vperm.xlane v3, v2;
	v4 =	vadd.s32 v1, v4;
	_ =	sdelay $0x1  }
0x476: {  	v3 =	vadd.s32 v1, v3;
	_ =	sdelay $0x1  }
0x477: {  	s4 =	simm.s32 $0x680  }
0x478: {  	[tilespmem:s4], [sflag:$0x1] =	stream.indirect_vreg.gather [hbm4b:s3+s2], $0x80, v4, vm0, $0xb8;
	[tilespmem:$0x18680] =	vst v63  }
0x479: {  	_ = 	snop  }
0x47a: {  	[tilespmem:s5], [sflag:$0x1] =	stream.indirect_vreg.gather [hbm4b:s3+s2], $0x80, v3, vm0, $0xb8;
	[tilespmem:$0x18680] =	vst v63  }
0x47b: {  	v3 =	vld [tilespmem:$0x610];
	_ =	sdelay $0x4  }
0x47c: {  	v57 =	vshll.u32 v3, $0x1  }
0x47d: {  	v3 =	vand.u32 $0x7, v3;
	v4 =	vand.u32 $0xFFFFFFF0, v57  }
0x47e: {  	v3 =	vor.u32 v3, v4  }
0x47f: {  	v4 =	vperm.xlane v3, v0;
	_ =	sdelay $0x1  }
0x480: {  	v3 =	vperm.xlane v3, v2;
	v4 =	vadd.s32 v1, v4;
	_ =	sdelay $0x1  }
0x481: {  	v3 =	vadd.s32 v1, v3;
	_ =	sdelay $0x2  }
0x482: {  	[tilespmem:s19], [sflag:$0x1] =	stream.indirect_vreg.gather [hbm4b:s3+s2], $0x80, v4, vm0, $0xb8;
	[tilespmem:$0x18680] =	vst v63  }
0x483: {  	s12 =	simm.s32 $0x1E80  }
0x484: {  	[tilespmem:s12], [sflag:$0x1] =	stream.indirect_vreg.gather [hbm4b:s3+s2], $0x80, v3, vm0, $0xb8;
	[tilespmem:$0x18680] =	vst v63  }
0x485: {  	v3 =	vld [tilespmem:$0x620];
	_ =	sdelay $0x4  }
0x486: {  	v58 =	vshll.u32 v3, $0x1  }
0x487: {  	v3 =	vand.u32 $0x7, v3;
	v4 =	vand.u32 $0xFFFFFFF0, v58  }
0x488: {  	v3 =	vor.u32 v3, v4  }
0x489: {  	v4 =	vperm.xlane v3, v0;
	_ =	sdelay $0x1  }
0x48a: {  	v3 =	vperm.xlane v3, v2;
	v4 =	vadd.s32 v1, v4;
	_ =	sdelay $0x1  }
0x48b: {  	v3 =	vadd.s32 v1, v3;
	_ =	sdelay $0x2  }
0x48c: {  	[tilespmem:s20], [sflag:$0x1] =	stream.indirect_vreg.gather [hbm4b:s3+s2], $0x80, v4, vm0, $0xb8;
	[tilespmem:$0x18680] =	vst v63  }
0x48d: {  	s13 =	simm.s32 $0x2E80  }
0x48e: {  	[tilespmem:s13], [sflag:$0x1] =	stream.indirect_vreg.gather [hbm4b:s3+s2], $0x80, v3, vm0, $0xb8;
	[tilespmem:$0x18680] =	vst v63  }
0x48f: {  	v3 =	vld [tilespmem:$0x630];
	_ =	sdelay $0x4  }
0x490: {  	v59 =	vshll.u32 v3, $0x1  }
0x491: {  	v3 =	vand.u32 $0x7, v3;
	v4 =	vand.u32 $0xFFFFFFF0, v59  }
0x492: {  	v3 =	vor.u32 v3, v4  }
0x493: {  	v4 =	vperm.xlane v3, v0;
	_ =	sdelay $0x1  }
0x494: {  	v3 =	vperm.xlane v3, v2;
	v4 =	vadd.s32 v1, v4;
	_ =	sdelay $0x1  }
0x495: {  	v3 =	vadd.s32 v1, v3;
	_ =	sdelay $0x1  }
0x496: {  	s14 =	simm.s32 $0x3680  }
0x497: {  	[tilespmem:s14], [sflag:$0x1] =	stream.indirect_vreg.gather [hbm4b:s3+s2], $0x80, v4, vm0, $0xb8;
	[tilespmem:$0x18680] =	vst v63  }
0x498: {  	s15 =	simm.s32 $0x3E80  }
0x499: {  	[tilespmem:s15], [sflag:$0x1] =	stream.indirect_vreg.gather [hbm4b:s3+s2], $0x80, v3, vm0, $0xb8;
	[tilespmem:$0x18680] =	vst v63  }
0x49a: {  	v3 =	vld [tilespmem:$0x640];
	_ =	sdelay $0x4  }
0x49b: {  	v60 =	vshll.u32 v3, $0x1  }
0x49c: {  	v3 =	vand.u32 $0x7, v3;
	v4 =	vand.u32 $0xFFFFFFF0, v60  }
0x49d: {  	v3 =	vor.u32 v3, v4  }
0x49e: {  	v4 =	vperm.xlane v3, v0;
	_ =	sdelay $0x1  }
0x49f: {  	v3 =	vperm.xlane v3, v2;
	v4 =	vadd.s32 v1, v4;
	_ =	sdelay $0x1  }
0x4a0: {  	v3 =	vadd.s32 v1, v3;
	_ =	sdelay $0x1  }
0x4a1: {  	s16 =	simm.s32 $0x4680  }
0x4a2: {  	[tilespmem:s16], [sflag:$0x1] =	stream.indirect_vreg.gather [hbm4b:s3+s2], $0x80, v4, vm0, $0xb8;
	[tilespmem:$0x18680] =	vst v63  }
0x4a3: {  	s17 =	simm.s32 $0x4E80  }
0x4a4: {  	[tilespmem:s17], [sflag:$0x1] =	stream.indirect_vreg.gather [hbm4b:s3+s2], $0x80, v3, vm0, $0xb8;
	[tilespmem:$0x18680] =	vst v63  }
0x4a5: {  	v3 =	vld [tilespmem:$0x650];
	_ =	sdelay $0x4  }
0x4a6: {  	v61 =	vshll.u32 v3, $0x1  }
0x4a7: {  	v3 =	vand.u32 $0x7, v3;
	v4 =	vand.u32 $0xFFFFFFF0, v61  }
0x4a8: {  	v3 =	vor.u32 v3, v4  }
0x4a9: {  	v4 =	vperm.xlane v3, v0;
	_ =	sdelay $0x1  }
0x4aa: {  	v3 =	vperm.xlane v3, v2;
	v4 =	vadd.s32 v1, v4;
	_ =	sdelay $0x1  }
0x4ab: {  	v3 =	vadd.s32 v1, v3;
	_ =	sdelay $0x1  }
0x4ac: {  	s18 =	simm.s32 $0x5680  }
0x4ad: {  	[tilespmem:s18], [sflag:$0x1] =	stream.indirect_vreg.gather [hbm4b:s3+s2], $0x80, v4, vm0, $0xb8;
	[tilespmem:$0x18680] =	vst v63  }
0x4ae: {  	s19 =	simm.s32 $0x5E80  }
0x4af: {  	[tilespmem:s19], [sflag:$0x1] =	stream.indirect_vreg.gather [hbm4b:s3+s2], $0x80, v3, vm0, $0xb8;
	[tilespmem:$0x18680] =	vst v63  }
0x4b0: {  	v3 =	vld [tilespmem:$0x660];
	_ =	sdelay $0x4  }
0x4b1: {  	v62 =	vshll.u32 v3, $0x1  }
0x4b2: {  	v3 =	vand.u32 $0x7, v3;
	v4 =	vand.u32 $0xFFFFFFF0, v62  }
0x4b3: {  	v3 =	vor.u32 v3, v4  }
0x4b4: {  	v4 =	vperm.xlane v3, v0;
	_ =	sdelay $0x1  }
0x4b5: {  	v3 =	vperm.xlane v3, v2;
	v4 =	vadd.s32 v1, v4;
	_ =	sdelay $0x1  }
0x4b6: {  	v3 =	vadd.s32 v1, v3;
	_ =	sdelay $0x1  }
0x4b7: {  	s20 =	simm.s32 $0x6680  }
0x4b8: {  	[tilespmem:s20], [sflag:$0x1] =	stream.indirect_vreg.gather [hbm4b:s3+s2], $0x80, v4, vm0, $0xb8;
	[tilespmem:$0x18680] =	vst v63  }
0x4b9: {  	s21 =	simm.s32 $0x6E80  }
0x4ba: {  	[tilespmem:s21], [sflag:$0x1] =	stream.indirect_vreg.gather [hbm4b:s3+s2], $0x80, v3, vm0, $0xb8;
	[tilespmem:$0x18680] =	vst v63  }
0x4bb: {  	v3 =	vld [tilespmem:$0x670];
	_ =	sdelay $0x4  }
0x4bc: {  	v63 =	vshll.u32 v3, $0x1  }
0x4bd: {  	v3 =	vand.u32 $0x7, v3;
	v4 =	vand.u32 $0xFFFFFFF0, v63  }
0x4be: {  	v3 =	vor.u32 v3, v4  }
0x4bf: {  	v4 =	vperm.xlane v3, v0;
	_ =	sdelay $0x1  }
0x4c0: {  	v3 =	vperm.xlane v3, v2;
	v4 =	vadd.s32 v1, v4;
	_ =	sdelay $0x1  }
0x4c1: {  	v3 =	vadd.s32 v1, v3;
	_ =	sdelay $0x1  }
0x4c2: {  	s22 =	simm.s32 $0x7680  }
0x4c3: {  	[tilespmem:s22], [sflag:$0x1] =	stream.indirect_vreg.gather [hbm4b:s3+s2], $0x80, v4, vm0, $0xb8;
	[tilespmem:$0x18680] =	vst v63  }
0x4c4: {  	s23 =	simm.s32 $0x7E80  }
0x4c5: {  	[tilespmem:s23], [sflag:$0x1] =	stream.indirect_vreg.gather [hbm4b:s3+s2], $0x80, v3, vm0, $0xb8;
	[tilespmem:$0x18680] =	vst v63  }
0x4c6: {  	_ =	swait.ge [sflag:s30], $0x8000  }
0x4c7: {  	[sflag:s30] =	ssyncset.done $0x0  }
0x4c8: {  	s24 =	rddreg [dreg:$0xe];
	[sflag:s30] =	ssyncadd.s32 $0xFFFF8000  }
0x4c9: {  	[hbm4b:s24+s2] =	stream.linear.scatter [tilespmem:s6], [sflag:$0x6], $0x8000, $0x38;
	[tilespmem:$0x18680] =	vst v63  }
0x4ca: {  	_ =	swait.ge [sflag:s28], $0x8000  }
0x4cb: {  	[sflag:s28] =	ssyncset.done $0x0  }
0x4cc: {  	s29 =	rddreg [dreg:$0xf];
	[sflag:s28] =	ssyncadd.s32 $0xFFFF8000  }
0x4cd: {  	[hbm4b:s29+s2] =	stream.linear.scatter [tilespmem:s4], [sflag:$0x4], $0x8000, $0x38;
	[tilespmem:$0x18680] =	vst v63  }
0x4ce: {  	_ =	swait.ge [sflag:s31], $0x8000  }
0x4cf: {  	[sflag:s31] =	ssyncset.done $0x0  }
0x4d0: {  	[sflag:s31] =	ssyncadd.s32 $0xFFFF8000  }
0x4d1: {  	p0 =	sne.s32 s7, $0x1;
	_ =	swait.ge [sflag:s0], $0x8000  }
.Ltmp0:
0x4d2: {  	[sflag:s0] =	ssyncset.done $0x0;
	(pc) =	sbr.rel @p0 .LBB2_1-.Ltmp0, $4  }
0x4d3: {  	[sflag:s0] =	ssyncadd.s32 $0xFFFF8000  }
0x4d4: {  	_ =	swait.ge [sflag:s25], $0x8000  }
0x4d5: {  	[sflag:s25] =	ssyncset.done $0x0  }
0x4d6: {  	s7 =	sadd.s32 $0xFFFFFFFF, s7;
	[sflag:s25] =	ssyncadd.s32 $0xFFFF8000  }
0x4d7: {  	_ =	sfence.sel $0x180000  }
0x4d8: {  	[bflag:$0x0] =	sbarrier.arrive $0xFFFF  }
0x4d9: {  	_ =	strace $0x9000004D  }
0x4da: {  	s0 =	stileid.u32;
	[bflag:$0x2] =	sbarrier.arrive $0xFFFF  }
0x4db: {  	p0 =	sne.s32 s0, $0x0;
	s0 =	rddreg [dreg:$0x1]  }
0x4dc: {  	s0 =	sadd.s32 @!p0 $0x100000, s0  }
0x4dd: {  	[sflag:s0] =	ssyncadd.tile.s32 @!p0 $0x1;
	_ =	shalt  }
.Lfunc_end2:
_tile_overlayer_lowered:
.L_overlay_start_2:
0x4de: {  	(tag) =	ssettag $0x2  }
0x4df: {  	s0 =	rddreg [dreg:$0x0];
	s2 =	stileid.u32  }
0x4e0: {  	s1 =	rddreg [dreg:$0x1];
	p0 =	sne.s32 s2, $0x0  }
0x4e1: {  	s3 =	rddreg [dreg:$0x2];
	[bflag:$0x3] =	sbarrier.arrive $0xFFFF;
	s2 =	simm.s32 @!p0 $0x1C07  }
0x4e2: {  	[timem:s3], [sflag:s2] =	dma.local @!p0 [hbm:s0], s1  }
0x4e3: {  	s0 =	simm.s32 @!p0 $0x7  }
0x4e4: {  	_ =	swait.ge @!p0 [sflag:s0], s1  }
0x4e5: {  	s1 =	ssub.s32 @!p0 $0x0, s1;
	[sflag:s0] =	ssyncset.done @!p0 $0x0  }
0x4e6: {  	[sflag:s0] =	ssyncadd.s32 @!p0 s1  }
0x4e7: {  	[bflag:$0x3] =	sbarrier.arrive $0xFFFF  }
0x4e8: {  	_ =	shalt  }

// kernel: kernel.8.cloned.1.call-start
scs
__scs_entry_jumppad:
0x0: {  	(pc) =	sbr.rel $0x88, $3  }
0x1: {  	(tag) =	ssettag $0x0;
	lr =	simm.s32 $0x1  }
0x2: {  	[smem:$0x3F9F] =	sst lr;
	_ =	strace $0xD0000000  }
0x3: {  	_ = 	snop  }
0x4: {  	_ = 	snop  }
0x5: {  	_ = 	snop  }
0x6: {  	_ = 	snop  }
0x7: {  	_ = 	snop  }
__scs_overlays_trampoline_lowered:
0x8: {  	[smem:$0x3FAE] =	sst s0  }
0x9: {  	[smem:$0x3FAF] =	sst s1  }
0xa: {  	[smem:$0x3FB0] =	sst s2  }
0xb: {  	[smem:$0x3FB1] =	sst s3  }
0xc: {  	[smem:$0x3FB2] =	sst s4  }
0xd: {  	[smem:$0x3FB3] =	sst s5  }
0xe: {  	[smem:$0x3FB4] =	sst s6  }
0xf: {  	[smem:$0x3FB5] =	sst s7  }
0x10: {  	[smem:$0x3FB6] =	sst s8  }
0x11: {  	[smem:$0x3FB7] =	sst s9;
	s0 =	simm.s32 @!p0 $0x0  }
0x12: {  	s1 =	sld [smem:$0x3F9D];
	s0 =	simm.s32 @p0 $0x1  }
0x13: {  	[smem:$0x3FB8] =	sst s0;
	s0 =	simm.s32 @!p1 $0x0  }
0x14: {  	s2 =	sld [smem:$0x3F9C];
	s0 =	simm.s32 @p1 $0x1  }
0x15: {  	[smem:$0x3FB9] =	sst s0;
	s0 =	simm.s32 @!p2 $0x0  }
0x16: {  	s3 =	sld [smem:$0x3FDB];
	s0 =	simm.s32 @p2 $0x1  }
0x17: {  	s4 =	simm.s32 $0x1BF5;
	[smem:$0x3FBB] =	sst s0  }
0x18: {  	s0 =	sld [smem:$0x3F9E];
	_ =	swait.ge [sflag:s4], $0x0  }
0x19: {  	s7 =	sld [smem:$0x3F9F]  }
0x1a: {  	s8 =	sadd.s32 $0xFFFFE003, lr  }
0x1b: {  	s9 =	sadd.s32 $0xFFFFFEF7, lr;
	s5 =	simm.s32 $0xFFFFFFFF;
	p2 =	slt.u32 s8, $0xFFFFF086  }
0x1c: {  	p1 =	slt.u32 s9, $0xF7A;
	s5 =	simm.s32 @!p2 $0x0  }
0x1d: {  	s5 =	simm.s32 @p1 $0x1;
	p0 =	seq.s32 s7, s2  }
0x1e: {  	s7 =	smul.u32 @!p0 $0xF7A, s2;
	p2 =	seq.s32 @!p0 s5, $0x0  }
0x1f: {  	s9 =	smul.u32 $0xF7A, s1;
	s8 =	simm.s32 @!p0 $0x1BF5;
	p2 =	por !p2, p0  }
0x20: {  	[sflag:s8] =	ssyncset.s32 @!p0 $0xFFFFF086;
	s6 =	sadd.s32 @!p0 s3, s7;
	s7 =	simm.s32 @!p0 $0x108  }
0x21: {  	s3 =	sadd.s32 s3, s9;
	s6 =	sadd.s32 @!p0 $0x88, s6;
	s7 =	simm.s32 @p2 $0x1082  }
0x22: {  	[simem:s7], [sflag:s8] =	dma.local @!p0 [hbm:s6], $0xF7A  }
0x23: {  	s9 =	sor.u32 $0xD0000000, s2;
	s6 =	simm.s32 $0x108;
	_ =	swait.ge @!p0 [sflag:s8], $0x0  }
0x24: {  	s3 =	sadd.s32 $0x88, s3;
	s6 =	simm.s32 @!p1 $0x1082;
	[sflag:s4] =	ssyncset.s32 $0xFFFFF086  }
0x25: {  	[simem:s6], [sflag:s4] =	dma.local [hbm:s3], $0xF7A  }
0x26: {  	[smem:$0x3F9F] =	sst s1;
	(tag) =	ssettag s2;
	_ =	strace s9  }
0x27: {  	s1 =	sld [smem:$0x3FAF]  }
0x28: {  	s2 =	sld [smem:$0x3FB0]  }
0x29: {  	s4 =	sld [smem:$0x3FB2]  }
0x2a: {  	p0 =	seq.s32 s5, $0x0;
	s5 =	sld [smem:$0x3FB3]  }
0x2b: {  	s6 =	sld [smem:$0x3FB4]  }
0x2c: {  	s7 =	sld [smem:$0x3FB5]  }
0x2d: {  	s3 =	simm.s32 $0x108;
	s8 =	sld [smem:$0x3FB6]  }
0x2e: {  	s3 =	simm.s32 @!p0 $0x1082;
	s9 =	sld [smem:$0x3FB7]  }
0x2f: {  	lr =	sadd.s32 s0, s3;
	s0 =	sld [smem:$0x3FAE]  }
0x30: {  	s3 =	sld [smem:$0x3FB1]  }
0x31: {  	[smem:$0x3FBA] =	sst s10  }
0x32: {  	s10 =	sld [smem:$0x3FB8];
	_ =	sdelay $0x3  }
0x33: {  	p0 =	seq.s32 s10, $0x1;
	s10 =	sld [smem:$0x3FBA];
	_ =	sdelay $0x3  }
0x34: {  	[smem:$0x3FBA] =	sst s10  }
0x35: {  	s10 =	sld [smem:$0x3FB9];
	_ =	sdelay $0x3  }
0x36: {  	p1 =	seq.s32 s10, $0x1;
	s10 =	sld [smem:$0x3FBA];
	_ =	sdelay $0x3  }
0x37: {  	[smem:$0x3FBA] =	sst s10  }
0x38: {  	s10 =	sld [smem:$0x3FBB]  }
0x39: {  	_ = 	snop;
	(pc) =	sbr.ind lr, $3  }
0x3a: {  	_ = 	snop  }
0x3b: {  	_ = 	snop  }
0x3c: {  	p2 =	seq.s32 s10, $0x1;
	s10 =	sld [smem:$0x3FBA]  }
0x3d: {  	_ =	shalt  }
0x3e: {  	_ =	shalt  }
0x3f: {  	_ =	shalt  }
0x40: {  	_ =	shalt  }
0x41: {  	_ =	shalt  }
0x42: {  	_ =	shalt  }
0x43: {  	_ =	shalt  }
0x44: {  	_ =	shalt  }
0x45: {  	_ =	shalt  }
0x46: {  	_ =	shalt  }
0x47: {  	_ =	shalt  }
0x48: {  	_ =	shalt  }
0x49: {  	_ =	shalt  }
0x4a: {  	_ =	shalt  }
0x4b: {  	_ =	shalt  }
0x4c: {  	_ =	shalt  }
0x4d: {  	_ =	shalt  }
0x4e: {  	_ =	shalt  }
0x4f: {  	_ =	shalt  }
0x50: {  	_ =	shalt  }
0x51: {  	_ =	shalt  }
0x52: {  	_ =	shalt  }
0x53: {  	_ =	shalt  }
0x54: {  	_ =	shalt  }
0x55: {  	_ =	shalt  }
0x56: {  	_ =	shalt  }
0x57: {  	_ =	shalt  }
0x58: {  	_ =	shalt  }
0x59: {  	_ =	shalt  }
0x5a: {  	_ =	shalt  }
0x5b: {  	_ =	shalt  }
0x5c: {  	_ =	shalt  }
0x5d: {  	_ =	shalt  }
0x5e: {  	_ =	shalt  }
0x5f: {  	_ =	shalt  }
0x60: {  	_ =	shalt  }
0x61: {  	_ =	shalt  }
0x62: {  	_ =	shalt  }
0x63: {  	_ =	shalt  }
0x64: {  	_ =	shalt  }
0x65: {  	_ =	shalt  }
0x66: {  	_ =	shalt  }
0x67: {  	_ =	shalt  }
0x68: {  	_ =	shalt  }
0x69: {  	_ =	shalt  }
0x6a: {  	_ =	shalt  }
0x6b: {  	_ =	shalt  }
0x6c: {  	_ =	shalt  }
0x6d: {  	_ =	shalt  }
0x6e: {  	_ =	shalt  }
0x6f: {  	_ =	shalt  }
0x70: {  	_ =	shalt  }
0x71: {  	_ =	shalt  }
0x72: {  	_ =	shalt  }
0x73: {  	_ =	shalt  }
0x74: {  	_ =	shalt  }
0x75: {  	_ =	shalt  }
0x76: {  	_ =	shalt  }
0x77: {  	_ =	shalt  }
0x78: {  	_ =	shalt  }
0x79: {  	_ =	shalt  }
0x7a: {  	_ =	shalt  }
0x7b: {  	_ =	shalt  }
0x7c: {  	_ =	shalt  }
0x7d: {  	_ =	shalt  }
0x7e: {  	_ =	shalt  }
0x7f: {  	_ =	shalt  }
0x80: {  	_ =	shalt  }
0x81: {  	_ =	shalt  }
0x82: {  	_ =	shalt  }
0x83: {  	_ =	shalt  }
0x84: {  	_ =	shalt  }
0x85: {  	_ =	shalt  }
0x86: {  	_ =	shalt  }
0x87: {  	_ =	shalt  }
.Lfunc_end0:
.L_simem_size_0:
called_computation_lowered:
.L_overlay_start_0:
0x88: {  	s2 =	sld [smem:$0x3FD9]  }
0x89: {  	s3 =	sld [smem:$0x3FFE];
	_ =	sdelay $0x1  }
0x8a: {  	s1 =	srdreg.scid  }
0x8b: {  	s0 =	sand.u32 $0x1, s1  }
0x8c: {  	s17 =	sshll.u32 s0, $0xA;
	s2 =	sadd.s32 s3, s2  }
0x8d: {  	s2 =	sadd.s32 s2, s17  }
0x8e: {  	[smem:$0x3FC6] =	sst s2  }
0x8f: {  	_ = 	snop  }
0x90: {  	s2 =	sld [smem:$0x3FD0];
	(tm) =	ssettm $0x1  }
0x91: {  	s18 =	sld [smem:$0x3FFB];
	_ =	sdelay $0x3  }
0x92: {  	_ =	strace s18  }
0x93: {  	s3 =	sld [smem:$0x3FFC];
	_ =	sdelay $0x3  }
0x94: {  	_ =	strace s3  }
0x95: {  	s3 =	sld [smem:$0x3FFD];
	_ =	sdelay $0x3  }
0x96: {  	_ =	strace s3  }
0x97: {  	_ =	strace $0x8FFFFFFF  }
0x98: {  	s19 =	sld [smem:$0x3FDB];
	_ =	sdelay $0x1  }
0x99: {  	s4 =	simm.s32 $_scs_section_size  }
0x9a: {  	s5 =	simm.s32 $_size__tile_overlayer_lowered;
	s6 =	simm.s32 $_tile_overlayer_lowered  }
0x9b: {  	s22 =	simm.s32 $0x1BFF;
	s21 =	sshll.u32 s6, $0x1;
	s3 =	sadd.s32 s4, s19  }
0x9c: {  	s7 =	simm.s32 $0x0;
	s20 =	sshll.u32 s5, $0x1;
	s5 =	sadd.s32 s21, s3  }
0x9d: {  	[timem:s7], [sflag:s22] =	dma.local [hbm:s5], s20  }
0x9e: {  	_ =	swait.ge [sflag:s22], s20  }
0x9f: {  	s4 =	ssub.s32 $0x0, s20;
	[sflag:s22] =	ssyncset.done $0x0  }
0xa0: {  	[sflag:s22] =	ssyncadd.s32 s4;
	_ =	sdelay $0x1  }
0xa1: {  	s23 =	simm.s32 $0x1B8B  }
0xa2: {  	_ =	swait.ge [sflag:s23], $0x1  }
0xa3: {  	[sflag:s23] =	ssyncset.done $0x0  }
0xa4: {  	s25 =	simm.s32 $0x1B8E;
	s24 =	sld [smem:$0x3FFE];
	[sflag:s23] =	ssyncadd.s32 $0xFFFFFFFF  }
0xa5: {  	s26 =	simm.s32 $execute0_lowered;
	[smem:$0x3FD2] =	sst s25  }
0xa6: {  	s5 =	sshll.u32 s26, $0x1;
	_ =	strace $0x80000046;
	[dreg:$0x1] =	wrdreg $0xFFFFFFFF  }
0xa7: {  	s28 =	simm.s32 $_size_execute0_lowered;
	s3 =	sadd.s32 s3, s5;
	[dreg:$0x0] =	wrdreg $0x0  }
0xa8: {  	s5 =	sshll.u32 s28, $0x1;
	[dreg:$0x2] =	wrdreg s3  }
0xa9: {  	[dreg:$0x3] =	wrdreg s5  }
0xaa: {  	[dreg:$0x4] =	wrdreg $0xC0  }
0xab: {  	_ =	task [dreg:s7], $0x5FFFF  }
0xac: {  	[dreg:$0x1] =	wrdreg $0xFFFFFFFF  }
0xad: {  	[dreg:$0x0] =	wrdreg $0x60  }
0xae: {  	[dreg:$0x2] =	wrdreg s2  }
0xaf: {  	[dreg:$0x3] =	wrdreg s24  }
0xb0: {  	[dreg:$0x4] =	wrdreg $0x9  }
0xb1: {  	_ =	task.clear_ibuf [dreg:s7], $0x5FFFF;
	_ =	strace $0x90000046  }
0xb2: {  	s29 =	simm.s32 $0x9;
	_ =	strace $0x80000048  }
0xb3: {  	_ =	swait.ge [sflag:s29], $0x1  }
0xb4: {  	[sflag:s29] =	ssyncadd.s32 $0xFFFFFFFF  }
0xb5: {  	_ =	strace $0x90000048  }
0xb6: {  	_ =	sfence  }
0xb7: {  	s30 =	sld [smem:$0x0];
	_ =	sdelay $0x2  }
0xb8: {  	s31 =	sshll.u32 s1, $0xD;
	s1 =	sshrl.u32 s1, $0x2  }
0xb9: {  	s3 =	sand.u32 $0x4000, s31;
	s1 =	sadd.s32 s1, s30  }
0xba: {  	s0 =	sor.u32 s3, s0;
	s1 =	sshll.u32 s1, $0x11  }
0xbb: {  	s0 =	sor.u32 s1, s0  }
0xbc: {  	s0 =	sadd.s32 $0x8F2B, s0  }
0xbd: {  	[sflag:s0] =	ssyncadd.remote.s32 $0x1  }
0xbe: {  	_ =	sfence.sel $0xFFFF  }
0xbf: {  	[dreg:$0x0] =	wrdreg $0xFFFFFFFF;
	(pc) =	sbr.abs _section_cstart, $3  }
0xc0: {  	[dreg:$0x1] =	wrdreg $0xFFFFFFFF  }
0xc1: {  	_ =	task.clear_ibuf [dreg:s7], $0x2FFFF;
	_ =	strace $0x9FFFFFFF  }
0xc2: {  	(tm) =	ssettm $0x7FFFFFFF  }
0xc3: {  	_ =	shalt  }
tec
execute0_lowered:
.L_overlay_start_1:
0x0: {  	(tag) =	ssettag $0x1  }
0x1: {  	s2 =	stileid.u32;
	s4 =	rddreg [dreg:$0x1]  }
0x2: {  	s3 =	simm.s32 $0x0;
	s21 =	sshll.u32 s2, $0x1;
	s2 =	rddreg [dreg:$0x0]  }
0x3: {  	s22 =	simm.s32 $0xD80;
	[smem:$0x7FF] =	sst s3  }
0x4: {  	s23 =	simm.s32 $0x100;
	_ =	strace $0x80000047;
	[dreg:$0x5] =	wrdreg s22  }
0x5: {  	s24 =	simm.s32 $0xE00;
	[dreg:$0x6] =	wrdreg s23  }
0x6: {  	s25 =	simm.s32 $0x180;
	[dreg:$0x7] =	wrdreg s24  }
0x7: {  	s26 =	simm.s32 $0xE80;
	[dreg:$0x8] =	wrdreg s25  }
0x8: {  	s5 =	simm.s32 $0xF00;
	[dreg:$0x9] =	wrdreg s26  }
0x9: {  	s6 =	simm.s32 $0x280;
	[dreg:$0xb] =	wrdreg s5  }
0xa: {  	s7 =	simm.s32 $0xF80;
	[dreg:$0xc] =	wrdreg s6  }
0xb: {  	s8 =	simm.s32 $0x300;
	[dreg:$0xd] =	wrdreg s7  }
0xc: {  	s9 =	simm.s32 $0x1000;
	[dreg:$0xe] =	wrdreg s8  }
0xd: {  	s10 =	simm.s32 $0x380;
	[dreg:$0xf] =	wrdreg s9  }
0xe: {  	s11 =	simm.s32 $0x1080;
	[dreg:$0x10] =	wrdreg s10  }
0xf: {  	s12 =	simm.s32 $0x400;
	[dreg:$0x11] =	wrdreg s11  }
0x10: {  	s13 =	simm.s32 $0x1100;
	[dreg:$0x12] =	wrdreg s12  }
0x11: {  	s14 =	simm.s32 $0x480;
	[dreg:$0x13] =	wrdreg s13  }
0x12: {  	s15 =	simm.s32 $0x1180;
	[dreg:$0x14] =	wrdreg s14  }
0x13: {  	s16 =	simm.s32 $0x500;
	[dreg:$0x15] =	wrdreg s15  }
0x14: {  	s17 =	simm.s32 $0x1200;
	[dreg:$0x16] =	wrdreg s16  }
0x15: {  	s18 =	simm.s32 $0x580;
	[dreg:$0x17] =	wrdreg s17  }
0x16: {  	s0 =	srdreg.scid;
	s19 =	simm.s32 $0x1280;
	[dreg:$0x18] =	wrdreg s18  }
0x17: {  	s20 =	simm.s32 $0x600;
	s1 =	sand.u32 $0x1, s0;
	[dreg:$0x19] =	wrdreg s19  }
0x18: {  	s0 =	sor.u32 s1, s21;
	[dreg:$0x1a] =	wrdreg s20;
	s21 =	simm.s32 $0x1300  }
0x19: {  	s22 =	simm.s32 $0x680;
	s0 =	smul.u32 $0x1A0, s0;
	[dreg:$0x1b] =	wrdreg s21  }
0x1a: {  	s23 =	simm.s32 $0x1380;
	[dreg:$0x1c] =	wrdreg s22  }
0x1b: {  	s24 =	simm.s32 $0x700;
	[dreg:$0x1d] =	wrdreg s23;
	s0 =	sadd.s32 s0, s4  }
0x1c: {  	[dreg:$0x1e] =	wrdreg s24;
	s4 =	sadd.s32 $0xC00, s0  }
0x1d: {  	s0 =	sadd.s32 $0x4000, s0;
	[dreg:$0x3] =	wrdreg s4  }
0x1e: {  	[dreg:$0x4] =	wrdreg s0;
	s4 =	simm.s32 $0x200  }
0x1f: {  	[dreg:$0xa] =	wrdreg s4  }
0x20: {  	s5 =	rddreg [dreg:$0x3];
	s4 =	simm.s32 $0x2  }
0x21: {  	[tilespmem:s3], [sflag:$0x2] =	stream.linear.gather [hbm4b:s5+s3], $0xD00, $0x38;
	[tilespmem:$0x1A00] =	vst v63  }
0x22: {  	_ =	swait.ge [sflag:s4], $0xD00  }
0x23: {  	s0 =	rddreg [dreg:$0x1d]  }
0x24: {  	s7 =	rddreg [dreg:$0x1b]  }
0x25: {  	s8 =	rddreg [dreg:$0x19]  }
0x26: {  	s9 =	rddreg [dreg:$0x17]  }
0x27: {  	s10 =	rddreg [dreg:$0x15]  }
0x28: {  	s11 =	rddreg [dreg:$0x13]  }
0x29: {  	s12 =	rddreg [dreg:$0x11]  }
0x2a: {  	s13 =	rddreg [dreg:$0xf]  }
0x2b: {  	s14 =	rddreg [dreg:$0xd]  }
0x2c: {  	s15 =	rddreg [dreg:$0xb]  }
0x2d: {  	s6 =	simm.s32 $0x80;
	s16 =	rddreg [dreg:$0x6];
	[sflag:s4] =	ssyncset.done $0x0  }
0x2e: {  	s5 =	simm.s32 $0xD00;
	s17 =	rddreg [dreg:$0x5];
	[sflag:s4] =	ssyncadd.s32 $0xFFFFF300  }
0x2f: {  	[tilespmem:s5], [sflag:$0x1] =	stream.indirect.gather [hbm4b:s2+s6], $0x1, s3, s6, $0xb8;
	[tilespmem:$0x1A00] =	vst v63  }
0x30: {  	s18 =	rddreg [dreg:$0x7]  }
0x31: {  	[tilespmem:s17], [sflag:$0x1] =	stream.indirect.gather [hbm4b:s2+s6], $0x1, s6, s6, $0xb8;
	[tilespmem:$0x1A00] =	vst v63  }
0x32: {  	s19 =	rddreg [dreg:$0x9]  }
0x33: {  	[tilespmem:s18], [sflag:$0x1] =	stream.indirect.gather [hbm4b:s2+s6], $0x1, s16, s6, $0xb8;
	[tilespmem:$0x1A00] =	vst v63  }
0x34: {  	s25 =	rddreg [dreg:$0x8]  }
0x35: {  	[tilespmem:s19], [sflag:$0x1] =	stream.indirect.gather [hbm4b:s2+s6], $0x1, s25, s6, $0xb8;
	[tilespmem:$0x1A00] =	vst v63  }
0x36: {  	s26 =	rddreg [dreg:$0xa]  }
0x37: {  	[tilespmem:s15], [sflag:$0x1] =	stream.indirect.gather [hbm4b:s2+s6], $0x1, s26, s6, $0xb8;
	[tilespmem:$0x1A00] =	vst v63  }
0x38: {  	s18 =	rddreg [dreg:$0xc]  }
0x39: {  	[tilespmem:s14], [sflag:$0x1] =	stream.indirect.gather [hbm4b:s2+s6], $0x1, s18, s6, $0xb8;
	[tilespmem:$0x1A00] =	vst v63  }
0x3a: {  	s19 =	rddreg [dreg:$0xe]  }
0x3b: {  	[tilespmem:s13], [sflag:$0x1] =	stream.indirect.gather [hbm4b:s2+s6], $0x1, s19, s6, $0xb8;
	[tilespmem:$0x1A00] =	vst v63  }
0x3c: {  	s20 =	rddreg [dreg:$0x10]  }
0x3d: {  	[tilespmem:s12], [sflag:$0x1] =	stream.indirect.gather [hbm4b:s2+s6], $0x1, s20, s6, $0xb8;
	[tilespmem:$0x1A00] =	vst v63  }
0x3e: {  	s21 =	rddreg [dreg:$0x12]  }
0x3f: {  	[tilespmem:s11], [sflag:$0x1] =	stream.indirect.gather [hbm4b:s2+s6], $0x1, s21, s6, $0xb8;
	[tilespmem:$0x1A00] =	vst v63  }
0x40: {  	s22 =	rddreg [dreg:$0x14]  }
0x41: {  	[tilespmem:s10], [sflag:$0x1] =	stream.indirect.gather [hbm4b:s2+s6], $0x1, s22, s6, $0xb8;
	[tilespmem:$0x1A00] =	vst v63  }
0x42: {  	s23 =	rddreg [dreg:$0x16]  }
0x43: {  	[tilespmem:s9], [sflag:$0x1] =	stream.indirect.gather [hbm4b:s2+s6], $0x1, s23, s6, $0xb8;
	[tilespmem:$0x1A00] =	vst v63  }
0x44: {  	s24 =	rddreg [dreg:$0x18]  }
0x45: {  	[tilespmem:s8], [sflag:$0x1] =	stream.indirect.gather [hbm4b:s2+s6], $0x1, s24, s6, $0xb8;
	[tilespmem:$0x1A00] =	vst v63  }
0x46: {  	s28 =	simm.s32 $0x1880;
	s25 =	rddreg [dreg:$0x1a]  }
0x47: {  	[tilespmem:s7], [sflag:$0x1] =	stream.indirect.gather [hbm4b:s2+s6], $0x1, s25, s6, $0xb8;
	[tilespmem:$0x1A00] =	vst v63  }
0x48: {  	s29 =	simm.s32 $0xC00;
	s30 =	simm.s32 $0x1900;
	s26 =	rddreg [dreg:$0x1c]  }
0x49: {  	[tilespmem:s0], [sflag:$0x1] =	stream.indirect.gather [hbm4b:s2+s6], $0x1, s26, s6, $0xb8;
	[tilespmem:$0x1A00] =	vst v63  }
0x4a: {  	s31 =	simm.s32 $0xC80;
	s11 =	simm.s32 $0x1400;
	s10 =	rddreg [dreg:$0x1e]  }
0x4b: {  	[tilespmem:s11], [sflag:$0x1] =	stream.indirect.gather [hbm4b:s2+s6], $0x1, s10, s6, $0xb8;
	[tilespmem:$0x1A00] =	vst v63  }
0x4c: {  	s16 =	simm.s32 $0x1500;
	s13 =	simm.s32 $0x1480;
	s12 =	simm.s32 $0x780  }
0x4d: {  	[tilespmem:s13], [sflag:$0x1] =	stream.indirect.gather [hbm4b:s2+s6], $0x1, s12, s6, $0xb8;
	[tilespmem:$0x1A00] =	vst v63  }
0x4e: {  	s15 =	simm.s32 $0x800;
	s14 =	ssub.s32 $0x2, s1;
	s18 =	simm.s32 $0x880  }
0x4f: {  	[tilespmem:s16], [sflag:$0x1] =	stream.indirect.gather [hbm4b:s2+s6], $0x1, s15, s6, $0xb8;
	[tilespmem:$0x1A00] =	vst v63  }
0x50: {  	s1 =	simm.s32 $0x1980;
	s17 =	sshrl.u32 s14, $0x1;
	s19 =	simm.s32 $0x1580  }
0x51: {  	[tilespmem:s19], [sflag:$0x1] =	stream.indirect.gather [hbm4b:s2+s6], $0x1, s18, s6, $0xb8;
	[tilespmem:$0x1A00] =	vst v63  }
0x52: {  	s20 =	simm.s32 $0x900;
	s21 =	simm.s32 $0x1600;
	s0 =	ssub.s32 s14, s17  }
0x53: {  	[tilespmem:s21], [sflag:$0x1] =	stream.indirect.gather [hbm4b:s2+s6], $0x1, s20, s6, $0xb8;
	[tilespmem:$0x1A00] =	vst v63  }
0x54: {  	s22 =	simm.s32 $0x980;
	s23 =	simm.s32 $0x1680;
	s0 =	smax.u32 s0, $0x1  }
0x55: {  	[tilespmem:s23], [sflag:$0x1] =	stream.indirect.gather [hbm4b:s2+s6], $0x1, s22, s6, $0xb8;
	[tilespmem:$0x1A00] =	vst v63  }
0x56: {  	s24 =	simm.s32 $0xA00;
	s25 =	simm.s32 $0x1700;
	p0 =	sne.s32 s0, $0x1  }
0x57: {  	[tilespmem:s25], [sflag:$0x1] =	stream.indirect.gather [hbm4b:s2+s6], $0x1, s24, s6, $0xb8;
	[tilespmem:$0x1A00] =	vst v63  }
.Ltmp0:
0x58: {  	s26 =	simm.s32 $0xA80;
	s21 =	simm.s32 $0x1780;
	(pc) =	sbr.rel @!p0 .LBB2_2-.Ltmp0, $4  }
0x59: {  	s20 =	simm.s32 $0xA80;
	s22 =	simm.s32 $0xB00;
	s23 =	simm.s32 $0x1800  }
0x5a: {  	[tilespmem:s21], [sflag:$0x1] =	stream.indirect.gather [hbm4b:s2+s6], $0x1, s26, s6, $0xb8;
	[tilespmem:$0x1A00] =	vst v63  }
0x5b: {  	s24 =	simm.s32 $0xB80;
	s25 =	simm.s32 $0x1;
	s26 =	sadd.s32 $0xFFFFFFFF, s0  }
0x5c: {  	[tilespmem:s23], [sflag:$0x1] =	stream.indirect.gather [hbm4b:s2+s6], $0x1, s22, s6, $0xb8;
	[tilespmem:$0x1A00] =	vst v63  }
.LBB2_1:
0x5d: {  	[tilespmem:s28], [sflag:$0x1] =	stream.indirect.gather [hbm4b:s2+s6], $0x1, s24, s6, $0xb8;
	[tilespmem:$0x1A00] =	vst v63  }
0x5e: {  	_ = 	snop  }
0x5f: {  	[tilespmem:s30], [sflag:$0x1] =	stream.indirect.gather [hbm4b:s2+s6], $0x1, s29, s6, $0xb8;
	[tilespmem:$0x1A00] =	vst v63  }
0x60: {  	_ = 	snop  }
0x61: {  	[tilespmem:s1], [sflag:$0x1] =	stream.indirect.gather [hbm4b:s2+s6], $0x1, s31, s6, $0xb8;
	[tilespmem:$0x1A00] =	vst v63  }
0x62: {  	_ =	swait.ge [sflag:s25], $0xD00  }
0x63: {  	[sflag:s25] =	ssyncset.done $0x0  }
0x64: {  	s0 =	rddreg [dreg:$0x4];
	[sflag:s25] =	ssyncadd.s32 $0xFFFFF300  }
0x65: {  	[hbm4b:s0+s3] =	stream.linear.scatter [tilespmem:s5], [sflag:$0x2], $0xD00, $0x38;
	[tilespmem:$0x1A00] =	vst v63  }
0x66: {  	_ =	swait.ge [sflag:s4], $0xD00  }
0x67: {  	[sflag:s4] =	ssyncset.done $0x0  }
0x68: {  	s17 =	rddreg [dreg:$0x3];
	[sflag:s4] =	ssyncadd.s32 $0xFFFFF300  }
0x69: {  	[tilespmem:s3], [sflag:$0x2] =	stream.linear.gather [hbm4b:s17+s3], $0xD00, $0x38;
	[tilespmem:$0x1A00] =	vst v63  }
0x6a: {  	_ =	swait.ge [sflag:s4], $0xD00  }
0x6b: {  	s0 =	rddreg [dreg:$0x1d]  }
0x6c: {  	s7 =	rddreg [dreg:$0x1b]  }
0x6d: {  	s8 =	rddreg [dreg:$0x19]  }
0x6e: {  	s9 =	rddreg [dreg:$0x17]  }
0x6f: {  	s10 =	rddreg [dreg:$0x15]  }
0x70: {  	s11 =	rddreg [dreg:$0x13]  }
0x71: {  	s12 =	rddreg [dreg:$0x11]  }
0x72: {  	s13 =	rddreg [dreg:$0xf]  }
0x73: {  	s14 =	rddreg [dreg:$0xd]  }
0x74: {  	s15 =	rddreg [dreg:$0xb]  }
0x75: {  	s16 =	rddreg [dreg:$0x6];
	[sflag:s4] =	ssyncset.done $0x0  }
0x76: {  	s17 =	rddreg [dreg:$0x5];
	[sflag:s4] =	ssyncadd.s32 $0xFFFFF300  }
0x77: {  	[tilespmem:s5], [sflag:$0x1] =	stream.indirect.gather [hbm4b:s2+s6], $0x1, s3, s6, $0xb8;
	[tilespmem:$0x1A00] =	vst v63  }
0x78: {  	s18 =	rddreg [dreg:$0x7]  }
0x79: {  	[tilespmem:s17], [sflag:$0x1] =	stream.indirect.gather [hbm4b:s2+s6], $0x1, s6, s6, $0xb8;
	[tilespmem:$0x1A00] =	vst v63  }
0x7a: {  	s19 =	rddreg [dreg:$0x9]  }
0x7b: {  	[tilespmem:s18], [sflag:$0x1] =	stream.indirect.gather [hbm4b:s2+s6], $0x1, s16, s6, $0xb8;
	[tilespmem:$0x1A00] =	vst v63  }
0x7c: {  	s17 =	rddreg [dreg:$0x8]  }
0x7d: {  	[tilespmem:s19], [sflag:$0x1] =	stream.indirect.gather [hbm4b:s2+s6], $0x1, s17, s6, $0xb8;
	[tilespmem:$0x1A00] =	vst v63  }
0x7e: {  	s18 =	rddreg [dreg:$0xa]  }
0x7f: {  	[tilespmem:s15], [sflag:$0x1] =	stream.indirect.gather [hbm4b:s2+s6], $0x1, s18, s6, $0xb8;
	[tilespmem:$0x1A00] =	vst v63  }
0x80: {  	s19 =	rddreg [dreg:$0xc]  }
0x81: {  	[tilespmem:s14], [sflag:$0x1] =	stream.indirect.gather [hbm4b:s2+s6], $0x1, s19, s6, $0xb8;
	[tilespmem:$0x1A00] =	vst v63  }
0x82: {  	s16 =	rddreg [dreg:$0xe]  }
0x83: {  	[tilespmem:s13], [sflag:$0x1] =	stream.indirect.gather [hbm4b:s2+s6], $0x1, s16, s6, $0xb8;
	[tilespmem:$0x1A00] =	vst v63  }
0x84: {  	s17 =	rddreg [dreg:$0x10]  }
0x85: {  	[tilespmem:s12], [sflag:$0x1] =	stream.indirect.gather [hbm4b:s2+s6], $0x1, s17, s6, $0xb8;
	[tilespmem:$0x1A00] =	vst v63  }
0x86: {  	s18 =	rddreg [dreg:$0x12]  }
0x87: {  	[tilespmem:s11], [sflag:$0x1] =	stream.indirect.gather [hbm4b:s2+s6], $0x1, s18, s6, $0xb8;
	[tilespmem:$0x1A00] =	vst v63  }
0x88: {  	s19 =	rddreg [dreg:$0x14]  }
0x89: {  	[tilespmem:s10], [sflag:$0x1] =	stream.indirect.gather [hbm4b:s2+s6], $0x1, s19, s6, $0xb8;
	[tilespmem:$0x1A00] =	vst v63  }
0x8a: {  	s14 =	rddreg [dreg:$0x16]  }
0x8b: {  	[tilespmem:s9], [sflag:$0x1] =	stream.indirect.gather [hbm4b:s2+s6], $0x1, s14, s6, $0xb8;
	[tilespmem:$0x1A00] =	vst v63  }
0x8c: {  	s15 =	rddreg [dreg:$0x18]  }
0x8d: {  	[tilespmem:s8], [sflag:$0x1] =	stream.indirect.gather [hbm4b:s2+s6], $0x1, s15, s6, $0xb8;
	[tilespmem:$0x1A00] =	vst v63  }
0x8e: {  	s16 =	rddreg [dreg:$0x1a]  }
0x8f: {  	[tilespmem:s7], [sflag:$0x1] =	stream.indirect.gather [hbm4b:s2+s6], $0x1, s16, s6, $0xb8;
	[tilespmem:$0x1A00] =	vst v63  }
0x90: {  	s17 =	rddreg [dreg:$0x1c]  }
0x91: {  	[tilespmem:s0], [sflag:$0x1] =	stream.indirect.gather [hbm4b:s2+s6], $0x1, s17, s6, $0xb8;
	[tilespmem:$0x1A00] =	vst v63  }
0x92: {  	s18 =	rddreg [dreg:$0x1e];
	s19 =	simm.s32 $0x1400  }
0x93: {  	[tilespmem:s19], [sflag:$0x1] =	stream.indirect.gather [hbm4b:s2+s6], $0x1, s18, s6, $0xb8;
	[tilespmem:$0x1A00] =	vst v63  }
0x94: {  	s9 =	simm.s32 $0x1480;
	s8 =	simm.s32 $0x780  }
0x95: {  	[tilespmem:s9], [sflag:$0x1] =	stream.indirect.gather [hbm4b:s2+s6], $0x1, s8, s6, $0xb8;
	[tilespmem:$0x1A00] =	vst v63  }
0x96: {  	s11 =	simm.s32 $0x1500;
	s10 =	simm.s32 $0x800  }
0x97: {  	[tilespmem:s11], [sflag:$0x1] =	stream.indirect.gather [hbm4b:s2+s6], $0x1, s10, s6, $0xb8;
	[tilespmem:$0x1A00] =	vst v63  }
0x98: {  	s13 =	simm.s32 $0x1580;
	s12 =	simm.s32 $0x880  }
0x99: {  	[tilespmem:s13], [sflag:$0x1] =	stream.indirect.gather [hbm4b:s2+s6], $0x1, s12, s6, $0xb8;
	[tilespmem:$0x1A00] =	vst v63  }
0x9a: {  	s14 =	simm.s32 $0x900;
	s15 =	simm.s32 $0x1600  }
0x9b: {  	[tilespmem:s15], [sflag:$0x1] =	stream.indirect.gather [hbm4b:s2+s6], $0x1, s14, s6, $0xb8;
	[tilespmem:$0x1A00] =	vst v63  }
0x9c: {  	s16 =	simm.s32 $0x980;
	s17 =	simm.s32 $0x1680  }
0x9d: {  	[tilespmem:s17], [sflag:$0x1] =	stream.indirect.gather [hbm4b:s2+s6], $0x1, s16, s6, $0xb8;
	[tilespmem:$0x1A00] =	vst v63  }
0x9e: {  	p0 =	sne.s32 s26, $0x1;
	s18 =	simm.s32 $0xA00;
	s19 =	simm.s32 $0x1700  }
0x9f: {  	[tilespmem:s19], [sflag:$0x1] =	stream.indirect.gather [hbm4b:s2+s6], $0x1, s18, s6, $0xb8;
	[tilespmem:$0x1A00] =	vst v63  }
.Ltmp1:
0xa0: {  	_ = 	snop;
	(pc) =	sbr.rel @p0 .LBB2_1-.Ltmp1, $4  }
0xa1: {  	_ = 	snop  }
0xa2: {  	[tilespmem:s21], [sflag:$0x1] =	stream.indirect.gather [hbm4b:s2+s6], $0x1, s20, s6, $0xb8;
	[tilespmem:$0x1A00] =	vst v63  }
0xa3: {  	s26 =	sadd.s32 $0xFFFFFFFF, s26  }
0xa4: {  	[tilespmem:s23], [sflag:$0x1] =	stream.indirect.gather [hbm4b:s2+s6], $0x1, s22, s6, $0xb8;
	[tilespmem:$0x1A00] =	vst v63  }
.LBB2_2:
0xa5: {  	[tilespmem:s28], [sflag:$0x1] =	stream.indirect.gather [hbm4b:s2+s6], $0x1, s24, s6, $0xb8;
	[tilespmem:$0x1A00] =	vst v63  }
0xa6: {  	_ = 	snop  }
0xa7: {  	[tilespmem:s30], [sflag:$0x1] =	stream.indirect.gather [hbm4b:s2+s6], $0x1, s29, s6, $0xb8;
	[tilespmem:$0x1A00] =	vst v63  }
0xa8: {  	_ = 	snop  }
0xa9: {  	[tilespmem:s1], [sflag:$0x1] =	stream.indirect.gather [hbm4b:s2+s6], $0x1, s31, s6, $0xb8;
	[tilespmem:$0x1A00] =	vst v63  }
0xaa: {  	_ =	swait.ge [sflag:s25], $0xD00  }
0xab: {  	[sflag:s25] =	ssyncset.done $0x0  }
0xac: {  	s0 =	rddreg [dreg:$0x4];
	[sflag:s25] =	ssyncadd.s32 $0xFFFFF300  }
0xad: {  	[hbm4b:s0+s3] =	stream.linear.scatter [tilespmem:s5], [sflag:$0x2], $0xD00, $0x38;
	[tilespmem:$0x1A00] =	vst v63  }
0xae: {  	_ =	swait.ge [sflag:s4], $0xD00  }
0xaf: {  	[sflag:s4] =	ssyncset.done $0x0  }
0xb0: {  	[sflag:s4] =	ssyncadd.s32 $0xFFFFF300  }
0xb1: {  	_ =	sfence.sel $0x180000  }
0xb2: {  	[bflag:$0x0] =	sbarrier.arrive $0xFFFF  }
0xb3: {  	_ =	strace $0x90000047  }
0xb4: {  	s31 =	stileid.u32;
	[bflag:$0x2] =	sbarrier.arrive $0xFFFF  }
0xb5: {  	p0 =	sne.s32 s31, $0x0;
	s0 =	rddreg [dreg:$0x2]  }
0xb6: {  	s0 =	sadd.s32 @!p0 $0x100000, s0  }
0xb7: {  	[sflag:s0] =	ssyncadd.tile.s32 @!p0 $0x1;
	_ =	shalt  }
.Lfunc_end2:
_tile_overlayer_lowered:
.L_overlay_start_2:
0xb8: {  	(tag) =	ssettag $0x2  }
0xb9: {  	s0 =	rddreg [dreg:$0x0];
	s2 =	stileid.u32  }
0xba: {  	s1 =	rddreg [dreg:$0x1];
	p0 =	sne.s32 s2, $0x0  }
0xbb: {  	s3 =	rddreg [dreg:$0x2];
	[bflag:$0x3] =	sbarrier.arrive $0xFFFF;
	s2 =	simm.s32 @!p0 $0x1C02  }
0xbc: {  	[timem:s3], [sflag:s2] =	dma.local @!p0 [hbm:s0], s1  }
0xbd: {  	s0 =	simm.s32 @!p0 $0x2  }
0xbe: {  	_ =	swait.ge @!p0 [sflag:s0], s1  }
0xbf: {  	s1 =	ssub.s32 @!p0 $0x0, s1;
	[sflag:s0] =	ssyncset.done @!p0 $0x0  }
0xc0: {  	[sflag:s0] =	ssyncadd.s32 @!p0 s1  }
0xc1: {  	[bflag:$0x3] =	sbarrier.arrive $0xFFFF  }
0xc2: {  	_ =	shalt  }

</sc_bundles>
